<compile_context>
chip_gen: v7x
topology: tpu7x:2x2x1
jax: 0.10.2.dev20260603
libtpu: 0.0.44.dev20260713+nightly
codegen_flags: <defaults>
</compile_context>

<pallas_src>
import functools

import jax
import jax.numpy as jnp
from jax import lax
from jax.experimental import pallas as pl
from jax.experimental.pallas import tpu as pltpu
from jax.experimental.pallas import tpu_sc as plsc

_NC = 2
_NS = 16
_L = 16
_D = 32
_DC = _D // _NC
_R = 100
_T = 60000
_N = 1000000
_TPAD = 61440
_PW = _TPAD // _NS
_NCH = _PW // 128


def _sweep_body(hidx_hbm, ridx_hbm, tidx_hbm, nodet_hbm, relt_hbm, tail_hbm,
                part_hbm,
                hidx_v, ridx_v, tidx_v, rel_v, tail_v, hbuf_v, tbuf_v, acc_v,
                shared_v, sem):
  cid = lax.axis_index("c")
  sid = lax.axis_index("s")
  base = sid * _PW

  pltpu.sync_copy(hidx_hbm.at[pl.ds(base, _PW)], hidx_v)
  pltpu.sync_copy(ridx_hbm.at[pl.ds(base, _PW)], ridx_v)
  pltpu.sync_copy(tidx_hbm.at[pl.ds(base, _PW)], tidx_v)
  pltpu.sync_copy(relt_hbm, rel_v)
  pltpu.sync_copy(tail_hbm.at[pl.ds(cid * _DC * 64, _DC * 64)], tail_v)

  def zero(k, c):
    acc_v[pl.ds(k * _L, _L)] = jnp.zeros((_L,), jnp.float32)
    return c

  lax.fori_loop(0, _PW // _L, zero, 0)

  def dim_step(d, carry):
    dim = cid * _DC + d

    row = nodet_hbm.at[dim]
    for i in range(_NS - 1):
      @pl.when(sid == i)
      def _(i=i):
        pltpu.sync_copy(row.at[pl.ds(i * 66560, 66560)],
                        shared_v.at[pl.ds(i * 66560, 66560)])

    @pl.when(sid == _NS - 1)
    def _():
      pltpu.sync_copy(row.at[pl.ds(998400, 1536)],
                      shared_v.at[pl.ds(998400, 1536)])
      pltpu.sync_copy(tail_v.at[pl.ds(d * 64, 64)],
                      shared_v.at[pl.ds(999936, 64)])

    plsc.subcore_barrier()

    copies = []
    for j in range(_NCH):
      copies.append(pltpu.async_copy(
          shared_v.at[hidx_v.at[pl.ds(j * 128, 128)]],
          hbuf_v.at[pl.ds(j * 128, 128)], sem))
      copies.append(pltpu.async_copy(
          shared_v.at[tidx_v.at[pl.ds(j * 128, 128)]],
          tbuf_v.at[pl.ds(j * 128, 128)], sem))

    roff = dim * _R

    def fma(k, c):
      sl = pl.ds(k * _L, _L)
      hv = hbuf_v[sl]
      tv = tbuf_v[sl]
      rv = plsc.load_gather(rel_v, [ridx_v[sl] + roff])
      acc_v[sl] = acc_v[sl] + hv * rv * tv
      return c

    for j in range(_NCH):
      copies[2 * j].wait()
      copies[2 * j + 1].wait()
      lax.fori_loop(8 * j, 8 * (j + 1), fma, 0)

    plsc.subcore_barrier()
    return carry

  lax.fori_loop(0, _DC, dim_step, 0)
  pltpu.sync_copy(acc_v, part_hbm.at[pl.ds(cid * _TPAD + base, _PW)])


@functools.partial(
    pl.kernel,
    out_type=jax.ShapeDtypeStruct((_NC * _TPAD,), jnp.float32),
    mesh=plsc.VectorSubcoreMesh(core_axis_name="c", subcore_axis_name="s"),
    compiler_params=pltpu.CompilerParams(needs_layout_passes=False),
    scratch_types=[
        pltpu.VMEM((_PW,), jnp.int32),
        pltpu.VMEM((_PW,), jnp.int32),
        pltpu.VMEM((_PW,), jnp.int32),
        pltpu.VMEM((_R * _D,), jnp.float32),
        pltpu.VMEM((_DC * 64,), jnp.float32),
        pltpu.VMEM((_PW,), jnp.float32),
        pltpu.VMEM((_PW,), jnp.float32),
        pltpu.VMEM((_PW,), jnp.float32),
        pltpu.VMEM_SHARED((_N,), jnp.float32),
        pltpu.SemaphoreType.DMA,
    ],
)
def _sweep_kernel(hidx, ridx, tidx, nodet, relt, tail, part, *scratch):
  _sweep_body(hidx, ridx, tidx, nodet, relt, tail, part, *scratch)


def _add_body(part_hbm, out_hbm, a_v, b_v):
  wid = lax.axis_index("s") * _NC + lax.axis_index("c")
  base = wid * (_TPAD // (_NC * _NS))
  n = _TPAD // (_NC * _NS)
  pltpu.sync_copy(part_hbm.at[pl.ds(base, n)], a_v)
  pltpu.sync_copy(part_hbm.at[pl.ds(_TPAD + base, n)], b_v)

  def add(k, c):
    sl = pl.ds(k * _L, _L)
    a_v[sl] = a_v[sl] + b_v[sl]
    return c

  lax.fori_loop(0, n // _L, add, 0)
  pltpu.sync_copy(a_v, out_hbm.at[pl.ds(base, n)])


@functools.partial(
    pl.kernel,
    out_type=jax.ShapeDtypeStruct((_TPAD,), jnp.float32),
    mesh=plsc.VectorSubcoreMesh(core_axis_name="c", subcore_axis_name="s"),
    compiler_params=pltpu.CompilerParams(needs_layout_passes=False),
    scratch_types=[
        pltpu.VMEM((_TPAD // (_NC * _NS),), jnp.float32),
        pltpu.VMEM((_TPAD // (_NC * _NS),), jnp.float32),
    ],
)
def _combine_kernel(part, out, *scratch):
  _add_body(part, out, *scratch)


def kernel(h_idx, r_idx, t_idx, node_embedding, relational_embedding):
  pad = _TPAD - _T
  zpad = jnp.zeros((pad,), jnp.int32)
  h2 = jnp.concatenate([h_idx, zpad])
  r2 = jnp.concatenate([r_idx, zpad])
  t2 = jnp.concatenate([t_idx, zpad])
  nodet = node_embedding.T
  relt = relational_embedding.T.reshape(_R * _D)
  tail = node_embedding[_N - 64:].T.reshape(64 * _D)
  part = _sweep_kernel(h2, r2, t2, nodet, relt, tail)
  score = _combine_kernel(part)
  return score[:_T]

# --- scband reference (transcript-rebuilt; emitter-appended) ---
"""Pipeline reference for scband-heterograph-embed-module-mixin-11965778886707 (READ-ONLY COPY).

The authoritative reference and input builder live on the scoring server;
editing this copy changes nothing except your own understanding.
"""

import jax, jax.numpy as jnp
import numpy as np

NUM_NODES = 1000000
NUM_RELS = 100
D = 32
T = 60000


def setup_inputs(seed: int = 0) -> dict:
    key = jax.random.key(seed)
    k1, k2, k3, k4, k5 = jax.random.split(key, 5)
    # node embeddings (stand-in for RGCN output / learned node table)
    node_embedding = jax.random.normal(k1, (NUM_NODES, D), dtype=jnp.float32) * (1.0 / np.sqrt(D))
    # relational_embedding: xavier_uniform with gain=calculate_gain('relu')=sqrt(2)
    gain = np.sqrt(2.0)
    bound = gain * np.sqrt(6.0 / (NUM_RELS + D))
    relational_embedding = jax.random.uniform(k2, (NUM_RELS, D), dtype=jnp.float32, minval=-bound, maxval=bound)
    h_idx = jax.random.randint(k3, (T,), 0, NUM_NODES, dtype=jnp.int64 if jax.config.read('jax_enable_x64') else jnp.int32).astype(jnp.int32)
    r_idx = jax.random.randint(k4, (T,), 0, NUM_RELS).astype(jnp.int32)
    t_idx = jax.random.randint(k5, (T,), 0, NUM_NODES).astype(jnp.int32)
    return {
        'h_idx': h_idx,
        'r_idx': r_idx,
        't_idx': t_idx,
        'node_embedding': node_embedding,
        'relational_embedding': relational_embedding,
    }


def reference(h_idx, r_idx, t_idx, node_embedding, relational_embedding):
    # HeteroEmbed.score with DistMult proto:
    #   h, r, t = node_embedding[h], relational_embedding[r], node_embedding[t]
    #   score = (h * r * t).sum(dim=-1)
    h = jnp.take(node_embedding, h_idx, axis=0)
    r = jnp.take(relational_embedding, r_idx, axis=0)
    t = jnp.take(node_embedding, t_idx, axis=0)
    score = jnp.sum(h * r * t, axis=-1)
    return score

if __name__ == "__main__":
    import jax
    _d = setup_inputs()
    print(jax.jit(kernel)(*tuple(_d.values())))

</pallas_src>

<mosaic_0001>
#map = affine_map<(d0, d1) -> (0)>
#map1 = affine_map<(d0, d1) -> (0, 0)>
module attributes {stable_mosaic.version = 14 : i64} {
  func.func @_sweep_kernel(%arg0: i32, %arg1: i32, %arg2: memref<61440xi32, #tpu.memory_space<hbm>>, %arg3: memref<61440xi32, #tpu.memory_space<hbm>>, %arg4: memref<61440xi32, #tpu.memory_space<hbm>>, %arg5: memref<32x1000000xf32, #tpu.memory_space<hbm>>, %arg6: memref<3200xf32, #tpu.memory_space<hbm>>, %arg7: memref<2048xf32, #tpu.memory_space<hbm>>, %arg8: memref<122880xf32, #tpu.memory_space<hbm>>, %arg9: memref<3840xi32, #tpu.memory_space<vmem>>, %arg10: memref<3840xi32, #tpu.memory_space<vmem>>, %arg11: memref<3840xi32, #tpu.memory_space<vmem>>, %arg12: memref<3200xf32, #tpu.memory_space<vmem>>, %arg13: memref<1024xf32, #tpu.memory_space<vmem>>, %arg14: memref<3840xf32, #tpu.memory_space<vmem>>, %arg15: memref<3840xf32, #tpu.memory_space<vmem>>, %arg16: memref<3840xf32, #tpu.memory_space<vmem>>, %arg17: memref<1000000xf32, #tpu.memory_space<vmem_shared>>, %arg18: memref<!tpu.dma_semaphore, #tpu.memory_space<semaphore_mem>>) attributes {dimension_semantics = [#tpu.dimension_semantics<core_parallel>, #tpu.dimension_semantics<subcore_parallel>], iteration_bounds = array<i64: 2, 16>, scalar_prefetch = 0 : i64, scratch_operands = 10 : i64, tpu.core_type = #tpu.core_type<sc_vector_subcore>, window_params = [{transform_indices = #map}, {transform_indices = #map}, {transform_indices = #map}, {transform_indices = #map1}, {transform_indices = #map}, {transform_indices = #map}, {transform_indices = #map}]} {
    %mul3A = arith.constant 3840 : i32
    %mul3A_0 = arith.muli %arg1, %mul3A : i32
    "tpu.region"() ({
      %run_scoped3A = tpu.sem_alloc : memref<!tpu.dma_semaphore, #tpu.memory_space<semaphore_mem>>
      %dma_start3A = tpu.memref_slice %arg2[%mul3A_0] : memref<61440xi32, #tpu.memory_space<hbm>> -> memref<3840xi32, #tpu.memory_space<hbm>>
      %dma_start3A_18 = tpu.memref_slice %arg2[%mul3A_0] : memref<61440xi32, #tpu.memory_space<hbm>> -> memref<3840xi32, #tpu.memory_space<hbm>>
      tpu.enqueue_dma source(%dma_start3A_18 : memref<3840xi32, #tpu.memory_space<hbm>>) target(%arg9 : memref<3840xi32, #tpu.memory_space<vmem>>) target_semaphore(%run_scoped3A : memref<!tpu.dma_semaphore, #tpu.memory_space<semaphore_mem>>)
      %dma_wait3A = tpu.memref_slice %arg2[%mul3A_0] : memref<61440xi32, #tpu.memory_space<hbm>> -> memref<3840xi32, #tpu.memory_space<hbm>>
      %dma_wait3A_19 = tpu.memref_slice %arg2[%mul3A_0] : memref<61440xi32, #tpu.memory_space<hbm>> -> memref<3840xi32, #tpu.memory_space<hbm>>
      tpu.wait_dma2 semaphore(%run_scoped3A : memref<!tpu.dma_semaphore, #tpu.memory_space<semaphore_mem>>) src(%dma_wait3A_19 : memref<3840xi32, #tpu.memory_space<hbm>>) dst(%arg9 : memref<3840xi32, #tpu.memory_space<vmem>>)
      tpu.yield
    }) : () -> ()
    "tpu.region"() ({
      %run_scoped3A = tpu.sem_alloc : memref<!tpu.dma_semaphore, #tpu.memory_space<semaphore_mem>>
      %dma_start3A = tpu.memref_slice %arg3[%mul3A_0] : memref<61440xi32, #tpu.memory_space<hbm>> -> memref<3840xi32, #tpu.memory_space<hbm>>
      %dma_start3A_18 = tpu.memref_slice %arg3[%mul3A_0] : memref<61440xi32, #tpu.memory_space<hbm>> -> memref<3840xi32, #tpu.memory_space<hbm>>
      tpu.enqueue_dma source(%dma_start3A_18 : memref<3840xi32, #tpu.memory_space<hbm>>) target(%arg10 : memref<3840xi32, #tpu.memory_space<vmem>>) target_semaphore(%run_scoped3A : memref<!tpu.dma_semaphore, #tpu.memory_space<semaphore_mem>>)
      %dma_wait3A = tpu.memref_slice %arg3[%mul3A_0] : memref<61440xi32, #tpu.memory_space<hbm>> -> memref<3840xi32, #tpu.memory_space<hbm>>
      %dma_wait3A_19 = tpu.memref_slice %arg3[%mul3A_0] : memref<61440xi32, #tpu.memory_space<hbm>> -> memref<3840xi32, #tpu.memory_space<hbm>>
      tpu.wait_dma2 semaphore(%run_scoped3A : memref<!tpu.dma_semaphore, #tpu.memory_space<semaphore_mem>>) src(%dma_wait3A_19 : memref<3840xi32, #tpu.memory_space<hbm>>) dst(%arg10 : memref<3840xi32, #tpu.memory_space<vmem>>)
      tpu.yield
    }) : () -> ()
    "tpu.region"() ({
      %run_scoped3A = tpu.sem_alloc : memref<!tpu.dma_semaphore, #tpu.memory_space<semaphore_mem>>
      %dma_start3A = tpu.memref_slice %arg4[%mul3A_0] : memref<61440xi32, #tpu.memory_space<hbm>> -> memref<3840xi32, #tpu.memory_space<hbm>>
      %dma_start3A_18 = tpu.memref_slice %arg4[%mul3A_0] : memref<61440xi32, #tpu.memory_space<hbm>> -> memref<3840xi32, #tpu.memory_space<hbm>>
      tpu.enqueue_dma source(%dma_start3A_18 : memref<3840xi32, #tpu.memory_space<hbm>>) target(%arg11 : memref<3840xi32, #tpu.memory_space<vmem>>) target_semaphore(%run_scoped3A : memref<!tpu.dma_semaphore, #tpu.memory_space<semaphore_mem>>)
      %dma_wait3A = tpu.memref_slice %arg4[%mul3A_0] : memref<61440xi32, #tpu.memory_space<hbm>> -> memref<3840xi32, #tpu.memory_space<hbm>>
      %dma_wait3A_19 = tpu.memref_slice %arg4[%mul3A_0] : memref<61440xi32, #tpu.memory_space<hbm>> -> memref<3840xi32, #tpu.memory_space<hbm>>
      tpu.wait_dma2 semaphore(%run_scoped3A : memref<!tpu.dma_semaphore, #tpu.memory_space<semaphore_mem>>) src(%dma_wait3A_19 : memref<3840xi32, #tpu.memory_space<hbm>>) dst(%arg11 : memref<3840xi32, #tpu.memory_space<vmem>>)
      tpu.yield
    }) : () -> ()
    "tpu.region"() ({
      %run_scoped3A = tpu.sem_alloc : memref<!tpu.dma_semaphore, #tpu.memory_space<semaphore_mem>>
      tpu.enqueue_dma source(%arg6 : memref<3200xf32, #tpu.memory_space<hbm>>) target(%arg12 : memref<3200xf32, #tpu.memory_space<vmem>>) target_semaphore(%run_scoped3A : memref<!tpu.dma_semaphore, #tpu.memory_space<semaphore_mem>>)
      tpu.wait_dma2 semaphore(%run_scoped3A : memref<!tpu.dma_semaphore, #tpu.memory_space<semaphore_mem>>) src(%arg6 : memref<3200xf32, #tpu.memory_space<hbm>>) dst(%arg12 : memref<3200xf32, #tpu.memory_space<vmem>>)
      tpu.yield
    }) : () -> ()
    %mul3A_1 = arith.constant 16 : i32
    %mul3A_2 = arith.muli %arg0, %mul3A_1 : i32
    %mul3A_3 = arith.constant 64 : i32
    %mul3A_4 = arith.muli %mul3A_2, %mul3A_3 : i32
    "tpu.region"() ({
      %run_scoped3A = tpu.sem_alloc : memref<!tpu.dma_semaphore, #tpu.memory_space<semaphore_mem>>
      %dma_start3A = tpu.memref_slice %arg7[%mul3A_4] : memref<2048xf32, #tpu.memory_space<hbm>> -> memref<1024xf32, #tpu.memory_space<hbm>>
      %dma_start3A_18 = tpu.memref_slice %arg7[%mul3A_4] : memref<2048xf32, #tpu.memory_space<hbm>> -> memref<1024xf32, #tpu.memory_space<hbm>>
      tpu.enqueue_dma source(%dma_start3A_18 : memref<1024xf32, #tpu.memory_space<hbm>>) target(%arg13 : memref<1024xf32, #tpu.memory_space<vmem>>) target_semaphore(%run_scoped3A : memref<!tpu.dma_semaphore, #tpu.memory_space<semaphore_mem>>)
      %dma_wait3A = tpu.memref_slice %arg7[%mul3A_4] : memref<2048xf32, #tpu.memory_space<hbm>> -> memref<1024xf32, #tpu.memory_space<hbm>>
      %dma_wait3A_19 = tpu.memref_slice %arg7[%mul3A_4] : memref<2048xf32, #tpu.memory_space<hbm>> -> memref<1024xf32, #tpu.memory_space<hbm>>
      tpu.wait_dma2 semaphore(%run_scoped3A : memref<!tpu.dma_semaphore, #tpu.memory_space<semaphore_mem>>) src(%dma_wait3A_19 : memref<1024xf32, #tpu.memory_space<hbm>>) dst(%arg13 : memref<1024xf32, #tpu.memory_space<vmem>>)
      tpu.yield
    }) : () -> ()
    %scan3A = arith.constant 0 : i32
    %scan3A_5 = arith.constant 0 : i32
    %scan3A_6 = arith.constant 240 : i32
    %scan3A_7 = arith.addi %scan3A_5, %scan3A_6 : i32
    %scan3A_8 = arith.constant 1 : i32
    scf.for %scan3A_18 = %scan3A_5 to %scan3A_7 step %scan3A_8  : i32 {
      %broadcast_in_dim3A = arith.constant 0.000000e+00 : f32
      %broadcast_in_dim3A_19 = vector.broadcast %broadcast_in_dim3A : f32 to vector<16xf32>
      %mul3A_20 = arith.constant 16 : i32
      %mul3A_21 = arith.muli %scan3A_18, %mul3A_20 : i32
      %swap3A = arith.index_cast %mul3A_21 : i32 to index
      %swap3A_22 = tpu.vector_load %arg16[%swap3A] {strides = array<i32>} : memref<3840xf32, #tpu.memory_space<vmem>>, vector<16xf32>,
      tpu.vector_store %arg16[%swap3A], %broadcast_in_dim3A_19 {strides = array<i32>} : memref<3840xf32, #tpu.memory_space<vmem>>, vector<16xf32>,
    }
    %scan3A_9 = arith.constant 240 : i32
    %scan3A_10 = arith.constant 0 : i32
    %scan3A_11 = arith.constant 0 : i32
    %scan3A_12 = arith.constant 16 : i32
    %scan3A_13 = arith.addi %scan3A_11, %scan3A_12 : i32
    %scan3A_14 = arith.constant 1 : i32
    scf.for %scan3A_18 = %scan3A_11 to %scan3A_13 step %scan3A_14  : i32 {
      %mul3A_19 = arith.constant 16 : i32
      %mul3A_20 = arith.muli %arg0, %mul3A_19 : i32
      %add3A_21 = arith.addi %mul3A_20, %scan3A_18 : i32
      %eq3A = arith.constant 0 : i32
      %eq3A_22 = arith.cmpi eq, %arg1, %eq3A : i32
      %convert_element_type3A = arith.extui %eq3A_22 : i1 to i32
      %cond3A = arith.constant 0 : i32
      %cond3A_23 = arith.cmpi ne, %convert_element_type3A, %cond3A : i32
      scf.if %cond3A_23 {
        "tpu.region"() ({
          %run_scoped3A = tpu.sem_alloc : memref<!tpu.dma_semaphore, #tpu.memory_space<semaphore_mem>>
          %dma_start3A_1000 = arith.constant 0 : i32
          %dma_start3A_1001 = tpu.memref_slice %arg17[%dma_start3A_1000] : memref<1000000xf32, #tpu.memory_space<vmem_shared>> -> memref<66560xf32, #tpu.memory_space<vmem_shared>>
          %dma_start3A_1002 = arith.constant 0 : i32
          %dma_start3A_1003 = tpu.memref_slice %arg5[%add3A_21, %dma_start3A_1002] : memref<32x1000000xf32, #tpu.memory_space<hbm>> -> memref<1x1000000xf32, #tpu.memory_space<hbm>>
          %dma_start3A_1004 = tpu.memref_squeeze %dma_start3A_1003 : memref<1x1000000xf32, #tpu.memory_space<hbm>> -> memref<1000000xf32, #tpu.memory_space<hbm>>
          %dma_start3A_1005 = arith.constant 0 : i32
          %dma_start3A_1006 = tpu.memref_slice %dma_start3A_1004[%dma_start3A_1005] : memref<1000000xf32, #tpu.memory_space<hbm>> -> memref<66560xf32, #tpu.memory_space<hbm>>
          tpu.enqueue_dma source(%dma_start3A_1006 : memref<66560xf32, #tpu.memory_space<hbm>>) target(%dma_start3A_1001 : memref<66560xf32, #tpu.memory_space<vmem_shared>>) target_semaphore(%run_scoped3A : memref<!tpu.dma_semaphore, #tpu.memory_space<semaphore_mem>>)
          %dma_wait3A_1007 = arith.constant 0 : i32
          %dma_wait3A_1008 = tpu.memref_slice %arg17[%dma_wait3A_1007] : memref<1000000xf32, #tpu.memory_space<vmem_shared>> -> memref<66560xf32, #tpu.memory_space<vmem_shared>>
          %dma_wait3A_1009 = arith.constant 0 : i32
          %dma_wait3A_1010 = tpu.memref_slice %arg5[%add3A_21, %dma_wait3A_1009] : memref<32x1000000xf32, #tpu.memory_space<hbm>> -> memref<1x1000000xf32, #tpu.memory_space<hbm>>
          %dma_wait3A_1011 = tpu.memref_squeeze %dma_wait3A_1010 : memref<1x1000000xf32, #tpu.memory_space<hbm>> -> memref<1000000xf32, #tpu.memory_space<hbm>>
          %dma_wait3A_1012 = arith.constant 0 : i32
          %dma_wait3A_1013 = tpu.memref_slice %dma_wait3A_1011[%dma_wait3A_1012] : memref<1000000xf32, #tpu.memory_space<hbm>> -> memref<66560xf32, #tpu.memory_space<hbm>>
          tpu.wait_dma2 semaphore(%run_scoped3A : memref<!tpu.dma_semaphore, #tpu.memory_space<semaphore_mem>>) src(%dma_wait3A_1013 : memref<66560xf32, #tpu.memory_space<hbm>>) dst(%dma_wait3A_1008 : memref<66560xf32, #tpu.memory_space<vmem_shared>>)
          tpu.yield
        }) : () -> ()
      } else {
      }
      %eq3A_24 = arith.constant 1 : i32
      %eq3A_25 = arith.cmpi eq, %arg1, %eq3A_24 : i32
      %convert_element_type3A_26 = arith.extui %eq3A_25 : i1 to i32
      %cond3A_27 = arith.constant 0 : i32
      %cond3A_28 = arith.cmpi ne, %convert_element_type3A_26, %cond3A_27 : i32
      scf.if %cond3A_28 {
        "tpu.region"() ({
          %run_scoped3A = tpu.sem_alloc : memref<!tpu.dma_semaphore, #tpu.memory_space<semaphore_mem>>
          %dma_start3A_1000 = arith.constant 66560 : i32
          %dma_start3A_1001 = tpu.memref_slice %arg17[%dma_start3A_1000] : memref<1000000xf32, #tpu.memory_space<vmem_shared>> -> memref<66560xf32, #tpu.memory_space<vmem_shared>>
          %dma_start3A_1002 = arith.constant 0 : i32
          %dma_start3A_1003 = tpu.memref_slice %arg5[%add3A_21, %dma_start3A_1002] : memref<32x1000000xf32, #tpu.memory_space<hbm>> -> memref<1x1000000xf32, #tpu.memory_space<hbm>>
          %dma_start3A_1004 = tpu.memref_squeeze %dma_start3A_1003 : memref<1x1000000xf32, #tpu.memory_space<hbm>> -> memref<1000000xf32, #tpu.memory_space<hbm>>
          %dma_start3A_1005 = arith.constant 66560 : i32
          %dma_start3A_1006 = tpu.memref_slice %dma_start3A_1004[%dma_start3A_1005] : memref<1000000xf32, #tpu.memory_space<hbm>> -> memref<66560xf32, #tpu.memory_space<hbm>>
          tpu.enqueue_dma source(%dma_start3A_1006 : memref<66560xf32, #tpu.memory_space<hbm>>) target(%dma_start3A_1001 : memref<66560xf32, #tpu.memory_space<vmem_shared>>) target_semaphore(%run_scoped3A : memref<!tpu.dma_semaphore, #tpu.memory_space<semaphore_mem>>)
          %dma_wait3A_1007 = arith.constant 66560 : i32
          %dma_wait3A_1008 = tpu.memref_slice %arg17[%dma_wait3A_1007] : memref<1000000xf32, #tpu.memory_space<vmem_shared>> -> memref<66560xf32, #tpu.memory_space<vmem_shared>>
          %dma_wait3A_1009 = arith.constant 0 : i32
          %dma_wait3A_1010 = tpu.memref_slice %arg5[%add3A_21, %dma_wait3A_1009] : memref<32x1000000xf32, #tpu.memory_space<hbm>> -> memref<1x1000000xf32, #tpu.memory_space<hbm>>
          %dma_wait3A_1011 = tpu.memref_squeeze %dma_wait3A_1010 : memref<1x1000000xf32, #tpu.memory_space<hbm>> -> memref<1000000xf32, #tpu.memory_space<hbm>>
          %dma_wait3A_1012 = arith.constant 66560 : i32
          %dma_wait3A_1013 = tpu.memref_slice %dma_wait3A_1011[%dma_wait3A_1012] : memref<1000000xf32, #tpu.memory_space<hbm>> -> memref<66560xf32, #tpu.memory_space<hbm>>
          tpu.wait_dma2 semaphore(%run_scoped3A : memref<!tpu.dma_semaphore, #tpu.memory_space<semaphore_mem>>) src(%dma_wait3A_1013 : memref<66560xf32, #tpu.memory_space<hbm>>) dst(%dma_wait3A_1008 : memref<66560xf32, #tpu.memory_space<vmem_shared>>)
          tpu.yield
        }) : () -> ()
      } else {
      }
      %eq3A_29 = arith.constant 2 : i32
      %eq3A_30 = arith.cmpi eq, %arg1, %eq3A_29 : i32
      %convert_element_type3A_31 = arith.extui %eq3A_30 : i1 to i32
      %cond3A_32 = arith.constant 0 : i32
      %cond3A_33 = arith.cmpi ne, %convert_element_type3A_31, %cond3A_32 : i32
      scf.if %cond3A_33 {
        "tpu.region"() ({
          %run_scoped3A = tpu.sem_alloc : memref<!tpu.dma_semaphore, #tpu.memory_space<semaphore_mem>>
          %dma_start3A_1000 = arith.constant 133120 : i32
          %dma_start3A_1001 = tpu.memref_slice %arg17[%dma_start3A_1000] : memref<1000000xf32, #tpu.memory_space<vmem_shared>> -> memref<66560xf32, #tpu.memory_space<vmem_shared>>
          %dma_start3A_1002 = arith.constant 0 : i32
          %dma_start3A_1003 = tpu.memref_slice %arg5[%add3A_21, %dma_start3A_1002] : memref<32x1000000xf32, #tpu.memory_space<hbm>> -> memref<1x1000000xf32, #tpu.memory_space<hbm>>
          %dma_start3A_1004 = tpu.memref_squeeze %dma_start3A_1003 : memref<1x1000000xf32, #tpu.memory_space<hbm>> -> memref<1000000xf32, #tpu.memory_space<hbm>>
          %dma_start3A_1005 = arith.constant 133120 : i32
          %dma_start3A_1006 = tpu.memref_slice %dma_start3A_1004[%dma_start3A_1005] : memref<1000000xf32, #tpu.memory_space<hbm>> -> memref<66560xf32, #tpu.memory_space<hbm>>
          tpu.enqueue_dma source(%dma_start3A_1006 : memref<66560xf32, #tpu.memory_space<hbm>>) target(%dma_start3A_1001 : memref<66560xf32, #tpu.memory_space<vmem_shared>>) target_semaphore(%run_scoped3A : memref<!tpu.dma_semaphore, #tpu.memory_space<semaphore_mem>>)
          %dma_wait3A_1007 = arith.constant 133120 : i32
          %dma_wait3A_1008 = tpu.memref_slice %arg17[%dma_wait3A_1007] : memref<1000000xf32, #tpu.memory_space<vmem_shared>> -> memref<66560xf32, #tpu.memory_space<vmem_shared>>
          %dma_wait3A_1009 = arith.constant 0 : i32
          %dma_wait3A_1010 = tpu.memref_slice %arg5[%add3A_21, %dma_wait3A_1009] : memref<32x1000000xf32, #tpu.memory_space<hbm>> -> memref<1x1000000xf32, #tpu.memory_space<hbm>>
          %dma_wait3A_1011 = tpu.memref_squeeze %dma_wait3A_1010 : memref<1x1000000xf32, #tpu.memory_space<hbm>> -> memref<1000000xf32, #tpu.memory_space<hbm>>
          %dma_wait3A_1012 = arith.constant 133120 : i32
          %dma_wait3A_1013 = tpu.memref_slice %dma_wait3A_1011[%dma_wait3A_1012] : memref<1000000xf32, #tpu.memory_space<hbm>> -> memref<66560xf32, #tpu.memory_space<hbm>>
          tpu.wait_dma2 semaphore(%run_scoped3A : memref<!tpu.dma_semaphore, #tpu.memory_space<semaphore_mem>>) src(%dma_wait3A_1013 : memref<66560xf32, #tpu.memory_space<hbm>>) dst(%dma_wait3A_1008 : memref<66560xf32, #tpu.memory_space<vmem_shared>>)
          tpu.yield
        }) : () -> ()
      } else {
      }
      %eq3A_34 = arith.constant 3 : i32
      %eq3A_35 = arith.cmpi eq, %arg1, %eq3A_34 : i32
      %convert_element_type3A_36 = arith.extui %eq3A_35 : i1 to i32
      %cond3A_37 = arith.constant 0 : i32
      %cond3A_38 = arith.cmpi ne, %convert_element_type3A_36, %cond3A_37 : i32
      scf.if %cond3A_38 {
        "tpu.region"() ({
          %run_scoped3A = tpu.sem_alloc : memref<!tpu.dma_semaphore, #tpu.memory_space<semaphore_mem>>
          %dma_start3A_1000 = arith.constant 199680 : i32
          %dma_start3A_1001 = tpu.memref_slice %arg17[%dma_start3A_1000] : memref<1000000xf32, #tpu.memory_space<vmem_shared>> -> memref<66560xf32, #tpu.memory_space<vmem_shared>>
          %dma_start3A_1002 = arith.constant 0 : i32
          %dma_start3A_1003 = tpu.memref_slice %arg5[%add3A_21, %dma_start3A_1002] : memref<32x1000000xf32, #tpu.memory_space<hbm>> -> memref<1x1000000xf32, #tpu.memory_space<hbm>>
          %dma_start3A_1004 = tpu.memref_squeeze %dma_start3A_1003 : memref<1x1000000xf32, #tpu.memory_space<hbm>> -> memref<1000000xf32, #tpu.memory_space<hbm>>
          %dma_start3A_1005 = arith.constant 199680 : i32
          %dma_start3A_1006 = tpu.memref_slice %dma_start3A_1004[%dma_start3A_1005] : memref<1000000xf32, #tpu.memory_space<hbm>> -> memref<66560xf32, #tpu.memory_space<hbm>>
          tpu.enqueue_dma source(%dma_start3A_1006 : memref<66560xf32, #tpu.memory_space<hbm>>) target(%dma_start3A_1001 : memref<66560xf32, #tpu.memory_space<vmem_shared>>) target_semaphore(%run_scoped3A : memref<!tpu.dma_semaphore, #tpu.memory_space<semaphore_mem>>)
          %dma_wait3A_1007 = arith.constant 199680 : i32
          %dma_wait3A_1008 = tpu.memref_slice %arg17[%dma_wait3A_1007] : memref<1000000xf32, #tpu.memory_space<vmem_shared>> -> memref<66560xf32, #tpu.memory_space<vmem_shared>>
          %dma_wait3A_1009 = arith.constant 0 : i32
          %dma_wait3A_1010 = tpu.memref_slice %arg5[%add3A_21, %dma_wait3A_1009] : memref<32x1000000xf32, #tpu.memory_space<hbm>> -> memref<1x1000000xf32, #tpu.memory_space<hbm>>
          %dma_wait3A_1011 = tpu.memref_squeeze %dma_wait3A_1010 : memref<1x1000000xf32, #tpu.memory_space<hbm>> -> memref<1000000xf32, #tpu.memory_space<hbm>>
          %dma_wait3A_1012 = arith.constant 199680 : i32
          %dma_wait3A_1013 = tpu.memref_slice %dma_wait3A_1011[%dma_wait3A_1012] : memref<1000000xf32, #tpu.memory_space<hbm>> -> memref<66560xf32, #tpu.memory_space<hbm>>
          tpu.wait_dma2 semaphore(%run_scoped3A : memref<!tpu.dma_semaphore, #tpu.memory_space<semaphore_mem>>) src(%dma_wait3A_1013 : memref<66560xf32, #tpu.memory_space<hbm>>) dst(%dma_wait3A_1008 : memref<66560xf32, #tpu.memory_space<vmem_shared>>)
          tpu.yield
        }) : () -> ()
      } else {
      }
      %eq3A_39 = arith.constant 4 : i32
      %eq3A_40 = arith.cmpi eq, %arg1, %eq3A_39 : i32
      %convert_element_type3A_41 = arith.extui %eq3A_40 : i1 to i32
      %cond3A_42 = arith.constant 0 : i32
      %cond3A_43 = arith.cmpi ne, %convert_element_type3A_41, %cond3A_42 : i32
      scf.if %cond3A_43 {
        "tpu.region"() ({
          %run_scoped3A = tpu.sem_alloc : memref<!tpu.dma_semaphore, #tpu.memory_space<semaphore_mem>>
          %dma_start3A_1000 = arith.constant 266240 : i32
          %dma_start3A_1001 = tpu.memref_slice %arg17[%dma_start3A_1000] : memref<1000000xf32, #tpu.memory_space<vmem_shared>> -> memref<66560xf32, #tpu.memory_space<vmem_shared>>
          %dma_start3A_1002 = arith.constant 0 : i32
          %dma_start3A_1003 = tpu.memref_slice %arg5[%add3A_21, %dma_start3A_1002] : memref<32x1000000xf32, #tpu.memory_space<hbm>> -> memref<1x1000000xf32, #tpu.memory_space<hbm>>
          %dma_start3A_1004 = tpu.memref_squeeze %dma_start3A_1003 : memref<1x1000000xf32, #tpu.memory_space<hbm>> -> memref<1000000xf32, #tpu.memory_space<hbm>>
          %dma_start3A_1005 = arith.constant 266240 : i32
          %dma_start3A_1006 = tpu.memref_slice %dma_start3A_1004[%dma_start3A_1005] : memref<1000000xf32, #tpu.memory_space<hbm>> -> memref<66560xf32, #tpu.memory_space<hbm>>
          tpu.enqueue_dma source(%dma_start3A_1006 : memref<66560xf32, #tpu.memory_space<hbm>>) target(%dma_start3A_1001 : memref<66560xf32, #tpu.memory_space<vmem_shared>>) target_semaphore(%run_scoped3A : memref<!tpu.dma_semaphore, #tpu.memory_space<semaphore_mem>>)
          %dma_wait3A_1007 = arith.constant 266240 : i32
          %dma_wait3A_1008 = tpu.memref_slice %arg17[%dma_wait3A_1007] : memref<1000000xf32, #tpu.memory_space<vmem_shared>> -> memref<66560xf32, #tpu.memory_space<vmem_shared>>
          %dma_wait3A_1009 = arith.constant 0 : i32
          %dma_wait3A_1010 = tpu.memref_slice %arg5[%add3A_21, %dma_wait3A_1009] : memref<32x1000000xf32, #tpu.memory_space<hbm>> -> memref<1x1000000xf32, #tpu.memory_space<hbm>>
          %dma_wait3A_1011 = tpu.memref_squeeze %dma_wait3A_1010 : memref<1x1000000xf32, #tpu.memory_space<hbm>> -> memref<1000000xf32, #tpu.memory_space<hbm>>
          %dma_wait3A_1012 = arith.constant 266240 : i32
          %dma_wait3A_1013 = tpu.memref_slice %dma_wait3A_1011[%dma_wait3A_1012] : memref<1000000xf32, #tpu.memory_space<hbm>> -> memref<66560xf32, #tpu.memory_space<hbm>>
          tpu.wait_dma2 semaphore(%run_scoped3A : memref<!tpu.dma_semaphore, #tpu.memory_space<semaphore_mem>>) src(%dma_wait3A_1013 : memref<66560xf32, #tpu.memory_space<hbm>>) dst(%dma_wait3A_1008 : memref<66560xf32, #tpu.memory_space<vmem_shared>>)
          tpu.yield
        }) : () -> ()
      } else {
      }
      %eq3A_44 = arith.constant 5 : i32
      %eq3A_45 = arith.cmpi eq, %arg1, %eq3A_44 : i32
      %convert_element_type3A_46 = arith.extui %eq3A_45 : i1 to i32
      %cond3A_47 = arith.constant 0 : i32
      %cond3A_48 = arith.cmpi ne, %convert_element_type3A_46, %cond3A_47 : i32
      scf.if %cond3A_48 {
        "tpu.region"() ({
          %run_scoped3A = tpu.sem_alloc : memref<!tpu.dma_semaphore, #tpu.memory_space<semaphore_mem>>
          %dma_start3A_1000 = arith.constant 332800 : i32
          %dma_start3A_1001 = tpu.memref_slice %arg17[%dma_start3A_1000] : memref<1000000xf32, #tpu.memory_space<vmem_shared>> -> memref<66560xf32, #tpu.memory_space<vmem_shared>>
          %dma_start3A_1002 = arith.constant 0 : i32
          %dma_start3A_1003 = tpu.memref_slice %arg5[%add3A_21, %dma_start3A_1002] : memref<32x1000000xf32, #tpu.memory_space<hbm>> -> memref<1x1000000xf32, #tpu.memory_space<hbm>>
          %dma_start3A_1004 = tpu.memref_squeeze %dma_start3A_1003 : memref<1x1000000xf32, #tpu.memory_space<hbm>> -> memref<1000000xf32, #tpu.memory_space<hbm>>
          %dma_start3A_1005 = arith.constant 332800 : i32
          %dma_start3A_1006 = tpu.memref_slice %dma_start3A_1004[%dma_start3A_1005] : memref<1000000xf32, #tpu.memory_space<hbm>> -> memref<66560xf32, #tpu.memory_space<hbm>>
          tpu.enqueue_dma source(%dma_start3A_1006 : memref<66560xf32, #tpu.memory_space<hbm>>) target(%dma_start3A_1001 : memref<66560xf32, #tpu.memory_space<vmem_shared>>) target_semaphore(%run_scoped3A : memref<!tpu.dma_semaphore, #tpu.memory_space<semaphore_mem>>)
          %dma_wait3A_1007 = arith.constant 332800 : i32
          %dma_wait3A_1008 = tpu.memref_slice %arg17[%dma_wait3A_1007] : memref<1000000xf32, #tpu.memory_space<vmem_shared>> -> memref<66560xf32, #tpu.memory_space<vmem_shared>>
          %dma_wait3A_1009 = arith.constant 0 : i32
          %dma_wait3A_1010 = tpu.memref_slice %arg5[%add3A_21, %dma_wait3A_1009] : memref<32x1000000xf32, #tpu.memory_space<hbm>> -> memref<1x1000000xf32, #tpu.memory_space<hbm>>
          %dma_wait3A_1011 = tpu.memref_squeeze %dma_wait3A_1010 : memref<1x1000000xf32, #tpu.memory_space<hbm>> -> memref<1000000xf32, #tpu.memory_space<hbm>>
          %dma_wait3A_1012 = arith.constant 332800 : i32
          %dma_wait3A_1013 = tpu.memref_slice %dma_wait3A_1011[%dma_wait3A_1012] : memref<1000000xf32, #tpu.memory_space<hbm>> -> memref<66560xf32, #tpu.memory_space<hbm>>
          tpu.wait_dma2 semaphore(%run_scoped3A : memref<!tpu.dma_semaphore, #tpu.memory_space<semaphore_mem>>) src(%dma_wait3A_1013 : memref<66560xf32, #tpu.memory_space<hbm>>) dst(%dma_wait3A_1008 : memref<66560xf32, #tpu.memory_space<vmem_shared>>)
          tpu.yield
        }) : () -> ()
      } else {
      }
      %eq3A_49 = arith.constant 6 : i32
      %eq3A_50 = arith.cmpi eq, %arg1, %eq3A_49 : i32
      %convert_element_type3A_51 = arith.extui %eq3A_50 : i1 to i32
      %cond3A_52 = arith.constant 0 : i32
      %cond3A_53 = arith.cmpi ne, %convert_element_type3A_51, %cond3A_52 : i32
      scf.if %cond3A_53 {
        "tpu.region"() ({
          %run_scoped3A = tpu.sem_alloc : memref<!tpu.dma_semaphore, #tpu.memory_space<semaphore_mem>>
          %dma_start3A_1000 = arith.constant 399360 : i32
          %dma_start3A_1001 = tpu.memref_slice %arg17[%dma_start3A_1000] : memref<1000000xf32, #tpu.memory_space<vmem_shared>> -> memref<66560xf32, #tpu.memory_space<vmem_shared>>
          %dma_start3A_1002 = arith.constant 0 : i32
          %dma_start3A_1003 = tpu.memref_slice %arg5[%add3A_21, %dma_start3A_1002] : memref<32x1000000xf32, #tpu.memory_space<hbm>> -> memref<1x1000000xf32, #tpu.memory_space<hbm>>
          %dma_start3A_1004 = tpu.memref_squeeze %dma_start3A_1003 : memref<1x1000000xf32, #tpu.memory_space<hbm>> -> memref<1000000xf32, #tpu.memory_space<hbm>>
          %dma_start3A_1005 = arith.constant 399360 : i32
          %dma_start3A_1006 = tpu.memref_slice %dma_start3A_1004[%dma_start3A_1005] : memref<1000000xf32, #tpu.memory_space<hbm>> -> memref<66560xf32, #tpu.memory_space<hbm>>
          tpu.enqueue_dma source(%dma_start3A_1006 : memref<66560xf32, #tpu.memory_space<hbm>>) target(%dma_start3A_1001 : memref<66560xf32, #tpu.memory_space<vmem_shared>>) target_semaphore(%run_scoped3A : memref<!tpu.dma_semaphore, #tpu.memory_space<semaphore_mem>>)
          %dma_wait3A_1007 = arith.constant 399360 : i32
          %dma_wait3A_1008 = tpu.memref_slice %arg17[%dma_wait3A_1007] : memref<1000000xf32, #tpu.memory_space<vmem_shared>> -> memref<66560xf32, #tpu.memory_space<vmem_shared>>
          %dma_wait3A_1009 = arith.constant 0 : i32
          %dma_wait3A_1010 = tpu.memref_slice %arg5[%add3A_21, %dma_wait3A_1009] : memref<32x1000000xf32, #tpu.memory_space<hbm>> -> memref<1x1000000xf32, #tpu.memory_space<hbm>>
          %dma_wait3A_1011 = tpu.memref_squeeze %dma_wait3A_1010 : memref<1x1000000xf32, #tpu.memory_space<hbm>> -> memref<1000000xf32, #tpu.memory_space<hbm>>
          %dma_wait3A_1012 = arith.constant 399360 : i32
          %dma_wait3A_1013 = tpu.memref_slice %dma_wait3A_1011[%dma_wait3A_1012] : memref<1000000xf32, #tpu.memory_space<hbm>> -> memref<66560xf32, #tpu.memory_space<hbm>>
          tpu.wait_dma2 semaphore(%run_scoped3A : memref<!tpu.dma_semaphore, #tpu.memory_space<semaphore_mem>>) src(%dma_wait3A_1013 : memref<66560xf32, #tpu.memory_space<hbm>>) dst(%dma_wait3A_1008 : memref<66560xf32, #tpu.memory_space<vmem_shared>>)
          tpu.yield
        }) : () -> ()
      } else {
      }
      %eq3A_54 = arith.constant 7 : i32
      %eq3A_55 = arith.cmpi eq, %arg1, %eq3A_54 : i32
      %convert_element_type3A_56 = arith.extui %eq3A_55 : i1 to i32
      %cond3A_57 = arith.constant 0 : i32
      %cond3A_58 = arith.cmpi ne, %convert_element_type3A_56, %cond3A_57 : i32
      scf.if %cond3A_58 {
        "tpu.region"() ({
          %run_scoped3A = tpu.sem_alloc : memref<!tpu.dma_semaphore, #tpu.memory_space<semaphore_mem>>
          %dma_start3A_1000 = arith.constant 465920 : i32
          %dma_start3A_1001 = tpu.memref_slice %arg17[%dma_start3A_1000] : memref<1000000xf32, #tpu.memory_space<vmem_shared>> -> memref<66560xf32, #tpu.memory_space<vmem_shared>>
          %dma_start3A_1002 = arith.constant 0 : i32
          %dma_start3A_1003 = tpu.memref_slice %arg5[%add3A_21, %dma_start3A_1002] : memref<32x1000000xf32, #tpu.memory_space<hbm>> -> memref<1x1000000xf32, #tpu.memory_space<hbm>>
          %dma_start3A_1004 = tpu.memref_squeeze %dma_start3A_1003 : memref<1x1000000xf32, #tpu.memory_space<hbm>> -> memref<1000000xf32, #tpu.memory_space<hbm>>
          %dma_start3A_1005 = arith.constant 465920 : i32
          %dma_start3A_1006 = tpu.memref_slice %dma_start3A_1004[%dma_start3A_1005] : memref<1000000xf32, #tpu.memory_space<hbm>> -> memref<66560xf32, #tpu.memory_space<hbm>>
          tpu.enqueue_dma source(%dma_start3A_1006 : memref<66560xf32, #tpu.memory_space<hbm>>) target(%dma_start3A_1001 : memref<66560xf32, #tpu.memory_space<vmem_shared>>) target_semaphore(%run_scoped3A : memref<!tpu.dma_semaphore, #tpu.memory_space<semaphore_mem>>)
          %dma_wait3A_1007 = arith.constant 465920 : i32
          %dma_wait3A_1008 = tpu.memref_slice %arg17[%dma_wait3A_1007] : memref<1000000xf32, #tpu.memory_space<vmem_shared>> -> memref<66560xf32, #tpu.memory_space<vmem_shared>>
          %dma_wait3A_1009 = arith.constant 0 : i32
          %dma_wait3A_1010 = tpu.memref_slice %arg5[%add3A_21, %dma_wait3A_1009] : memref<32x1000000xf32, #tpu.memory_space<hbm>> -> memref<1x1000000xf32, #tpu.memory_space<hbm>>
          %dma_wait3A_1011 = tpu.memref_squeeze %dma_wait3A_1010 : memref<1x1000000xf32, #tpu.memory_space<hbm>> -> memref<1000000xf32, #tpu.memory_space<hbm>>
          %dma_wait3A_1012 = arith.constant 465920 : i32
          %dma_wait3A_1013 = tpu.memref_slice %dma_wait3A_1011[%dma_wait3A_1012] : memref<1000000xf32, #tpu.memory_space<hbm>> -> memref<66560xf32, #tpu.memory_space<hbm>>
          tpu.wait_dma2 semaphore(%run_scoped3A : memref<!tpu.dma_semaphore, #tpu.memory_space<semaphore_mem>>) src(%dma_wait3A_1013 : memref<66560xf32, #tpu.memory_space<hbm>>) dst(%dma_wait3A_1008 : memref<66560xf32, #tpu.memory_space<vmem_shared>>)
          tpu.yield
        }) : () -> ()
      } else {
      }
      %eq3A_59 = arith.constant 8 : i32
      %eq3A_60 = arith.cmpi eq, %arg1, %eq3A_59 : i32
      %convert_element_type3A_61 = arith.extui %eq3A_60 : i1 to i32
      %cond3A_62 = arith.constant 0 : i32
      %cond3A_63 = arith.cmpi ne, %convert_element_type3A_61, %cond3A_62 : i32
      scf.if %cond3A_63 {
        "tpu.region"() ({
          %run_scoped3A = tpu.sem_alloc : memref<!tpu.dma_semaphore, #tpu.memory_space<semaphore_mem>>
          %dma_start3A_1000 = arith.constant 532480 : i32
          %dma_start3A_1001 = tpu.memref_slice %arg17[%dma_start3A_1000] : memref<1000000xf32, #tpu.memory_space<vmem_shared>> -> memref<66560xf32, #tpu.memory_space<vmem_shared>>
          %dma_start3A_1002 = arith.constant 0 : i32
          %dma_start3A_1003 = tpu.memref_slice %arg5[%add3A_21, %dma_start3A_1002] : memref<32x1000000xf32, #tpu.memory_space<hbm>> -> memref<1x1000000xf32, #tpu.memory_space<hbm>>
          %dma_start3A_1004 = tpu.memref_squeeze %dma_start3A_1003 : memref<1x1000000xf32, #tpu.memory_space<hbm>> -> memref<1000000xf32, #tpu.memory_space<hbm>>
          %dma_start3A_1005 = arith.constant 532480 : i32
          %dma_start3A_1006 = tpu.memref_slice %dma_start3A_1004[%dma_start3A_1005] : memref<1000000xf32, #tpu.memory_space<hbm>> -> memref<66560xf32, #tpu.memory_space<hbm>>
          tpu.enqueue_dma source(%dma_start3A_1006 : memref<66560xf32, #tpu.memory_space<hbm>>) target(%dma_start3A_1001 : memref<66560xf32, #tpu.memory_space<vmem_shared>>) target_semaphore(%run_scoped3A : memref<!tpu.dma_semaphore, #tpu.memory_space<semaphore_mem>>)
          %dma_wait3A_1007 = arith.constant 532480 : i32
          %dma_wait3A_1008 = tpu.memref_slice %arg17[%dma_wait3A_1007] : memref<1000000xf32, #tpu.memory_space<vmem_shared>> -> memref<66560xf32, #tpu.memory_space<vmem_shared>>
          %dma_wait3A_1009 = arith.constant 0 : i32
          %dma_wait3A_1010 = tpu.memref_slice %arg5[%add3A_21, %dma_wait3A_1009] : memref<32x1000000xf32, #tpu.memory_space<hbm>> -> memref<1x1000000xf32, #tpu.memory_space<hbm>>
          %dma_wait3A_1011 = tpu.memref_squeeze %dma_wait3A_1010 : memref<1x1000000xf32, #tpu.memory_space<hbm>> -> memref<1000000xf32, #tpu.memory_space<hbm>>
          %dma_wait3A_1012 = arith.constant 532480 : i32
          %dma_wait3A_1013 = tpu.memref_slice %dma_wait3A_1011[%dma_wait3A_1012] : memref<1000000xf32, #tpu.memory_space<hbm>> -> memref<66560xf32, #tpu.memory_space<hbm>>
          tpu.wait_dma2 semaphore(%run_scoped3A : memref<!tpu.dma_semaphore, #tpu.memory_space<semaphore_mem>>) src(%dma_wait3A_1013 : memref<66560xf32, #tpu.memory_space<hbm>>) dst(%dma_wait3A_1008 : memref<66560xf32, #tpu.memory_space<vmem_shared>>)
          tpu.yield
        }) : () -> ()
      } else {
      }
      %eq3A_64 = arith.constant 9 : i32
      %eq3A_65 = arith.cmpi eq, %arg1, %eq3A_64 : i32
      %convert_element_type3A_66 = arith.extui %eq3A_65 : i1 to i32
      %cond3A_67 = arith.constant 0 : i32
      %cond3A_68 = arith.cmpi ne, %convert_element_type3A_66, %cond3A_67 : i32
      scf.if %cond3A_68 {
        "tpu.region"() ({
          %run_scoped3A = tpu.sem_alloc : memref<!tpu.dma_semaphore, #tpu.memory_space<semaphore_mem>>
          %dma_start3A_1000 = arith.constant 599040 : i32
          %dma_start3A_1001 = tpu.memref_slice %arg17[%dma_start3A_1000] : memref<1000000xf32, #tpu.memory_space<vmem_shared>> -> memref<66560xf32, #tpu.memory_space<vmem_shared>>
          %dma_start3A_1002 = arith.constant 0 : i32
          %dma_start3A_1003 = tpu.memref_slice %arg5[%add3A_21, %dma_start3A_1002] : memref<32x1000000xf32, #tpu.memory_space<hbm>> -> memref<1x1000000xf32, #tpu.memory_space<hbm>>
          %dma_start3A_1004 = tpu.memref_squeeze %dma_start3A_1003 : memref<1x1000000xf32, #tpu.memory_space<hbm>> -> memref<1000000xf32, #tpu.memory_space<hbm>>
          %dma_start3A_1005 = arith.constant 599040 : i32
          %dma_start3A_1006 = tpu.memref_slice %dma_start3A_1004[%dma_start3A_1005] : memref<1000000xf32, #tpu.memory_space<hbm>> -> memref<66560xf32, #tpu.memory_space<hbm>>
          tpu.enqueue_dma source(%dma_start3A_1006 : memref<66560xf32, #tpu.memory_space<hbm>>) target(%dma_start3A_1001 : memref<66560xf32, #tpu.memory_space<vmem_shared>>) target_semaphore(%run_scoped3A : memref<!tpu.dma_semaphore, #tpu.memory_space<semaphore_mem>>)
          %dma_wait3A_1007 = arith.constant 599040 : i32
          %dma_wait3A_1008 = tpu.memref_slice %arg17[%dma_wait3A_1007] : memref<1000000xf32, #tpu.memory_space<vmem_shared>> -> memref<66560xf32, #tpu.memory_space<vmem_shared>>
          %dma_wait3A_1009 = arith.constant 0 : i32
          %dma_wait3A_1010 = tpu.memref_slice %arg5[%add3A_21, %dma_wait3A_1009] : memref<32x1000000xf32, #tpu.memory_space<hbm>> -> memref<1x1000000xf32, #tpu.memory_space<hbm>>
          %dma_wait3A_1011 = tpu.memref_squeeze %dma_wait3A_1010 : memref<1x1000000xf32, #tpu.memory_space<hbm>> -> memref<1000000xf32, #tpu.memory_space<hbm>>
          %dma_wait3A_1012 = arith.constant 599040 : i32
          %dma_wait3A_1013 = tpu.memref_slice %dma_wait3A_1011[%dma_wait3A_1012] : memref<1000000xf32, #tpu.memory_space<hbm>> -> memref<66560xf32, #tpu.memory_space<hbm>>
          tpu.wait_dma2 semaphore(%run_scoped3A : memref<!tpu.dma_semaphore, #tpu.memory_space<semaphore_mem>>) src(%dma_wait3A_1013 : memref<66560xf32, #tpu.memory_space<hbm>>) dst(%dma_wait3A_1008 : memref<66560xf32, #tpu.memory_space<vmem_shared>>)
          tpu.yield
        }) : () -> ()
      } else {
      }
      %eq3A_69 = arith.constant 10 : i32
      %eq3A_70 = arith.cmpi eq, %arg1, %eq3A_69 : i32
      %convert_element_type3A_71 = arith.extui %eq3A_70 : i1 to i32
      %cond3A_72 = arith.constant 0 : i32
      %cond3A_73 = arith.cmpi ne, %convert_element_type3A_71, %cond3A_72 : i32
      scf.if %cond3A_73 {
        "tpu.region"() ({
          %run_scoped3A = tpu.sem_alloc : memref<!tpu.dma_semaphore, #tpu.memory_space<semaphore_mem>>
          %dma_start3A_1000 = arith.constant 665600 : i32
          %dma_start3A_1001 = tpu.memref_slice %arg17[%dma_start3A_1000] : memref<1000000xf32, #tpu.memory_space<vmem_shared>> -> memref<66560xf32, #tpu.memory_space<vmem_shared>>
          %dma_start3A_1002 = arith.constant 0 : i32
          %dma_start3A_1003 = tpu.memref_slice %arg5[%add3A_21, %dma_start3A_1002] : memref<32x1000000xf32, #tpu.memory_space<hbm>> -> memref<1x1000000xf32, #tpu.memory_space<hbm>>
          %dma_start3A_1004 = tpu.memref_squeeze %dma_start3A_1003 : memref<1x1000000xf32, #tpu.memory_space<hbm>> -> memref<1000000xf32, #tpu.memory_space<hbm>>
          %dma_start3A_1005 = arith.constant 665600 : i32
          %dma_start3A_1006 = tpu.memref_slice %dma_start3A_1004[%dma_start3A_1005] : memref<1000000xf32, #tpu.memory_space<hbm>> -> memref<66560xf32, #tpu.memory_space<hbm>>
          tpu.enqueue_dma source(%dma_start3A_1006 : memref<66560xf32, #tpu.memory_space<hbm>>) target(%dma_start3A_1001 : memref<66560xf32, #tpu.memory_space<vmem_shared>>) target_semaphore(%run_scoped3A : memref<!tpu.dma_semaphore, #tpu.memory_space<semaphore_mem>>)
          %dma_wait3A_1007 = arith.constant 665600 : i32
          %dma_wait3A_1008 = tpu.memref_slice %arg17[%dma_wait3A_1007] : memref<1000000xf32, #tpu.memory_space<vmem_shared>> -> memref<66560xf32, #tpu.memory_space<vmem_shared>>
          %dma_wait3A_1009 = arith.constant 0 : i32
          %dma_wait3A_1010 = tpu.memref_slice %arg5[%add3A_21, %dma_wait3A_1009] : memref<32x1000000xf32, #tpu.memory_space<hbm>> -> memref<1x1000000xf32, #tpu.memory_space<hbm>>
          %dma_wait3A_1011 = tpu.memref_squeeze %dma_wait3A_1010 : memref<1x1000000xf32, #tpu.memory_space<hbm>> -> memref<1000000xf32, #tpu.memory_space<hbm>>
          %dma_wait3A_1012 = arith.constant 665600 : i32
          %dma_wait3A_1013 = tpu.memref_slice %dma_wait3A_1011[%dma_wait3A_1012] : memref<1000000xf32, #tpu.memory_space<hbm>> -> memref<66560xf32, #tpu.memory_space<hbm>>
          tpu.wait_dma2 semaphore(%run_scoped3A : memref<!tpu.dma_semaphore, #tpu.memory_space<semaphore_mem>>) src(%dma_wait3A_1013 : memref<66560xf32, #tpu.memory_space<hbm>>) dst(%dma_wait3A_1008 : memref<66560xf32, #tpu.memory_space<vmem_shared>>)
          tpu.yield
        }) : () -> ()
      } else {
      }
      %eq3A_74 = arith.constant 11 : i32
      %eq3A_75 = arith.cmpi eq, %arg1, %eq3A_74 : i32
      %convert_element_type3A_76 = arith.extui %eq3A_75 : i1 to i32
      %cond3A_77 = arith.constant 0 : i32
      %cond3A_78 = arith.cmpi ne, %convert_element_type3A_76, %cond3A_77 : i32
      scf.if %cond3A_78 {
        "tpu.region"() ({
          %run_scoped3A = tpu.sem_alloc : memref<!tpu.dma_semaphore, #tpu.memory_space<semaphore_mem>>
          %dma_start3A_1000 = arith.constant 732160 : i32
          %dma_start3A_1001 = tpu.memref_slice %arg17[%dma_start3A_1000] : memref<1000000xf32, #tpu.memory_space<vmem_shared>> -> memref<66560xf32, #tpu.memory_space<vmem_shared>>
          %dma_start3A_1002 = arith.constant 0 : i32
          %dma_start3A_1003 = tpu.memref_slice %arg5[%add3A_21, %dma_start3A_1002] : memref<32x1000000xf32, #tpu.memory_space<hbm>> -> memref<1x1000000xf32, #tpu.memory_space<hbm>>
          %dma_start3A_1004 = tpu.memref_squeeze %dma_start3A_1003 : memref<1x1000000xf32, #tpu.memory_space<hbm>> -> memref<1000000xf32, #tpu.memory_space<hbm>>
          %dma_start3A_1005 = arith.constant 732160 : i32
          %dma_start3A_1006 = tpu.memref_slice %dma_start3A_1004[%dma_start3A_1005] : memref<1000000xf32, #tpu.memory_space<hbm>> -> memref<66560xf32, #tpu.memory_space<hbm>>
          tpu.enqueue_dma source(%dma_start3A_1006 : memref<66560xf32, #tpu.memory_space<hbm>>) target(%dma_start3A_1001 : memref<66560xf32, #tpu.memory_space<vmem_shared>>) target_semaphore(%run_scoped3A : memref<!tpu.dma_semaphore, #tpu.memory_space<semaphore_mem>>)
          %dma_wait3A_1007 = arith.constant 732160 : i32
          %dma_wait3A_1008 = tpu.memref_slice %arg17[%dma_wait3A_1007] : memref<1000000xf32, #tpu.memory_space<vmem_shared>> -> memref<66560xf32, #tpu.memory_space<vmem_shared>>
          %dma_wait3A_1009 = arith.constant 0 : i32
          %dma_wait3A_1010 = tpu.memref_slice %arg5[%add3A_21, %dma_wait3A_1009] : memref<32x1000000xf32, #tpu.memory_space<hbm>> -> memref<1x1000000xf32, #tpu.memory_space<hbm>>
          %dma_wait3A_1011 = tpu.memref_squeeze %dma_wait3A_1010 : memref<1x1000000xf32, #tpu.memory_space<hbm>> -> memref<1000000xf32, #tpu.memory_space<hbm>>
          %dma_wait3A_1012 = arith.constant 732160 : i32
          %dma_wait3A_1013 = tpu.memref_slice %dma_wait3A_1011[%dma_wait3A_1012] : memref<1000000xf32, #tpu.memory_space<hbm>> -> memref<66560xf32, #tpu.memory_space<hbm>>
          tpu.wait_dma2 semaphore(%run_scoped3A : memref<!tpu.dma_semaphore, #tpu.memory_space<semaphore_mem>>) src(%dma_wait3A_1013 : memref<66560xf32, #tpu.memory_space<hbm>>) dst(%dma_wait3A_1008 : memref<66560xf32, #tpu.memory_space<vmem_shared>>)
          tpu.yield
        }) : () -> ()
      } else {
      }
      %eq3A_79 = arith.constant 12 : i32
      %eq3A_80 = arith.cmpi eq, %arg1, %eq3A_79 : i32
      %convert_element_type3A_81 = arith.extui %eq3A_80 : i1 to i32
      %cond3A_82 = arith.constant 0 : i32
      %cond3A_83 = arith.cmpi ne, %convert_element_type3A_81, %cond3A_82 : i32
      scf.if %cond3A_83 {
        "tpu.region"() ({
          %run_scoped3A = tpu.sem_alloc : memref<!tpu.dma_semaphore, #tpu.memory_space<semaphore_mem>>
          %dma_start3A_1000 = arith.constant 798720 : i32
          %dma_start3A_1001 = tpu.memref_slice %arg17[%dma_start3A_1000] : memref<1000000xf32, #tpu.memory_space<vmem_shared>> -> memref<66560xf32, #tpu.memory_space<vmem_shared>>
          %dma_start3A_1002 = arith.constant 0 : i32
          %dma_start3A_1003 = tpu.memref_slice %arg5[%add3A_21, %dma_start3A_1002] : memref<32x1000000xf32, #tpu.memory_space<hbm>> -> memref<1x1000000xf32, #tpu.memory_space<hbm>>
          %dma_start3A_1004 = tpu.memref_squeeze %dma_start3A_1003 : memref<1x1000000xf32, #tpu.memory_space<hbm>> -> memref<1000000xf32, #tpu.memory_space<hbm>>
          %dma_start3A_1005 = arith.constant 798720 : i32
          %dma_start3A_1006 = tpu.memref_slice %dma_start3A_1004[%dma_start3A_1005] : memref<1000000xf32, #tpu.memory_space<hbm>> -> memref<66560xf32, #tpu.memory_space<hbm>>
          tpu.enqueue_dma source(%dma_start3A_1006 : memref<66560xf32, #tpu.memory_space<hbm>>) target(%dma_start3A_1001 : memref<66560xf32, #tpu.memory_space<vmem_shared>>) target_semaphore(%run_scoped3A : memref<!tpu.dma_semaphore, #tpu.memory_space<semaphore_mem>>)
          %dma_wait3A_1007 = arith.constant 798720 : i32
          %dma_wait3A_1008 = tpu.memref_slice %arg17[%dma_wait3A_1007] : memref<1000000xf32, #tpu.memory_space<vmem_shared>> -> memref<66560xf32, #tpu.memory_space<vmem_shared>>
          %dma_wait3A_1009 = arith.constant 0 : i32
          %dma_wait3A_1010 = tpu.memref_slice %arg5[%add3A_21, %dma_wait3A_1009] : memref<32x1000000xf32, #tpu.memory_space<hbm>> -> memref<1x1000000xf32, #tpu.memory_space<hbm>>
          %dma_wait3A_1011 = tpu.memref_squeeze %dma_wait3A_1010 : memref<1x1000000xf32, #tpu.memory_space<hbm>> -> memref<1000000xf32, #tpu.memory_space<hbm>>
          %dma_wait3A_1012 = arith.constant 798720 : i32
          %dma_wait3A_1013 = tpu.memref_slice %dma_wait3A_1011[%dma_wait3A_1012] : memref<1000000xf32, #tpu.memory_space<hbm>> -> memref<66560xf32, #tpu.memory_space<hbm>>
          tpu.wait_dma2 semaphore(%run_scoped3A : memref<!tpu.dma_semaphore, #tpu.memory_space<semaphore_mem>>) src(%dma_wait3A_1013 : memref<66560xf32, #tpu.memory_space<hbm>>) dst(%dma_wait3A_1008 : memref<66560xf32, #tpu.memory_space<vmem_shared>>)
          tpu.yield
        }) : () -> ()
      } else {
      }
      %eq3A_84 = arith.constant 13 : i32
      %eq3A_85 = arith.cmpi eq, %arg1, %eq3A_84 : i32
      %convert_element_type3A_86 = arith.extui %eq3A_85 : i1 to i32
      %cond3A_87 = arith.constant 0 : i32
      %cond3A_88 = arith.cmpi ne, %convert_element_type3A_86, %cond3A_87 : i32
      scf.if %cond3A_88 {
        "tpu.region"() ({
          %run_scoped3A = tpu.sem_alloc : memref<!tpu.dma_semaphore, #tpu.memory_space<semaphore_mem>>
          %dma_start3A_1000 = arith.constant 865280 : i32
          %dma_start3A_1001 = tpu.memref_slice %arg17[%dma_start3A_1000] : memref<1000000xf32, #tpu.memory_space<vmem_shared>> -> memref<66560xf32, #tpu.memory_space<vmem_shared>>
          %dma_start3A_1002 = arith.constant 0 : i32
          %dma_start3A_1003 = tpu.memref_slice %arg5[%add3A_21, %dma_start3A_1002] : memref<32x1000000xf32, #tpu.memory_space<hbm>> -> memref<1x1000000xf32, #tpu.memory_space<hbm>>
          %dma_start3A_1004 = tpu.memref_squeeze %dma_start3A_1003 : memref<1x1000000xf32, #tpu.memory_space<hbm>> -> memref<1000000xf32, #tpu.memory_space<hbm>>
          %dma_start3A_1005 = arith.constant 865280 : i32
          %dma_start3A_1006 = tpu.memref_slice %dma_start3A_1004[%dma_start3A_1005] : memref<1000000xf32, #tpu.memory_space<hbm>> -> memref<66560xf32, #tpu.memory_space<hbm>>
          tpu.enqueue_dma source(%dma_start3A_1006 : memref<66560xf32, #tpu.memory_space<hbm>>) target(%dma_start3A_1001 : memref<66560xf32, #tpu.memory_space<vmem_shared>>) target_semaphore(%run_scoped3A : memref<!tpu.dma_semaphore, #tpu.memory_space<semaphore_mem>>)
          %dma_wait3A_1007 = arith.constant 865280 : i32
          %dma_wait3A_1008 = tpu.memref_slice %arg17[%dma_wait3A_1007] : memref<1000000xf32, #tpu.memory_space<vmem_shared>> -> memref<66560xf32, #tpu.memory_space<vmem_shared>>
          %dma_wait3A_1009 = arith.constant 0 : i32
          %dma_wait3A_1010 = tpu.memref_slice %arg5[%add3A_21, %dma_wait3A_1009] : memref<32x1000000xf32, #tpu.memory_space<hbm>> -> memref<1x1000000xf32, #tpu.memory_space<hbm>>
          %dma_wait3A_1011 = tpu.memref_squeeze %dma_wait3A_1010 : memref<1x1000000xf32, #tpu.memory_space<hbm>> -> memref<1000000xf32, #tpu.memory_space<hbm>>
          %dma_wait3A_1012 = arith.constant 865280 : i32
          %dma_wait3A_1013 = tpu.memref_slice %dma_wait3A_1011[%dma_wait3A_1012] : memref<1000000xf32, #tpu.memory_space<hbm>> -> memref<66560xf32, #tpu.memory_space<hbm>>
          tpu.wait_dma2 semaphore(%run_scoped3A : memref<!tpu.dma_semaphore, #tpu.memory_space<semaphore_mem>>) src(%dma_wait3A_1013 : memref<66560xf32, #tpu.memory_space<hbm>>) dst(%dma_wait3A_1008 : memref<66560xf32, #tpu.memory_space<vmem_shared>>)
          tpu.yield
        }) : () -> ()
      } else {
      }
      %eq3A_89 = arith.constant 14 : i32
      %eq3A_90 = arith.cmpi eq, %arg1, %eq3A_89 : i32
      %convert_element_type3A_91 = arith.extui %eq3A_90 : i1 to i32
      %cond3A_92 = arith.constant 0 : i32
      %cond3A_93 = arith.cmpi ne, %convert_element_type3A_91, %cond3A_92 : i32
      scf.if %cond3A_93 {
        "tpu.region"() ({
          %run_scoped3A = tpu.sem_alloc : memref<!tpu.dma_semaphore, #tpu.memory_space<semaphore_mem>>
          %dma_start3A_1000 = arith.constant 931840 : i32
          %dma_start3A_1001 = tpu.memref_slice %arg17[%dma_start3A_1000] : memref<1000000xf32, #tpu.memory_space<vmem_shared>> -> memref<66560xf32, #tpu.memory_space<vmem_shared>>
          %dma_start3A_1002 = arith.constant 0 : i32
          %dma_start3A_1003 = tpu.memref_slice %arg5[%add3A_21, %dma_start3A_1002] : memref<32x1000000xf32, #tpu.memory_space<hbm>> -> memref<1x1000000xf32, #tpu.memory_space<hbm>>
          %dma_start3A_1004 = tpu.memref_squeeze %dma_start3A_1003 : memref<1x1000000xf32, #tpu.memory_space<hbm>> -> memref<1000000xf32, #tpu.memory_space<hbm>>
          %dma_start3A_1005 = arith.constant 931840 : i32
          %dma_start3A_1006 = tpu.memref_slice %dma_start3A_1004[%dma_start3A_1005] : memref<1000000xf32, #tpu.memory_space<hbm>> -> memref<66560xf32, #tpu.memory_space<hbm>>
          tpu.enqueue_dma source(%dma_start3A_1006 : memref<66560xf32, #tpu.memory_space<hbm>>) target(%dma_start3A_1001 : memref<66560xf32, #tpu.memory_space<vmem_shared>>) target_semaphore(%run_scoped3A : memref<!tpu.dma_semaphore, #tpu.memory_space<semaphore_mem>>)
          %dma_wait3A_1007 = arith.constant 931840 : i32
          %dma_wait3A_1008 = tpu.memref_slice %arg17[%dma_wait3A_1007] : memref<1000000xf32, #tpu.memory_space<vmem_shared>> -> memref<66560xf32, #tpu.memory_space<vmem_shared>>
          %dma_wait3A_1009 = arith.constant 0 : i32
          %dma_wait3A_1010 = tpu.memref_slice %arg5[%add3A_21, %dma_wait3A_1009] : memref<32x1000000xf32, #tpu.memory_space<hbm>> -> memref<1x1000000xf32, #tpu.memory_space<hbm>>
          %dma_wait3A_1011 = tpu.memref_squeeze %dma_wait3A_1010 : memref<1x1000000xf32, #tpu.memory_space<hbm>> -> memref<1000000xf32, #tpu.memory_space<hbm>>
          %dma_wait3A_1012 = arith.constant 931840 : i32
          %dma_wait3A_1013 = tpu.memref_slice %dma_wait3A_1011[%dma_wait3A_1012] : memref<1000000xf32, #tpu.memory_space<hbm>> -> memref<66560xf32, #tpu.memory_space<hbm>>
          tpu.wait_dma2 semaphore(%run_scoped3A : memref<!tpu.dma_semaphore, #tpu.memory_space<semaphore_mem>>) src(%dma_wait3A_1013 : memref<66560xf32, #tpu.memory_space<hbm>>) dst(%dma_wait3A_1008 : memref<66560xf32, #tpu.memory_space<vmem_shared>>)
          tpu.yield
        }) : () -> ()
      } else {
      }
      %eq3A_94 = arith.constant 15 : i32
      %eq3A_95 = arith.cmpi eq, %arg1, %eq3A_94 : i32
      %convert_element_type3A_96 = arith.extui %eq3A_95 : i1 to i32
      %cond3A_97 = arith.constant 0 : i32
      %cond3A_98 = arith.cmpi ne, %convert_element_type3A_96, %cond3A_97 : i32
      scf.if %cond3A_98 {
        "tpu.region"() ({
          %run_scoped3A = tpu.sem_alloc : memref<!tpu.dma_semaphore, #tpu.memory_space<semaphore_mem>>
          %dma_start3A_1002 = arith.constant 998400 : i32
          %dma_start3A_1003 = tpu.memref_slice %arg17[%dma_start3A_1002] : memref<1000000xf32, #tpu.memory_space<vmem_shared>> -> memref<1536xf32, #tpu.memory_space<vmem_shared>>
          %dma_start3A_1004 = arith.constant 0 : i32
          %dma_start3A_1005 = tpu.memref_slice %arg5[%add3A_21, %dma_start3A_1004] : memref<32x1000000xf32, #tpu.memory_space<hbm>> -> memref<1x1000000xf32, #tpu.memory_space<hbm>>
          %dma_start3A_1006 = tpu.memref_squeeze %dma_start3A_1005 : memref<1x1000000xf32, #tpu.memory_space<hbm>> -> memref<1000000xf32, #tpu.memory_space<hbm>>
          %dma_start3A_1007 = arith.constant 998400 : i32
          %dma_start3A_1008 = tpu.memref_slice %dma_start3A_1006[%dma_start3A_1007] : memref<1000000xf32, #tpu.memory_space<hbm>> -> memref<1536xf32, #tpu.memory_space<hbm>>
          tpu.enqueue_dma source(%dma_start3A_1008 : memref<1536xf32, #tpu.memory_space<hbm>>) target(%dma_start3A_1003 : memref<1536xf32, #tpu.memory_space<vmem_shared>>) target_semaphore(%run_scoped3A : memref<!tpu.dma_semaphore, #tpu.memory_space<semaphore_mem>>)
          %dma_wait3A_1009 = arith.constant 998400 : i32
          %dma_wait3A_1010 = tpu.memref_slice %arg17[%dma_wait3A_1009] : memref<1000000xf32, #tpu.memory_space<vmem_shared>> -> memref<1536xf32, #tpu.memory_space<vmem_shared>>
          %dma_wait3A_1011 = arith.constant 0 : i32
          %dma_wait3A_1012 = tpu.memref_slice %arg5[%add3A_21, %dma_wait3A_1011] : memref<32x1000000xf32, #tpu.memory_space<hbm>> -> memref<1x1000000xf32, #tpu.memory_space<hbm>>
          %dma_wait3A_1013 = tpu.memref_squeeze %dma_wait3A_1012 : memref<1x1000000xf32, #tpu.memory_space<hbm>> -> memref<1000000xf32, #tpu.memory_space<hbm>>
          %dma_wait3A_1014 = arith.constant 998400 : i32
          %dma_wait3A_1015 = tpu.memref_slice %dma_wait3A_1013[%dma_wait3A_1014] : memref<1000000xf32, #tpu.memory_space<hbm>> -> memref<1536xf32, #tpu.memory_space<hbm>>
          tpu.wait_dma2 semaphore(%run_scoped3A : memref<!tpu.dma_semaphore, #tpu.memory_space<semaphore_mem>>) src(%dma_wait3A_1015 : memref<1536xf32, #tpu.memory_space<hbm>>) dst(%dma_wait3A_1010 : memref<1536xf32, #tpu.memory_space<vmem_shared>>)
          tpu.yield
        }) : () -> ()
        %mul3A_1000 = arith.constant 64 : i32
        %mul3A_1001 = arith.muli %scan3A_18, %mul3A_1000 : i32
        "tpu.region"() ({
          %run_scoped3A = tpu.sem_alloc : memref<!tpu.dma_semaphore, #tpu.memory_space<semaphore_mem>>
          %dma_start3A_1002 = tpu.memref_slice %arg13[%mul3A_1001] : memref<1024xf32, #tpu.memory_space<vmem>> -> memref<64xf32, #tpu.memory_space<vmem>>
          %dma_start3A_1003 = arith.constant 999936 : i32
          %dma_start3A_1004 = tpu.memref_slice %arg17[%dma_start3A_1003] : memref<1000000xf32, #tpu.memory_space<vmem_shared>> -> memref<64xf32, #tpu.memory_space<vmem_shared>>
          %dma_start3A_1005 = arith.constant 999936 : i32
          %dma_start3A_1006 = tpu.memref_slice %arg17[%dma_start3A_1005] : memref<1000000xf32, #tpu.memory_space<vmem_shared>> -> memref<64xf32, #tpu.memory_space<vmem_shared>>
          %dma_start3A_1007 = tpu.memref_slice %arg13[%mul3A_1001] : memref<1024xf32, #tpu.memory_space<vmem>> -> memref<64xf32, #tpu.memory_space<vmem>>
          tpu.enqueue_dma source(%dma_start3A_1007 : memref<64xf32, #tpu.memory_space<vmem>>) target(%dma_start3A_1006 : memref<64xf32, #tpu.memory_space<vmem_shared>>) target_semaphore(%run_scoped3A : memref<!tpu.dma_semaphore, #tpu.memory_space<semaphore_mem>>)
          %dma_wait3A_1008 = tpu.memref_slice %arg13[%mul3A_1001] : memref<1024xf32, #tpu.memory_space<vmem>> -> memref<64xf32, #tpu.memory_space<vmem>>
          %dma_wait3A_1009 = arith.constant 999936 : i32
          %dma_wait3A_1010 = tpu.memref_slice %arg17[%dma_wait3A_1009] : memref<1000000xf32, #tpu.memory_space<vmem_shared>> -> memref<64xf32, #tpu.memory_space<vmem_shared>>
          %dma_wait3A_1011 = arith.constant 999936 : i32
          %dma_wait3A_1012 = tpu.memref_slice %arg17[%dma_wait3A_1011] : memref<1000000xf32, #tpu.memory_space<vmem_shared>> -> memref<64xf32, #tpu.memory_space<vmem_shared>>
          %dma_wait3A_1013 = tpu.memref_slice %arg13[%mul3A_1001] : memref<1024xf32, #tpu.memory_space<vmem>> -> memref<64xf32, #tpu.memory_space<vmem>>
          tpu.wait_dma2 semaphore(%run_scoped3A : memref<!tpu.dma_semaphore, #tpu.memory_space<semaphore_mem>>) src(%dma_wait3A_1013 : memref<64xf32, #tpu.memory_space<vmem>>) dst(%dma_wait3A_1012 : memref<64xf32, #tpu.memory_space<vmem_shared>>)
          tpu.yield
        }) : () -> ()
      } else {
      }
      %barrier3A = arith.constant 0 : index
      tpu.barrier barrier_id(%barrier3A)
      %dma_start3A = arith.constant 0 : i32
      %dma_start3A_99 = tpu.memref_slice %arg14[%dma_start3A] : memref<3840xf32, #tpu.memory_space<vmem>> -> memref<128xf32, #tpu.memory_space<vmem>>
      %dma_start3A_100 = arith.constant 0 : i32
      %dma_start3A_101 = tpu.memref_slice %arg9[%dma_start3A_100] : memref<3840xi32, #tpu.memory_space<vmem>> -> memref<128xi32, #tpu.memory_space<vmem>>
      %dma_start3A_102 = arith.constant 0 : i32
      %dma_start3A_103 = tpu.memref_slice %arg17[%dma_start3A_102] : memref<1000000xf32, #tpu.memory_space<vmem_shared>> -> memref<1000000xf32, #tpu.memory_space<vmem_shared>>
      tpu.enqueue_indirect_dma source(%dma_start3A_103 : memref<1000000xf32, #tpu.memory_space<vmem_shared>>) target(%dma_start3A_99 : memref<128xf32, #tpu.memory_space<vmem>>) offsets(%dma_start3A_101 : memref<128xi32, #tpu.memory_space<vmem>>) semaphore(%arg18 : memref<!tpu.dma_semaphore, #tpu.memory_space<semaphore_mem>>)
      %dma_start3A_104 = arith.constant 0 : i32
      %dma_start3A_105 = tpu.memref_slice %arg15[%dma_start3A_104] : memref<3840xf32, #tpu.memory_space<vmem>> -> memref<128xf32, #tpu.memory_space<vmem>>
      %dma_start3A_106 = arith.constant 0 : i32
      %dma_start3A_107 = tpu.memref_slice %arg11[%dma_start3A_106] : memref<3840xi32, #tpu.memory_space<vmem>> -> memref<128xi32, #tpu.memory_space<vmem>>
      %dma_start3A_108 = arith.constant 0 : i32
      %dma_start3A_109 = tpu.memref_slice %arg17[%dma_start3A_108] : memref<1000000xf32, #tpu.memory_space<vmem_shared>> -> memref<1000000xf32, #tpu.memory_space<vmem_shared>>
      tpu.enqueue_indirect_dma source(%dma_start3A_109 : memref<1000000xf32, #tpu.memory_space<vmem_shared>>) target(%dma_start3A_105 : memref<128xf32, #tpu.memory_space<vmem>>) offsets(%dma_start3A_107 : memref<128xi32, #tpu.memory_space<vmem>>) semaphore(%arg18 : memref<!tpu.dma_semaphore, #tpu.memory_space<semaphore_mem>>)
      %dma_start3A_110 = arith.constant 128 : i32
      %dma_start3A_111 = tpu.memref_slice %arg14[%dma_start3A_110] : memref<3840xf32, #tpu.memory_space<vmem>> -> memref<128xf32, #tpu.memory_space<vmem>>
      %dma_start3A_112 = arith.constant 128 : i32
      %dma_start3A_113 = tpu.memref_slice %arg9[%dma_start3A_112] : memref<3840xi32, #tpu.memory_space<vmem>> -> memref<128xi32, #tpu.memory_space<vmem>>
      %dma_start3A_114 = arith.constant 0 : i32
      %dma_start3A_115 = tpu.memref_slice %arg17[%dma_start3A_114] : memref<1000000xf32, #tpu.memory_space<vmem_shared>> -> memref<1000000xf32, #tpu.memory_space<vmem_shared>>
      tpu.enqueue_indirect_dma source(%dma_start3A_115 : memref<1000000xf32, #tpu.memory_space<vmem_shared>>) target(%dma_start3A_111 : memref<128xf32, #tpu.memory_space<vmem>>) offsets(%dma_start3A_113 : memref<128xi32, #tpu.memory_space<vmem>>) semaphore(%arg18 : memref<!tpu.dma_semaphore, #tpu.memory_space<semaphore_mem>>)
      %dma_start3A_116 = arith.constant 128 : i32
      %dma_start3A_117 = tpu.memref_slice %arg15[%dma_start3A_116] : memref<3840xf32, #tpu.memory_space<vmem>> -> memref<128xf32, #tpu.memory_space<vmem>>
      %dma_start3A_118 = arith.constant 128 : i32
      %dma_start3A_119 = tpu.memref_slice %arg11[%dma_start3A_118] : memref<3840xi32, #tpu.memory_space<vmem>> -> memref<128xi32, #tpu.memory_space<vmem>>
      %dma_start3A_120 = arith.constant 0 : i32
      %dma_start3A_121 = tpu.memref_slice %arg17[%dma_start3A_120] : memref<1000000xf32, #tpu.memory_space<vmem_shared>> -> memref<1000000xf32, #tpu.memory_space<vmem_shared>>
      tpu.enqueue_indirect_dma source(%dma_start3A_121 : memref<1000000xf32, #tpu.memory_space<vmem_shared>>) target(%dma_start3A_117 : memref<128xf32, #tpu.memory_space<vmem>>) offsets(%dma_start3A_119 : memref<128xi32, #tpu.memory_space<vmem>>) semaphore(%arg18 : memref<!tpu.dma_semaphore, #tpu.memory_space<semaphore_mem>>)
      %dma_start3A_122 = arith.constant 256 : i32
      %dma_start3A_123 = tpu.memref_slice %arg14[%dma_start3A_122] : memref<3840xf32, #tpu.memory_space<vmem>> -> memref<128xf32, #tpu.memory_space<vmem>>
      %dma_start3A_124 = arith.constant 256 : i32
      %dma_start3A_125 = tpu.memref_slice %arg9[%dma_start3A_124] : memref<3840xi32, #tpu.memory_space<vmem>> -> memref<128xi32, #tpu.memory_space<vmem>>
      %dma_start3A_126 = arith.constant 0 : i32
      %dma_start3A_127 = tpu.memref_slice %arg17[%dma_start3A_126] : memref<1000000xf32, #tpu.memory_space<vmem_shared>> -> memref<1000000xf32, #tpu.memory_space<vmem_shared>>
      tpu.enqueue_indirect_dma source(%dma_start3A_127 : memref<1000000xf32, #tpu.memory_space<vmem_shared>>) target(%dma_start3A_123 : memref<128xf32, #tpu.memory_space<vmem>>) offsets(%dma_start3A_125 : memref<128xi32, #tpu.memory_space<vmem>>) semaphore(%arg18 : memref<!tpu.dma_semaphore, #tpu.memory_space<semaphore_mem>>)
      %dma_start3A_128 = arith.constant 256 : i32
      %dma_start3A_129 = tpu.memref_slice %arg15[%dma_start3A_128] : memref<3840xf32, #tpu.memory_space<vmem>> -> memref<128xf32, #tpu.memory_space<vmem>>
      %dma_start3A_130 = arith.constant 256 : i32
      %dma_start3A_131 = tpu.memref_slice %arg11[%dma_start3A_130] : memref<3840xi32, #tpu.memory_space<vmem>> -> memref<128xi32, #tpu.memory_space<vmem>>
      %dma_start3A_132 = arith.constant 0 : i32
      %dma_start3A_133 = tpu.memref_slice %arg17[%dma_start3A_132] : memref<1000000xf32, #tpu.memory_space<vmem_shared>> -> memref<1000000xf32, #tpu.memory_space<vmem_shared>>
      tpu.enqueue_indirect_dma source(%dma_start3A_133 : memref<1000000xf32, #tpu.memory_space<vmem_shared>>) target(%dma_start3A_129 : memref<128xf32, #tpu.memory_space<vmem>>) offsets(%dma_start3A_131 : memref<128xi32, #tpu.memory_space<vmem>>) semaphore(%arg18 : memref<!tpu.dma_semaphore, #tpu.memory_space<semaphore_mem>>)
      %dma_start3A_134 = arith.constant 384 : i32
      %dma_start3A_135 = tpu.memref_slice %arg14[%dma_start3A_134] : memref<3840xf32, #tpu.memory_space<vmem>> -> memref<128xf32, #tpu.memory_space<vmem>>
      %dma_start3A_136 = arith.constant 384 : i32
      %dma_start3A_137 = tpu.memref_slice %arg9[%dma_start3A_136] : memref<3840xi32, #tpu.memory_space<vmem>> -> memref<128xi32, #tpu.memory_space<vmem>>
      %dma_start3A_138 = arith.constant 0 : i32
      %dma_start3A_139 = tpu.memref_slice %arg17[%dma_start3A_138] : memref<1000000xf32, #tpu.memory_space<vmem_shared>> -> memref<1000000xf32, #tpu.memory_space<vmem_shared>>
      tpu.enqueue_indirect_dma source(%dma_start3A_139 : memref<1000000xf32, #tpu.memory_space<vmem_shared>>) target(%dma_start3A_135 : memref<128xf32, #tpu.memory_space<vmem>>) offsets(%dma_start3A_137 : memref<128xi32, #tpu.memory_space<vmem>>) semaphore(%arg18 : memref<!tpu.dma_semaphore, #tpu.memory_space<semaphore_mem>>)
      %dma_start3A_140 = arith.constant 384 : i32
      %dma_start3A_141 = tpu.memref_slice %arg15[%dma_start3A_140] : memref<3840xf32, #tpu.memory_space<vmem>> -> memref<128xf32, #tpu.memory_space<vmem>>
      %dma_start3A_142 = arith.constant 384 : i32
      %dma_start3A_143 = tpu.memref_slice %arg11[%dma_start3A_142] : memref<3840xi32, #tpu.memory_space<vmem>> -> memref<128xi32, #tpu.memory_space<vmem>>
      %dma_start3A_144 = arith.constant 0 : i32
      %dma_start3A_145 = tpu.memref_slice %arg17[%dma_start3A_144] : memref<1000000xf32, #tpu.memory_space<vmem_shared>> -> memref<1000000xf32, #tpu.memory_space<vmem_shared>>
      tpu.enqueue_indirect_dma source(%dma_start3A_145 : memref<1000000xf32, #tpu.memory_space<vmem_shared>>) target(%dma_start3A_141 : memref<128xf32, #tpu.memory_space<vmem>>) offsets(%dma_start3A_143 : memref<128xi32, #tpu.memory_space<vmem>>) semaphore(%arg18 : memref<!tpu.dma_semaphore, #tpu.memory_space<semaphore_mem>>)
      %dma_start3A_146 = arith.constant 512 : i32
      %dma_start3A_147 = tpu.memref_slice %arg14[%dma_start3A_146] : memref<3840xf32, #tpu.memory_space<vmem>> -> memref<128xf32, #tpu.memory_space<vmem>>
      %dma_start3A_148 = arith.constant 512 : i32
      %dma_start3A_149 = tpu.memref_slice %arg9[%dma_start3A_148] : memref<3840xi32, #tpu.memory_space<vmem>> -> memref<128xi32, #tpu.memory_space<vmem>>
      %dma_start3A_150 = arith.constant 0 : i32
      %dma_start3A_151 = tpu.memref_slice %arg17[%dma_start3A_150] : memref<1000000xf32, #tpu.memory_space<vmem_shared>> -> memref<1000000xf32, #tpu.memory_space<vmem_shared>>
      tpu.enqueue_indirect_dma source(%dma_start3A_151 : memref<1000000xf32, #tpu.memory_space<vmem_shared>>) target(%dma_start3A_147 : memref<128xf32, #tpu.memory_space<vmem>>) offsets(%dma_start3A_149 : memref<128xi32, #tpu.memory_space<vmem>>) semaphore(%arg18 : memref<!tpu.dma_semaphore, #tpu.memory_space<semaphore_mem>>)
      %dma_start3A_152 = arith.constant 512 : i32
      %dma_start3A_153 = tpu.memref_slice %arg15[%dma_start3A_152] : memref<3840xf32, #tpu.memory_space<vmem>> -> memref<128xf32, #tpu.memory_space<vmem>>
      %dma_start3A_154 = arith.constant 512 : i32
      %dma_start3A_155 = tpu.memref_slice %arg11[%dma_start3A_154] : memref<3840xi32, #tpu.memory_space<vmem>> -> memref<128xi32, #tpu.memory_space<vmem>>
      %dma_start3A_156 = arith.constant 0 : i32
      %dma_start3A_157 = tpu.memref_slice %arg17[%dma_start3A_156] : memref<1000000xf32, #tpu.memory_space<vmem_shared>> -> memref<1000000xf32, #tpu.memory_space<vmem_shared>>
      tpu.enqueue_indirect_dma source(%dma_start3A_157 : memref<1000000xf32, #tpu.memory_space<vmem_shared>>) target(%dma_start3A_153 : memref<128xf32, #tpu.memory_space<vmem>>) offsets(%dma_start3A_155 : memref<128xi32, #tpu.memory_space<vmem>>) semaphore(%arg18 : memref<!tpu.dma_semaphore, #tpu.memory_space<semaphore_mem>>)
      %dma_start3A_158 = arith.constant 640 : i32
      %dma_start3A_159 = tpu.memref_slice %arg14[%dma_start3A_158] : memref<3840xf32, #tpu.memory_space<vmem>> -> memref<128xf32, #tpu.memory_space<vmem>>
      %dma_start3A_160 = arith.constant 640 : i32
      %dma_start3A_161 = tpu.memref_slice %arg9[%dma_start3A_160] : memref<3840xi32, #tpu.memory_space<vmem>> -> memref<128xi32, #tpu.memory_space<vmem>>
      %dma_start3A_162 = arith.constant 0 : i32
      %dma_start3A_163 = tpu.memref_slice %arg17[%dma_start3A_162] : memref<1000000xf32, #tpu.memory_space<vmem_shared>> -> memref<1000000xf32, #tpu.memory_space<vmem_shared>>
      tpu.enqueue_indirect_dma source(%dma_start3A_163 : memref<1000000xf32, #tpu.memory_space<vmem_shared>>) target(%dma_start3A_159 : memref<128xf32, #tpu.memory_space<vmem>>) offsets(%dma_start3A_161 : memref<128xi32, #tpu.memory_space<vmem>>) semaphore(%arg18 : memref<!tpu.dma_semaphore, #tpu.memory_space<semaphore_mem>>)
      %dma_start3A_164 = arith.constant 640 : i32
      %dma_start3A_165 = tpu.memref_slice %arg15[%dma_start3A_164] : memref<3840xf32, #tpu.memory_space<vmem>> -> memref<128xf32, #tpu.memory_space<vmem>>
      %dma_start3A_166 = arith.constant 640 : i32
      %dma_start3A_167 = tpu.memref_slice %arg11[%dma_start3A_166] : memref<3840xi32, #tpu.memory_space<vmem>> -> memref<128xi32, #tpu.memory_space<vmem>>
      %dma_start3A_168 = arith.constant 0 : i32
      %dma_start3A_169 = tpu.memref_slice %arg17[%dma_start3A_168] : memref<1000000xf32, #tpu.memory_space<vmem_shared>> -> memref<1000000xf32, #tpu.memory_space<vmem_shared>>
      tpu.enqueue_indirect_dma source(%dma_start3A_169 : memref<1000000xf32, #tpu.memory_space<vmem_shared>>) target(%dma_start3A_165 : memref<128xf32, #tpu.memory_space<vmem>>) offsets(%dma_start3A_167 : memref<128xi32, #tpu.memory_space<vmem>>) semaphore(%arg18 : memref<!tpu.dma_semaphore, #tpu.memory_space<semaphore_mem>>)
      %dma_start3A_170 = arith.constant 768 : i32
      %dma_start3A_171 = tpu.memref_slice %arg14[%dma_start3A_170] : memref<3840xf32, #tpu.memory_space<vmem>> -> memref<128xf32, #tpu.memory_space<vmem>>
      %dma_start3A_172 = arith.constant 768 : i32
      %dma_start3A_173 = tpu.memref_slice %arg9[%dma_start3A_172] : memref<3840xi32, #tpu.memory_space<vmem>> -> memref<128xi32, #tpu.memory_space<vmem>>
      %dma_start3A_174 = arith.constant 0 : i32
      %dma_start3A_175 = tpu.memref_slice %arg17[%dma_start3A_174] : memref<1000000xf32, #tpu.memory_space<vmem_shared>> -> memref<1000000xf32, #tpu.memory_space<vmem_shared>>
      tpu.enqueue_indirect_dma source(%dma_start3A_175 : memref<1000000xf32, #tpu.memory_space<vmem_shared>>) target(%dma_start3A_171 : memref<128xf32, #tpu.memory_space<vmem>>) offsets(%dma_start3A_173 : memref<128xi32, #tpu.memory_space<vmem>>) semaphore(%arg18 : memref<!tpu.dma_semaphore, #tpu.memory_space<semaphore_mem>>)
      %dma_start3A_176 = arith.constant 768 : i32
      %dma_start3A_177 = tpu.memref_slice %arg15[%dma_start3A_176] : memref<3840xf32, #tpu.memory_space<vmem>> -> memref<128xf32, #tpu.memory_space<vmem>>
      %dma_start3A_178 = arith.constant 768 : i32
      %dma_start3A_179 = tpu.memref_slice %arg11[%dma_start3A_178] : memref<3840xi32, #tpu.memory_space<vmem>> -> memref<128xi32, #tpu.memory_space<vmem>>
      %dma_start3A_180 = arith.constant 0 : i32
      %dma_start3A_181 = tpu.memref_slice %arg17[%dma_start3A_180] : memref<1000000xf32, #tpu.memory_space<vmem_shared>> -> memref<1000000xf32, #tpu.memory_space<vmem_shared>>
      tpu.enqueue_indirect_dma source(%dma_start3A_181 : memref<1000000xf32, #tpu.memory_space<vmem_shared>>) target(%dma_start3A_177 : memref<128xf32, #tpu.memory_space<vmem>>) offsets(%dma_start3A_179 : memref<128xi32, #tpu.memory_space<vmem>>) semaphore(%arg18 : memref<!tpu.dma_semaphore, #tpu.memory_space<semaphore_mem>>)
      %dma_start3A_182 = arith.constant 896 : i32
      %dma_start3A_183 = tpu.memref_slice %arg14[%dma_start3A_182] : memref<3840xf32, #tpu.memory_space<vmem>> -> memref<128xf32, #tpu.memory_space<vmem>>
      %dma_start3A_184 = arith.constant 896 : i32
      %dma_start3A_185 = tpu.memref_slice %arg9[%dma_start3A_184] : memref<3840xi32, #tpu.memory_space<vmem>> -> memref<128xi32, #tpu.memory_space<vmem>>
      %dma_start3A_186 = arith.constant 0 : i32
      %dma_start3A_187 = tpu.memref_slice %arg17[%dma_start3A_186] : memref<1000000xf32, #tpu.memory_space<vmem_shared>> -> memref<1000000xf32, #tpu.memory_space<vmem_shared>>
      tpu.enqueue_indirect_dma source(%dma_start3A_187 : memref<1000000xf32, #tpu.memory_space<vmem_shared>>) target(%dma_start3A_183 : memref<128xf32, #tpu.memory_space<vmem>>) offsets(%dma_start3A_185 : memref<128xi32, #tpu.memory_space<vmem>>) semaphore(%arg18 : memref<!tpu.dma_semaphore, #tpu.memory_space<semaphore_mem>>)
      %dma_start3A_188 = arith.constant 896 : i32
      %dma_start3A_189 = tpu.memref_slice %arg15[%dma_start3A_188] : memref<3840xf32, #tpu.memory_space<vmem>> -> memref<128xf32, #tpu.memory_space<vmem>>
      %dma_start3A_190 = arith.constant 896 : i32
      %dma_start3A_191 = tpu.memref_slice %arg11[%dma_start3A_190] : memref<3840xi32, #tpu.memory_space<vmem>> -> memref<128xi32, #tpu.memory_space<vmem>>
      %dma_start3A_192 = arith.constant 0 : i32
      %dma_start3A_193 = tpu.memref_slice %arg17[%dma_start3A_192] : memref<1000000xf32, #tpu.memory_space<vmem_shared>> -> memref<1000000xf32, #tpu.memory_space<vmem_shared>>
      tpu.enqueue_indirect_dma source(%dma_start3A_193 : memref<1000000xf32, #tpu.memory_space<vmem_shared>>) target(%dma_start3A_189 : memref<128xf32, #tpu.memory_space<vmem>>) offsets(%dma_start3A_191 : memref<128xi32, #tpu.memory_space<vmem>>) semaphore(%arg18 : memref<!tpu.dma_semaphore, #tpu.memory_space<semaphore_mem>>)
      %dma_start3A_194 = arith.constant 1024 : i32
      %dma_start3A_195 = tpu.memref_slice %arg14[%dma_start3A_194] : memref<3840xf32, #tpu.memory_space<vmem>> -> memref<128xf32, #tpu.memory_space<vmem>>
      %dma_start3A_196 = arith.constant 1024 : i32
      %dma_start3A_197 = tpu.memref_slice %arg9[%dma_start3A_196] : memref<3840xi32, #tpu.memory_space<vmem>> -> memref<128xi32, #tpu.memory_space<vmem>>
      %dma_start3A_198 = arith.constant 0 : i32
      %dma_start3A_199 = tpu.memref_slice %arg17[%dma_start3A_198] : memref<1000000xf32, #tpu.memory_space<vmem_shared>> -> memref<1000000xf32, #tpu.memory_space<vmem_shared>>
      tpu.enqueue_indirect_dma source(%dma_start3A_199 : memref<1000000xf32, #tpu.memory_space<vmem_shared>>) target(%dma_start3A_195 : memref<128xf32, #tpu.memory_space<vmem>>) offsets(%dma_start3A_197 : memref<128xi32, #tpu.memory_space<vmem>>) semaphore(%arg18 : memref<!tpu.dma_semaphore, #tpu.memory_space<semaphore_mem>>)
      %dma_start3A_200 = arith.constant 1024 : i32
      %dma_start3A_201 = tpu.memref_slice %arg15[%dma_start3A_200] : memref<3840xf32, #tpu.memory_space<vmem>> -> memref<128xf32, #tpu.memory_space<vmem>>
      %dma_start3A_202 = arith.constant 1024 : i32
      %dma_start3A_203 = tpu.memref_slice %arg11[%dma_start3A_202] : memref<3840xi32, #tpu.memory_space<vmem>> -> memref<128xi32, #tpu.memory_space<vmem>>
      %dma_start3A_204 = arith.constant 0 : i32
      %dma_start3A_205 = tpu.memref_slice %arg17[%dma_start3A_204] : memref<1000000xf32, #tpu.memory_space<vmem_shared>> -> memref<1000000xf32, #tpu.memory_space<vmem_shared>>
      tpu.enqueue_indirect_dma source(%dma_start3A_205 : memref<1000000xf32, #tpu.memory_space<vmem_shared>>) target(%dma_start3A_201 : memref<128xf32, #tpu.memory_space<vmem>>) offsets(%dma_start3A_203 : memref<128xi32, #tpu.memory_space<vmem>>) semaphore(%arg18 : memref<!tpu.dma_semaphore, #tpu.memory_space<semaphore_mem>>)
      %dma_start3A_206 = arith.constant 1152 : i32
      %dma_start3A_207 = tpu.memref_slice %arg14[%dma_start3A_206] : memref<3840xf32, #tpu.memory_space<vmem>> -> memref<128xf32, #tpu.memory_space<vmem>>
      %dma_start3A_208 = arith.constant 1152 : i32
      %dma_start3A_209 = tpu.memref_slice %arg9[%dma_start3A_208] : memref<3840xi32, #tpu.memory_space<vmem>> -> memref<128xi32, #tpu.memory_space<vmem>>
      %dma_start3A_210 = arith.constant 0 : i32
      %dma_start3A_211 = tpu.memref_slice %arg17[%dma_start3A_210] : memref<1000000xf32, #tpu.memory_space<vmem_shared>> -> memref<1000000xf32, #tpu.memory_space<vmem_shared>>
      tpu.enqueue_indirect_dma source(%dma_start3A_211 : memref<1000000xf32, #tpu.memory_space<vmem_shared>>) target(%dma_start3A_207 : memref<128xf32, #tpu.memory_space<vmem>>) offsets(%dma_start3A_209 : memref<128xi32, #tpu.memory_space<vmem>>) semaphore(%arg18 : memref<!tpu.dma_semaphore, #tpu.memory_space<semaphore_mem>>)
      %dma_start3A_212 = arith.constant 1152 : i32
      %dma_start3A_213 = tpu.memref_slice %arg15[%dma_start3A_212] : memref<3840xf32, #tpu.memory_space<vmem>> -> memref<128xf32, #tpu.memory_space<vmem>>
      %dma_start3A_214 = arith.constant 1152 : i32
      %dma_start3A_215 = tpu.memref_slice %arg11[%dma_start3A_214] : memref<3840xi32, #tpu.memory_space<vmem>> -> memref<128xi32, #tpu.memory_space<vmem>>
      %dma_start3A_216 = arith.constant 0 : i32
      %dma_start3A_217 = tpu.memref_slice %arg17[%dma_start3A_216] : memref<1000000xf32, #tpu.memory_space<vmem_shared>> -> memref<1000000xf32, #tpu.memory_space<vmem_shared>>
      tpu.enqueue_indirect_dma source(%dma_start3A_217 : memref<1000000xf32, #tpu.memory_space<vmem_shared>>) target(%dma_start3A_213 : memref<128xf32, #tpu.memory_space<vmem>>) offsets(%dma_start3A_215 : memref<128xi32, #tpu.memory_space<vmem>>) semaphore(%arg18 : memref<!tpu.dma_semaphore, #tpu.memory_space<semaphore_mem>>)
      %dma_start3A_218 = arith.constant 1280 : i32
      %dma_start3A_219 = tpu.memref_slice %arg14[%dma_start3A_218] : memref<3840xf32, #tpu.memory_space<vmem>> -> memref<128xf32, #tpu.memory_space<vmem>>
      %dma_start3A_220 = arith.constant 1280 : i32
      %dma_start3A_221 = tpu.memref_slice %arg9[%dma_start3A_220] : memref<3840xi32, #tpu.memory_space<vmem>> -> memref<128xi32, #tpu.memory_space<vmem>>
      %dma_start3A_222 = arith.constant 0 : i32
      %dma_start3A_223 = tpu.memref_slice %arg17[%dma_start3A_222] : memref<1000000xf32, #tpu.memory_space<vmem_shared>> -> memref<1000000xf32, #tpu.memory_space<vmem_shared>>
      tpu.enqueue_indirect_dma source(%dma_start3A_223 : memref<1000000xf32, #tpu.memory_space<vmem_shared>>) target(%dma_start3A_219 : memref<128xf32, #tpu.memory_space<vmem>>) offsets(%dma_start3A_221 : memref<128xi32, #tpu.memory_space<vmem>>) semaphore(%arg18 : memref<!tpu.dma_semaphore, #tpu.memory_space<semaphore_mem>>)
      %dma_start3A_224 = arith.constant 1280 : i32
      %dma_start3A_225 = tpu.memref_slice %arg15[%dma_start3A_224] : memref<3840xf32, #tpu.memory_space<vmem>> -> memref<128xf32, #tpu.memory_space<vmem>>
      %dma_start3A_226 = arith.constant 1280 : i32
      %dma_start3A_227 = tpu.memref_slice %arg11[%dma_start3A_226] : memref<3840xi32, #tpu.memory_space<vmem>> -> memref<128xi32, #tpu.memory_space<vmem>>
      %dma_start3A_228 = arith.constant 0 : i32
      %dma_start3A_229 = tpu.memref_slice %arg17[%dma_start3A_228] : memref<1000000xf32, #tpu.memory_space<vmem_shared>> -> memref<1000000xf32, #tpu.memory_space<vmem_shared>>
      tpu.enqueue_indirect_dma source(%dma_start3A_229 : memref<1000000xf32, #tpu.memory_space<vmem_shared>>) target(%dma_start3A_225 : memref<128xf32, #tpu.memory_space<vmem>>) offsets(%dma_start3A_227 : memref<128xi32, #tpu.memory_space<vmem>>) semaphore(%arg18 : memref<!tpu.dma_semaphore, #tpu.memory_space<semaphore_mem>>)
      %dma_start3A_230 = arith.constant 1408 : i32
      %dma_start3A_231 = tpu.memref_slice %arg14[%dma_start3A_230] : memref<3840xf32, #tpu.memory_space<vmem>> -> memref<128xf32, #tpu.memory_space<vmem>>
      %dma_start3A_232 = arith.constant 1408 : i32
      %dma_start3A_233 = tpu.memref_slice %arg9[%dma_start3A_232] : memref<3840xi32, #tpu.memory_space<vmem>> -> memref<128xi32, #tpu.memory_space<vmem>>
      %dma_start3A_234 = arith.constant 0 : i32
      %dma_start3A_235 = tpu.memref_slice %arg17[%dma_start3A_234] : memref<1000000xf32, #tpu.memory_space<vmem_shared>> -> memref<1000000xf32, #tpu.memory_space<vmem_shared>>
      tpu.enqueue_indirect_dma source(%dma_start3A_235 : memref<1000000xf32, #tpu.memory_space<vmem_shared>>) target(%dma_start3A_231 : memref<128xf32, #tpu.memory_space<vmem>>) offsets(%dma_start3A_233 : memref<128xi32, #tpu.memory_space<vmem>>) semaphore(%arg18 : memref<!tpu.dma_semaphore, #tpu.memory_space<semaphore_mem>>)
      %dma_start3A_236 = arith.constant 1408 : i32
      %dma_start3A_237 = tpu.memref_slice %arg15[%dma_start3A_236] : memref<3840xf32, #tpu.memory_space<vmem>> -> memref<128xf32, #tpu.memory_space<vmem>>
      %dma_start3A_238 = arith.constant 1408 : i32
      %dma_start3A_239 = tpu.memref_slice %arg11[%dma_start3A_238] : memref<3840xi32, #tpu.memory_space<vmem>> -> memref<128xi32, #tpu.memory_space<vmem>>
      %dma_start3A_240 = arith.constant 0 : i32
      %dma_start3A_241 = tpu.memref_slice %arg17[%dma_start3A_240] : memref<1000000xf32, #tpu.memory_space<vmem_shared>> -> memref<1000000xf32, #tpu.memory_space<vmem_shared>>
      tpu.enqueue_indirect_dma source(%dma_start3A_241 : memref<1000000xf32, #tpu.memory_space<vmem_shared>>) target(%dma_start3A_237 : memref<128xf32, #tpu.memory_space<vmem>>) offsets(%dma_start3A_239 : memref<128xi32, #tpu.memory_space<vmem>>) semaphore(%arg18 : memref<!tpu.dma_semaphore, #tpu.memory_space<semaphore_mem>>)
      %dma_start3A_242 = arith.constant 1536 : i32
      %dma_start3A_243 = tpu.memref_slice %arg14[%dma_start3A_242] : memref<3840xf32, #tpu.memory_space<vmem>> -> memref<128xf32, #tpu.memory_space<vmem>>
      %dma_start3A_244 = arith.constant 1536 : i32
      %dma_start3A_245 = tpu.memref_slice %arg9[%dma_start3A_244] : memref<3840xi32, #tpu.memory_space<vmem>> -> memref<128xi32, #tpu.memory_space<vmem>>
      %dma_start3A_246 = arith.constant 0 : i32
      %dma_start3A_247 = tpu.memref_slice %arg17[%dma_start3A_246] : memref<1000000xf32, #tpu.memory_space<vmem_shared>> -> memref<1000000xf32, #tpu.memory_space<vmem_shared>>
      tpu.enqueue_indirect_dma source(%dma_start3A_247 : memref<1000000xf32, #tpu.memory_space<vmem_shared>>) target(%dma_start3A_243 : memref<128xf32, #tpu.memory_space<vmem>>) offsets(%dma_start3A_245 : memref<128xi32, #tpu.memory_space<vmem>>) semaphore(%arg18 : memref<!tpu.dma_semaphore, #tpu.memory_space<semaphore_mem>>)
      %dma_start3A_248 = arith.constant 1536 : i32
      %dma_start3A_249 = tpu.memref_slice %arg15[%dma_start3A_248] : memref<3840xf32, #tpu.memory_space<vmem>> -> memref<128xf32, #tpu.memory_space<vmem>>
      %dma_start3A_250 = arith.constant 1536 : i32
      %dma_start3A_251 = tpu.memref_slice %arg11[%dma_start3A_250] : memref<3840xi32, #tpu.memory_space<vmem>> -> memref<128xi32, #tpu.memory_space<vmem>>
      %dma_start3A_252 = arith.constant 0 : i32
      %dma_start3A_253 = tpu.memref_slice %arg17[%dma_start3A_252] : memref<1000000xf32, #tpu.memory_space<vmem_shared>> -> memref<1000000xf32, #tpu.memory_space<vmem_shared>>
      tpu.enqueue_indirect_dma source(%dma_start3A_253 : memref<1000000xf32, #tpu.memory_space<vmem_shared>>) target(%dma_start3A_249 : memref<128xf32, #tpu.memory_space<vmem>>) offsets(%dma_start3A_251 : memref<128xi32, #tpu.memory_space<vmem>>) semaphore(%arg18 : memref<!tpu.dma_semaphore, #tpu.memory_space<semaphore_mem>>)
      %dma_start3A_254 = arith.constant 1664 : i32
      %dma_start3A_255 = tpu.memref_slice %arg14[%dma_start3A_254] : memref<3840xf32, #tpu.memory_space<vmem>> -> memref<128xf32, #tpu.memory_space<vmem>>
      %dma_start3A_256 = arith.constant 1664 : i32
      %dma_start3A_257 = tpu.memref_slice %arg9[%dma_start3A_256] : memref<3840xi32, #tpu.memory_space<vmem>> -> memref<128xi32, #tpu.memory_space<vmem>>
      %dma_start3A_258 = arith.constant 0 : i32
      %dma_start3A_259 = tpu.memref_slice %arg17[%dma_start3A_258] : memref<1000000xf32, #tpu.memory_space<vmem_shared>> -> memref<1000000xf32, #tpu.memory_space<vmem_shared>>
      tpu.enqueue_indirect_dma source(%dma_start3A_259 : memref<1000000xf32, #tpu.memory_space<vmem_shared>>) target(%dma_start3A_255 : memref<128xf32, #tpu.memory_space<vmem>>) offsets(%dma_start3A_257 : memref<128xi32, #tpu.memory_space<vmem>>) semaphore(%arg18 : memref<!tpu.dma_semaphore, #tpu.memory_space<semaphore_mem>>)
      %dma_start3A_260 = arith.constant 1664 : i32
      %dma_start3A_261 = tpu.memref_slice %arg15[%dma_start3A_260] : memref<3840xf32, #tpu.memory_space<vmem>> -> memref<128xf32, #tpu.memory_space<vmem>>
      %dma_start3A_262 = arith.constant 1664 : i32
      %dma_start3A_263 = tpu.memref_slice %arg11[%dma_start3A_262] : memref<3840xi32, #tpu.memory_space<vmem>> -> memref<128xi32, #tpu.memory_space<vmem>>
      %dma_start3A_264 = arith.constant 0 : i32
      %dma_start3A_265 = tpu.memref_slice %arg17[%dma_start3A_264] : memref<1000000xf32, #tpu.memory_space<vmem_shared>> -> memref<1000000xf32, #tpu.memory_space<vmem_shared>>
      tpu.enqueue_indirect_dma source(%dma_start3A_265 : memref<1000000xf32, #tpu.memory_space<vmem_shared>>) target(%dma_start3A_261 : memref<128xf32, #tpu.memory_space<vmem>>) offsets(%dma_start3A_263 : memref<128xi32, #tpu.memory_space<vmem>>) semaphore(%arg18 : memref<!tpu.dma_semaphore, #tpu.memory_space<semaphore_mem>>)
      %dma_start3A_266 = arith.constant 1792 : i32
      %dma_start3A_267 = tpu.memref_slice %arg14[%dma_start3A_266] : memref<3840xf32, #tpu.memory_space<vmem>> -> memref<128xf32, #tpu.memory_space<vmem>>
      %dma_start3A_268 = arith.constant 1792 : i32
      %dma_start3A_269 = tpu.memref_slice %arg9[%dma_start3A_268] : memref<3840xi32, #tpu.memory_space<vmem>> -> memref<128xi32, #tpu.memory_space<vmem>>
      %dma_start3A_270 = arith.constant 0 : i32
      %dma_start3A_271 = tpu.memref_slice %arg17[%dma_start3A_270] : memref<1000000xf32, #tpu.memory_space<vmem_shared>> -> memref<1000000xf32, #tpu.memory_space<vmem_shared>>
      tpu.enqueue_indirect_dma source(%dma_start3A_271 : memref<1000000xf32, #tpu.memory_space<vmem_shared>>) target(%dma_start3A_267 : memref<128xf32, #tpu.memory_space<vmem>>) offsets(%dma_start3A_269 : memref<128xi32, #tpu.memory_space<vmem>>) semaphore(%arg18 : memref<!tpu.dma_semaphore, #tpu.memory_space<semaphore_mem>>)
      %dma_start3A_272 = arith.constant 1792 : i32
      %dma_start3A_273 = tpu.memref_slice %arg15[%dma_start3A_272] : memref<3840xf32, #tpu.memory_space<vmem>> -> memref<128xf32, #tpu.memory_space<vmem>>
      %dma_start3A_274 = arith.constant 1792 : i32
      %dma_start3A_275 = tpu.memref_slice %arg11[%dma_start3A_274] : memref<3840xi32, #tpu.memory_space<vmem>> -> memref<128xi32, #tpu.memory_space<vmem>>
      %dma_start3A_276 = arith.constant 0 : i32
      %dma_start3A_277 = tpu.memref_slice %arg17[%dma_start3A_276] : memref<1000000xf32, #tpu.memory_space<vmem_shared>> -> memref<1000000xf32, #tpu.memory_space<vmem_shared>>
      tpu.enqueue_indirect_dma source(%dma_start3A_277 : memref<1000000xf32, #tpu.memory_space<vmem_shared>>) target(%dma_start3A_273 : memref<128xf32, #tpu.memory_space<vmem>>) offsets(%dma_start3A_275 : memref<128xi32, #tpu.memory_space<vmem>>) semaphore(%arg18 : memref<!tpu.dma_semaphore, #tpu.memory_space<semaphore_mem>>)
      %dma_start3A_278 = arith.constant 1920 : i32
      %dma_start3A_279 = tpu.memref_slice %arg14[%dma_start3A_278] : memref<3840xf32, #tpu.memory_space<vmem>> -> memref<128xf32, #tpu.memory_space<vmem>>
      %dma_start3A_280 = arith.constant 1920 : i32
      %dma_start3A_281 = tpu.memref_slice %arg9[%dma_start3A_280] : memref<3840xi32, #tpu.memory_space<vmem>> -> memref<128xi32, #tpu.memory_space<vmem>>
      %dma_start3A_282 = arith.constant 0 : i32
      %dma_start3A_283 = tpu.memref_slice %arg17[%dma_start3A_282] : memref<1000000xf32, #tpu.memory_space<vmem_shared>> -> memref<1000000xf32, #tpu.memory_space<vmem_shared>>
      tpu.enqueue_indirect_dma source(%dma_start3A_283 : memref<1000000xf32, #tpu.memory_space<vmem_shared>>) target(%dma_start3A_279 : memref<128xf32, #tpu.memory_space<vmem>>) offsets(%dma_start3A_281 : memref<128xi32, #tpu.memory_space<vmem>>) semaphore(%arg18 : memref<!tpu.dma_semaphore, #tpu.memory_space<semaphore_mem>>)
      %dma_start3A_284 = arith.constant 1920 : i32
      %dma_start3A_285 = tpu.memref_slice %arg15[%dma_start3A_284] : memref<3840xf32, #tpu.memory_space<vmem>> -> memref<128xf32, #tpu.memory_space<vmem>>
      %dma_start3A_286 = arith.constant 1920 : i32
      %dma_start3A_287 = tpu.memref_slice %arg11[%dma_start3A_286] : memref<3840xi32, #tpu.memory_space<vmem>> -> memref<128xi32, #tpu.memory_space<vmem>>
      %dma_start3A_288 = arith.constant 0 : i32
      %dma_start3A_289 = tpu.memref_slice %arg17[%dma_start3A_288] : memref<1000000xf32, #tpu.memory_space<vmem_shared>> -> memref<1000000xf32, #tpu.memory_space<vmem_shared>>
      tpu.enqueue_indirect_dma source(%dma_start3A_289 : memref<1000000xf32, #tpu.memory_space<vmem_shared>>) target(%dma_start3A_285 : memref<128xf32, #tpu.memory_space<vmem>>) offsets(%dma_start3A_287 : memref<128xi32, #tpu.memory_space<vmem>>) semaphore(%arg18 : memref<!tpu.dma_semaphore, #tpu.memory_space<semaphore_mem>>)
      %dma_start3A_290 = arith.constant 2048 : i32
      %dma_start3A_291 = tpu.memref_slice %arg14[%dma_start3A_290] : memref<3840xf32, #tpu.memory_space<vmem>> -> memref<128xf32, #tpu.memory_space<vmem>>
      %dma_start3A_292 = arith.constant 2048 : i32
      %dma_start3A_293 = tpu.memref_slice %arg9[%dma_start3A_292] : memref<3840xi32, #tpu.memory_space<vmem>> -> memref<128xi32, #tpu.memory_space<vmem>>
      %dma_start3A_294 = arith.constant 0 : i32
      %dma_start3A_295 = tpu.memref_slice %arg17[%dma_start3A_294] : memref<1000000xf32, #tpu.memory_space<vmem_shared>> -> memref<1000000xf32, #tpu.memory_space<vmem_shared>>
      tpu.enqueue_indirect_dma source(%dma_start3A_295 : memref<1000000xf32, #tpu.memory_space<vmem_shared>>) target(%dma_start3A_291 : memref<128xf32, #tpu.memory_space<vmem>>) offsets(%dma_start3A_293 : memref<128xi32, #tpu.memory_space<vmem>>) semaphore(%arg18 : memref<!tpu.dma_semaphore, #tpu.memory_space<semaphore_mem>>)
      %dma_start3A_296 = arith.constant 2048 : i32
      %dma_start3A_297 = tpu.memref_slice %arg15[%dma_start3A_296] : memref<3840xf32, #tpu.memory_space<vmem>> -> memref<128xf32, #tpu.memory_space<vmem>>
      %dma_start3A_298 = arith.constant 2048 : i32
      %dma_start3A_299 = tpu.memref_slice %arg11[%dma_start3A_298] : memref<3840xi32, #tpu.memory_space<vmem>> -> memref<128xi32, #tpu.memory_space<vmem>>
      %dma_start3A_300 = arith.constant 0 : i32
      %dma_start3A_301 = tpu.memref_slice %arg17[%dma_start3A_300] : memref<1000000xf32, #tpu.memory_space<vmem_shared>> -> memref<1000000xf32, #tpu.memory_space<vmem_shared>>
      tpu.enqueue_indirect_dma source(%dma_start3A_301 : memref<1000000xf32, #tpu.memory_space<vmem_shared>>) target(%dma_start3A_297 : memref<128xf32, #tpu.memory_space<vmem>>) offsets(%dma_start3A_299 : memref<128xi32, #tpu.memory_space<vmem>>) semaphore(%arg18 : memref<!tpu.dma_semaphore, #tpu.memory_space<semaphore_mem>>)
      %dma_start3A_302 = arith.constant 2176 : i32
      %dma_start3A_303 = tpu.memref_slice %arg14[%dma_start3A_302] : memref<3840xf32, #tpu.memory_space<vmem>> -> memref<128xf32, #tpu.memory_space<vmem>>
      %dma_start3A_304 = arith.constant 2176 : i32
      %dma_start3A_305 = tpu.memref_slice %arg9[%dma_start3A_304] : memref<3840xi32, #tpu.memory_space<vmem>> -> memref<128xi32, #tpu.memory_space<vmem>>
      %dma_start3A_306 = arith.constant 0 : i32
      %dma_start3A_307 = tpu.memref_slice %arg17[%dma_start3A_306] : memref<1000000xf32, #tpu.memory_space<vmem_shared>> -> memref<1000000xf32, #tpu.memory_space<vmem_shared>>
      tpu.enqueue_indirect_dma source(%dma_start3A_307 : memref<1000000xf32, #tpu.memory_space<vmem_shared>>) target(%dma_start3A_303 : memref<128xf32, #tpu.memory_space<vmem>>) offsets(%dma_start3A_305 : memref<128xi32, #tpu.memory_space<vmem>>) semaphore(%arg18 : memref<!tpu.dma_semaphore, #tpu.memory_space<semaphore_mem>>)
      %dma_start3A_308 = arith.constant 2176 : i32
      %dma_start3A_309 = tpu.memref_slice %arg15[%dma_start3A_308] : memref<3840xf32, #tpu.memory_space<vmem>> -> memref<128xf32, #tpu.memory_space<vmem>>
      %dma_start3A_310 = arith.constant 2176 : i32
      %dma_start3A_311 = tpu.memref_slice %arg11[%dma_start3A_310] : memref<3840xi32, #tpu.memory_space<vmem>> -> memref<128xi32, #tpu.memory_space<vmem>>
      %dma_start3A_312 = arith.constant 0 : i32
      %dma_start3A_313 = tpu.memref_slice %arg17[%dma_start3A_312] : memref<1000000xf32, #tpu.memory_space<vmem_shared>> -> memref<1000000xf32, #tpu.memory_space<vmem_shared>>
      tpu.enqueue_indirect_dma source(%dma_start3A_313 : memref<1000000xf32, #tpu.memory_space<vmem_shared>>) target(%dma_start3A_309 : memref<128xf32, #tpu.memory_space<vmem>>) offsets(%dma_start3A_311 : memref<128xi32, #tpu.memory_space<vmem>>) semaphore(%arg18 : memref<!tpu.dma_semaphore, #tpu.memory_space<semaphore_mem>>)
      %dma_start3A_314 = arith.constant 2304 : i32
      %dma_start3A_315 = tpu.memref_slice %arg14[%dma_start3A_314] : memref<3840xf32, #tpu.memory_space<vmem>> -> memref<128xf32, #tpu.memory_space<vmem>>
      %dma_start3A_316 = arith.constant 2304 : i32
      %dma_start3A_317 = tpu.memref_slice %arg9[%dma_start3A_316] : memref<3840xi32, #tpu.memory_space<vmem>> -> memref<128xi32, #tpu.memory_space<vmem>>
      %dma_start3A_318 = arith.constant 0 : i32
      %dma_start3A_319 = tpu.memref_slice %arg17[%dma_start3A_318] : memref<1000000xf32, #tpu.memory_space<vmem_shared>> -> memref<1000000xf32, #tpu.memory_space<vmem_shared>>
      tpu.enqueue_indirect_dma source(%dma_start3A_319 : memref<1000000xf32, #tpu.memory_space<vmem_shared>>) target(%dma_start3A_315 : memref<128xf32, #tpu.memory_space<vmem>>) offsets(%dma_start3A_317 : memref<128xi32, #tpu.memory_space<vmem>>) semaphore(%arg18 : memref<!tpu.dma_semaphore, #tpu.memory_space<semaphore_mem>>)
      %dma_start3A_320 = arith.constant 2304 : i32
      %dma_start3A_321 = tpu.memref_slice %arg15[%dma_start3A_320] : memref<3840xf32, #tpu.memory_space<vmem>> -> memref<128xf32, #tpu.memory_space<vmem>>
      %dma_start3A_322 = arith.constant 2304 : i32
      %dma_start3A_323 = tpu.memref_slice %arg11[%dma_start3A_322] : memref<3840xi32, #tpu.memory_space<vmem>> -> memref<128xi32, #tpu.memory_space<vmem>>
      %dma_start3A_324 = arith.constant 0 : i32
      %dma_start3A_325 = tpu.memref_slice %arg17[%dma_start3A_324] : memref<1000000xf32, #tpu.memory_space<vmem_shared>> -> memref<1000000xf32, #tpu.memory_space<vmem_shared>>
      tpu.enqueue_indirect_dma source(%dma_start3A_325 : memref<1000000xf32, #tpu.memory_space<vmem_shared>>) target(%dma_start3A_321 : memref<128xf32, #tpu.memory_space<vmem>>) offsets(%dma_start3A_323 : memref<128xi32, #tpu.memory_space<vmem>>) semaphore(%arg18 : memref<!tpu.dma_semaphore, #tpu.memory_space<semaphore_mem>>)
      %dma_start3A_326 = arith.constant 2432 : i32
      %dma_start3A_327 = tpu.memref_slice %arg14[%dma_start3A_326] : memref<3840xf32, #tpu.memory_space<vmem>> -> memref<128xf32, #tpu.memory_space<vmem>>
      %dma_start3A_328 = arith.constant 2432 : i32
      %dma_start3A_329 = tpu.memref_slice %arg9[%dma_start3A_328] : memref<3840xi32, #tpu.memory_space<vmem>> -> memref<128xi32, #tpu.memory_space<vmem>>
      %dma_start3A_330 = arith.constant 0 : i32
      %dma_start3A_331 = tpu.memref_slice %arg17[%dma_start3A_330] : memref<1000000xf32, #tpu.memory_space<vmem_shared>> -> memref<1000000xf32, #tpu.memory_space<vmem_shared>>
      tpu.enqueue_indirect_dma source(%dma_start3A_331 : memref<1000000xf32, #tpu.memory_space<vmem_shared>>) target(%dma_start3A_327 : memref<128xf32, #tpu.memory_space<vmem>>) offsets(%dma_start3A_329 : memref<128xi32, #tpu.memory_space<vmem>>) semaphore(%arg18 : memref<!tpu.dma_semaphore, #tpu.memory_space<semaphore_mem>>)
      %dma_start3A_332 = arith.constant 2432 : i32
      %dma_start3A_333 = tpu.memref_slice %arg15[%dma_start3A_332] : memref<3840xf32, #tpu.memory_space<vmem>> -> memref<128xf32, #tpu.memory_space<vmem>>
      %dma_start3A_334 = arith.constant 2432 : i32
      %dma_start3A_335 = tpu.memref_slice %arg11[%dma_start3A_334] : memref<3840xi32, #tpu.memory_space<vmem>> -> memref<128xi32, #tpu.memory_space<vmem>>
      %dma_start3A_336 = arith.constant 0 : i32
      %dma_start3A_337 = tpu.memref_slice %arg17[%dma_start3A_336] : memref<1000000xf32, #tpu.memory_space<vmem_shared>> -> memref<1000000xf32, #tpu.memory_space<vmem_shared>>
      tpu.enqueue_indirect_dma source(%dma_start3A_337 : memref<1000000xf32, #tpu.memory_space<vmem_shared>>) target(%dma_start3A_333 : memref<128xf32, #tpu.memory_space<vmem>>) offsets(%dma_start3A_335 : memref<128xi32, #tpu.memory_space<vmem>>) semaphore(%arg18 : memref<!tpu.dma_semaphore, #tpu.memory_space<semaphore_mem>>)
      %dma_start3A_338 = arith.constant 2560 : i32
      %dma_start3A_339 = tpu.memref_slice %arg14[%dma_start3A_338] : memref<3840xf32, #tpu.memory_space<vmem>> -> memref<128xf32, #tpu.memory_space<vmem>>
      %dma_start3A_340 = arith.constant 2560 : i32
      %dma_start3A_341 = tpu.memref_slice %arg9[%dma_start3A_340] : memref<3840xi32, #tpu.memory_space<vmem>> -> memref<128xi32, #tpu.memory_space<vmem>>
      %dma_start3A_342 = arith.constant 0 : i32
      %dma_start3A_343 = tpu.memref_slice %arg17[%dma_start3A_342] : memref<1000000xf32, #tpu.memory_space<vmem_shared>> -> memref<1000000xf32, #tpu.memory_space<vmem_shared>>
      tpu.enqueue_indirect_dma source(%dma_start3A_343 : memref<1000000xf32, #tpu.memory_space<vmem_shared>>) target(%dma_start3A_339 : memref<128xf32, #tpu.memory_space<vmem>>) offsets(%dma_start3A_341 : memref<128xi32, #tpu.memory_space<vmem>>) semaphore(%arg18 : memref<!tpu.dma_semaphore, #tpu.memory_space<semaphore_mem>>)
      %dma_start3A_344 = arith.constant 2560 : i32
      %dma_start3A_345 = tpu.memref_slice %arg15[%dma_start3A_344] : memref<3840xf32, #tpu.memory_space<vmem>> -> memref<128xf32, #tpu.memory_space<vmem>>
      %dma_start3A_346 = arith.constant 2560 : i32
      %dma_start3A_347 = tpu.memref_slice %arg11[%dma_start3A_346] : memref<3840xi32, #tpu.memory_space<vmem>> -> memref<128xi32, #tpu.memory_space<vmem>>
      %dma_start3A_348 = arith.constant 0 : i32
      %dma_start3A_349 = tpu.memref_slice %arg17[%dma_start3A_348] : memref<1000000xf32, #tpu.memory_space<vmem_shared>> -> memref<1000000xf32, #tpu.memory_space<vmem_shared>>
      tpu.enqueue_indirect_dma source(%dma_start3A_349 : memref<1000000xf32, #tpu.memory_space<vmem_shared>>) target(%dma_start3A_345 : memref<128xf32, #tpu.memory_space<vmem>>) offsets(%dma_start3A_347 : memref<128xi32, #tpu.memory_space<vmem>>) semaphore(%arg18 : memref<!tpu.dma_semaphore, #tpu.memory_space<semaphore_mem>>)
      %dma_start3A_350 = arith.constant 2688 : i32
      %dma_start3A_351 = tpu.memref_slice %arg14[%dma_start3A_350] : memref<3840xf32, #tpu.memory_space<vmem>> -> memref<128xf32, #tpu.memory_space<vmem>>
      %dma_start3A_352 = arith.constant 2688 : i32
      %dma_start3A_353 = tpu.memref_slice %arg9[%dma_start3A_352] : memref<3840xi32, #tpu.memory_space<vmem>> -> memref<128xi32, #tpu.memory_space<vmem>>
      %dma_start3A_354 = arith.constant 0 : i32
      %dma_start3A_355 = tpu.memref_slice %arg17[%dma_start3A_354] : memref<1000000xf32, #tpu.memory_space<vmem_shared>> -> memref<1000000xf32, #tpu.memory_space<vmem_shared>>
      tpu.enqueue_indirect_dma source(%dma_start3A_355 : memref<1000000xf32, #tpu.memory_space<vmem_shared>>) target(%dma_start3A_351 : memref<128xf32, #tpu.memory_space<vmem>>) offsets(%dma_start3A_353 : memref<128xi32, #tpu.memory_space<vmem>>) semaphore(%arg18 : memref<!tpu.dma_semaphore, #tpu.memory_space<semaphore_mem>>)
      %dma_start3A_356 = arith.constant 2688 : i32
      %dma_start3A_357 = tpu.memref_slice %arg15[%dma_start3A_356] : memref<3840xf32, #tpu.memory_space<vmem>> -> memref<128xf32, #tpu.memory_space<vmem>>
      %dma_start3A_358 = arith.constant 2688 : i32
      %dma_start3A_359 = tpu.memref_slice %arg11[%dma_start3A_358] : memref<3840xi32, #tpu.memory_space<vmem>> -> memref<128xi32, #tpu.memory_space<vmem>>
      %dma_start3A_360 = arith.constant 0 : i32
      %dma_start3A_361 = tpu.memref_slice %arg17[%dma_start3A_360] : memref<1000000xf32, #tpu.memory_space<vmem_shared>> -> memref<1000000xf32, #tpu.memory_space<vmem_shared>>
      tpu.enqueue_indirect_dma source(%dma_start3A_361 : memref<1000000xf32, #tpu.memory_space<vmem_shared>>) target(%dma_start3A_357 : memref<128xf32, #tpu.memory_space<vmem>>) offsets(%dma_start3A_359 : memref<128xi32, #tpu.memory_space<vmem>>) semaphore(%arg18 : memref<!tpu.dma_semaphore, #tpu.memory_space<semaphore_mem>>)
      %dma_start3A_362 = arith.constant 2816 : i32
      %dma_start3A_363 = tpu.memref_slice %arg14[%dma_start3A_362] : memref<3840xf32, #tpu.memory_space<vmem>> -> memref<128xf32, #tpu.memory_space<vmem>>
      %dma_start3A_364 = arith.constant 2816 : i32
      %dma_start3A_365 = tpu.memref_slice %arg9[%dma_start3A_364] : memref<3840xi32, #tpu.memory_space<vmem>> -> memref<128xi32, #tpu.memory_space<vmem>>
      %dma_start3A_366 = arith.constant 0 : i32
      %dma_start3A_367 = tpu.memref_slice %arg17[%dma_start3A_366] : memref<1000000xf32, #tpu.memory_space<vmem_shared>> -> memref<1000000xf32, #tpu.memory_space<vmem_shared>>
      tpu.enqueue_indirect_dma source(%dma_start3A_367 : memref<1000000xf32, #tpu.memory_space<vmem_shared>>) target(%dma_start3A_363 : memref<128xf32, #tpu.memory_space<vmem>>) offsets(%dma_start3A_365 : memref<128xi32, #tpu.memory_space<vmem>>) semaphore(%arg18 : memref<!tpu.dma_semaphore, #tpu.memory_space<semaphore_mem>>)
      %dma_start3A_368 = arith.constant 2816 : i32
      %dma_start3A_369 = tpu.memref_slice %arg15[%dma_start3A_368] : memref<3840xf32, #tpu.memory_space<vmem>> -> memref<128xf32, #tpu.memory_space<vmem>>
      %dma_start3A_370 = arith.constant 2816 : i32
      %dma_start3A_371 = tpu.memref_slice %arg11[%dma_start3A_370] : memref<3840xi32, #tpu.memory_space<vmem>> -> memref<128xi32, #tpu.memory_space<vmem>>
      %dma_start3A_372 = arith.constant 0 : i32
      %dma_start3A_373 = tpu.memref_slice %arg17[%dma_start3A_372] : memref<1000000xf32, #tpu.memory_space<vmem_shared>> -> memref<1000000xf32, #tpu.memory_space<vmem_shared>>
      tpu.enqueue_indirect_dma source(%dma_start3A_373 : memref<1000000xf32, #tpu.memory_space<vmem_shared>>) target(%dma_start3A_369 : memref<128xf32, #tpu.memory_space<vmem>>) offsets(%dma_start3A_371 : memref<128xi32, #tpu.memory_space<vmem>>) semaphore(%arg18 : memref<!tpu.dma_semaphore, #tpu.memory_space<semaphore_mem>>)
      %dma_start3A_374 = arith.constant 2944 : i32
      %dma_start3A_375 = tpu.memref_slice %arg14[%dma_start3A_374] : memref<3840xf32, #tpu.memory_space<vmem>> -> memref<128xf32, #tpu.memory_space<vmem>>
      %dma_start3A_376 = arith.constant 2944 : i32
      %dma_start3A_377 = tpu.memref_slice %arg9[%dma_start3A_376] : memref<3840xi32, #tpu.memory_space<vmem>> -> memref<128xi32, #tpu.memory_space<vmem>>
      %dma_start3A_378 = arith.constant 0 : i32
      %dma_start3A_379 = tpu.memref_slice %arg17[%dma_start3A_378] : memref<1000000xf32, #tpu.memory_space<vmem_shared>> -> memref<1000000xf32, #tpu.memory_space<vmem_shared>>
      tpu.enqueue_indirect_dma source(%dma_start3A_379 : memref<1000000xf32, #tpu.memory_space<vmem_shared>>) target(%dma_start3A_375 : memref<128xf32, #tpu.memory_space<vmem>>) offsets(%dma_start3A_377 : memref<128xi32, #tpu.memory_space<vmem>>) semaphore(%arg18 : memref<!tpu.dma_semaphore, #tpu.memory_space<semaphore_mem>>)
      %dma_start3A_380 = arith.constant 2944 : i32
      %dma_start3A_381 = tpu.memref_slice %arg15[%dma_start3A_380] : memref<3840xf32, #tpu.memory_space<vmem>> -> memref<128xf32, #tpu.memory_space<vmem>>
      %dma_start3A_382 = arith.constant 2944 : i32
      %dma_start3A_383 = tpu.memref_slice %arg11[%dma_start3A_382] : memref<3840xi32, #tpu.memory_space<vmem>> -> memref<128xi32, #tpu.memory_space<vmem>>
      %dma_start3A_384 = arith.constant 0 : i32
      %dma_start3A_385 = tpu.memref_slice %arg17[%dma_start3A_384] : memref<1000000xf32, #tpu.memory_space<vmem_shared>> -> memref<1000000xf32, #tpu.memory_space<vmem_shared>>
      tpu.enqueue_indirect_dma source(%dma_start3A_385 : memref<1000000xf32, #tpu.memory_space<vmem_shared>>) target(%dma_start3A_381 : memref<128xf32, #tpu.memory_space<vmem>>) offsets(%dma_start3A_383 : memref<128xi32, #tpu.memory_space<vmem>>) semaphore(%arg18 : memref<!tpu.dma_semaphore, #tpu.memory_space<semaphore_mem>>)
      %dma_start3A_386 = arith.constant 3072 : i32
      %dma_start3A_387 = tpu.memref_slice %arg14[%dma_start3A_386] : memref<3840xf32, #tpu.memory_space<vmem>> -> memref<128xf32, #tpu.memory_space<vmem>>
      %dma_start3A_388 = arith.constant 3072 : i32
      %dma_start3A_389 = tpu.memref_slice %arg9[%dma_start3A_388] : memref<3840xi32, #tpu.memory_space<vmem>> -> memref<128xi32, #tpu.memory_space<vmem>>
      %dma_start3A_390 = arith.constant 0 : i32
      %dma_start3A_391 = tpu.memref_slice %arg17[%dma_start3A_390] : memref<1000000xf32, #tpu.memory_space<vmem_shared>> -> memref<1000000xf32, #tpu.memory_space<vmem_shared>>
      tpu.enqueue_indirect_dma source(%dma_start3A_391 : memref<1000000xf32, #tpu.memory_space<vmem_shared>>) target(%dma_start3A_387 : memref<128xf32, #tpu.memory_space<vmem>>) offsets(%dma_start3A_389 : memref<128xi32, #tpu.memory_space<vmem>>) semaphore(%arg18 : memref<!tpu.dma_semaphore, #tpu.memory_space<semaphore_mem>>)
      %dma_start3A_392 = arith.constant 3072 : i32
      %dma_start3A_393 = tpu.memref_slice %arg15[%dma_start3A_392] : memref<3840xf32, #tpu.memory_space<vmem>> -> memref<128xf32, #tpu.memory_space<vmem>>
      %dma_start3A_394 = arith.constant 3072 : i32
      %dma_start3A_395 = tpu.memref_slice %arg11[%dma_start3A_394] : memref<3840xi32, #tpu.memory_space<vmem>> -> memref<128xi32, #tpu.memory_space<vmem>>
      %dma_start3A_396 = arith.constant 0 : i32
      %dma_start3A_397 = tpu.memref_slice %arg17[%dma_start3A_396] : memref<1000000xf32, #tpu.memory_space<vmem_shared>> -> memref<1000000xf32, #tpu.memory_space<vmem_shared>>
      tpu.enqueue_indirect_dma source(%dma_start3A_397 : memref<1000000xf32, #tpu.memory_space<vmem_shared>>) target(%dma_start3A_393 : memref<128xf32, #tpu.memory_space<vmem>>) offsets(%dma_start3A_395 : memref<128xi32, #tpu.memory_space<vmem>>) semaphore(%arg18 : memref<!tpu.dma_semaphore, #tpu.memory_space<semaphore_mem>>)
      %dma_start3A_398 = arith.constant 3200 : i32
      %dma_start3A_399 = tpu.memref_slice %arg14[%dma_start3A_398] : memref<3840xf32, #tpu.memory_space<vmem>> -> memref<128xf32, #tpu.memory_space<vmem>>
      %dma_start3A_400 = arith.constant 3200 : i32
      %dma_start3A_401 = tpu.memref_slice %arg9[%dma_start3A_400] : memref<3840xi32, #tpu.memory_space<vmem>> -> memref<128xi32, #tpu.memory_space<vmem>>
      %dma_start3A_402 = arith.constant 0 : i32
      %dma_start3A_403 = tpu.memref_slice %arg17[%dma_start3A_402] : memref<1000000xf32, #tpu.memory_space<vmem_shared>> -> memref<1000000xf32, #tpu.memory_space<vmem_shared>>
      tpu.enqueue_indirect_dma source(%dma_start3A_403 : memref<1000000xf32, #tpu.memory_space<vmem_shared>>) target(%dma_start3A_399 : memref<128xf32, #tpu.memory_space<vmem>>) offsets(%dma_start3A_401 : memref<128xi32, #tpu.memory_space<vmem>>) semaphore(%arg18 : memref<!tpu.dma_semaphore, #tpu.memory_space<semaphore_mem>>)
      %dma_start3A_404 = arith.constant 3200 : i32
      %dma_start3A_405 = tpu.memref_slice %arg15[%dma_start3A_404] : memref<3840xf32, #tpu.memory_space<vmem>> -> memref<128xf32, #tpu.memory_space<vmem>>
      %dma_start3A_406 = arith.constant 3200 : i32
      %dma_start3A_407 = tpu.memref_slice %arg11[%dma_start3A_406] : memref<3840xi32, #tpu.memory_space<vmem>> -> memref<128xi32, #tpu.memory_space<vmem>>
      %dma_start3A_408 = arith.constant 0 : i32
      %dma_start3A_409 = tpu.memref_slice %arg17[%dma_start3A_408] : memref<1000000xf32, #tpu.memory_space<vmem_shared>> -> memref<1000000xf32, #tpu.memory_space<vmem_shared>>
      tpu.enqueue_indirect_dma source(%dma_start3A_409 : memref<1000000xf32, #tpu.memory_space<vmem_shared>>) target(%dma_start3A_405 : memref<128xf32, #tpu.memory_space<vmem>>) offsets(%dma_start3A_407 : memref<128xi32, #tpu.memory_space<vmem>>) semaphore(%arg18 : memref<!tpu.dma_semaphore, #tpu.memory_space<semaphore_mem>>)
      %dma_start3A_410 = arith.constant 3328 : i32
      %dma_start3A_411 = tpu.memref_slice %arg14[%dma_start3A_410] : memref<3840xf32, #tpu.memory_space<vmem>> -> memref<128xf32, #tpu.memory_space<vmem>>
      %dma_start3A_412 = arith.constant 3328 : i32
      %dma_start3A_413 = tpu.memref_slice %arg9[%dma_start3A_412] : memref<3840xi32, #tpu.memory_space<vmem>> -> memref<128xi32, #tpu.memory_space<vmem>>
      %dma_start3A_414 = arith.constant 0 : i32
      %dma_start3A_415 = tpu.memref_slice %arg17[%dma_start3A_414] : memref<1000000xf32, #tpu.memory_space<vmem_shared>> -> memref<1000000xf32, #tpu.memory_space<vmem_shared>>
      tpu.enqueue_indirect_dma source(%dma_start3A_415 : memref<1000000xf32, #tpu.memory_space<vmem_shared>>) target(%dma_start3A_411 : memref<128xf32, #tpu.memory_space<vmem>>) offsets(%dma_start3A_413 : memref<128xi32, #tpu.memory_space<vmem>>) semaphore(%arg18 : memref<!tpu.dma_semaphore, #tpu.memory_space<semaphore_mem>>)
      %dma_start3A_416 = arith.constant 3328 : i32
      %dma_start3A_417 = tpu.memref_slice %arg15[%dma_start3A_416] : memref<3840xf32, #tpu.memory_space<vmem>> -> memref<128xf32, #tpu.memory_space<vmem>>
      %dma_start3A_418 = arith.constant 3328 : i32
      %dma_start3A_419 = tpu.memref_slice %arg11[%dma_start3A_418] : memref<3840xi32, #tpu.memory_space<vmem>> -> memref<128xi32, #tpu.memory_space<vmem>>
      %dma_start3A_420 = arith.constant 0 : i32
      %dma_start3A_421 = tpu.memref_slice %arg17[%dma_start3A_420] : memref<1000000xf32, #tpu.memory_space<vmem_shared>> -> memref<1000000xf32, #tpu.memory_space<vmem_shared>>
      tpu.enqueue_indirect_dma source(%dma_start3A_421 : memref<1000000xf32, #tpu.memory_space<vmem_shared>>) target(%dma_start3A_417 : memref<128xf32, #tpu.memory_space<vmem>>) offsets(%dma_start3A_419 : memref<128xi32, #tpu.memory_space<vmem>>) semaphore(%arg18 : memref<!tpu.dma_semaphore, #tpu.memory_space<semaphore_mem>>)
      %dma_start3A_422 = arith.constant 3456 : i32
      %dma_start3A_423 = tpu.memref_slice %arg14[%dma_start3A_422] : memref<3840xf32, #tpu.memory_space<vmem>> -> memref<128xf32, #tpu.memory_space<vmem>>
      %dma_start3A_424 = arith.constant 3456 : i32
      %dma_start3A_425 = tpu.memref_slice %arg9[%dma_start3A_424] : memref<3840xi32, #tpu.memory_space<vmem>> -> memref<128xi32, #tpu.memory_space<vmem>>
      %dma_start3A_426 = arith.constant 0 : i32
      %dma_start3A_427 = tpu.memref_slice %arg17[%dma_start3A_426] : memref<1000000xf32, #tpu.memory_space<vmem_shared>> -> memref<1000000xf32, #tpu.memory_space<vmem_shared>>
      tpu.enqueue_indirect_dma source(%dma_start3A_427 : memref<1000000xf32, #tpu.memory_space<vmem_shared>>) target(%dma_start3A_423 : memref<128xf32, #tpu.memory_space<vmem>>) offsets(%dma_start3A_425 : memref<128xi32, #tpu.memory_space<vmem>>) semaphore(%arg18 : memref<!tpu.dma_semaphore, #tpu.memory_space<semaphore_mem>>)
      %dma_start3A_428 = arith.constant 3456 : i32
      %dma_start3A_429 = tpu.memref_slice %arg15[%dma_start3A_428] : memref<3840xf32, #tpu.memory_space<vmem>> -> memref<128xf32, #tpu.memory_space<vmem>>
      %dma_start3A_430 = arith.constant 3456 : i32
      %dma_start3A_431 = tpu.memref_slice %arg11[%dma_start3A_430] : memref<3840xi32, #tpu.memory_space<vmem>> -> memref<128xi32, #tpu.memory_space<vmem>>
      %dma_start3A_432 = arith.constant 0 : i32
      %dma_start3A_433 = tpu.memref_slice %arg17[%dma_start3A_432] : memref<1000000xf32, #tpu.memory_space<vmem_shared>> -> memref<1000000xf32, #tpu.memory_space<vmem_shared>>
      tpu.enqueue_indirect_dma source(%dma_start3A_433 : memref<1000000xf32, #tpu.memory_space<vmem_shared>>) target(%dma_start3A_429 : memref<128xf32, #tpu.memory_space<vmem>>) offsets(%dma_start3A_431 : memref<128xi32, #tpu.memory_space<vmem>>) semaphore(%arg18 : memref<!tpu.dma_semaphore, #tpu.memory_space<semaphore_mem>>)
      %dma_start3A_434 = arith.constant 3584 : i32
      %dma_start3A_435 = tpu.memref_slice %arg14[%dma_start3A_434] : memref<3840xf32, #tpu.memory_space<vmem>> -> memref<128xf32, #tpu.memory_space<vmem>>
      %dma_start3A_436 = arith.constant 3584 : i32
      %dma_start3A_437 = tpu.memref_slice %arg9[%dma_start3A_436] : memref<3840xi32, #tpu.memory_space<vmem>> -> memref<128xi32, #tpu.memory_space<vmem>>
      %dma_start3A_438 = arith.constant 0 : i32
      %dma_start3A_439 = tpu.memref_slice %arg17[%dma_start3A_438] : memref<1000000xf32, #tpu.memory_space<vmem_shared>> -> memref<1000000xf32, #tpu.memory_space<vmem_shared>>
      tpu.enqueue_indirect_dma source(%dma_start3A_439 : memref<1000000xf32, #tpu.memory_space<vmem_shared>>) target(%dma_start3A_435 : memref<128xf32, #tpu.memory_space<vmem>>) offsets(%dma_start3A_437 : memref<128xi32, #tpu.memory_space<vmem>>) semaphore(%arg18 : memref<!tpu.dma_semaphore, #tpu.memory_space<semaphore_mem>>)
      %dma_start3A_440 = arith.constant 3584 : i32
      %dma_start3A_441 = tpu.memref_slice %arg15[%dma_start3A_440] : memref<3840xf32, #tpu.memory_space<vmem>> -> memref<128xf32, #tpu.memory_space<vmem>>
      %dma_start3A_442 = arith.constant 3584 : i32
      %dma_start3A_443 = tpu.memref_slice %arg11[%dma_start3A_442] : memref<3840xi32, #tpu.memory_space<vmem>> -> memref<128xi32, #tpu.memory_space<vmem>>
      %dma_start3A_444 = arith.constant 0 : i32
      %dma_start3A_445 = tpu.memref_slice %arg17[%dma_start3A_444] : memref<1000000xf32, #tpu.memory_space<vmem_shared>> -> memref<1000000xf32, #tpu.memory_space<vmem_shared>>
      tpu.enqueue_indirect_dma source(%dma_start3A_445 : memref<1000000xf32, #tpu.memory_space<vmem_shared>>) target(%dma_start3A_441 : memref<128xf32, #tpu.memory_space<vmem>>) offsets(%dma_start3A_443 : memref<128xi32, #tpu.memory_space<vmem>>) semaphore(%arg18 : memref<!tpu.dma_semaphore, #tpu.memory_space<semaphore_mem>>)
      %dma_start3A_446 = arith.constant 3712 : i32
      %dma_start3A_447 = tpu.memref_slice %arg14[%dma_start3A_446] : memref<3840xf32, #tpu.memory_space<vmem>> -> memref<128xf32, #tpu.memory_space<vmem>>
      %dma_start3A_448 = arith.constant 3712 : i32
      %dma_start3A_449 = tpu.memref_slice %arg9[%dma_start3A_448] : memref<3840xi32, #tpu.memory_space<vmem>> -> memref<128xi32, #tpu.memory_space<vmem>>
      %dma_start3A_450 = arith.constant 0 : i32
      %dma_start3A_451 = tpu.memref_slice %arg17[%dma_start3A_450] : memref<1000000xf32, #tpu.memory_space<vmem_shared>> -> memref<1000000xf32, #tpu.memory_space<vmem_shared>>
      tpu.enqueue_indirect_dma source(%dma_start3A_451 : memref<1000000xf32, #tpu.memory_space<vmem_shared>>) target(%dma_start3A_447 : memref<128xf32, #tpu.memory_space<vmem>>) offsets(%dma_start3A_449 : memref<128xi32, #tpu.memory_space<vmem>>) semaphore(%arg18 : memref<!tpu.dma_semaphore, #tpu.memory_space<semaphore_mem>>)
      %dma_start3A_452 = arith.constant 3712 : i32
      %dma_start3A_453 = tpu.memref_slice %arg15[%dma_start3A_452] : memref<3840xf32, #tpu.memory_space<vmem>> -> memref<128xf32, #tpu.memory_space<vmem>>
      %dma_start3A_454 = arith.constant 3712 : i32
      %dma_start3A_455 = tpu.memref_slice %arg11[%dma_start3A_454] : memref<3840xi32, #tpu.memory_space<vmem>> -> memref<128xi32, #tpu.memory_space<vmem>>
      %dma_start3A_456 = arith.constant 0 : i32
      %dma_start3A_457 = tpu.memref_slice %arg17[%dma_start3A_456] : memref<1000000xf32, #tpu.memory_space<vmem_shared>> -> memref<1000000xf32, #tpu.memory_space<vmem_shared>>
      tpu.enqueue_indirect_dma source(%dma_start3A_457 : memref<1000000xf32, #tpu.memory_space<vmem_shared>>) target(%dma_start3A_453 : memref<128xf32, #tpu.memory_space<vmem>>) offsets(%dma_start3A_455 : memref<128xi32, #tpu.memory_space<vmem>>) semaphore(%arg18 : memref<!tpu.dma_semaphore, #tpu.memory_space<semaphore_mem>>)
      %mul3A_458 = arith.constant 100 : i32
      %mul3A_459 = arith.muli %add3A_21, %mul3A_458 : i32
      %dma_wait3A = arith.constant 0 : i32
      %dma_wait3A_460 = tpu.memref_slice %arg14[%dma_wait3A] : memref<3840xf32, #tpu.memory_space<vmem>> -> memref<128xf32, #tpu.memory_space<vmem>>
      %dma_wait3A_461 = arith.constant 0 : i32
      %dma_wait3A_462 = tpu.memref_slice %arg9[%dma_wait3A_461] : memref<3840xi32, #tpu.memory_space<vmem>> -> memref<128xi32, #tpu.memory_space<vmem>>
      %dma_wait3A_463 = arith.constant 0 : i32
      %dma_wait3A_464 = tpu.memref_slice %arg17[%dma_wait3A_463] : memref<1000000xf32, #tpu.memory_space<vmem_shared>> -> memref<1000000xf32, #tpu.memory_space<vmem_shared>>
      tpu.wait_indirect_dma semaphore(%arg18 : memref<!tpu.dma_semaphore, #tpu.memory_space<semaphore_mem>>) src(%dma_wait3A_464 : memref<1000000xf32, #tpu.memory_space<vmem_shared>>) dst(%dma_wait3A_460 : memref<128xf32, #tpu.memory_space<vmem>>)
      %dma_wait3A_465 = arith.constant 0 : i32
      %dma_wait3A_466 = tpu.memref_slice %arg15[%dma_wait3A_465] : memref<3840xf32, #tpu.memory_space<vmem>> -> memref<128xf32, #tpu.memory_space<vmem>>
      %dma_wait3A_467 = arith.constant 0 : i32
      %dma_wait3A_468 = tpu.memref_slice %arg11[%dma_wait3A_467] : memref<3840xi32, #tpu.memory_space<vmem>> -> memref<128xi32, #tpu.memory_space<vmem>>
      %dma_wait3A_469 = arith.constant 0 : i32
      %dma_wait3A_470 = tpu.memref_slice %arg17[%dma_wait3A_469] : memref<1000000xf32, #tpu.memory_space<vmem_shared>> -> memref<1000000xf32, #tpu.memory_space<vmem_shared>>
      tpu.wait_indirect_dma semaphore(%arg18 : memref<!tpu.dma_semaphore, #tpu.memory_space<semaphore_mem>>) src(%dma_wait3A_470 : memref<1000000xf32, #tpu.memory_space<vmem_shared>>) dst(%dma_wait3A_466 : memref<128xf32, #tpu.memory_space<vmem>>)
      %scan3A_471 = arith.constant 0 : i32
      %scan3A_472 = arith.constant 0 : i32
      %scan3A_473 = arith.constant 8 : i32
      %scan3A_474 = arith.addi %scan3A_472, %scan3A_473 : i32
      %scan3A_475 = arith.constant 1 : i32
      scf.for %scan3A_1000 = %scan3A_472 to %scan3A_474 step %scan3A_475  : i32 {
        %mul3A_1001 = arith.constant 16 : i32
        %mul3A_1002 = arith.muli %scan3A_1000, %mul3A_1001 : i32
        %get3A = arith.index_cast %mul3A_1002 : i32 to index
        %get3A_1003 = tpu.vector_load %arg14[%get3A] {strides = array<i32>} : memref<3840xf32, #tpu.memory_space<vmem>>, vector<16xf32>,
        %get3A_1004 = arith.index_cast %mul3A_1002 : i32 to index
        %get3A_1005 = tpu.vector_load %arg15[%get3A_1004] {strides = array<i32>} : memref<3840xf32, #tpu.memory_space<vmem>>, vector<16xf32>,
        %get3A_1006 = arith.index_cast %mul3A_1002 : i32 to index
        %get3A_1007 = tpu.vector_load %arg10[%get3A_1006] {strides = array<i32>} : memref<3840xi32, #tpu.memory_space<vmem>>, vector<16xi32>,
        %add3A_1008 = vector.broadcast %mul3A_459 : i32 to vector<16xi32>
        %add3A_1009 = arith.addi %get3A_1007, %add3A_1008 : vector<16xi32>
        %gather3A = tpu.vector_load_idx %arg12[%add3A_1009] : memref<3200xf32, #tpu.memory_space<vmem>>[vector<16xi32>], vector<16xf32>,
        %get3A_1010 = arith.index_cast %mul3A_1002 : i32 to index
        %get3A_1011 = tpu.vector_load %arg16[%get3A_1010] {strides = array<i32>} : memref<3840xf32, #tpu.memory_space<vmem>>, vector<16xf32>,
        %mul3A_1012 = arith.mulf %get3A_1003, %gather3A : vector<16xf32>
        %mul3A_1013 = arith.mulf %mul3A_1012, %get3A_1005 : vector<16xf32>
        %add3A_1014 = arith.addf %get3A_1011, %mul3A_1013 : vector<16xf32>
        %swap3A = arith.index_cast %mul3A_1002 : i32 to index
        %swap3A_1015 = tpu.vector_load %arg16[%swap3A] {strides = array<i32>} : memref<3840xf32, #tpu.memory_space<vmem>>, vector<16xf32>,
        tpu.vector_store %arg16[%swap3A], %add3A_1014 {strides = array<i32>} : memref<3840xf32, #tpu.memory_space<vmem>>, vector<16xf32>,
      }
      %scan3A_476 = arith.constant 8 : i32
      %dma_wait3A_477 = arith.constant 128 : i32
      %dma_wait3A_478 = tpu.memref_slice %arg14[%dma_wait3A_477] : memref<3840xf32, #tpu.memory_space<vmem>> -> memref<128xf32, #tpu.memory_space<vmem>>
      %dma_wait3A_479 = arith.constant 128 : i32
      %dma_wait3A_480 = tpu.memref_slice %arg9[%dma_wait3A_479] : memref<3840xi32, #tpu.memory_space<vmem>> -> memref<128xi32, #tpu.memory_space<vmem>>
      %dma_wait3A_481 = arith.constant 0 : i32
      %dma_wait3A_482 = tpu.memref_slice %arg17[%dma_wait3A_481] : memref<1000000xf32, #tpu.memory_space<vmem_shared>> -> memref<1000000xf32, #tpu.memory_space<vmem_shared>>
      tpu.wait_indirect_dma semaphore(%arg18 : memref<!tpu.dma_semaphore, #tpu.memory_space<semaphore_mem>>) src(%dma_wait3A_482 : memref<1000000xf32, #tpu.memory_space<vmem_shared>>) dst(%dma_wait3A_478 : memref<128xf32, #tpu.memory_space<vmem>>)
      %dma_wait3A_483 = arith.constant 128 : i32
      %dma_wait3A_484 = tpu.memref_slice %arg15[%dma_wait3A_483] : memref<3840xf32, #tpu.memory_space<vmem>> -> memref<128xf32, #tpu.memory_space<vmem>>
      %dma_wait3A_485 = arith.constant 128 : i32
      %dma_wait3A_486 = tpu.memref_slice %arg11[%dma_wait3A_485] : memref<3840xi32, #tpu.memory_space<vmem>> -> memref<128xi32, #tpu.memory_space<vmem>>
      %dma_wait3A_487 = arith.constant 0 : i32
      %dma_wait3A_488 = tpu.memref_slice %arg17[%dma_wait3A_487] : memref<1000000xf32, #tpu.memory_space<vmem_shared>> -> memref<1000000xf32, #tpu.memory_space<vmem_shared>>
      tpu.wait_indirect_dma semaphore(%arg18 : memref<!tpu.dma_semaphore, #tpu.memory_space<semaphore_mem>>) src(%dma_wait3A_488 : memref<1000000xf32, #tpu.memory_space<vmem_shared>>) dst(%dma_wait3A_484 : memref<128xf32, #tpu.memory_space<vmem>>)
      %scan3A_489 = arith.constant 0 : i32
      %scan3A_490 = arith.constant 8 : i32
      %scan3A_491 = arith.constant 8 : i32
      %scan3A_492 = arith.addi %scan3A_490, %scan3A_491 : i32
      %scan3A_493 = arith.constant 1 : i32
      scf.for %scan3A_1000 = %scan3A_490 to %scan3A_492 step %scan3A_493  : i32 {
        %mul3A_1001 = arith.constant 16 : i32
        %mul3A_1002 = arith.muli %scan3A_1000, %mul3A_1001 : i32
        %get3A = arith.index_cast %mul3A_1002 : i32 to index
        %get3A_1003 = tpu.vector_load %arg14[%get3A] {strides = array<i32>} : memref<3840xf32, #tpu.memory_space<vmem>>, vector<16xf32>,
        %get3A_1004 = arith.index_cast %mul3A_1002 : i32 to index
        %get3A_1005 = tpu.vector_load %arg15[%get3A_1004] {strides = array<i32>} : memref<3840xf32, #tpu.memory_space<vmem>>, vector<16xf32>,
        %get3A_1006 = arith.index_cast %mul3A_1002 : i32 to index
        %get3A_1007 = tpu.vector_load %arg10[%get3A_1006] {strides = array<i32>} : memref<3840xi32, #tpu.memory_space<vmem>>, vector<16xi32>,
        %add3A_1008 = vector.broadcast %mul3A_459 : i32 to vector<16xi32>
        %add3A_1009 = arith.addi %get3A_1007, %add3A_1008 : vector<16xi32>
        %gather3A = tpu.vector_load_idx %arg12[%add3A_1009] : memref<3200xf32, #tpu.memory_space<vmem>>[vector<16xi32>], vector<16xf32>,
        %get3A_1010 = arith.index_cast %mul3A_1002 : i32 to index
        %get3A_1011 = tpu.vector_load %arg16[%get3A_1010] {strides = array<i32>} : memref<3840xf32, #tpu.memory_space<vmem>>, vector<16xf32>,
        %mul3A_1012 = arith.mulf %get3A_1003, %gather3A : vector<16xf32>
        %mul3A_1013 = arith.mulf %mul3A_1012, %get3A_1005 : vector<16xf32>
        %add3A_1014 = arith.addf %get3A_1011, %mul3A_1013 : vector<16xf32>
        %swap3A = arith.index_cast %mul3A_1002 : i32 to index
        %swap3A_1015 = tpu.vector_load %arg16[%swap3A] {strides = array<i32>} : memref<3840xf32, #tpu.memory_space<vmem>>, vector<16xf32>,
        tpu.vector_store %arg16[%swap3A], %add3A_1014 {strides = array<i32>} : memref<3840xf32, #tpu.memory_space<vmem>>, vector<16xf32>,
      }
      %scan3A_494 = arith.constant 8 : i32
      %dma_wait3A_495 = arith.constant 256 : i32
      %dma_wait3A_496 = tpu.memref_slice %arg14[%dma_wait3A_495] : memref<3840xf32, #tpu.memory_space<vmem>> -> memref<128xf32, #tpu.memory_space<vmem>>
      %dma_wait3A_497 = arith.constant 256 : i32
      %dma_wait3A_498 = tpu.memref_slice %arg9[%dma_wait3A_497] : memref<3840xi32, #tpu.memory_space<vmem>> -> memref<128xi32, #tpu.memory_space<vmem>>
      %dma_wait3A_499 = arith.constant 0 : i32
      %dma_wait3A_500 = tpu.memref_slice %arg17[%dma_wait3A_499] : memref<1000000xf32, #tpu.memory_space<vmem_shared>> -> memref<1000000xf32, #tpu.memory_space<vmem_shared>>
      tpu.wait_indirect_dma semaphore(%arg18 : memref<!tpu.dma_semaphore, #tpu.memory_space<semaphore_mem>>) src(%dma_wait3A_500 : memref<1000000xf32, #tpu.memory_space<vmem_shared>>) dst(%dma_wait3A_496 : memref<128xf32, #tpu.memory_space<vmem>>)
      %dma_wait3A_501 = arith.constant 256 : i32
      %dma_wait3A_502 = tpu.memref_slice %arg15[%dma_wait3A_501] : memref<3840xf32, #tpu.memory_space<vmem>> -> memref<128xf32, #tpu.memory_space<vmem>>
      %dma_wait3A_503 = arith.constant 256 : i32
      %dma_wait3A_504 = tpu.memref_slice %arg11[%dma_wait3A_503] : memref<3840xi32, #tpu.memory_space<vmem>> -> memref<128xi32, #tpu.memory_space<vmem>>
      %dma_wait3A_505 = arith.constant 0 : i32
      %dma_wait3A_506 = tpu.memref_slice %arg17[%dma_wait3A_505] : memref<1000000xf32, #tpu.memory_space<vmem_shared>> -> memref<1000000xf32, #tpu.memory_space<vmem_shared>>
      tpu.wait_indirect_dma semaphore(%arg18 : memref<!tpu.dma_semaphore, #tpu.memory_space<semaphore_mem>>) src(%dma_wait3A_506 : memref<1000000xf32, #tpu.memory_space<vmem_shared>>) dst(%dma_wait3A_502 : memref<128xf32, #tpu.memory_space<vmem>>)
      %scan3A_507 = arith.constant 0 : i32
      %scan3A_508 = arith.constant 16 : i32
      %scan3A_509 = arith.constant 8 : i32
      %scan3A_510 = arith.addi %scan3A_508, %scan3A_509 : i32
      %scan3A_511 = arith.constant 1 : i32
      scf.for %scan3A_1000 = %scan3A_508 to %scan3A_510 step %scan3A_511  : i32 {
        %mul3A_1001 = arith.constant 16 : i32
        %mul3A_1002 = arith.muli %scan3A_1000, %mul3A_1001 : i32
        %get3A = arith.index_cast %mul3A_1002 : i32 to index
        %get3A_1003 = tpu.vector_load %arg14[%get3A] {strides = array<i32>} : memref<3840xf32, #tpu.memory_space<vmem>>, vector<16xf32>,
        %get3A_1004 = arith.index_cast %mul3A_1002 : i32 to index
        %get3A_1005 = tpu.vector_load %arg15[%get3A_1004] {strides = array<i32>} : memref<3840xf32, #tpu.memory_space<vmem>>, vector<16xf32>,
        %get3A_1006 = arith.index_cast %mul3A_1002 : i32 to index
        %get3A_1007 = tpu.vector_load %arg10[%get3A_1006] {strides = array<i32>} : memref<3840xi32, #tpu.memory_space<vmem>>, vector<16xi32>,
        %add3A_1008 = vector.broadcast %mul3A_459 : i32 to vector<16xi32>
        %add3A_1009 = arith.addi %get3A_1007, %add3A_1008 : vector<16xi32>
        %gather3A = tpu.vector_load_idx %arg12[%add3A_1009] : memref<3200xf32, #tpu.memory_space<vmem>>[vector<16xi32>], vector<16xf32>,
        %get3A_1010 = arith.index_cast %mul3A_1002 : i32 to index
        %get3A_1011 = tpu.vector_load %arg16[%get3A_1010] {strides = array<i32>} : memref<3840xf32, #tpu.memory_space<vmem>>, vector<16xf32>,
        %mul3A_1012 = arith.mulf %get3A_1003, %gather3A : vector<16xf32>
        %mul3A_1013 = arith.mulf %mul3A_1012, %get3A_1005 : vector<16xf32>
        %add3A_1014 = arith.addf %get3A_1011, %mul3A_1013 : vector<16xf32>
        %swap3A = arith.index_cast %mul3A_1002 : i32 to index
        %swap3A_1015 = tpu.vector_load %arg16[%swap3A] {strides = array<i32>} : memref<3840xf32, #tpu.memory_space<vmem>>, vector<16xf32>,
        tpu.vector_store %arg16[%swap3A], %add3A_1014 {strides = array<i32>} : memref<3840xf32, #tpu.memory_space<vmem>>, vector<16xf32>,
      }
      %scan3A_512 = arith.constant 8 : i32
      %dma_wait3A_513 = arith.constant 384 : i32
      %dma_wait3A_514 = tpu.memref_slice %arg14[%dma_wait3A_513] : memref<3840xf32, #tpu.memory_space<vmem>> -> memref<128xf32, #tpu.memory_space<vmem>>
      %dma_wait3A_515 = arith.constant 384 : i32
      %dma_wait3A_516 = tpu.memref_slice %arg9[%dma_wait3A_515] : memref<3840xi32, #tpu.memory_space<vmem>> -> memref<128xi32, #tpu.memory_space<vmem>>
      %dma_wait3A_517 = arith.constant 0 : i32
      %dma_wait3A_518 = tpu.memref_slice %arg17[%dma_wait3A_517] : memref<1000000xf32, #tpu.memory_space<vmem_shared>> -> memref<1000000xf32, #tpu.memory_space<vmem_shared>>
      tpu.wait_indirect_dma semaphore(%arg18 : memref<!tpu.dma_semaphore, #tpu.memory_space<semaphore_mem>>) src(%dma_wait3A_518 : memref<1000000xf32, #tpu.memory_space<vmem_shared>>) dst(%dma_wait3A_514 : memref<128xf32, #tpu.memory_space<vmem>>)
      %dma_wait3A_519 = arith.constant 384 : i32
      %dma_wait3A_520 = tpu.memref_slice %arg15[%dma_wait3A_519] : memref<3840xf32, #tpu.memory_space<vmem>> -> memref<128xf32, #tpu.memory_space<vmem>>
      %dma_wait3A_521 = arith.constant 384 : i32
      %dma_wait3A_522 = tpu.memref_slice %arg11[%dma_wait3A_521] : memref<3840xi32, #tpu.memory_space<vmem>> -> memref<128xi32, #tpu.memory_space<vmem>>
      %dma_wait3A_523 = arith.constant 0 : i32
      %dma_wait3A_524 = tpu.memref_slice %arg17[%dma_wait3A_523] : memref<1000000xf32, #tpu.memory_space<vmem_shared>> -> memref<1000000xf32, #tpu.memory_space<vmem_shared>>
      tpu.wait_indirect_dma semaphore(%arg18 : memref<!tpu.dma_semaphore, #tpu.memory_space<semaphore_mem>>) src(%dma_wait3A_524 : memref<1000000xf32, #tpu.memory_space<vmem_shared>>) dst(%dma_wait3A_520 : memref<128xf32, #tpu.memory_space<vmem>>)
      %scan3A_525 = arith.constant 0 : i32
      %scan3A_526 = arith.constant 24 : i32
      %scan3A_527 = arith.constant 8 : i32
      %scan3A_528 = arith.addi %scan3A_526, %scan3A_527 : i32
      %scan3A_529 = arith.constant 1 : i32
      scf.for %scan3A_1000 = %scan3A_526 to %scan3A_528 step %scan3A_529  : i32 {
        %mul3A_1001 = arith.constant 16 : i32
        %mul3A_1002 = arith.muli %scan3A_1000, %mul3A_1001 : i32
        %get3A = arith.index_cast %mul3A_1002 : i32 to index
        %get3A_1003 = tpu.vector_load %arg14[%get3A] {strides = array<i32>} : memref<3840xf32, #tpu.memory_space<vmem>>, vector<16xf32>,
        %get3A_1004 = arith.index_cast %mul3A_1002 : i32 to index
        %get3A_1005 = tpu.vector_load %arg15[%get3A_1004] {strides = array<i32>} : memref<3840xf32, #tpu.memory_space<vmem>>, vector<16xf32>,
        %get3A_1006 = arith.index_cast %mul3A_1002 : i32 to index
        %get3A_1007 = tpu.vector_load %arg10[%get3A_1006] {strides = array<i32>} : memref<3840xi32, #tpu.memory_space<vmem>>, vector<16xi32>,
        %add3A_1008 = vector.broadcast %mul3A_459 : i32 to vector<16xi32>
        %add3A_1009 = arith.addi %get3A_1007, %add3A_1008 : vector<16xi32>
        %gather3A = tpu.vector_load_idx %arg12[%add3A_1009] : memref<3200xf32, #tpu.memory_space<vmem>>[vector<16xi32>], vector<16xf32>,
        %get3A_1010 = arith.index_cast %mul3A_1002 : i32 to index
        %get3A_1011 = tpu.vector_load %arg16[%get3A_1010] {strides = array<i32>} : memref<3840xf32, #tpu.memory_space<vmem>>, vector<16xf32>,
        %mul3A_1012 = arith.mulf %get3A_1003, %gather3A : vector<16xf32>
        %mul3A_1013 = arith.mulf %mul3A_1012, %get3A_1005 : vector<16xf32>
        %add3A_1014 = arith.addf %get3A_1011, %mul3A_1013 : vector<16xf32>
        %swap3A = arith.index_cast %mul3A_1002 : i32 to index
        %swap3A_1015 = tpu.vector_load %arg16[%swap3A] {strides = array<i32>} : memref<3840xf32, #tpu.memory_space<vmem>>, vector<16xf32>,
        tpu.vector_store %arg16[%swap3A], %add3A_1014 {strides = array<i32>} : memref<3840xf32, #tpu.memory_space<vmem>>, vector<16xf32>,
      }
      %scan3A_530 = arith.constant 8 : i32
      %dma_wait3A_531 = arith.constant 512 : i32
      %dma_wait3A_532 = tpu.memref_slice %arg14[%dma_wait3A_531] : memref<3840xf32, #tpu.memory_space<vmem>> -> memref<128xf32, #tpu.memory_space<vmem>>
      %dma_wait3A_533 = arith.constant 512 : i32
      %dma_wait3A_534 = tpu.memref_slice %arg9[%dma_wait3A_533] : memref<3840xi32, #tpu.memory_space<vmem>> -> memref<128xi32, #tpu.memory_space<vmem>>
      %dma_wait3A_535 = arith.constant 0 : i32
      %dma_wait3A_536 = tpu.memref_slice %arg17[%dma_wait3A_535] : memref<1000000xf32, #tpu.memory_space<vmem_shared>> -> memref<1000000xf32, #tpu.memory_space<vmem_shared>>
      tpu.wait_indirect_dma semaphore(%arg18 : memref<!tpu.dma_semaphore, #tpu.memory_space<semaphore_mem>>) src(%dma_wait3A_536 : memref<1000000xf32, #tpu.memory_space<vmem_shared>>) dst(%dma_wait3A_532 : memref<128xf32, #tpu.memory_space<vmem>>)
      %dma_wait3A_537 = arith.constant 512 : i32
      %dma_wait3A_538 = tpu.memref_slice %arg15[%dma_wait3A_537] : memref<3840xf32, #tpu.memory_space<vmem>> -> memref<128xf32, #tpu.memory_space<vmem>>
      %dma_wait3A_539 = arith.constant 512 : i32
      %dma_wait3A_540 = tpu.memref_slice %arg11[%dma_wait3A_539] : memref<3840xi32, #tpu.memory_space<vmem>> -> memref<128xi32, #tpu.memory_space<vmem>>
      %dma_wait3A_541 = arith.constant 0 : i32
      %dma_wait3A_542 = tpu.memref_slice %arg17[%dma_wait3A_541] : memref<1000000xf32, #tpu.memory_space<vmem_shared>> -> memref<1000000xf32, #tpu.memory_space<vmem_shared>>
      tpu.wait_indirect_dma semaphore(%arg18 : memref<!tpu.dma_semaphore, #tpu.memory_space<semaphore_mem>>) src(%dma_wait3A_542 : memref<1000000xf32, #tpu.memory_space<vmem_shared>>) dst(%dma_wait3A_538 : memref<128xf32, #tpu.memory_space<vmem>>)
      %scan3A_543 = arith.constant 0 : i32
      %scan3A_544 = arith.constant 32 : i32
      %scan3A_545 = arith.constant 8 : i32
      %scan3A_546 = arith.addi %scan3A_544, %scan3A_545 : i32
      %scan3A_547 = arith.constant 1 : i32
      scf.for %scan3A_1000 = %scan3A_544 to %scan3A_546 step %scan3A_547  : i32 {
        %mul3A_1001 = arith.constant 16 : i32
        %mul3A_1002 = arith.muli %scan3A_1000, %mul3A_1001 : i32
        %get3A = arith.index_cast %mul3A_1002 : i32 to index
        %get3A_1003 = tpu.vector_load %arg14[%get3A] {strides = array<i32>} : memref<3840xf32, #tpu.memory_space<vmem>>, vector<16xf32>,
        %get3A_1004 = arith.index_cast %mul3A_1002 : i32 to index
        %get3A_1005 = tpu.vector_load %arg15[%get3A_1004] {strides = array<i32>} : memref<3840xf32, #tpu.memory_space<vmem>>, vector<16xf32>,
        %get3A_1006 = arith.index_cast %mul3A_1002 : i32 to index
        %get3A_1007 = tpu.vector_load %arg10[%get3A_1006] {strides = array<i32>} : memref<3840xi32, #tpu.memory_space<vmem>>, vector<16xi32>,
        %add3A_1008 = vector.broadcast %mul3A_459 : i32 to vector<16xi32>
        %add3A_1009 = arith.addi %get3A_1007, %add3A_1008 : vector<16xi32>
        %gather3A = tpu.vector_load_idx %arg12[%add3A_1009] : memref<3200xf32, #tpu.memory_space<vmem>>[vector<16xi32>], vector<16xf32>,
        %get3A_1010 = arith.index_cast %mul3A_1002 : i32 to index
        %get3A_1011 = tpu.vector_load %arg16[%get3A_1010] {strides = array<i32>} : memref<3840xf32, #tpu.memory_space<vmem>>, vector<16xf32>,
        %mul3A_1012 = arith.mulf %get3A_1003, %gather3A : vector<16xf32>
        %mul3A_1013 = arith.mulf %mul3A_1012, %get3A_1005 : vector<16xf32>
        %add3A_1014 = arith.addf %get3A_1011, %mul3A_1013 : vector<16xf32>
        %swap3A = arith.index_cast %mul3A_1002 : i32 to index
        %swap3A_1015 = tpu.vector_load %arg16[%swap3A] {strides = array<i32>} : memref<3840xf32, #tpu.memory_space<vmem>>, vector<16xf32>,
        tpu.vector_store %arg16[%swap3A], %add3A_1014 {strides = array<i32>} : memref<3840xf32, #tpu.memory_space<vmem>>, vector<16xf32>,
      }
      %scan3A_548 = arith.constant 8 : i32
      %dma_wait3A_549 = arith.constant 640 : i32
      %dma_wait3A_550 = tpu.memref_slice %arg14[%dma_wait3A_549] : memref<3840xf32, #tpu.memory_space<vmem>> -> memref<128xf32, #tpu.memory_space<vmem>>
      %dma_wait3A_551 = arith.constant 640 : i32
      %dma_wait3A_552 = tpu.memref_slice %arg9[%dma_wait3A_551] : memref<3840xi32, #tpu.memory_space<vmem>> -> memref<128xi32, #tpu.memory_space<vmem>>
      %dma_wait3A_553 = arith.constant 0 : i32
      %dma_wait3A_554 = tpu.memref_slice %arg17[%dma_wait3A_553] : memref<1000000xf32, #tpu.memory_space<vmem_shared>> -> memref<1000000xf32, #tpu.memory_space<vmem_shared>>
      tpu.wait_indirect_dma semaphore(%arg18 : memref<!tpu.dma_semaphore, #tpu.memory_space<semaphore_mem>>) src(%dma_wait3A_554 : memref<1000000xf32, #tpu.memory_space<vmem_shared>>) dst(%dma_wait3A_550 : memref<128xf32, #tpu.memory_space<vmem>>)
      %dma_wait3A_555 = arith.constant 640 : i32
      %dma_wait3A_556 = tpu.memref_slice %arg15[%dma_wait3A_555] : memref<3840xf32, #tpu.memory_space<vmem>> -> memref<128xf32, #tpu.memory_space<vmem>>
      %dma_wait3A_557 = arith.constant 640 : i32
      %dma_wait3A_558 = tpu.memref_slice %arg11[%dma_wait3A_557] : memref<3840xi32, #tpu.memory_space<vmem>> -> memref<128xi32, #tpu.memory_space<vmem>>
      %dma_wait3A_559 = arith.constant 0 : i32
      %dma_wait3A_560 = tpu.memref_slice %arg17[%dma_wait3A_559] : memref<1000000xf32, #tpu.memory_space<vmem_shared>> -> memref<1000000xf32, #tpu.memory_space<vmem_shared>>
      tpu.wait_indirect_dma semaphore(%arg18 : memref<!tpu.dma_semaphore, #tpu.memory_space<semaphore_mem>>) src(%dma_wait3A_560 : memref<1000000xf32, #tpu.memory_space<vmem_shared>>) dst(%dma_wait3A_556 : memref<128xf32, #tpu.memory_space<vmem>>)
      %scan3A_561 = arith.constant 0 : i32
      %scan3A_562 = arith.constant 40 : i32
      %scan3A_563 = arith.constant 8 : i32
      %scan3A_564 = arith.addi %scan3A_562, %scan3A_563 : i32
      %scan3A_565 = arith.constant 1 : i32
      scf.for %scan3A_1000 = %scan3A_562 to %scan3A_564 step %scan3A_565  : i32 {
        %mul3A_1001 = arith.constant 16 : i32
        %mul3A_1002 = arith.muli %scan3A_1000, %mul3A_1001 : i32
        %get3A = arith.index_cast %mul3A_1002 : i32 to index
        %get3A_1003 = tpu.vector_load %arg14[%get3A] {strides = array<i32>} : memref<3840xf32, #tpu.memory_space<vmem>>, vector<16xf32>,
        %get3A_1004 = arith.index_cast %mul3A_1002 : i32 to index
        %get3A_1005 = tpu.vector_load %arg15[%get3A_1004] {strides = array<i32>} : memref<3840xf32, #tpu.memory_space<vmem>>, vector<16xf32>,
        %get3A_1006 = arith.index_cast %mul3A_1002 : i32 to index
        %get3A_1007 = tpu.vector_load %arg10[%get3A_1006] {strides = array<i32>} : memref<3840xi32, #tpu.memory_space<vmem>>, vector<16xi32>,
        %add3A_1008 = vector.broadcast %mul3A_459 : i32 to vector<16xi32>
        %add3A_1009 = arith.addi %get3A_1007, %add3A_1008 : vector<16xi32>
        %gather3A = tpu.vector_load_idx %arg12[%add3A_1009] : memref<3200xf32, #tpu.memory_space<vmem>>[vector<16xi32>], vector<16xf32>,
        %get3A_1010 = arith.index_cast %mul3A_1002 : i32 to index
        %get3A_1011 = tpu.vector_load %arg16[%get3A_1010] {strides = array<i32>} : memref<3840xf32, #tpu.memory_space<vmem>>, vector<16xf32>,
        %mul3A_1012 = arith.mulf %get3A_1003, %gather3A : vector<16xf32>
        %mul3A_1013 = arith.mulf %mul3A_1012, %get3A_1005 : vector<16xf32>
        %add3A_1014 = arith.addf %get3A_1011, %mul3A_1013 : vector<16xf32>
        %swap3A = arith.index_cast %mul3A_1002 : i32 to index
        %swap3A_1015 = tpu.vector_load %arg16[%swap3A] {strides = array<i32>} : memref<3840xf32, #tpu.memory_space<vmem>>, vector<16xf32>,
        tpu.vector_store %arg16[%swap3A], %add3A_1014 {strides = array<i32>} : memref<3840xf32, #tpu.memory_space<vmem>>, vector<16xf32>,
      }
      %scan3A_566 = arith.constant 8 : i32
      %dma_wait3A_567 = arith.constant 768 : i32
      %dma_wait3A_568 = tpu.memref_slice %arg14[%dma_wait3A_567] : memref<3840xf32, #tpu.memory_space<vmem>> -> memref<128xf32, #tpu.memory_space<vmem>>
      %dma_wait3A_569 = arith.constant 768 : i32
      %dma_wait3A_570 = tpu.memref_slice %arg9[%dma_wait3A_569] : memref<3840xi32, #tpu.memory_space<vmem>> -> memref<128xi32, #tpu.memory_space<vmem>>
      %dma_wait3A_571 = arith.constant 0 : i32
      %dma_wait3A_572 = tpu.memref_slice %arg17[%dma_wait3A_571] : memref<1000000xf32, #tpu.memory_space<vmem_shared>> -> memref<1000000xf32, #tpu.memory_space<vmem_shared>>
      tpu.wait_indirect_dma semaphore(%arg18 : memref<!tpu.dma_semaphore, #tpu.memory_space<semaphore_mem>>) src(%dma_wait3A_572 : memref<1000000xf32, #tpu.memory_space<vmem_shared>>) dst(%dma_wait3A_568 : memref<128xf32, #tpu.memory_space<vmem>>)
      %dma_wait3A_573 = arith.constant 768 : i32
      %dma_wait3A_574 = tpu.memref_slice %arg15[%dma_wait3A_573] : memref<3840xf32, #tpu.memory_space<vmem>> -> memref<128xf32, #tpu.memory_space<vmem>>
      %dma_wait3A_575 = arith.constant 768 : i32
      %dma_wait3A_576 = tpu.memref_slice %arg11[%dma_wait3A_575] : memref<3840xi32, #tpu.memory_space<vmem>> -> memref<128xi32, #tpu.memory_space<vmem>>
      %dma_wait3A_577 = arith.constant 0 : i32
      %dma_wait3A_578 = tpu.memref_slice %arg17[%dma_wait3A_577] : memref<1000000xf32, #tpu.memory_space<vmem_shared>> -> memref<1000000xf32, #tpu.memory_space<vmem_shared>>
      tpu.wait_indirect_dma semaphore(%arg18 : memref<!tpu.dma_semaphore, #tpu.memory_space<semaphore_mem>>) src(%dma_wait3A_578 : memref<1000000xf32, #tpu.memory_space<vmem_shared>>) dst(%dma_wait3A_574 : memref<128xf32, #tpu.memory_space<vmem>>)
      %scan3A_579 = arith.constant 0 : i32
      %scan3A_580 = arith.constant 48 : i32
      %scan3A_581 = arith.constant 8 : i32
      %scan3A_582 = arith.addi %scan3A_580, %scan3A_581 : i32
      %scan3A_583 = arith.constant 1 : i32
      scf.for %scan3A_1000 = %scan3A_580 to %scan3A_582 step %scan3A_583  : i32 {
        %mul3A_1001 = arith.constant 16 : i32
        %mul3A_1002 = arith.muli %scan3A_1000, %mul3A_1001 : i32
        %get3A = arith.index_cast %mul3A_1002 : i32 to index
        %get3A_1003 = tpu.vector_load %arg14[%get3A] {strides = array<i32>} : memref<3840xf32, #tpu.memory_space<vmem>>, vector<16xf32>,
        %get3A_1004 = arith.index_cast %mul3A_1002 : i32 to index
        %get3A_1005 = tpu.vector_load %arg15[%get3A_1004] {strides = array<i32>} : memref<3840xf32, #tpu.memory_space<vmem>>, vector<16xf32>,
        %get3A_1006 = arith.index_cast %mul3A_1002 : i32 to index
        %get3A_1007 = tpu.vector_load %arg10[%get3A_1006] {strides = array<i32>} : memref<3840xi32, #tpu.memory_space<vmem>>, vector<16xi32>,
        %add3A_1008 = vector.broadcast %mul3A_459 : i32 to vector<16xi32>
        %add3A_1009 = arith.addi %get3A_1007, %add3A_1008 : vector<16xi32>
        %gather3A = tpu.vector_load_idx %arg12[%add3A_1009] : memref<3200xf32, #tpu.memory_space<vmem>>[vector<16xi32>], vector<16xf32>,
        %get3A_1010 = arith.index_cast %mul3A_1002 : i32 to index
        %get3A_1011 = tpu.vector_load %arg16[%get3A_1010] {strides = array<i32>} : memref<3840xf32, #tpu.memory_space<vmem>>, vector<16xf32>,
        %mul3A_1012 = arith.mulf %get3A_1003, %gather3A : vector<16xf32>
        %mul3A_1013 = arith.mulf %mul3A_1012, %get3A_1005 : vector<16xf32>
        %add3A_1014 = arith.addf %get3A_1011, %mul3A_1013 : vector<16xf32>
        %swap3A = arith.index_cast %mul3A_1002 : i32 to index
        %swap3A_1015 = tpu.vector_load %arg16[%swap3A] {strides = array<i32>} : memref<3840xf32, #tpu.memory_space<vmem>>, vector<16xf32>,
        tpu.vector_store %arg16[%swap3A], %add3A_1014 {strides = array<i32>} : memref<3840xf32, #tpu.memory_space<vmem>>, vector<16xf32>,
      }
      %scan3A_584 = arith.constant 8 : i32
      %dma_wait3A_585 = arith.constant 896 : i32
      %dma_wait3A_586 = tpu.memref_slice %arg14[%dma_wait3A_585] : memref<3840xf32, #tpu.memory_space<vmem>> -> memref<128xf32, #tpu.memory_space<vmem>>
      %dma_wait3A_587 = arith.constant 896 : i32
      %dma_wait3A_588 = tpu.memref_slice %arg9[%dma_wait3A_587] : memref<3840xi32, #tpu.memory_space<vmem>> -> memref<128xi32, #tpu.memory_space<vmem>>
      %dma_wait3A_589 = arith.constant 0 : i32
      %dma_wait3A_590 = tpu.memref_slice %arg17[%dma_wait3A_589] : memref<1000000xf32, #tpu.memory_space<vmem_shared>> -> memref<1000000xf32, #tpu.memory_space<vmem_shared>>
      tpu.wait_indirect_dma semaphore(%arg18 : memref<!tpu.dma_semaphore, #tpu.memory_space<semaphore_mem>>) src(%dma_wait3A_590 : memref<1000000xf32, #tpu.memory_space<vmem_shared>>) dst(%dma_wait3A_586 : memref<128xf32, #tpu.memory_space<vmem>>)
      %dma_wait3A_591 = arith.constant 896 : i32
      %dma_wait3A_592 = tpu.memref_slice %arg15[%dma_wait3A_591] : memref<3840xf32, #tpu.memory_space<vmem>> -> memref<128xf32, #tpu.memory_space<vmem>>
      %dma_wait3A_593 = arith.constant 896 : i32
      %dma_wait3A_594 = tpu.memref_slice %arg11[%dma_wait3A_593] : memref<3840xi32, #tpu.memory_space<vmem>> -> memref<128xi32, #tpu.memory_space<vmem>>
      %dma_wait3A_595 = arith.constant 0 : i32
      %dma_wait3A_596 = tpu.memref_slice %arg17[%dma_wait3A_595] : memref<1000000xf32, #tpu.memory_space<vmem_shared>> -> memref<1000000xf32, #tpu.memory_space<vmem_shared>>
      tpu.wait_indirect_dma semaphore(%arg18 : memref<!tpu.dma_semaphore, #tpu.memory_space<semaphore_mem>>) src(%dma_wait3A_596 : memref<1000000xf32, #tpu.memory_space<vmem_shared>>) dst(%dma_wait3A_592 : memref<128xf32, #tpu.memory_space<vmem>>)
      %scan3A_597 = arith.constant 0 : i32
      %scan3A_598 = arith.constant 56 : i32
      %scan3A_599 = arith.constant 8 : i32
      %scan3A_600 = arith.addi %scan3A_598, %scan3A_599 : i32
      %scan3A_601 = arith.constant 1 : i32
      scf.for %scan3A_1000 = %scan3A_598 to %scan3A_600 step %scan3A_601  : i32 {
        %mul3A_1001 = arith.constant 16 : i32
        %mul3A_1002 = arith.muli %scan3A_1000, %mul3A_1001 : i32
        %get3A = arith.index_cast %mul3A_1002 : i32 to index
        %get3A_1003 = tpu.vector_load %arg14[%get3A] {strides = array<i32>} : memref<3840xf32, #tpu.memory_space<vmem>>, vector<16xf32>,
        %get3A_1004 = arith.index_cast %mul3A_1002 : i32 to index
        %get3A_1005 = tpu.vector_load %arg15[%get3A_1004] {strides = array<i32>} : memref<3840xf32, #tpu.memory_space<vmem>>, vector<16xf32>,
        %get3A_1006 = arith.index_cast %mul3A_1002 : i32 to index
        %get3A_1007 = tpu.vector_load %arg10[%get3A_1006] {strides = array<i32>} : memref<3840xi32, #tpu.memory_space<vmem>>, vector<16xi32>,
        %add3A_1008 = vector.broadcast %mul3A_459 : i32 to vector<16xi32>
        %add3A_1009 = arith.addi %get3A_1007, %add3A_1008 : vector<16xi32>
        %gather3A = tpu.vector_load_idx %arg12[%add3A_1009] : memref<3200xf32, #tpu.memory_space<vmem>>[vector<16xi32>], vector<16xf32>,
        %get3A_1010 = arith.index_cast %mul3A_1002 : i32 to index
        %get3A_1011 = tpu.vector_load %arg16[%get3A_1010] {strides = array<i32>} : memref<3840xf32, #tpu.memory_space<vmem>>, vector<16xf32>,
        %mul3A_1012 = arith.mulf %get3A_1003, %gather3A : vector<16xf32>
        %mul3A_1013 = arith.mulf %mul3A_1012, %get3A_1005 : vector<16xf32>
        %add3A_1014 = arith.addf %get3A_1011, %mul3A_1013 : vector<16xf32>
        %swap3A = arith.index_cast %mul3A_1002 : i32 to index
        %swap3A_1015 = tpu.vector_load %arg16[%swap3A] {strides = array<i32>} : memref<3840xf32, #tpu.memory_space<vmem>>, vector<16xf32>,
        tpu.vector_store %arg16[%swap3A], %add3A_1014 {strides = array<i32>} : memref<3840xf32, #tpu.memory_space<vmem>>, vector<16xf32>,
      }
      %scan3A_602 = arith.constant 8 : i32
      %dma_wait3A_603 = arith.constant 1024 : i32
      %dma_wait3A_604 = tpu.memref_slice %arg14[%dma_wait3A_603] : memref<3840xf32, #tpu.memory_space<vmem>> -> memref<128xf32, #tpu.memory_space<vmem>>
      %dma_wait3A_605 = arith.constant 1024 : i32
      %dma_wait3A_606 = tpu.memref_slice %arg9[%dma_wait3A_605] : memref<3840xi32, #tpu.memory_space<vmem>> -> memref<128xi32, #tpu.memory_space<vmem>>
      %dma_wait3A_607 = arith.constant 0 : i32
      %dma_wait3A_608 = tpu.memref_slice %arg17[%dma_wait3A_607] : memref<1000000xf32, #tpu.memory_space<vmem_shared>> -> memref<1000000xf32, #tpu.memory_space<vmem_shared>>
      tpu.wait_indirect_dma semaphore(%arg18 : memref<!tpu.dma_semaphore, #tpu.memory_space<semaphore_mem>>) src(%dma_wait3A_608 : memref<1000000xf32, #tpu.memory_space<vmem_shared>>) dst(%dma_wait3A_604 : memref<128xf32, #tpu.memory_space<vmem>>)
      %dma_wait3A_609 = arith.constant 1024 : i32
      %dma_wait3A_610 = tpu.memref_slice %arg15[%dma_wait3A_609] : memref<3840xf32, #tpu.memory_space<vmem>> -> memref<128xf32, #tpu.memory_space<vmem>>
      %dma_wait3A_611 = arith.constant 1024 : i32
      %dma_wait3A_612 = tpu.memref_slice %arg11[%dma_wait3A_611] : memref<3840xi32, #tpu.memory_space<vmem>> -> memref<128xi32, #tpu.memory_space<vmem>>
      %dma_wait3A_613 = arith.constant 0 : i32
      %dma_wait3A_614 = tpu.memref_slice %arg17[%dma_wait3A_613] : memref<1000000xf32, #tpu.memory_space<vmem_shared>> -> memref<1000000xf32, #tpu.memory_space<vmem_shared>>
      tpu.wait_indirect_dma semaphore(%arg18 : memref<!tpu.dma_semaphore, #tpu.memory_space<semaphore_mem>>) src(%dma_wait3A_614 : memref<1000000xf32, #tpu.memory_space<vmem_shared>>) dst(%dma_wait3A_610 : memref<128xf32, #tpu.memory_space<vmem>>)
      %scan3A_615 = arith.constant 0 : i32
      %scan3A_616 = arith.constant 64 : i32
      %scan3A_617 = arith.constant 8 : i32
      %scan3A_618 = arith.addi %scan3A_616, %scan3A_617 : i32
      %scan3A_619 = arith.constant 1 : i32
      scf.for %scan3A_1000 = %scan3A_616 to %scan3A_618 step %scan3A_619  : i32 {
        %mul3A_1001 = arith.constant 16 : i32
        %mul3A_1002 = arith.muli %scan3A_1000, %mul3A_1001 : i32
        %get3A = arith.index_cast %mul3A_1002 : i32 to index
        %get3A_1003 = tpu.vector_load %arg14[%get3A] {strides = array<i32>} : memref<3840xf32, #tpu.memory_space<vmem>>, vector<16xf32>,
        %get3A_1004 = arith.index_cast %mul3A_1002 : i32 to index
        %get3A_1005 = tpu.vector_load %arg15[%get3A_1004] {strides = array<i32>} : memref<3840xf32, #tpu.memory_space<vmem>>, vector<16xf32>,
        %get3A_1006 = arith.index_cast %mul3A_1002 : i32 to index
        %get3A_1007 = tpu.vector_load %arg10[%get3A_1006] {strides = array<i32>} : memref<3840xi32, #tpu.memory_space<vmem>>, vector<16xi32>,
        %add3A_1008 = vector.broadcast %mul3A_459 : i32 to vector<16xi32>
        %add3A_1009 = arith.addi %get3A_1007, %add3A_1008 : vector<16xi32>
        %gather3A = tpu.vector_load_idx %arg12[%add3A_1009] : memref<3200xf32, #tpu.memory_space<vmem>>[vector<16xi32>], vector<16xf32>,
        %get3A_1010 = arith.index_cast %mul3A_1002 : i32 to index
        %get3A_1011 = tpu.vector_load %arg16[%get3A_1010] {strides = array<i32>} : memref<3840xf32, #tpu.memory_space<vmem>>, vector<16xf32>,
        %mul3A_1012 = arith.mulf %get3A_1003, %gather3A : vector<16xf32>
        %mul3A_1013 = arith.mulf %mul3A_1012, %get3A_1005 : vector<16xf32>
        %add3A_1014 = arith.addf %get3A_1011, %mul3A_1013 : vector<16xf32>
        %swap3A = arith.index_cast %mul3A_1002 : i32 to index
        %swap3A_1015 = tpu.vector_load %arg16[%swap3A] {strides = array<i32>} : memref<3840xf32, #tpu.memory_space<vmem>>, vector<16xf32>,
        tpu.vector_store %arg16[%swap3A], %add3A_1014 {strides = array<i32>} : memref<3840xf32, #tpu.memory_space<vmem>>, vector<16xf32>,
      }
      %scan3A_620 = arith.constant 8 : i32
      %dma_wait3A_621 = arith.constant 1152 : i32
      %dma_wait3A_622 = tpu.memref_slice %arg14[%dma_wait3A_621] : memref<3840xf32, #tpu.memory_space<vmem>> -> memref<128xf32, #tpu.memory_space<vmem>>
      %dma_wait3A_623 = arith.constant 1152 : i32
      %dma_wait3A_624 = tpu.memref_slice %arg9[%dma_wait3A_623] : memref<3840xi32, #tpu.memory_space<vmem>> -> memref<128xi32, #tpu.memory_space<vmem>>
      %dma_wait3A_625 = arith.constant 0 : i32
      %dma_wait3A_626 = tpu.memref_slice %arg17[%dma_wait3A_625] : memref<1000000xf32, #tpu.memory_space<vmem_shared>> -> memref<1000000xf32, #tpu.memory_space<vmem_shared>>
      tpu.wait_indirect_dma semaphore(%arg18 : memref<!tpu.dma_semaphore, #tpu.memory_space<semaphore_mem>>) src(%dma_wait3A_626 : memref<1000000xf32, #tpu.memory_space<vmem_shared>>) dst(%dma_wait3A_622 : memref<128xf32, #tpu.memory_space<vmem>>)
      %dma_wait3A_627 = arith.constant 1152 : i32
      %dma_wait3A_628 = tpu.memref_slice %arg15[%dma_wait3A_627] : memref<3840xf32, #tpu.memory_space<vmem>> -> memref<128xf32, #tpu.memory_space<vmem>>
      %dma_wait3A_629 = arith.constant 1152 : i32
      %dma_wait3A_630 = tpu.memref_slice %arg11[%dma_wait3A_629] : memref<3840xi32, #tpu.memory_space<vmem>> -> memref<128xi32, #tpu.memory_space<vmem>>
      %dma_wait3A_631 = arith.constant 0 : i32
      %dma_wait3A_632 = tpu.memref_slice %arg17[%dma_wait3A_631] : memref<1000000xf32, #tpu.memory_space<vmem_shared>> -> memref<1000000xf32, #tpu.memory_space<vmem_shared>>
      tpu.wait_indirect_dma semaphore(%arg18 : memref<!tpu.dma_semaphore, #tpu.memory_space<semaphore_mem>>) src(%dma_wait3A_632 : memref<1000000xf32, #tpu.memory_space<vmem_shared>>) dst(%dma_wait3A_628 : memref<128xf32, #tpu.memory_space<vmem>>)
      %scan3A_633 = arith.constant 0 : i32
      %scan3A_634 = arith.constant 72 : i32
      %scan3A_635 = arith.constant 8 : i32
      %scan3A_636 = arith.addi %scan3A_634, %scan3A_635 : i32
      %scan3A_637 = arith.constant 1 : i32
      scf.for %scan3A_1000 = %scan3A_634 to %scan3A_636 step %scan3A_637  : i32 {
        %mul3A_1001 = arith.constant 16 : i32
        %mul3A_1002 = arith.muli %scan3A_1000, %mul3A_1001 : i32
        %get3A = arith.index_cast %mul3A_1002 : i32 to index
        %get3A_1003 = tpu.vector_load %arg14[%get3A] {strides = array<i32>} : memref<3840xf32, #tpu.memory_space<vmem>>, vector<16xf32>,
        %get3A_1004 = arith.index_cast %mul3A_1002 : i32 to index
        %get3A_1005 = tpu.vector_load %arg15[%get3A_1004] {strides = array<i32>} : memref<3840xf32, #tpu.memory_space<vmem>>, vector<16xf32>,
        %get3A_1006 = arith.index_cast %mul3A_1002 : i32 to index
        %get3A_1007 = tpu.vector_load %arg10[%get3A_1006] {strides = array<i32>} : memref<3840xi32, #tpu.memory_space<vmem>>, vector<16xi32>,
        %add3A_1008 = vector.broadcast %mul3A_459 : i32 to vector<16xi32>
        %add3A_1009 = arith.addi %get3A_1007, %add3A_1008 : vector<16xi32>
        %gather3A = tpu.vector_load_idx %arg12[%add3A_1009] : memref<3200xf32, #tpu.memory_space<vmem>>[vector<16xi32>], vector<16xf32>,
        %get3A_1010 = arith.index_cast %mul3A_1002 : i32 to index
        %get3A_1011 = tpu.vector_load %arg16[%get3A_1010] {strides = array<i32>} : memref<3840xf32, #tpu.memory_space<vmem>>, vector<16xf32>,
        %mul3A_1012 = arith.mulf %get3A_1003, %gather3A : vector<16xf32>
        %mul3A_1013 = arith.mulf %mul3A_1012, %get3A_1005 : vector<16xf32>
        %add3A_1014 = arith.addf %get3A_1011, %mul3A_1013 : vector<16xf32>
        %swap3A = arith.index_cast %mul3A_1002 : i32 to index
        %swap3A_1015 = tpu.vector_load %arg16[%swap3A] {strides = array<i32>} : memref<3840xf32, #tpu.memory_space<vmem>>, vector<16xf32>,
        tpu.vector_store %arg16[%swap3A], %add3A_1014 {strides = array<i32>} : memref<3840xf32, #tpu.memory_space<vmem>>, vector<16xf32>,
      }
      %scan3A_638 = arith.constant 8 : i32
      %dma_wait3A_639 = arith.constant 1280 : i32
      %dma_wait3A_640 = tpu.memref_slice %arg14[%dma_wait3A_639] : memref<3840xf32, #tpu.memory_space<vmem>> -> memref<128xf32, #tpu.memory_space<vmem>>
      %dma_wait3A_641 = arith.constant 1280 : i32
      %dma_wait3A_642 = tpu.memref_slice %arg9[%dma_wait3A_641] : memref<3840xi32, #tpu.memory_space<vmem>> -> memref<128xi32, #tpu.memory_space<vmem>>
      %dma_wait3A_643 = arith.constant 0 : i32
      %dma_wait3A_644 = tpu.memref_slice %arg17[%dma_wait3A_643] : memref<1000000xf32, #tpu.memory_space<vmem_shared>> -> memref<1000000xf32, #tpu.memory_space<vmem_shared>>
      tpu.wait_indirect_dma semaphore(%arg18 : memref<!tpu.dma_semaphore, #tpu.memory_space<semaphore_mem>>) src(%dma_wait3A_644 : memref<1000000xf32, #tpu.memory_space<vmem_shared>>) dst(%dma_wait3A_640 : memref<128xf32, #tpu.memory_space<vmem>>)
      %dma_wait3A_645 = arith.constant 1280 : i32
      %dma_wait3A_646 = tpu.memref_slice %arg15[%dma_wait3A_645] : memref<3840xf32, #tpu.memory_space<vmem>> -> memref<128xf32, #tpu.memory_space<vmem>>
      %dma_wait3A_647 = arith.constant 1280 : i32
      %dma_wait3A_648 = tpu.memref_slice %arg11[%dma_wait3A_647] : memref<3840xi32, #tpu.memory_space<vmem>> -> memref<128xi32, #tpu.memory_space<vmem>>
      %dma_wait3A_649 = arith.constant 0 : i32
      %dma_wait3A_650 = tpu.memref_slice %arg17[%dma_wait3A_649] : memref<1000000xf32, #tpu.memory_space<vmem_shared>> -> memref<1000000xf32, #tpu.memory_space<vmem_shared>>
      tpu.wait_indirect_dma semaphore(%arg18 : memref<!tpu.dma_semaphore, #tpu.memory_space<semaphore_mem>>) src(%dma_wait3A_650 : memref<1000000xf32, #tpu.memory_space<vmem_shared>>) dst(%dma_wait3A_646 : memref<128xf32, #tpu.memory_space<vmem>>)
      %scan3A_651 = arith.constant 0 : i32
      %scan3A_652 = arith.constant 80 : i32
      %scan3A_653 = arith.constant 8 : i32
      %scan3A_654 = arith.addi %scan3A_652, %scan3A_653 : i32
      %scan3A_655 = arith.constant 1 : i32
      scf.for %scan3A_1000 = %scan3A_652 to %scan3A_654 step %scan3A_655  : i32 {
        %mul3A_1001 = arith.constant 16 : i32
        %mul3A_1002 = arith.muli %scan3A_1000, %mul3A_1001 : i32
        %get3A = arith.index_cast %mul3A_1002 : i32 to index
        %get3A_1003 = tpu.vector_load %arg14[%get3A] {strides = array<i32>} : memref<3840xf32, #tpu.memory_space<vmem>>, vector<16xf32>,
        %get3A_1004 = arith.index_cast %mul3A_1002 : i32 to index
        %get3A_1005 = tpu.vector_load %arg15[%get3A_1004] {strides = array<i32>} : memref<3840xf32, #tpu.memory_space<vmem>>, vector<16xf32>,
        %get3A_1006 = arith.index_cast %mul3A_1002 : i32 to index
        %get3A_1007 = tpu.vector_load %arg10[%get3A_1006] {strides = array<i32>} : memref<3840xi32, #tpu.memory_space<vmem>>, vector<16xi32>,
        %add3A_1008 = vector.broadcast %mul3A_459 : i32 to vector<16xi32>
        %add3A_1009 = arith.addi %get3A_1007, %add3A_1008 : vector<16xi32>
        %gather3A = tpu.vector_load_idx %arg12[%add3A_1009] : memref<3200xf32, #tpu.memory_space<vmem>>[vector<16xi32>], vector<16xf32>,
        %get3A_1010 = arith.index_cast %mul3A_1002 : i32 to index
        %get3A_1011 = tpu.vector_load %arg16[%get3A_1010] {strides = array<i32>} : memref<3840xf32, #tpu.memory_space<vmem>>, vector<16xf32>,
        %mul3A_1012 = arith.mulf %get3A_1003, %gather3A : vector<16xf32>
        %mul3A_1013 = arith.mulf %mul3A_1012, %get3A_1005 : vector<16xf32>
        %add3A_1014 = arith.addf %get3A_1011, %mul3A_1013 : vector<16xf32>
        %swap3A = arith.index_cast %mul3A_1002 : i32 to index
        %swap3A_1015 = tpu.vector_load %arg16[%swap3A] {strides = array<i32>} : memref<3840xf32, #tpu.memory_space<vmem>>, vector<16xf32>,
        tpu.vector_store %arg16[%swap3A], %add3A_1014 {strides = array<i32>} : memref<3840xf32, #tpu.memory_space<vmem>>, vector<16xf32>,
      }
      %scan3A_656 = arith.constant 8 : i32
      %dma_wait3A_657 = arith.constant 1408 : i32
      %dma_wait3A_658 = tpu.memref_slice %arg14[%dma_wait3A_657] : memref<3840xf32, #tpu.memory_space<vmem>> -> memref<128xf32, #tpu.memory_space<vmem>>
      %dma_wait3A_659 = arith.constant 1408 : i32
      %dma_wait3A_660 = tpu.memref_slice %arg9[%dma_wait3A_659] : memref<3840xi32, #tpu.memory_space<vmem>> -> memref<128xi32, #tpu.memory_space<vmem>>
      %dma_wait3A_661 = arith.constant 0 : i32
      %dma_wait3A_662 = tpu.memref_slice %arg17[%dma_wait3A_661] : memref<1000000xf32, #tpu.memory_space<vmem_shared>> -> memref<1000000xf32, #tpu.memory_space<vmem_shared>>
      tpu.wait_indirect_dma semaphore(%arg18 : memref<!tpu.dma_semaphore, #tpu.memory_space<semaphore_mem>>) src(%dma_wait3A_662 : memref<1000000xf32, #tpu.memory_space<vmem_shared>>) dst(%dma_wait3A_658 : memref<128xf32, #tpu.memory_space<vmem>>)
      %dma_wait3A_663 = arith.constant 1408 : i32
      %dma_wait3A_664 = tpu.memref_slice %arg15[%dma_wait3A_663] : memref<3840xf32, #tpu.memory_space<vmem>> -> memref<128xf32, #tpu.memory_space<vmem>>
      %dma_wait3A_665 = arith.constant 1408 : i32
      %dma_wait3A_666 = tpu.memref_slice %arg11[%dma_wait3A_665] : memref<3840xi32, #tpu.memory_space<vmem>> -> memref<128xi32, #tpu.memory_space<vmem>>
      %dma_wait3A_667 = arith.constant 0 : i32
      %dma_wait3A_668 = tpu.memref_slice %arg17[%dma_wait3A_667] : memref<1000000xf32, #tpu.memory_space<vmem_shared>> -> memref<1000000xf32, #tpu.memory_space<vmem_shared>>
      tpu.wait_indirect_dma semaphore(%arg18 : memref<!tpu.dma_semaphore, #tpu.memory_space<semaphore_mem>>) src(%dma_wait3A_668 : memref<1000000xf32, #tpu.memory_space<vmem_shared>>) dst(%dma_wait3A_664 : memref<128xf32, #tpu.memory_space<vmem>>)
      %scan3A_669 = arith.constant 0 : i32
      %scan3A_670 = arith.constant 88 : i32
      %scan3A_671 = arith.constant 8 : i32
      %scan3A_672 = arith.addi %scan3A_670, %scan3A_671 : i32
      %scan3A_673 = arith.constant 1 : i32
      scf.for %scan3A_1000 = %scan3A_670 to %scan3A_672 step %scan3A_673  : i32 {
        %mul3A_1001 = arith.constant 16 : i32
        %mul3A_1002 = arith.muli %scan3A_1000, %mul3A_1001 : i32
        %get3A = arith.index_cast %mul3A_1002 : i32 to index
        %get3A_1003 = tpu.vector_load %arg14[%get3A] {strides = array<i32>} : memref<3840xf32, #tpu.memory_space<vmem>>, vector<16xf32>,
        %get3A_1004 = arith.index_cast %mul3A_1002 : i32 to index
        %get3A_1005 = tpu.vector_load %arg15[%get3A_1004] {strides = array<i32>} : memref<3840xf32, #tpu.memory_space<vmem>>, vector<16xf32>,
        %get3A_1006 = arith.index_cast %mul3A_1002 : i32 to index
        %get3A_1007 = tpu.vector_load %arg10[%get3A_1006] {strides = array<i32>} : memref<3840xi32, #tpu.memory_space<vmem>>, vector<16xi32>,
        %add3A_1008 = vector.broadcast %mul3A_459 : i32 to vector<16xi32>
        %add3A_1009 = arith.addi %get3A_1007, %add3A_1008 : vector<16xi32>
        %gather3A = tpu.vector_load_idx %arg12[%add3A_1009] : memref<3200xf32, #tpu.memory_space<vmem>>[vector<16xi32>], vector<16xf32>,
        %get3A_1010 = arith.index_cast %mul3A_1002 : i32 to index
        %get3A_1011 = tpu.vector_load %arg16[%get3A_1010] {strides = array<i32>} : memref<3840xf32, #tpu.memory_space<vmem>>, vector<16xf32>,
        %mul3A_1012 = arith.mulf %get3A_1003, %gather3A : vector<16xf32>
        %mul3A_1013 = arith.mulf %mul3A_1012, %get3A_1005 : vector<16xf32>
        %add3A_1014 = arith.addf %get3A_1011, %mul3A_1013 : vector<16xf32>
        %swap3A = arith.index_cast %mul3A_1002 : i32 to index
        %swap3A_1015 = tpu.vector_load %arg16[%swap3A] {strides = array<i32>} : memref<3840xf32, #tpu.memory_space<vmem>>, vector<16xf32>,
        tpu.vector_store %arg16[%swap3A], %add3A_1014 {strides = array<i32>} : memref<3840xf32, #tpu.memory_space<vmem>>, vector<16xf32>,
      }
      %scan3A_674 = arith.constant 8 : i32
      %dma_wait3A_675 = arith.constant 1536 : i32
      %dma_wait3A_676 = tpu.memref_slice %arg14[%dma_wait3A_675] : memref<3840xf32, #tpu.memory_space<vmem>> -> memref<128xf32, #tpu.memory_space<vmem>>
      %dma_wait3A_677 = arith.constant 1536 : i32
      %dma_wait3A_678 = tpu.memref_slice %arg9[%dma_wait3A_677] : memref<3840xi32, #tpu.memory_space<vmem>> -> memref<128xi32, #tpu.memory_space<vmem>>
      %dma_wait3A_679 = arith.constant 0 : i32
      %dma_wait3A_680 = tpu.memref_slice %arg17[%dma_wait3A_679] : memref<1000000xf32, #tpu.memory_space<vmem_shared>> -> memref<1000000xf32, #tpu.memory_space<vmem_shared>>
      tpu.wait_indirect_dma semaphore(%arg18 : memref<!tpu.dma_semaphore, #tpu.memory_space<semaphore_mem>>) src(%dma_wait3A_680 : memref<1000000xf32, #tpu.memory_space<vmem_shared>>) dst(%dma_wait3A_676 : memref<128xf32, #tpu.memory_space<vmem>>)
      %dma_wait3A_681 = arith.constant 1536 : i32
      %dma_wait3A_682 = tpu.memref_slice %arg15[%dma_wait3A_681] : memref<3840xf32, #tpu.memory_space<vmem>> -> memref<128xf32, #tpu.memory_space<vmem>>
      %dma_wait3A_683 = arith.constant 1536 : i32
      %dma_wait3A_684 = tpu.memref_slice %arg11[%dma_wait3A_683] : memref<3840xi32, #tpu.memory_space<vmem>> -> memref<128xi32, #tpu.memory_space<vmem>>
      %dma_wait3A_685 = arith.constant 0 : i32
      %dma_wait3A_686 = tpu.memref_slice %arg17[%dma_wait3A_685] : memref<1000000xf32, #tpu.memory_space<vmem_shared>> -> memref<1000000xf32, #tpu.memory_space<vmem_shared>>
      tpu.wait_indirect_dma semaphore(%arg18 : memref<!tpu.dma_semaphore, #tpu.memory_space<semaphore_mem>>) src(%dma_wait3A_686 : memref<1000000xf32, #tpu.memory_space<vmem_shared>>) dst(%dma_wait3A_682 : memref<128xf32, #tpu.memory_space<vmem>>)
      %scan3A_687 = arith.constant 0 : i32
      %scan3A_688 = arith.constant 96 : i32
      %scan3A_689 = arith.constant 8 : i32
      %scan3A_690 = arith.addi %scan3A_688, %scan3A_689 : i32
      %scan3A_691 = arith.constant 1 : i32
      scf.for %scan3A_1000 = %scan3A_688 to %scan3A_690 step %scan3A_691  : i32 {
        %mul3A_1001 = arith.constant 16 : i32
        %mul3A_1002 = arith.muli %scan3A_1000, %mul3A_1001 : i32
        %get3A = arith.index_cast %mul3A_1002 : i32 to index
        %get3A_1003 = tpu.vector_load %arg14[%get3A] {strides = array<i32>} : memref<3840xf32, #tpu.memory_space<vmem>>, vector<16xf32>,
        %get3A_1004 = arith.index_cast %mul3A_1002 : i32 to index
        %get3A_1005 = tpu.vector_load %arg15[%get3A_1004] {strides = array<i32>} : memref<3840xf32, #tpu.memory_space<vmem>>, vector<16xf32>,
        %get3A_1006 = arith.index_cast %mul3A_1002 : i32 to index
        %get3A_1007 = tpu.vector_load %arg10[%get3A_1006] {strides = array<i32>} : memref<3840xi32, #tpu.memory_space<vmem>>, vector<16xi32>,
        %add3A_1008 = vector.broadcast %mul3A_459 : i32 to vector<16xi32>
        %add3A_1009 = arith.addi %get3A_1007, %add3A_1008 : vector<16xi32>
        %gather3A = tpu.vector_load_idx %arg12[%add3A_1009] : memref<3200xf32, #tpu.memory_space<vmem>>[vector<16xi32>], vector<16xf32>,
        %get3A_1010 = arith.index_cast %mul3A_1002 : i32 to index
        %get3A_1011 = tpu.vector_load %arg16[%get3A_1010] {strides = array<i32>} : memref<3840xf32, #tpu.memory_space<vmem>>, vector<16xf32>,
        %mul3A_1012 = arith.mulf %get3A_1003, %gather3A : vector<16xf32>
        %mul3A_1013 = arith.mulf %mul3A_1012, %get3A_1005 : vector<16xf32>
        %add3A_1014 = arith.addf %get3A_1011, %mul3A_1013 : vector<16xf32>
        %swap3A = arith.index_cast %mul3A_1002 : i32 to index
        %swap3A_1015 = tpu.vector_load %arg16[%swap3A] {strides = array<i32>} : memref<3840xf32, #tpu.memory_space<vmem>>, vector<16xf32>,
        tpu.vector_store %arg16[%swap3A], %add3A_1014 {strides = array<i32>} : memref<3840xf32, #tpu.memory_space<vmem>>, vector<16xf32>,
      }
      %scan3A_692 = arith.constant 8 : i32
      %dma_wait3A_693 = arith.constant 1664 : i32
      %dma_wait3A_694 = tpu.memref_slice %arg14[%dma_wait3A_693] : memref<3840xf32, #tpu.memory_space<vmem>> -> memref<128xf32, #tpu.memory_space<vmem>>
      %dma_wait3A_695 = arith.constant 1664 : i32
      %dma_wait3A_696 = tpu.memref_slice %arg9[%dma_wait3A_695] : memref<3840xi32, #tpu.memory_space<vmem>> -> memref<128xi32, #tpu.memory_space<vmem>>
      %dma_wait3A_697 = arith.constant 0 : i32
      %dma_wait3A_698 = tpu.memref_slice %arg17[%dma_wait3A_697] : memref<1000000xf32, #tpu.memory_space<vmem_shared>> -> memref<1000000xf32, #tpu.memory_space<vmem_shared>>
      tpu.wait_indirect_dma semaphore(%arg18 : memref<!tpu.dma_semaphore, #tpu.memory_space<semaphore_mem>>) src(%dma_wait3A_698 : memref<1000000xf32, #tpu.memory_space<vmem_shared>>) dst(%dma_wait3A_694 : memref<128xf32, #tpu.memory_space<vmem>>)
      %dma_wait3A_699 = arith.constant 1664 : i32
      %dma_wait3A_700 = tpu.memref_slice %arg15[%dma_wait3A_699] : memref<3840xf32, #tpu.memory_space<vmem>> -> memref<128xf32, #tpu.memory_space<vmem>>
      %dma_wait3A_701 = arith.constant 1664 : i32
      %dma_wait3A_702 = tpu.memref_slice %arg11[%dma_wait3A_701] : memref<3840xi32, #tpu.memory_space<vmem>> -> memref<128xi32, #tpu.memory_space<vmem>>
      %dma_wait3A_703 = arith.constant 0 : i32
      %dma_wait3A_704 = tpu.memref_slice %arg17[%dma_wait3A_703] : memref<1000000xf32, #tpu.memory_space<vmem_shared>> -> memref<1000000xf32, #tpu.memory_space<vmem_shared>>
      tpu.wait_indirect_dma semaphore(%arg18 : memref<!tpu.dma_semaphore, #tpu.memory_space<semaphore_mem>>) src(%dma_wait3A_704 : memref<1000000xf32, #tpu.memory_space<vmem_shared>>) dst(%dma_wait3A_700 : memref<128xf32, #tpu.memory_space<vmem>>)
      %scan3A_705 = arith.constant 0 : i32
      %scan3A_706 = arith.constant 104 : i32
      %scan3A_707 = arith.constant 8 : i32
      %scan3A_708 = arith.addi %scan3A_706, %scan3A_707 : i32
      %scan3A_709 = arith.constant 1 : i32
      scf.for %scan3A_1000 = %scan3A_706 to %scan3A_708 step %scan3A_709  : i32 {
        %mul3A_1001 = arith.constant 16 : i32
        %mul3A_1002 = arith.muli %scan3A_1000, %mul3A_1001 : i32
        %get3A = arith.index_cast %mul3A_1002 : i32 to index
        %get3A_1003 = tpu.vector_load %arg14[%get3A] {strides = array<i32>} : memref<3840xf32, #tpu.memory_space<vmem>>, vector<16xf32>,
        %get3A_1004 = arith.index_cast %mul3A_1002 : i32 to index
        %get3A_1005 = tpu.vector_load %arg15[%get3A_1004] {strides = array<i32>} : memref<3840xf32, #tpu.memory_space<vmem>>, vector<16xf32>,
        %get3A_1006 = arith.index_cast %mul3A_1002 : i32 to index
        %get3A_1007 = tpu.vector_load %arg10[%get3A_1006] {strides = array<i32>} : memref<3840xi32, #tpu.memory_space<vmem>>, vector<16xi32>,
        %add3A_1008 = vector.broadcast %mul3A_459 : i32 to vector<16xi32>
        %add3A_1009 = arith.addi %get3A_1007, %add3A_1008 : vector<16xi32>
        %gather3A = tpu.vector_load_idx %arg12[%add3A_1009] : memref<3200xf32, #tpu.memory_space<vmem>>[vector<16xi32>], vector<16xf32>,
        %get3A_1010 = arith.index_cast %mul3A_1002 : i32 to index
        %get3A_1011 = tpu.vector_load %arg16[%get3A_1010] {strides = array<i32>} : memref<3840xf32, #tpu.memory_space<vmem>>, vector<16xf32>,
        %mul3A_1012 = arith.mulf %get3A_1003, %gather3A : vector<16xf32>
        %mul3A_1013 = arith.mulf %mul3A_1012, %get3A_1005 : vector<16xf32>
        %add3A_1014 = arith.addf %get3A_1011, %mul3A_1013 : vector<16xf32>
        %swap3A = arith.index_cast %mul3A_1002 : i32 to index
        %swap3A_1015 = tpu.vector_load %arg16[%swap3A] {strides = array<i32>} : memref<3840xf32, #tpu.memory_space<vmem>>, vector<16xf32>,
        tpu.vector_store %arg16[%swap3A], %add3A_1014 {strides = array<i32>} : memref<3840xf32, #tpu.memory_space<vmem>>, vector<16xf32>,
      }
      %scan3A_710 = arith.constant 8 : i32
      %dma_wait3A_711 = arith.constant 1792 : i32
      %dma_wait3A_712 = tpu.memref_slice %arg14[%dma_wait3A_711] : memref<3840xf32, #tpu.memory_space<vmem>> -> memref<128xf32, #tpu.memory_space<vmem>>
      %dma_wait3A_713 = arith.constant 1792 : i32
      %dma_wait3A_714 = tpu.memref_slice %arg9[%dma_wait3A_713] : memref<3840xi32, #tpu.memory_space<vmem>> -> memref<128xi32, #tpu.memory_space<vmem>>
      %dma_wait3A_715 = arith.constant 0 : i32
      %dma_wait3A_716 = tpu.memref_slice %arg17[%dma_wait3A_715] : memref<1000000xf32, #tpu.memory_space<vmem_shared>> -> memref<1000000xf32, #tpu.memory_space<vmem_shared>>
      tpu.wait_indirect_dma semaphore(%arg18 : memref<!tpu.dma_semaphore, #tpu.memory_space<semaphore_mem>>) src(%dma_wait3A_716 : memref<1000000xf32, #tpu.memory_space<vmem_shared>>) dst(%dma_wait3A_712 : memref<128xf32, #tpu.memory_space<vmem>>)
      %dma_wait3A_717 = arith.constant 1792 : i32
      %dma_wait3A_718 = tpu.memref_slice %arg15[%dma_wait3A_717] : memref<3840xf32, #tpu.memory_space<vmem>> -> memref<128xf32, #tpu.memory_space<vmem>>
      %dma_wait3A_719 = arith.constant 1792 : i32
      %dma_wait3A_720 = tpu.memref_slice %arg11[%dma_wait3A_719] : memref<3840xi32, #tpu.memory_space<vmem>> -> memref<128xi32, #tpu.memory_space<vmem>>
      %dma_wait3A_721 = arith.constant 0 : i32
      %dma_wait3A_722 = tpu.memref_slice %arg17[%dma_wait3A_721] : memref<1000000xf32, #tpu.memory_space<vmem_shared>> -> memref<1000000xf32, #tpu.memory_space<vmem_shared>>
      tpu.wait_indirect_dma semaphore(%arg18 : memref<!tpu.dma_semaphore, #tpu.memory_space<semaphore_mem>>) src(%dma_wait3A_722 : memref<1000000xf32, #tpu.memory_space<vmem_shared>>) dst(%dma_wait3A_718 : memref<128xf32, #tpu.memory_space<vmem>>)
      %scan3A_723 = arith.constant 0 : i32
      %scan3A_724 = arith.constant 112 : i32
      %scan3A_725 = arith.constant 8 : i32
      %scan3A_726 = arith.addi %scan3A_724, %scan3A_725 : i32
      %scan3A_727 = arith.constant 1 : i32
      scf.for %scan3A_1000 = %scan3A_724 to %scan3A_726 step %scan3A_727  : i32 {
        %mul3A_1001 = arith.constant 16 : i32
        %mul3A_1002 = arith.muli %scan3A_1000, %mul3A_1001 : i32
        %get3A = arith.index_cast %mul3A_1002 : i32 to index
        %get3A_1003 = tpu.vector_load %arg14[%get3A] {strides = array<i32>} : memref<3840xf32, #tpu.memory_space<vmem>>, vector<16xf32>,
        %get3A_1004 = arith.index_cast %mul3A_1002 : i32 to index
        %get3A_1005 = tpu.vector_load %arg15[%get3A_1004] {strides = array<i32>} : memref<3840xf32, #tpu.memory_space<vmem>>, vector<16xf32>,
        %get3A_1006 = arith.index_cast %mul3A_1002 : i32 to index
        %get3A_1007 = tpu.vector_load %arg10[%get3A_1006] {strides = array<i32>} : memref<3840xi32, #tpu.memory_space<vmem>>, vector<16xi32>,
        %add3A_1008 = vector.broadcast %mul3A_459 : i32 to vector<16xi32>
        %add3A_1009 = arith.addi %get3A_1007, %add3A_1008 : vector<16xi32>
        %gather3A = tpu.vector_load_idx %arg12[%add3A_1009] : memref<3200xf32, #tpu.memory_space<vmem>>[vector<16xi32>], vector<16xf32>,
        %get3A_1010 = arith.index_cast %mul3A_1002 : i32 to index
        %get3A_1011 = tpu.vector_load %arg16[%get3A_1010] {strides = array<i32>} : memref<3840xf32, #tpu.memory_space<vmem>>, vector<16xf32>,
        %mul3A_1012 = arith.mulf %get3A_1003, %gather3A : vector<16xf32>
        %mul3A_1013 = arith.mulf %mul3A_1012, %get3A_1005 : vector<16xf32>
        %add3A_1014 = arith.addf %get3A_1011, %mul3A_1013 : vector<16xf32>
        %swap3A = arith.index_cast %mul3A_1002 : i32 to index
        %swap3A_1015 = tpu.vector_load %arg16[%swap3A] {strides = array<i32>} : memref<3840xf32, #tpu.memory_space<vmem>>, vector<16xf32>,
        tpu.vector_store %arg16[%swap3A], %add3A_1014 {strides = array<i32>} : memref<3840xf32, #tpu.memory_space<vmem>>, vector<16xf32>,
      }
      %scan3A_728 = arith.constant 8 : i32
      %dma_wait3A_729 = arith.constant 1920 : i32
      %dma_wait3A_730 = tpu.memref_slice %arg14[%dma_wait3A_729] : memref<3840xf32, #tpu.memory_space<vmem>> -> memref<128xf32, #tpu.memory_space<vmem>>
      %dma_wait3A_731 = arith.constant 1920 : i32
      %dma_wait3A_732 = tpu.memref_slice %arg9[%dma_wait3A_731] : memref<3840xi32, #tpu.memory_space<vmem>> -> memref<128xi32, #tpu.memory_space<vmem>>
      %dma_wait3A_733 = arith.constant 0 : i32
      %dma_wait3A_734 = tpu.memref_slice %arg17[%dma_wait3A_733] : memref<1000000xf32, #tpu.memory_space<vmem_shared>> -> memref<1000000xf32, #tpu.memory_space<vmem_shared>>
      tpu.wait_indirect_dma semaphore(%arg18 : memref<!tpu.dma_semaphore, #tpu.memory_space<semaphore_mem>>) src(%dma_wait3A_734 : memref<1000000xf32, #tpu.memory_space<vmem_shared>>) dst(%dma_wait3A_730 : memref<128xf32, #tpu.memory_space<vmem>>)
      %dma_wait3A_735 = arith.constant 1920 : i32
      %dma_wait3A_736 = tpu.memref_slice %arg15[%dma_wait3A_735] : memref<3840xf32, #tpu.memory_space<vmem>> -> memref<128xf32, #tpu.memory_space<vmem>>
      %dma_wait3A_737 = arith.constant 1920 : i32
      %dma_wait3A_738 = tpu.memref_slice %arg11[%dma_wait3A_737] : memref<3840xi32, #tpu.memory_space<vmem>> -> memref<128xi32, #tpu.memory_space<vmem>>
      %dma_wait3A_739 = arith.constant 0 : i32
      %dma_wait3A_740 = tpu.memref_slice %arg17[%dma_wait3A_739] : memref<1000000xf32, #tpu.memory_space<vmem_shared>> -> memref<1000000xf32, #tpu.memory_space<vmem_shared>>
      tpu.wait_indirect_dma semaphore(%arg18 : memref<!tpu.dma_semaphore, #tpu.memory_space<semaphore_mem>>) src(%dma_wait3A_740 : memref<1000000xf32, #tpu.memory_space<vmem_shared>>) dst(%dma_wait3A_736 : memref<128xf32, #tpu.memory_space<vmem>>)
      %scan3A_741 = arith.constant 0 : i32
      %scan3A_742 = arith.constant 120 : i32
      %scan3A_743 = arith.constant 8 : i32
      %scan3A_744 = arith.addi %scan3A_742, %scan3A_743 : i32
      %scan3A_745 = arith.constant 1 : i32
      scf.for %scan3A_1000 = %scan3A_742 to %scan3A_744 step %scan3A_745  : i32 {
        %mul3A_1001 = arith.constant 16 : i32
        %mul3A_1002 = arith.muli %scan3A_1000, %mul3A_1001 : i32
        %get3A = arith.index_cast %mul3A_1002 : i32 to index
        %get3A_1003 = tpu.vector_load %arg14[%get3A] {strides = array<i32>} : memref<3840xf32, #tpu.memory_space<vmem>>, vector<16xf32>,
        %get3A_1004 = arith.index_cast %mul3A_1002 : i32 to index
        %get3A_1005 = tpu.vector_load %arg15[%get3A_1004] {strides = array<i32>} : memref<3840xf32, #tpu.memory_space<vmem>>, vector<16xf32>,
        %get3A_1006 = arith.index_cast %mul3A_1002 : i32 to index
        %get3A_1007 = tpu.vector_load %arg10[%get3A_1006] {strides = array<i32>} : memref<3840xi32, #tpu.memory_space<vmem>>, vector<16xi32>,
        %add3A_1008 = vector.broadcast %mul3A_459 : i32 to vector<16xi32>
        %add3A_1009 = arith.addi %get3A_1007, %add3A_1008 : vector<16xi32>
        %gather3A = tpu.vector_load_idx %arg12[%add3A_1009] : memref<3200xf32, #tpu.memory_space<vmem>>[vector<16xi32>], vector<16xf32>,
        %get3A_1010 = arith.index_cast %mul3A_1002 : i32 to index
        %get3A_1011 = tpu.vector_load %arg16[%get3A_1010] {strides = array<i32>} : memref<3840xf32, #tpu.memory_space<vmem>>, vector<16xf32>,
        %mul3A_1012 = arith.mulf %get3A_1003, %gather3A : vector<16xf32>
        %mul3A_1013 = arith.mulf %mul3A_1012, %get3A_1005 : vector<16xf32>
        %add3A_1014 = arith.addf %get3A_1011, %mul3A_1013 : vector<16xf32>
        %swap3A = arith.index_cast %mul3A_1002 : i32 to index
        %swap3A_1015 = tpu.vector_load %arg16[%swap3A] {strides = array<i32>} : memref<3840xf32, #tpu.memory_space<vmem>>, vector<16xf32>,
        tpu.vector_store %arg16[%swap3A], %add3A_1014 {strides = array<i32>} : memref<3840xf32, #tpu.memory_space<vmem>>, vector<16xf32>,
      }
      %scan3A_746 = arith.constant 8 : i32
      %dma_wait3A_747 = arith.constant 2048 : i32
      %dma_wait3A_748 = tpu.memref_slice %arg14[%dma_wait3A_747] : memref<3840xf32, #tpu.memory_space<vmem>> -> memref<128xf32, #tpu.memory_space<vmem>>
      %dma_wait3A_749 = arith.constant 2048 : i32
      %dma_wait3A_750 = tpu.memref_slice %arg9[%dma_wait3A_749] : memref<3840xi32, #tpu.memory_space<vmem>> -> memref<128xi32, #tpu.memory_space<vmem>>
      %dma_wait3A_751 = arith.constant 0 : i32
      %dma_wait3A_752 = tpu.memref_slice %arg17[%dma_wait3A_751] : memref<1000000xf32, #tpu.memory_space<vmem_shared>> -> memref<1000000xf32, #tpu.memory_space<vmem_shared>>
      tpu.wait_indirect_dma semaphore(%arg18 : memref<!tpu.dma_semaphore, #tpu.memory_space<semaphore_mem>>) src(%dma_wait3A_752 : memref<1000000xf32, #tpu.memory_space<vmem_shared>>) dst(%dma_wait3A_748 : memref<128xf32, #tpu.memory_space<vmem>>)
      %dma_wait3A_753 = arith.constant 2048 : i32
      %dma_wait3A_754 = tpu.memref_slice %arg15[%dma_wait3A_753] : memref<3840xf32, #tpu.memory_space<vmem>> -> memref<128xf32, #tpu.memory_space<vmem>>
      %dma_wait3A_755 = arith.constant 2048 : i32
      %dma_wait3A_756 = tpu.memref_slice %arg11[%dma_wait3A_755] : memref<3840xi32, #tpu.memory_space<vmem>> -> memref<128xi32, #tpu.memory_space<vmem>>
      %dma_wait3A_757 = arith.constant 0 : i32
      %dma_wait3A_758 = tpu.memref_slice %arg17[%dma_wait3A_757] : memref<1000000xf32, #tpu.memory_space<vmem_shared>> -> memref<1000000xf32, #tpu.memory_space<vmem_shared>>
      tpu.wait_indirect_dma semaphore(%arg18 : memref<!tpu.dma_semaphore, #tpu.memory_space<semaphore_mem>>) src(%dma_wait3A_758 : memref<1000000xf32, #tpu.memory_space<vmem_shared>>) dst(%dma_wait3A_754 : memref<128xf32, #tpu.memory_space<vmem>>)
      %scan3A_759 = arith.constant 0 : i32
      %scan3A_760 = arith.constant 128 : i32
      %scan3A_761 = arith.constant 8 : i32
      %scan3A_762 = arith.addi %scan3A_760, %scan3A_761 : i32
      %scan3A_763 = arith.constant 1 : i32
      scf.for %scan3A_1000 = %scan3A_760 to %scan3A_762 step %scan3A_763  : i32 {
        %mul3A_1001 = arith.constant 16 : i32
        %mul3A_1002 = arith.muli %scan3A_1000, %mul3A_1001 : i32
        %get3A = arith.index_cast %mul3A_1002 : i32 to index
        %get3A_1003 = tpu.vector_load %arg14[%get3A] {strides = array<i32>} : memref<3840xf32, #tpu.memory_space<vmem>>, vector<16xf32>,
        %get3A_1004 = arith.index_cast %mul3A_1002 : i32 to index
        %get3A_1005 = tpu.vector_load %arg15[%get3A_1004] {strides = array<i32>} : memref<3840xf32, #tpu.memory_space<vmem>>, vector<16xf32>,
        %get3A_1006 = arith.index_cast %mul3A_1002 : i32 to index
        %get3A_1007 = tpu.vector_load %arg10[%get3A_1006] {strides = array<i32>} : memref<3840xi32, #tpu.memory_space<vmem>>, vector<16xi32>,
        %add3A_1008 = vector.broadcast %mul3A_459 : i32 to vector<16xi32>
        %add3A_1009 = arith.addi %get3A_1007, %add3A_1008 : vector<16xi32>
        %gather3A = tpu.vector_load_idx %arg12[%add3A_1009] : memref<3200xf32, #tpu.memory_space<vmem>>[vector<16xi32>], vector<16xf32>,
        %get3A_1010 = arith.index_cast %mul3A_1002 : i32 to index
        %get3A_1011 = tpu.vector_load %arg16[%get3A_1010] {strides = array<i32>} : memref<3840xf32, #tpu.memory_space<vmem>>, vector<16xf32>,
        %mul3A_1012 = arith.mulf %get3A_1003, %gather3A : vector<16xf32>
        %mul3A_1013 = arith.mulf %mul3A_1012, %get3A_1005 : vector<16xf32>
        %add3A_1014 = arith.addf %get3A_1011, %mul3A_1013 : vector<16xf32>
        %swap3A = arith.index_cast %mul3A_1002 : i32 to index
        %swap3A_1015 = tpu.vector_load %arg16[%swap3A] {strides = array<i32>} : memref<3840xf32, #tpu.memory_space<vmem>>, vector<16xf32>,
        tpu.vector_store %arg16[%swap3A], %add3A_1014 {strides = array<i32>} : memref<3840xf32, #tpu.memory_space<vmem>>, vector<16xf32>,
      }
      %scan3A_764 = arith.constant 8 : i32
      %dma_wait3A_765 = arith.constant 2176 : i32
      %dma_wait3A_766 = tpu.memref_slice %arg14[%dma_wait3A_765] : memref<3840xf32, #tpu.memory_space<vmem>> -> memref<128xf32, #tpu.memory_space<vmem>>
      %dma_wait3A_767 = arith.constant 2176 : i32
      %dma_wait3A_768 = tpu.memref_slice %arg9[%dma_wait3A_767] : memref<3840xi32, #tpu.memory_space<vmem>> -> memref<128xi32, #tpu.memory_space<vmem>>
      %dma_wait3A_769 = arith.constant 0 : i32
      %dma_wait3A_770 = tpu.memref_slice %arg17[%dma_wait3A_769] : memref<1000000xf32, #tpu.memory_space<vmem_shared>> -> memref<1000000xf32, #tpu.memory_space<vmem_shared>>
      tpu.wait_indirect_dma semaphore(%arg18 : memref<!tpu.dma_semaphore, #tpu.memory_space<semaphore_mem>>) src(%dma_wait3A_770 : memref<1000000xf32, #tpu.memory_space<vmem_shared>>) dst(%dma_wait3A_766 : memref<128xf32, #tpu.memory_space<vmem>>)
      %dma_wait3A_771 = arith.constant 2176 : i32
      %dma_wait3A_772 = tpu.memref_slice %arg15[%dma_wait3A_771] : memref<3840xf32, #tpu.memory_space<vmem>> -> memref<128xf32, #tpu.memory_space<vmem>>
      %dma_wait3A_773 = arith.constant 2176 : i32
      %dma_wait3A_774 = tpu.memref_slice %arg11[%dma_wait3A_773] : memref<3840xi32, #tpu.memory_space<vmem>> -> memref<128xi32, #tpu.memory_space<vmem>>
      %dma_wait3A_775 = arith.constant 0 : i32
      %dma_wait3A_776 = tpu.memref_slice %arg17[%dma_wait3A_775] : memref<1000000xf32, #tpu.memory_space<vmem_shared>> -> memref<1000000xf32, #tpu.memory_space<vmem_shared>>
      tpu.wait_indirect_dma semaphore(%arg18 : memref<!tpu.dma_semaphore, #tpu.memory_space<semaphore_mem>>) src(%dma_wait3A_776 : memref<1000000xf32, #tpu.memory_space<vmem_shared>>) dst(%dma_wait3A_772 : memref<128xf32, #tpu.memory_space<vmem>>)
      %scan3A_777 = arith.constant 0 : i32
      %scan3A_778 = arith.constant 136 : i32
      %scan3A_779 = arith.constant 8 : i32
      %scan3A_780 = arith.addi %scan3A_778, %scan3A_779 : i32
      %scan3A_781 = arith.constant 1 : i32
      scf.for %scan3A_1000 = %scan3A_778 to %scan3A_780 step %scan3A_781  : i32 {
        %mul3A_1001 = arith.constant 16 : i32
        %mul3A_1002 = arith.muli %scan3A_1000, %mul3A_1001 : i32
        %get3A = arith.index_cast %mul3A_1002 : i32 to index
        %get3A_1003 = tpu.vector_load %arg14[%get3A] {strides = array<i32>} : memref<3840xf32, #tpu.memory_space<vmem>>, vector<16xf32>,
        %get3A_1004 = arith.index_cast %mul3A_1002 : i32 to index
        %get3A_1005 = tpu.vector_load %arg15[%get3A_1004] {strides = array<i32>} : memref<3840xf32, #tpu.memory_space<vmem>>, vector<16xf32>,
        %get3A_1006 = arith.index_cast %mul3A_1002 : i32 to index
        %get3A_1007 = tpu.vector_load %arg10[%get3A_1006] {strides = array<i32>} : memref<3840xi32, #tpu.memory_space<vmem>>, vector<16xi32>,
        %add3A_1008 = vector.broadcast %mul3A_459 : i32 to vector<16xi32>
        %add3A_1009 = arith.addi %get3A_1007, %add3A_1008 : vector<16xi32>
        %gather3A = tpu.vector_load_idx %arg12[%add3A_1009] : memref<3200xf32, #tpu.memory_space<vmem>>[vector<16xi32>], vector<16xf32>,
        %get3A_1010 = arith.index_cast %mul3A_1002 : i32 to index
        %get3A_1011 = tpu.vector_load %arg16[%get3A_1010] {strides = array<i32>} : memref<3840xf32, #tpu.memory_space<vmem>>, vector<16xf32>,
        %mul3A_1012 = arith.mulf %get3A_1003, %gather3A : vector<16xf32>
        %mul3A_1013 = arith.mulf %mul3A_1012, %get3A_1005 : vector<16xf32>
        %add3A_1014 = arith.addf %get3A_1011, %mul3A_1013 : vector<16xf32>
        %swap3A = arith.index_cast %mul3A_1002 : i32 to index
        %swap3A_1015 = tpu.vector_load %arg16[%swap3A] {strides = array<i32>} : memref<3840xf32, #tpu.memory_space<vmem>>, vector<16xf32>,
        tpu.vector_store %arg16[%swap3A], %add3A_1014 {strides = array<i32>} : memref<3840xf32, #tpu.memory_space<vmem>>, vector<16xf32>,
      }
      %scan3A_782 = arith.constant 8 : i32
      %dma_wait3A_783 = arith.constant 2304 : i32
      %dma_wait3A_784 = tpu.memref_slice %arg14[%dma_wait3A_783] : memref<3840xf32, #tpu.memory_space<vmem>> -> memref<128xf32, #tpu.memory_space<vmem>>
      %dma_wait3A_785 = arith.constant 2304 : i32
      %dma_wait3A_786 = tpu.memref_slice %arg9[%dma_wait3A_785] : memref<3840xi32, #tpu.memory_space<vmem>> -> memref<128xi32, #tpu.memory_space<vmem>>
      %dma_wait3A_787 = arith.constant 0 : i32
      %dma_wait3A_788 = tpu.memref_slice %arg17[%dma_wait3A_787] : memref<1000000xf32, #tpu.memory_space<vmem_shared>> -> memref<1000000xf32, #tpu.memory_space<vmem_shared>>
      tpu.wait_indirect_dma semaphore(%arg18 : memref<!tpu.dma_semaphore, #tpu.memory_space<semaphore_mem>>) src(%dma_wait3A_788 : memref<1000000xf32, #tpu.memory_space<vmem_shared>>) dst(%dma_wait3A_784 : memref<128xf32, #tpu.memory_space<vmem>>)
      %dma_wait3A_789 = arith.constant 2304 : i32
      %dma_wait3A_790 = tpu.memref_slice %arg15[%dma_wait3A_789] : memref<3840xf32, #tpu.memory_space<vmem>> -> memref<128xf32, #tpu.memory_space<vmem>>
      %dma_wait3A_791 = arith.constant 2304 : i32
      %dma_wait3A_792 = tpu.memref_slice %arg11[%dma_wait3A_791] : memref<3840xi32, #tpu.memory_space<vmem>> -> memref<128xi32, #tpu.memory_space<vmem>>
      %dma_wait3A_793 = arith.constant 0 : i32
      %dma_wait3A_794 = tpu.memref_slice %arg17[%dma_wait3A_793] : memref<1000000xf32, #tpu.memory_space<vmem_shared>> -> memref<1000000xf32, #tpu.memory_space<vmem_shared>>
      tpu.wait_indirect_dma semaphore(%arg18 : memref<!tpu.dma_semaphore, #tpu.memory_space<semaphore_mem>>) src(%dma_wait3A_794 : memref<1000000xf32, #tpu.memory_space<vmem_shared>>) dst(%dma_wait3A_790 : memref<128xf32, #tpu.memory_space<vmem>>)
      %scan3A_795 = arith.constant 0 : i32
      %scan3A_796 = arith.constant 144 : i32
      %scan3A_797 = arith.constant 8 : i32
      %scan3A_798 = arith.addi %scan3A_796, %scan3A_797 : i32
      %scan3A_799 = arith.constant 1 : i32
      scf.for %scan3A_1000 = %scan3A_796 to %scan3A_798 step %scan3A_799  : i32 {
        %mul3A_1001 = arith.constant 16 : i32
        %mul3A_1002 = arith.muli %scan3A_1000, %mul3A_1001 : i32
        %get3A = arith.index_cast %mul3A_1002 : i32 to index
        %get3A_1003 = tpu.vector_load %arg14[%get3A] {strides = array<i32>} : memref<3840xf32, #tpu.memory_space<vmem>>, vector<16xf32>,
        %get3A_1004 = arith.index_cast %mul3A_1002 : i32 to index
        %get3A_1005 = tpu.vector_load %arg15[%get3A_1004] {strides = array<i32>} : memref<3840xf32, #tpu.memory_space<vmem>>, vector<16xf32>,
        %get3A_1006 = arith.index_cast %mul3A_1002 : i32 to index
        %get3A_1007 = tpu.vector_load %arg10[%get3A_1006] {strides = array<i32>} : memref<3840xi32, #tpu.memory_space<vmem>>, vector<16xi32>,
        %add3A_1008 = vector.broadcast %mul3A_459 : i32 to vector<16xi32>
        %add3A_1009 = arith.addi %get3A_1007, %add3A_1008 : vector<16xi32>
        %gather3A = tpu.vector_load_idx %arg12[%add3A_1009] : memref<3200xf32, #tpu.memory_space<vmem>>[vector<16xi32>], vector<16xf32>,
        %get3A_1010 = arith.index_cast %mul3A_1002 : i32 to index
        %get3A_1011 = tpu.vector_load %arg16[%get3A_1010] {strides = array<i32>} : memref<3840xf32, #tpu.memory_space<vmem>>, vector<16xf32>,
        %mul3A_1012 = arith.mulf %get3A_1003, %gather3A : vector<16xf32>
        %mul3A_1013 = arith.mulf %mul3A_1012, %get3A_1005 : vector<16xf32>
        %add3A_1014 = arith.addf %get3A_1011, %mul3A_1013 : vector<16xf32>
        %swap3A = arith.index_cast %mul3A_1002 : i32 to index
        %swap3A_1015 = tpu.vector_load %arg16[%swap3A] {strides = array<i32>} : memref<3840xf32, #tpu.memory_space<vmem>>, vector<16xf32>,
        tpu.vector_store %arg16[%swap3A], %add3A_1014 {strides = array<i32>} : memref<3840xf32, #tpu.memory_space<vmem>>, vector<16xf32>,
      }
      %scan3A_800 = arith.constant 8 : i32
      %dma_wait3A_801 = arith.constant 2432 : i32
      %dma_wait3A_802 = tpu.memref_slice %arg14[%dma_wait3A_801] : memref<3840xf32, #tpu.memory_space<vmem>> -> memref<128xf32, #tpu.memory_space<vmem>>
      %dma_wait3A_803 = arith.constant 2432 : i32
      %dma_wait3A_804 = tpu.memref_slice %arg9[%dma_wait3A_803] : memref<3840xi32, #tpu.memory_space<vmem>> -> memref<128xi32, #tpu.memory_space<vmem>>
      %dma_wait3A_805 = arith.constant 0 : i32
      %dma_wait3A_806 = tpu.memref_slice %arg17[%dma_wait3A_805] : memref<1000000xf32, #tpu.memory_space<vmem_shared>> -> memref<1000000xf32, #tpu.memory_space<vmem_shared>>
      tpu.wait_indirect_dma semaphore(%arg18 : memref<!tpu.dma_semaphore, #tpu.memory_space<semaphore_mem>>) src(%dma_wait3A_806 : memref<1000000xf32, #tpu.memory_space<vmem_shared>>) dst(%dma_wait3A_802 : memref<128xf32, #tpu.memory_space<vmem>>)
      %dma_wait3A_807 = arith.constant 2432 : i32
      %dma_wait3A_808 = tpu.memref_slice %arg15[%dma_wait3A_807] : memref<3840xf32, #tpu.memory_space<vmem>> -> memref<128xf32, #tpu.memory_space<vmem>>
      %dma_wait3A_809 = arith.constant 2432 : i32
      %dma_wait3A_810 = tpu.memref_slice %arg11[%dma_wait3A_809] : memref<3840xi32, #tpu.memory_space<vmem>> -> memref<128xi32, #tpu.memory_space<vmem>>
      %dma_wait3A_811 = arith.constant 0 : i32
      %dma_wait3A_812 = tpu.memref_slice %arg17[%dma_wait3A_811] : memref<1000000xf32, #tpu.memory_space<vmem_shared>> -> memref<1000000xf32, #tpu.memory_space<vmem_shared>>
      tpu.wait_indirect_dma semaphore(%arg18 : memref<!tpu.dma_semaphore, #tpu.memory_space<semaphore_mem>>) src(%dma_wait3A_812 : memref<1000000xf32, #tpu.memory_space<vmem_shared>>) dst(%dma_wait3A_808 : memref<128xf32, #tpu.memory_space<vmem>>)
      %scan3A_813 = arith.constant 0 : i32
      %scan3A_814 = arith.constant 152 : i32
      %scan3A_815 = arith.constant 8 : i32
      %scan3A_816 = arith.addi %scan3A_814, %scan3A_815 : i32
      %scan3A_817 = arith.constant 1 : i32
      scf.for %scan3A_1000 = %scan3A_814 to %scan3A_816 step %scan3A_817  : i32 {
        %mul3A_1001 = arith.constant 16 : i32
        %mul3A_1002 = arith.muli %scan3A_1000, %mul3A_1001 : i32
        %get3A = arith.index_cast %mul3A_1002 : i32 to index
        %get3A_1003 = tpu.vector_load %arg14[%get3A] {strides = array<i32>} : memref<3840xf32, #tpu.memory_space<vmem>>, vector<16xf32>,
        %get3A_1004 = arith.index_cast %mul3A_1002 : i32 to index
        %get3A_1005 = tpu.vector_load %arg15[%get3A_1004] {strides = array<i32>} : memref<3840xf32, #tpu.memory_space<vmem>>, vector<16xf32>,
        %get3A_1006 = arith.index_cast %mul3A_1002 : i32 to index
        %get3A_1007 = tpu.vector_load %arg10[%get3A_1006] {strides = array<i32>} : memref<3840xi32, #tpu.memory_space<vmem>>, vector<16xi32>,
        %add3A_1008 = vector.broadcast %mul3A_459 : i32 to vector<16xi32>
        %add3A_1009 = arith.addi %get3A_1007, %add3A_1008 : vector<16xi32>
        %gather3A = tpu.vector_load_idx %arg12[%add3A_1009] : memref<3200xf32, #tpu.memory_space<vmem>>[vector<16xi32>], vector<16xf32>,
        %get3A_1010 = arith.index_cast %mul3A_1002 : i32 to index
        %get3A_1011 = tpu.vector_load %arg16[%get3A_1010] {strides = array<i32>} : memref<3840xf32, #tpu.memory_space<vmem>>, vector<16xf32>,
        %mul3A_1012 = arith.mulf %get3A_1003, %gather3A : vector<16xf32>
        %mul3A_1013 = arith.mulf %mul3A_1012, %get3A_1005 : vector<16xf32>
        %add3A_1014 = arith.addf %get3A_1011, %mul3A_1013 : vector<16xf32>
        %swap3A = arith.index_cast %mul3A_1002 : i32 to index
        %swap3A_1015 = tpu.vector_load %arg16[%swap3A] {strides = array<i32>} : memref<3840xf32, #tpu.memory_space<vmem>>, vector<16xf32>,
        tpu.vector_store %arg16[%swap3A], %add3A_1014 {strides = array<i32>} : memref<3840xf32, #tpu.memory_space<vmem>>, vector<16xf32>,
      }
      %scan3A_818 = arith.constant 8 : i32
      %dma_wait3A_819 = arith.constant 2560 : i32
      %dma_wait3A_820 = tpu.memref_slice %arg14[%dma_wait3A_819] : memref<3840xf32, #tpu.memory_space<vmem>> -> memref<128xf32, #tpu.memory_space<vmem>>
      %dma_wait3A_821 = arith.constant 2560 : i32
      %dma_wait3A_822 = tpu.memref_slice %arg9[%dma_wait3A_821] : memref<3840xi32, #tpu.memory_space<vmem>> -> memref<128xi32, #tpu.memory_space<vmem>>
      %dma_wait3A_823 = arith.constant 0 : i32
      %dma_wait3A_824 = tpu.memref_slice %arg17[%dma_wait3A_823] : memref<1000000xf32, #tpu.memory_space<vmem_shared>> -> memref<1000000xf32, #tpu.memory_space<vmem_shared>>
      tpu.wait_indirect_dma semaphore(%arg18 : memref<!tpu.dma_semaphore, #tpu.memory_space<semaphore_mem>>) src(%dma_wait3A_824 : memref<1000000xf32, #tpu.memory_space<vmem_shared>>) dst(%dma_wait3A_820 : memref<128xf32, #tpu.memory_space<vmem>>)
      %dma_wait3A_825 = arith.constant 2560 : i32
      %dma_wait3A_826 = tpu.memref_slice %arg15[%dma_wait3A_825] : memref<3840xf32, #tpu.memory_space<vmem>> -> memref<128xf32, #tpu.memory_space<vmem>>
      %dma_wait3A_827 = arith.constant 2560 : i32
      %dma_wait3A_828 = tpu.memref_slice %arg11[%dma_wait3A_827] : memref<3840xi32, #tpu.memory_space<vmem>> -> memref<128xi32, #tpu.memory_space<vmem>>
      %dma_wait3A_829 = arith.constant 0 : i32
      %dma_wait3A_830 = tpu.memref_slice %arg17[%dma_wait3A_829] : memref<1000000xf32, #tpu.memory_space<vmem_shared>> -> memref<1000000xf32, #tpu.memory_space<vmem_shared>>
      tpu.wait_indirect_dma semaphore(%arg18 : memref<!tpu.dma_semaphore, #tpu.memory_space<semaphore_mem>>) src(%dma_wait3A_830 : memref<1000000xf32, #tpu.memory_space<vmem_shared>>) dst(%dma_wait3A_826 : memref<128xf32, #tpu.memory_space<vmem>>)
      %scan3A_831 = arith.constant 0 : i32
      %scan3A_832 = arith.constant 160 : i32
      %scan3A_833 = arith.constant 8 : i32
      %scan3A_834 = arith.addi %scan3A_832, %scan3A_833 : i32
      %scan3A_835 = arith.constant 1 : i32
      scf.for %scan3A_1000 = %scan3A_832 to %scan3A_834 step %scan3A_835  : i32 {
        %mul3A_1001 = arith.constant 16 : i32
        %mul3A_1002 = arith.muli %scan3A_1000, %mul3A_1001 : i32
        %get3A = arith.index_cast %mul3A_1002 : i32 to index
        %get3A_1003 = tpu.vector_load %arg14[%get3A] {strides = array<i32>} : memref<3840xf32, #tpu.memory_space<vmem>>, vector<16xf32>,
        %get3A_1004 = arith.index_cast %mul3A_1002 : i32 to index
        %get3A_1005 = tpu.vector_load %arg15[%get3A_1004] {strides = array<i32>} : memref<3840xf32, #tpu.memory_space<vmem>>, vector<16xf32>,
        %get3A_1006 = arith.index_cast %mul3A_1002 : i32 to index
        %get3A_1007 = tpu.vector_load %arg10[%get3A_1006] {strides = array<i32>} : memref<3840xi32, #tpu.memory_space<vmem>>, vector<16xi32>,
        %add3A_1008 = vector.broadcast %mul3A_459 : i32 to vector<16xi32>
        %add3A_1009 = arith.addi %get3A_1007, %add3A_1008 : vector<16xi32>
        %gather3A = tpu.vector_load_idx %arg12[%add3A_1009] : memref<3200xf32, #tpu.memory_space<vmem>>[vector<16xi32>], vector<16xf32>,
        %get3A_1010 = arith.index_cast %mul3A_1002 : i32 to index
        %get3A_1011 = tpu.vector_load %arg16[%get3A_1010] {strides = array<i32>} : memref<3840xf32, #tpu.memory_space<vmem>>, vector<16xf32>,
        %mul3A_1012 = arith.mulf %get3A_1003, %gather3A : vector<16xf32>
        %mul3A_1013 = arith.mulf %mul3A_1012, %get3A_1005 : vector<16xf32>
        %add3A_1014 = arith.addf %get3A_1011, %mul3A_1013 : vector<16xf32>
        %swap3A = arith.index_cast %mul3A_1002 : i32 to index
        %swap3A_1015 = tpu.vector_load %arg16[%swap3A] {strides = array<i32>} : memref<3840xf32, #tpu.memory_space<vmem>>, vector<16xf32>,
        tpu.vector_store %arg16[%swap3A], %add3A_1014 {strides = array<i32>} : memref<3840xf32, #tpu.memory_space<vmem>>, vector<16xf32>,
      }
      %scan3A_836 = arith.constant 8 : i32
      %dma_wait3A_837 = arith.constant 2688 : i32
      %dma_wait3A_838 = tpu.memref_slice %arg14[%dma_wait3A_837] : memref<3840xf32, #tpu.memory_space<vmem>> -> memref<128xf32, #tpu.memory_space<vmem>>
      %dma_wait3A_839 = arith.constant 2688 : i32
      %dma_wait3A_840 = tpu.memref_slice %arg9[%dma_wait3A_839] : memref<3840xi32, #tpu.memory_space<vmem>> -> memref<128xi32, #tpu.memory_space<vmem>>
      %dma_wait3A_841 = arith.constant 0 : i32
      %dma_wait3A_842 = tpu.memref_slice %arg17[%dma_wait3A_841] : memref<1000000xf32, #tpu.memory_space<vmem_shared>> -> memref<1000000xf32, #tpu.memory_space<vmem_shared>>
      tpu.wait_indirect_dma semaphore(%arg18 : memref<!tpu.dma_semaphore, #tpu.memory_space<semaphore_mem>>) src(%dma_wait3A_842 : memref<1000000xf32, #tpu.memory_space<vmem_shared>>) dst(%dma_wait3A_838 : memref<128xf32, #tpu.memory_space<vmem>>)
      %dma_wait3A_843 = arith.constant 2688 : i32
      %dma_wait3A_844 = tpu.memref_slice %arg15[%dma_wait3A_843] : memref<3840xf32, #tpu.memory_space<vmem>> -> memref<128xf32, #tpu.memory_space<vmem>>
      %dma_wait3A_845 = arith.constant 2688 : i32
      %dma_wait3A_846 = tpu.memref_slice %arg11[%dma_wait3A_845] : memref<3840xi32, #tpu.memory_space<vmem>> -> memref<128xi32, #tpu.memory_space<vmem>>
      %dma_wait3A_847 = arith.constant 0 : i32
      %dma_wait3A_848 = tpu.memref_slice %arg17[%dma_wait3A_847] : memref<1000000xf32, #tpu.memory_space<vmem_shared>> -> memref<1000000xf32, #tpu.memory_space<vmem_shared>>
      tpu.wait_indirect_dma semaphore(%arg18 : memref<!tpu.dma_semaphore, #tpu.memory_space<semaphore_mem>>) src(%dma_wait3A_848 : memref<1000000xf32, #tpu.memory_space<vmem_shared>>) dst(%dma_wait3A_844 : memref<128xf32, #tpu.memory_space<vmem>>)
      %scan3A_849 = arith.constant 0 : i32
      %scan3A_850 = arith.constant 168 : i32
      %scan3A_851 = arith.constant 8 : i32
      %scan3A_852 = arith.addi %scan3A_850, %scan3A_851 : i32
      %scan3A_853 = arith.constant 1 : i32
      scf.for %scan3A_1000 = %scan3A_850 to %scan3A_852 step %scan3A_853  : i32 {
        %mul3A_1001 = arith.constant 16 : i32
        %mul3A_1002 = arith.muli %scan3A_1000, %mul3A_1001 : i32
        %get3A = arith.index_cast %mul3A_1002 : i32 to index
        %get3A_1003 = tpu.vector_load %arg14[%get3A] {strides = array<i32>} : memref<3840xf32, #tpu.memory_space<vmem>>, vector<16xf32>,
        %get3A_1004 = arith.index_cast %mul3A_1002 : i32 to index
        %get3A_1005 = tpu.vector_load %arg15[%get3A_1004] {strides = array<i32>} : memref<3840xf32, #tpu.memory_space<vmem>>, vector<16xf32>,
        %get3A_1006 = arith.index_cast %mul3A_1002 : i32 to index
        %get3A_1007 = tpu.vector_load %arg10[%get3A_1006] {strides = array<i32>} : memref<3840xi32, #tpu.memory_space<vmem>>, vector<16xi32>,
        %add3A_1008 = vector.broadcast %mul3A_459 : i32 to vector<16xi32>
        %add3A_1009 = arith.addi %get3A_1007, %add3A_1008 : vector<16xi32>
        %gather3A = tpu.vector_load_idx %arg12[%add3A_1009] : memref<3200xf32, #tpu.memory_space<vmem>>[vector<16xi32>], vector<16xf32>,
        %get3A_1010 = arith.index_cast %mul3A_1002 : i32 to index
        %get3A_1011 = tpu.vector_load %arg16[%get3A_1010] {strides = array<i32>} : memref<3840xf32, #tpu.memory_space<vmem>>, vector<16xf32>,
        %mul3A_1012 = arith.mulf %get3A_1003, %gather3A : vector<16xf32>
        %mul3A_1013 = arith.mulf %mul3A_1012, %get3A_1005 : vector<16xf32>
        %add3A_1014 = arith.addf %get3A_1011, %mul3A_1013 : vector<16xf32>
        %swap3A = arith.index_cast %mul3A_1002 : i32 to index
        %swap3A_1015 = tpu.vector_load %arg16[%swap3A] {strides = array<i32>} : memref<3840xf32, #tpu.memory_space<vmem>>, vector<16xf32>,
        tpu.vector_store %arg16[%swap3A], %add3A_1014 {strides = array<i32>} : memref<3840xf32, #tpu.memory_space<vmem>>, vector<16xf32>,
      }
      %scan3A_854 = arith.constant 8 : i32
      %dma_wait3A_855 = arith.constant 2816 : i32
      %dma_wait3A_856 = tpu.memref_slice %arg14[%dma_wait3A_855] : memref<3840xf32, #tpu.memory_space<vmem>> -> memref<128xf32, #tpu.memory_space<vmem>>
      %dma_wait3A_857 = arith.constant 2816 : i32
      %dma_wait3A_858 = tpu.memref_slice %arg9[%dma_wait3A_857] : memref<3840xi32, #tpu.memory_space<vmem>> -> memref<128xi32, #tpu.memory_space<vmem>>
      %dma_wait3A_859 = arith.constant 0 : i32
      %dma_wait3A_860 = tpu.memref_slice %arg17[%dma_wait3A_859] : memref<1000000xf32, #tpu.memory_space<vmem_shared>> -> memref<1000000xf32, #tpu.memory_space<vmem_shared>>
      tpu.wait_indirect_dma semaphore(%arg18 : memref<!tpu.dma_semaphore, #tpu.memory_space<semaphore_mem>>) src(%dma_wait3A_860 : memref<1000000xf32, #tpu.memory_space<vmem_shared>>) dst(%dma_wait3A_856 : memref<128xf32, #tpu.memory_space<vmem>>)
      %dma_wait3A_861 = arith.constant 2816 : i32
      %dma_wait3A_862 = tpu.memref_slice %arg15[%dma_wait3A_861] : memref<3840xf32, #tpu.memory_space<vmem>> -> memref<128xf32, #tpu.memory_space<vmem>>
      %dma_wait3A_863 = arith.constant 2816 : i32
      %dma_wait3A_864 = tpu.memref_slice %arg11[%dma_wait3A_863] : memref<3840xi32, #tpu.memory_space<vmem>> -> memref<128xi32, #tpu.memory_space<vmem>>
      %dma_wait3A_865 = arith.constant 0 : i32
      %dma_wait3A_866 = tpu.memref_slice %arg17[%dma_wait3A_865] : memref<1000000xf32, #tpu.memory_space<vmem_shared>> -> memref<1000000xf32, #tpu.memory_space<vmem_shared>>
      tpu.wait_indirect_dma semaphore(%arg18 : memref<!tpu.dma_semaphore, #tpu.memory_space<semaphore_mem>>) src(%dma_wait3A_866 : memref<1000000xf32, #tpu.memory_space<vmem_shared>>) dst(%dma_wait3A_862 : memref<128xf32, #tpu.memory_space<vmem>>)
      %scan3A_867 = arith.constant 0 : i32
      %scan3A_868 = arith.constant 176 : i32
      %scan3A_869 = arith.constant 8 : i32
      %scan3A_870 = arith.addi %scan3A_868, %scan3A_869 : i32
      %scan3A_871 = arith.constant 1 : i32
      scf.for %scan3A_1000 = %scan3A_868 to %scan3A_870 step %scan3A_871  : i32 {
        %mul3A_1001 = arith.constant 16 : i32
        %mul3A_1002 = arith.muli %scan3A_1000, %mul3A_1001 : i32
        %get3A = arith.index_cast %mul3A_1002 : i32 to index
        %get3A_1003 = tpu.vector_load %arg14[%get3A] {strides = array<i32>} : memref<3840xf32, #tpu.memory_space<vmem>>, vector<16xf32>,
        %get3A_1004 = arith.index_cast %mul3A_1002 : i32 to index
        %get3A_1005 = tpu.vector_load %arg15[%get3A_1004] {strides = array<i32>} : memref<3840xf32, #tpu.memory_space<vmem>>, vector<16xf32>,
        %get3A_1006 = arith.index_cast %mul3A_1002 : i32 to index
        %get3A_1007 = tpu.vector_load %arg10[%get3A_1006] {strides = array<i32>} : memref<3840xi32, #tpu.memory_space<vmem>>, vector<16xi32>,
        %add3A_1008 = vector.broadcast %mul3A_459 : i32 to vector<16xi32>
        %add3A_1009 = arith.addi %get3A_1007, %add3A_1008 : vector<16xi32>
        %gather3A = tpu.vector_load_idx %arg12[%add3A_1009] : memref<3200xf32, #tpu.memory_space<vmem>>[vector<16xi32>], vector<16xf32>,
        %get3A_1010 = arith.index_cast %mul3A_1002 : i32 to index
        %get3A_1011 = tpu.vector_load %arg16[%get3A_1010] {strides = array<i32>} : memref<3840xf32, #tpu.memory_space<vmem>>, vector<16xf32>,
        %mul3A_1012 = arith.mulf %get3A_1003, %gather3A : vector<16xf32>
        %mul3A_1013 = arith.mulf %mul3A_1012, %get3A_1005 : vector<16xf32>
        %add3A_1014 = arith.addf %get3A_1011, %mul3A_1013 : vector<16xf32>
        %swap3A = arith.index_cast %mul3A_1002 : i32 to index
        %swap3A_1015 = tpu.vector_load %arg16[%swap3A] {strides = array<i32>} : memref<3840xf32, #tpu.memory_space<vmem>>, vector<16xf32>,
        tpu.vector_store %arg16[%swap3A], %add3A_1014 {strides = array<i32>} : memref<3840xf32, #tpu.memory_space<vmem>>, vector<16xf32>,
      }
      %scan3A_872 = arith.constant 8 : i32
      %dma_wait3A_873 = arith.constant 2944 : i32
      %dma_wait3A_874 = tpu.memref_slice %arg14[%dma_wait3A_873] : memref<3840xf32, #tpu.memory_space<vmem>> -> memref<128xf32, #tpu.memory_space<vmem>>
      %dma_wait3A_875 = arith.constant 2944 : i32
      %dma_wait3A_876 = tpu.memref_slice %arg9[%dma_wait3A_875] : memref<3840xi32, #tpu.memory_space<vmem>> -> memref<128xi32, #tpu.memory_space<vmem>>
      %dma_wait3A_877 = arith.constant 0 : i32
      %dma_wait3A_878 = tpu.memref_slice %arg17[%dma_wait3A_877] : memref<1000000xf32, #tpu.memory_space<vmem_shared>> -> memref<1000000xf32, #tpu.memory_space<vmem_shared>>
      tpu.wait_indirect_dma semaphore(%arg18 : memref<!tpu.dma_semaphore, #tpu.memory_space<semaphore_mem>>) src(%dma_wait3A_878 : memref<1000000xf32, #tpu.memory_space<vmem_shared>>) dst(%dma_wait3A_874 : memref<128xf32, #tpu.memory_space<vmem>>)
      %dma_wait3A_879 = arith.constant 2944 : i32
      %dma_wait3A_880 = tpu.memref_slice %arg15[%dma_wait3A_879] : memref<3840xf32, #tpu.memory_space<vmem>> -> memref<128xf32, #tpu.memory_space<vmem>>
      %dma_wait3A_881 = arith.constant 2944 : i32
      %dma_wait3A_882 = tpu.memref_slice %arg11[%dma_wait3A_881] : memref<3840xi32, #tpu.memory_space<vmem>> -> memref<128xi32, #tpu.memory_space<vmem>>
      %dma_wait3A_883 = arith.constant 0 : i32
      %dma_wait3A_884 = tpu.memref_slice %arg17[%dma_wait3A_883] : memref<1000000xf32, #tpu.memory_space<vmem_shared>> -> memref<1000000xf32, #tpu.memory_space<vmem_shared>>
      tpu.wait_indirect_dma semaphore(%arg18 : memref<!tpu.dma_semaphore, #tpu.memory_space<semaphore_mem>>) src(%dma_wait3A_884 : memref<1000000xf32, #tpu.memory_space<vmem_shared>>) dst(%dma_wait3A_880 : memref<128xf32, #tpu.memory_space<vmem>>)
      %scan3A_885 = arith.constant 0 : i32
      %scan3A_886 = arith.constant 184 : i32
      %scan3A_887 = arith.constant 8 : i32
      %scan3A_888 = arith.addi %scan3A_886, %scan3A_887 : i32
      %scan3A_889 = arith.constant 1 : i32
      scf.for %scan3A_1000 = %scan3A_886 to %scan3A_888 step %scan3A_889  : i32 {
        %mul3A_1001 = arith.constant 16 : i32
        %mul3A_1002 = arith.muli %scan3A_1000, %mul3A_1001 : i32
        %get3A = arith.index_cast %mul3A_1002 : i32 to index
        %get3A_1003 = tpu.vector_load %arg14[%get3A] {strides = array<i32>} : memref<3840xf32, #tpu.memory_space<vmem>>, vector<16xf32>,
        %get3A_1004 = arith.index_cast %mul3A_1002 : i32 to index
        %get3A_1005 = tpu.vector_load %arg15[%get3A_1004] {strides = array<i32>} : memref<3840xf32, #tpu.memory_space<vmem>>, vector<16xf32>,
        %get3A_1006 = arith.index_cast %mul3A_1002 : i32 to index
        %get3A_1007 = tpu.vector_load %arg10[%get3A_1006] {strides = array<i32>} : memref<3840xi32, #tpu.memory_space<vmem>>, vector<16xi32>,
        %add3A_1008 = vector.broadcast %mul3A_459 : i32 to vector<16xi32>
        %add3A_1009 = arith.addi %get3A_1007, %add3A_1008 : vector<16xi32>
        %gather3A = tpu.vector_load_idx %arg12[%add3A_1009] : memref<3200xf32, #tpu.memory_space<vmem>>[vector<16xi32>], vector<16xf32>,
        %get3A_1010 = arith.index_cast %mul3A_1002 : i32 to index
        %get3A_1011 = tpu.vector_load %arg16[%get3A_1010] {strides = array<i32>} : memref<3840xf32, #tpu.memory_space<vmem>>, vector<16xf32>,
        %mul3A_1012 = arith.mulf %get3A_1003, %gather3A : vector<16xf32>
        %mul3A_1013 = arith.mulf %mul3A_1012, %get3A_1005 : vector<16xf32>
        %add3A_1014 = arith.addf %get3A_1011, %mul3A_1013 : vector<16xf32>
        %swap3A = arith.index_cast %mul3A_1002 : i32 to index
        %swap3A_1015 = tpu.vector_load %arg16[%swap3A] {strides = array<i32>} : memref<3840xf32, #tpu.memory_space<vmem>>, vector<16xf32>,
        tpu.vector_store %arg16[%swap3A], %add3A_1014 {strides = array<i32>} : memref<3840xf32, #tpu.memory_space<vmem>>, vector<16xf32>,
      }
      %scan3A_890 = arith.constant 8 : i32
      %dma_wait3A_891 = arith.constant 3072 : i32
      %dma_wait3A_892 = tpu.memref_slice %arg14[%dma_wait3A_891] : memref<3840xf32, #tpu.memory_space<vmem>> -> memref<128xf32, #tpu.memory_space<vmem>>
      %dma_wait3A_893 = arith.constant 3072 : i32
      %dma_wait3A_894 = tpu.memref_slice %arg9[%dma_wait3A_893] : memref<3840xi32, #tpu.memory_space<vmem>> -> memref<128xi32, #tpu.memory_space<vmem>>
      %dma_wait3A_895 = arith.constant 0 : i32
      %dma_wait3A_896 = tpu.memref_slice %arg17[%dma_wait3A_895] : memref<1000000xf32, #tpu.memory_space<vmem_shared>> -> memref<1000000xf32, #tpu.memory_space<vmem_shared>>
      tpu.wait_indirect_dma semaphore(%arg18 : memref<!tpu.dma_semaphore, #tpu.memory_space<semaphore_mem>>) src(%dma_wait3A_896 : memref<1000000xf32, #tpu.memory_space<vmem_shared>>) dst(%dma_wait3A_892 : memref<128xf32, #tpu.memory_space<vmem>>)
      %dma_wait3A_897 = arith.constant 3072 : i32
      %dma_wait3A_898 = tpu.memref_slice %arg15[%dma_wait3A_897] : memref<3840xf32, #tpu.memory_space<vmem>> -> memref<128xf32, #tpu.memory_space<vmem>>
      %dma_wait3A_899 = arith.constant 3072 : i32
      %dma_wait3A_900 = tpu.memref_slice %arg11[%dma_wait3A_899] : memref<3840xi32, #tpu.memory_space<vmem>> -> memref<128xi32, #tpu.memory_space<vmem>>
      %dma_wait3A_901 = arith.constant 0 : i32
      %dma_wait3A_902 = tpu.memref_slice %arg17[%dma_wait3A_901] : memref<1000000xf32, #tpu.memory_space<vmem_shared>> -> memref<1000000xf32, #tpu.memory_space<vmem_shared>>
      tpu.wait_indirect_dma semaphore(%arg18 : memref<!tpu.dma_semaphore, #tpu.memory_space<semaphore_mem>>) src(%dma_wait3A_902 : memref<1000000xf32, #tpu.memory_space<vmem_shared>>) dst(%dma_wait3A_898 : memref<128xf32, #tpu.memory_space<vmem>>)
      %scan3A_903 = arith.constant 0 : i32
      %scan3A_904 = arith.constant 192 : i32
      %scan3A_905 = arith.constant 8 : i32
      %scan3A_906 = arith.addi %scan3A_904, %scan3A_905 : i32
      %scan3A_907 = arith.constant 1 : i32
      scf.for %scan3A_1000 = %scan3A_904 to %scan3A_906 step %scan3A_907  : i32 {
        %mul3A_1001 = arith.constant 16 : i32
        %mul3A_1002 = arith.muli %scan3A_1000, %mul3A_1001 : i32
        %get3A = arith.index_cast %mul3A_1002 : i32 to index
        %get3A_1003 = tpu.vector_load %arg14[%get3A] {strides = array<i32>} : memref<3840xf32, #tpu.memory_space<vmem>>, vector<16xf32>,
        %get3A_1004 = arith.index_cast %mul3A_1002 : i32 to index
        %get3A_1005 = tpu.vector_load %arg15[%get3A_1004] {strides = array<i32>} : memref<3840xf32, #tpu.memory_space<vmem>>, vector<16xf32>,
        %get3A_1006 = arith.index_cast %mul3A_1002 : i32 to index
        %get3A_1007 = tpu.vector_load %arg10[%get3A_1006] {strides = array<i32>} : memref<3840xi32, #tpu.memory_space<vmem>>, vector<16xi32>,
        %add3A_1008 = vector.broadcast %mul3A_459 : i32 to vector<16xi32>
        %add3A_1009 = arith.addi %get3A_1007, %add3A_1008 : vector<16xi32>
        %gather3A = tpu.vector_load_idx %arg12[%add3A_1009] : memref<3200xf32, #tpu.memory_space<vmem>>[vector<16xi32>], vector<16xf32>,
        %get3A_1010 = arith.index_cast %mul3A_1002 : i32 to index
        %get3A_1011 = tpu.vector_load %arg16[%get3A_1010] {strides = array<i32>} : memref<3840xf32, #tpu.memory_space<vmem>>, vector<16xf32>,
        %mul3A_1012 = arith.mulf %get3A_1003, %gather3A : vector<16xf32>
        %mul3A_1013 = arith.mulf %mul3A_1012, %get3A_1005 : vector<16xf32>
        %add3A_1014 = arith.addf %get3A_1011, %mul3A_1013 : vector<16xf32>
        %swap3A = arith.index_cast %mul3A_1002 : i32 to index
        %swap3A_1015 = tpu.vector_load %arg16[%swap3A] {strides = array<i32>} : memref<3840xf32, #tpu.memory_space<vmem>>, vector<16xf32>,
        tpu.vector_store %arg16[%swap3A], %add3A_1014 {strides = array<i32>} : memref<3840xf32, #tpu.memory_space<vmem>>, vector<16xf32>,
      }
      %scan3A_908 = arith.constant 8 : i32
      %dma_wait3A_909 = arith.constant 3200 : i32
      %dma_wait3A_910 = tpu.memref_slice %arg14[%dma_wait3A_909] : memref<3840xf32, #tpu.memory_space<vmem>> -> memref<128xf32, #tpu.memory_space<vmem>>
      %dma_wait3A_911 = arith.constant 3200 : i32
      %dma_wait3A_912 = tpu.memref_slice %arg9[%dma_wait3A_911] : memref<3840xi32, #tpu.memory_space<vmem>> -> memref<128xi32, #tpu.memory_space<vmem>>
      %dma_wait3A_913 = arith.constant 0 : i32
      %dma_wait3A_914 = tpu.memref_slice %arg17[%dma_wait3A_913] : memref<1000000xf32, #tpu.memory_space<vmem_shared>> -> memref<1000000xf32, #tpu.memory_space<vmem_shared>>
      tpu.wait_indirect_dma semaphore(%arg18 : memref<!tpu.dma_semaphore, #tpu.memory_space<semaphore_mem>>) src(%dma_wait3A_914 : memref<1000000xf32, #tpu.memory_space<vmem_shared>>) dst(%dma_wait3A_910 : memref<128xf32, #tpu.memory_space<vmem>>)
      %dma_wait3A_915 = arith.constant 3200 : i32
      %dma_wait3A_916 = tpu.memref_slice %arg15[%dma_wait3A_915] : memref<3840xf32, #tpu.memory_space<vmem>> -> memref<128xf32, #tpu.memory_space<vmem>>
      %dma_wait3A_917 = arith.constant 3200 : i32
      %dma_wait3A_918 = tpu.memref_slice %arg11[%dma_wait3A_917] : memref<3840xi32, #tpu.memory_space<vmem>> -> memref<128xi32, #tpu.memory_space<vmem>>
      %dma_wait3A_919 = arith.constant 0 : i32
      %dma_wait3A_920 = tpu.memref_slice %arg17[%dma_wait3A_919] : memref<1000000xf32, #tpu.memory_space<vmem_shared>> -> memref<1000000xf32, #tpu.memory_space<vmem_shared>>
      tpu.wait_indirect_dma semaphore(%arg18 : memref<!tpu.dma_semaphore, #tpu.memory_space<semaphore_mem>>) src(%dma_wait3A_920 : memref<1000000xf32, #tpu.memory_space<vmem_shared>>) dst(%dma_wait3A_916 : memref<128xf32, #tpu.memory_space<vmem>>)
      %scan3A_921 = arith.constant 0 : i32
      %scan3A_922 = arith.constant 200 : i32
      %scan3A_923 = arith.constant 8 : i32
      %scan3A_924 = arith.addi %scan3A_922, %scan3A_923 : i32
      %scan3A_925 = arith.constant 1 : i32
      scf.for %scan3A_1000 = %scan3A_922 to %scan3A_924 step %scan3A_925  : i32 {
        %mul3A_1001 = arith.constant 16 : i32
        %mul3A_1002 = arith.muli %scan3A_1000, %mul3A_1001 : i32
        %get3A = arith.index_cast %mul3A_1002 : i32 to index
        %get3A_1003 = tpu.vector_load %arg14[%get3A] {strides = array<i32>} : memref<3840xf32, #tpu.memory_space<vmem>>, vector<16xf32>,
        %get3A_1004 = arith.index_cast %mul3A_1002 : i32 to index
        %get3A_1005 = tpu.vector_load %arg15[%get3A_1004] {strides = array<i32>} : memref<3840xf32, #tpu.memory_space<vmem>>, vector<16xf32>,
        %get3A_1006 = arith.index_cast %mul3A_1002 : i32 to index
        %get3A_1007 = tpu.vector_load %arg10[%get3A_1006] {strides = array<i32>} : memref<3840xi32, #tpu.memory_space<vmem>>, vector<16xi32>,
        %add3A_1008 = vector.broadcast %mul3A_459 : i32 to vector<16xi32>
        %add3A_1009 = arith.addi %get3A_1007, %add3A_1008 : vector<16xi32>
        %gather3A = tpu.vector_load_idx %arg12[%add3A_1009] : memref<3200xf32, #tpu.memory_space<vmem>>[vector<16xi32>], vector<16xf32>,
        %get3A_1010 = arith.index_cast %mul3A_1002 : i32 to index
        %get3A_1011 = tpu.vector_load %arg16[%get3A_1010] {strides = array<i32>} : memref<3840xf32, #tpu.memory_space<vmem>>, vector<16xf32>,
        %mul3A_1012 = arith.mulf %get3A_1003, %gather3A : vector<16xf32>
        %mul3A_1013 = arith.mulf %mul3A_1012, %get3A_1005 : vector<16xf32>
        %add3A_1014 = arith.addf %get3A_1011, %mul3A_1013 : vector<16xf32>
        %swap3A = arith.index_cast %mul3A_1002 : i32 to index
        %swap3A_1015 = tpu.vector_load %arg16[%swap3A] {strides = array<i32>} : memref<3840xf32, #tpu.memory_space<vmem>>, vector<16xf32>,
        tpu.vector_store %arg16[%swap3A], %add3A_1014 {strides = array<i32>} : memref<3840xf32, #tpu.memory_space<vmem>>, vector<16xf32>,
      }
      %scan3A_926 = arith.constant 8 : i32
      %dma_wait3A_927 = arith.constant 3328 : i32
      %dma_wait3A_928 = tpu.memref_slice %arg14[%dma_wait3A_927] : memref<3840xf32, #tpu.memory_space<vmem>> -> memref<128xf32, #tpu.memory_space<vmem>>
      %dma_wait3A_929 = arith.constant 3328 : i32
      %dma_wait3A_930 = tpu.memref_slice %arg9[%dma_wait3A_929] : memref<3840xi32, #tpu.memory_space<vmem>> -> memref<128xi32, #tpu.memory_space<vmem>>
      %dma_wait3A_931 = arith.constant 0 : i32
      %dma_wait3A_932 = tpu.memref_slice %arg17[%dma_wait3A_931] : memref<1000000xf32, #tpu.memory_space<vmem_shared>> -> memref<1000000xf32, #tpu.memory_space<vmem_shared>>
      tpu.wait_indirect_dma semaphore(%arg18 : memref<!tpu.dma_semaphore, #tpu.memory_space<semaphore_mem>>) src(%dma_wait3A_932 : memref<1000000xf32, #tpu.memory_space<vmem_shared>>) dst(%dma_wait3A_928 : memref<128xf32, #tpu.memory_space<vmem>>)
      %dma_wait3A_933 = arith.constant 3328 : i32
      %dma_wait3A_934 = tpu.memref_slice %arg15[%dma_wait3A_933] : memref<3840xf32, #tpu.memory_space<vmem>> -> memref<128xf32, #tpu.memory_space<vmem>>
      %dma_wait3A_935 = arith.constant 3328 : i32
      %dma_wait3A_936 = tpu.memref_slice %arg11[%dma_wait3A_935] : memref<3840xi32, #tpu.memory_space<vmem>> -> memref<128xi32, #tpu.memory_space<vmem>>
      %dma_wait3A_937 = arith.constant 0 : i32
      %dma_wait3A_938 = tpu.memref_slice %arg17[%dma_wait3A_937] : memref<1000000xf32, #tpu.memory_space<vmem_shared>> -> memref<1000000xf32, #tpu.memory_space<vmem_shared>>
      tpu.wait_indirect_dma semaphore(%arg18 : memref<!tpu.dma_semaphore, #tpu.memory_space<semaphore_mem>>) src(%dma_wait3A_938 : memref<1000000xf32, #tpu.memory_space<vmem_shared>>) dst(%dma_wait3A_934 : memref<128xf32, #tpu.memory_space<vmem>>)
      %scan3A_939 = arith.constant 0 : i32
      %scan3A_940 = arith.constant 208 : i32
      %scan3A_941 = arith.constant 8 : i32
      %scan3A_942 = arith.addi %scan3A_940, %scan3A_941 : i32
      %scan3A_943 = arith.constant 1 : i32
      scf.for %scan3A_1000 = %scan3A_940 to %scan3A_942 step %scan3A_943  : i32 {
        %mul3A_1001 = arith.constant 16 : i32
        %mul3A_1002 = arith.muli %scan3A_1000, %mul3A_1001 : i32
        %get3A = arith.index_cast %mul3A_1002 : i32 to index
        %get3A_1003 = tpu.vector_load %arg14[%get3A] {strides = array<i32>} : memref<3840xf32, #tpu.memory_space<vmem>>, vector<16xf32>,
        %get3A_1004 = arith.index_cast %mul3A_1002 : i32 to index
        %get3A_1005 = tpu.vector_load %arg15[%get3A_1004] {strides = array<i32>} : memref<3840xf32, #tpu.memory_space<vmem>>, vector<16xf32>,
        %get3A_1006 = arith.index_cast %mul3A_1002 : i32 to index
        %get3A_1007 = tpu.vector_load %arg10[%get3A_1006] {strides = array<i32>} : memref<3840xi32, #tpu.memory_space<vmem>>, vector<16xi32>,
        %add3A_1008 = vector.broadcast %mul3A_459 : i32 to vector<16xi32>
        %add3A_1009 = arith.addi %get3A_1007, %add3A_1008 : vector<16xi32>
        %gather3A = tpu.vector_load_idx %arg12[%add3A_1009] : memref<3200xf32, #tpu.memory_space<vmem>>[vector<16xi32>], vector<16xf32>,
        %get3A_1010 = arith.index_cast %mul3A_1002 : i32 to index
        %get3A_1011 = tpu.vector_load %arg16[%get3A_1010] {strides = array<i32>} : memref<3840xf32, #tpu.memory_space<vmem>>, vector<16xf32>,
        %mul3A_1012 = arith.mulf %get3A_1003, %gather3A : vector<16xf32>
        %mul3A_1013 = arith.mulf %mul3A_1012, %get3A_1005 : vector<16xf32>
        %add3A_1014 = arith.addf %get3A_1011, %mul3A_1013 : vector<16xf32>
        %swap3A = arith.index_cast %mul3A_1002 : i32 to index
        %swap3A_1015 = tpu.vector_load %arg16[%swap3A] {strides = array<i32>} : memref<3840xf32, #tpu.memory_space<vmem>>, vector<16xf32>,
        tpu.vector_store %arg16[%swap3A], %add3A_1014 {strides = array<i32>} : memref<3840xf32, #tpu.memory_space<vmem>>, vector<16xf32>,
      }
      %scan3A_944 = arith.constant 8 : i32
      %dma_wait3A_945 = arith.constant 3456 : i32
      %dma_wait3A_946 = tpu.memref_slice %arg14[%dma_wait3A_945] : memref<3840xf32, #tpu.memory_space<vmem>> -> memref<128xf32, #tpu.memory_space<vmem>>
      %dma_wait3A_947 = arith.constant 3456 : i32
      %dma_wait3A_948 = tpu.memref_slice %arg9[%dma_wait3A_947] : memref<3840xi32, #tpu.memory_space<vmem>> -> memref<128xi32, #tpu.memory_space<vmem>>
      %dma_wait3A_949 = arith.constant 0 : i32
      %dma_wait3A_950 = tpu.memref_slice %arg17[%dma_wait3A_949] : memref<1000000xf32, #tpu.memory_space<vmem_shared>> -> memref<1000000xf32, #tpu.memory_space<vmem_shared>>
      tpu.wait_indirect_dma semaphore(%arg18 : memref<!tpu.dma_semaphore, #tpu.memory_space<semaphore_mem>>) src(%dma_wait3A_950 : memref<1000000xf32, #tpu.memory_space<vmem_shared>>) dst(%dma_wait3A_946 : memref<128xf32, #tpu.memory_space<vmem>>)
      %dma_wait3A_951 = arith.constant 3456 : i32
      %dma_wait3A_952 = tpu.memref_slice %arg15[%dma_wait3A_951] : memref<3840xf32, #tpu.memory_space<vmem>> -> memref<128xf32, #tpu.memory_space<vmem>>
      %dma_wait3A_953 = arith.constant 3456 : i32
      %dma_wait3A_954 = tpu.memref_slice %arg11[%dma_wait3A_953] : memref<3840xi32, #tpu.memory_space<vmem>> -> memref<128xi32, #tpu.memory_space<vmem>>
      %dma_wait3A_955 = arith.constant 0 : i32
      %dma_wait3A_956 = tpu.memref_slice %arg17[%dma_wait3A_955] : memref<1000000xf32, #tpu.memory_space<vmem_shared>> -> memref<1000000xf32, #tpu.memory_space<vmem_shared>>
      tpu.wait_indirect_dma semaphore(%arg18 : memref<!tpu.dma_semaphore, #tpu.memory_space<semaphore_mem>>) src(%dma_wait3A_956 : memref<1000000xf32, #tpu.memory_space<vmem_shared>>) dst(%dma_wait3A_952 : memref<128xf32, #tpu.memory_space<vmem>>)
      %scan3A_957 = arith.constant 0 : i32
      %scan3A_958 = arith.constant 216 : i32
      %scan3A_959 = arith.constant 8 : i32
      %scan3A_960 = arith.addi %scan3A_958, %scan3A_959 : i32
      %scan3A_961 = arith.constant 1 : i32
      scf.for %scan3A_1000 = %scan3A_958 to %scan3A_960 step %scan3A_961  : i32 {
        %mul3A_1001 = arith.constant 16 : i32
        %mul3A_1002 = arith.muli %scan3A_1000, %mul3A_1001 : i32
        %get3A = arith.index_cast %mul3A_1002 : i32 to index
        %get3A_1003 = tpu.vector_load %arg14[%get3A] {strides = array<i32>} : memref<3840xf32, #tpu.memory_space<vmem>>, vector<16xf32>,
        %get3A_1004 = arith.index_cast %mul3A_1002 : i32 to index
        %get3A_1005 = tpu.vector_load %arg15[%get3A_1004] {strides = array<i32>} : memref<3840xf32, #tpu.memory_space<vmem>>, vector<16xf32>,
        %get3A_1006 = arith.index_cast %mul3A_1002 : i32 to index
        %get3A_1007 = tpu.vector_load %arg10[%get3A_1006] {strides = array<i32>} : memref<3840xi32, #tpu.memory_space<vmem>>, vector<16xi32>,
        %add3A_1008 = vector.broadcast %mul3A_459 : i32 to vector<16xi32>
        %add3A_1009 = arith.addi %get3A_1007, %add3A_1008 : vector<16xi32>
        %gather3A = tpu.vector_load_idx %arg12[%add3A_1009] : memref<3200xf32, #tpu.memory_space<vmem>>[vector<16xi32>], vector<16xf32>,
        %get3A_1010 = arith.index_cast %mul3A_1002 : i32 to index
        %get3A_1011 = tpu.vector_load %arg16[%get3A_1010] {strides = array<i32>} : memref<3840xf32, #tpu.memory_space<vmem>>, vector<16xf32>,
        %mul3A_1012 = arith.mulf %get3A_1003, %gather3A : vector<16xf32>
        %mul3A_1013 = arith.mulf %mul3A_1012, %get3A_1005 : vector<16xf32>
        %add3A_1014 = arith.addf %get3A_1011, %mul3A_1013 : vector<16xf32>
        %swap3A = arith.index_cast %mul3A_1002 : i32 to index
        %swap3A_1015 = tpu.vector_load %arg16[%swap3A] {strides = array<i32>} : memref<3840xf32, #tpu.memory_space<vmem>>, vector<16xf32>,
        tpu.vector_store %arg16[%swap3A], %add3A_1014 {strides = array<i32>} : memref<3840xf32, #tpu.memory_space<vmem>>, vector<16xf32>,
      }
      %scan3A_962 = arith.constant 8 : i32
      %dma_wait3A_963 = arith.constant 3584 : i32
      %dma_wait3A_964 = tpu.memref_slice %arg14[%dma_wait3A_963] : memref<3840xf32, #tpu.memory_space<vmem>> -> memref<128xf32, #tpu.memory_space<vmem>>
      %dma_wait3A_965 = arith.constant 3584 : i32
      %dma_wait3A_966 = tpu.memref_slice %arg9[%dma_wait3A_965] : memref<3840xi32, #tpu.memory_space<vmem>> -> memref<128xi32, #tpu.memory_space<vmem>>
      %dma_wait3A_967 = arith.constant 0 : i32
      %dma_wait3A_968 = tpu.memref_slice %arg17[%dma_wait3A_967] : memref<1000000xf32, #tpu.memory_space<vmem_shared>> -> memref<1000000xf32, #tpu.memory_space<vmem_shared>>
      tpu.wait_indirect_dma semaphore(%arg18 : memref<!tpu.dma_semaphore, #tpu.memory_space<semaphore_mem>>) src(%dma_wait3A_968 : memref<1000000xf32, #tpu.memory_space<vmem_shared>>) dst(%dma_wait3A_964 : memref<128xf32, #tpu.memory_space<vmem>>)
      %dma_wait3A_969 = arith.constant 3584 : i32
      %dma_wait3A_970 = tpu.memref_slice %arg15[%dma_wait3A_969] : memref<3840xf32, #tpu.memory_space<vmem>> -> memref<128xf32, #tpu.memory_space<vmem>>
      %dma_wait3A_971 = arith.constant 3584 : i32
      %dma_wait3A_972 = tpu.memref_slice %arg11[%dma_wait3A_971] : memref<3840xi32, #tpu.memory_space<vmem>> -> memref<128xi32, #tpu.memory_space<vmem>>
      %dma_wait3A_973 = arith.constant 0 : i32
      %dma_wait3A_974 = tpu.memref_slice %arg17[%dma_wait3A_973] : memref<1000000xf32, #tpu.memory_space<vmem_shared>> -> memref<1000000xf32, #tpu.memory_space<vmem_shared>>
      tpu.wait_indirect_dma semaphore(%arg18 : memref<!tpu.dma_semaphore, #tpu.memory_space<semaphore_mem>>) src(%dma_wait3A_974 : memref<1000000xf32, #tpu.memory_space<vmem_shared>>) dst(%dma_wait3A_970 : memref<128xf32, #tpu.memory_space<vmem>>)
      %scan3A_975 = arith.constant 0 : i32
      %scan3A_976 = arith.constant 224 : i32
      %scan3A_977 = arith.constant 8 : i32
      %scan3A_978 = arith.addi %scan3A_976, %scan3A_977 : i32
      %scan3A_979 = arith.constant 1 : i32
      scf.for %scan3A_1000 = %scan3A_976 to %scan3A_978 step %scan3A_979  : i32 {
        %mul3A_1001 = arith.constant 16 : i32
        %mul3A_1002 = arith.muli %scan3A_1000, %mul3A_1001 : i32
        %get3A = arith.index_cast %mul3A_1002 : i32 to index
        %get3A_1003 = tpu.vector_load %arg14[%get3A] {strides = array<i32>} : memref<3840xf32, #tpu.memory_space<vmem>>, vector<16xf32>,
        %get3A_1004 = arith.index_cast %mul3A_1002 : i32 to index
        %get3A_1005 = tpu.vector_load %arg15[%get3A_1004] {strides = array<i32>} : memref<3840xf32, #tpu.memory_space<vmem>>, vector<16xf32>,
        %get3A_1006 = arith.index_cast %mul3A_1002 : i32 to index
        %get3A_1007 = tpu.vector_load %arg10[%get3A_1006] {strides = array<i32>} : memref<3840xi32, #tpu.memory_space<vmem>>, vector<16xi32>,
        %add3A_1008 = vector.broadcast %mul3A_459 : i32 to vector<16xi32>
        %add3A_1009 = arith.addi %get3A_1007, %add3A_1008 : vector<16xi32>
        %gather3A = tpu.vector_load_idx %arg12[%add3A_1009] : memref<3200xf32, #tpu.memory_space<vmem>>[vector<16xi32>], vector<16xf32>,
        %get3A_1010 = arith.index_cast %mul3A_1002 : i32 to index
        %get3A_1011 = tpu.vector_load %arg16[%get3A_1010] {strides = array<i32>} : memref<3840xf32, #tpu.memory_space<vmem>>, vector<16xf32>,
        %mul3A_1012 = arith.mulf %get3A_1003, %gather3A : vector<16xf32>
        %mul3A_1013 = arith.mulf %mul3A_1012, %get3A_1005 : vector<16xf32>
        %add3A_1014 = arith.addf %get3A_1011, %mul3A_1013 : vector<16xf32>
        %swap3A = arith.index_cast %mul3A_1002 : i32 to index
        %swap3A_1015 = tpu.vector_load %arg16[%swap3A] {strides = array<i32>} : memref<3840xf32, #tpu.memory_space<vmem>>, vector<16xf32>,
        tpu.vector_store %arg16[%swap3A], %add3A_1014 {strides = array<i32>} : memref<3840xf32, #tpu.memory_space<vmem>>, vector<16xf32>,
      }
      %scan3A_980 = arith.constant 8 : i32
      %dma_wait3A_981 = arith.constant 3712 : i32
      %dma_wait3A_982 = tpu.memref_slice %arg14[%dma_wait3A_981] : memref<3840xf32, #tpu.memory_space<vmem>> -> memref<128xf32, #tpu.memory_space<vmem>>
      %dma_wait3A_983 = arith.constant 3712 : i32
      %dma_wait3A_984 = tpu.memref_slice %arg9[%dma_wait3A_983] : memref<3840xi32, #tpu.memory_space<vmem>> -> memref<128xi32, #tpu.memory_space<vmem>>
      %dma_wait3A_985 = arith.constant 0 : i32
      %dma_wait3A_986 = tpu.memref_slice %arg17[%dma_wait3A_985] : memref<1000000xf32, #tpu.memory_space<vmem_shared>> -> memref<1000000xf32, #tpu.memory_space<vmem_shared>>
      tpu.wait_indirect_dma semaphore(%arg18 : memref<!tpu.dma_semaphore, #tpu.memory_space<semaphore_mem>>) src(%dma_wait3A_986 : memref<1000000xf32, #tpu.memory_space<vmem_shared>>) dst(%dma_wait3A_982 : memref<128xf32, #tpu.memory_space<vmem>>)
      %dma_wait3A_987 = arith.constant 3712 : i32
      %dma_wait3A_988 = tpu.memref_slice %arg15[%dma_wait3A_987] : memref<3840xf32, #tpu.memory_space<vmem>> -> memref<128xf32, #tpu.memory_space<vmem>>
      %dma_wait3A_989 = arith.constant 3712 : i32
      %dma_wait3A_990 = tpu.memref_slice %arg11[%dma_wait3A_989] : memref<3840xi32, #tpu.memory_space<vmem>> -> memref<128xi32, #tpu.memory_space<vmem>>
      %dma_wait3A_991 = arith.constant 0 : i32
      %dma_wait3A_992 = tpu.memref_slice %arg17[%dma_wait3A_991] : memref<1000000xf32, #tpu.memory_space<vmem_shared>> -> memref<1000000xf32, #tpu.memory_space<vmem_shared>>
      tpu.wait_indirect_dma semaphore(%arg18 : memref<!tpu.dma_semaphore, #tpu.memory_space<semaphore_mem>>) src(%dma_wait3A_992 : memref<1000000xf32, #tpu.memory_space<vmem_shared>>) dst(%dma_wait3A_988 : memref<128xf32, #tpu.memory_space<vmem>>)
      %scan3A_993 = arith.constant 0 : i32
      %scan3A_994 = arith.constant 232 : i32
      %scan3A_995 = arith.constant 8 : i32
      %scan3A_996 = arith.addi %scan3A_994, %scan3A_995 : i32
      %scan3A_997 = arith.constant 1 : i32
      scf.for %scan3A_1000 = %scan3A_994 to %scan3A_996 step %scan3A_997  : i32 {
        %mul3A_1001 = arith.constant 16 : i32
        %mul3A_1002 = arith.muli %scan3A_1000, %mul3A_1001 : i32
        %get3A = arith.index_cast %mul3A_1002 : i32 to index
        %get3A_1003 = tpu.vector_load %arg14[%get3A] {strides = array<i32>} : memref<3840xf32, #tpu.memory_space<vmem>>, vector<16xf32>,
        %get3A_1004 = arith.index_cast %mul3A_1002 : i32 to index
        %get3A_1005 = tpu.vector_load %arg15[%get3A_1004] {strides = array<i32>} : memref<3840xf32, #tpu.memory_space<vmem>>, vector<16xf32>,
        %get3A_1006 = arith.index_cast %mul3A_1002 : i32 to index
        %get3A_1007 = tpu.vector_load %arg10[%get3A_1006] {strides = array<i32>} : memref<3840xi32, #tpu.memory_space<vmem>>, vector<16xi32>,
        %add3A_1008 = vector.broadcast %mul3A_459 : i32 to vector<16xi32>
        %add3A_1009 = arith.addi %get3A_1007, %add3A_1008 : vector<16xi32>
        %gather3A = tpu.vector_load_idx %arg12[%add3A_1009] : memref<3200xf32, #tpu.memory_space<vmem>>[vector<16xi32>], vector<16xf32>,
        %get3A_1010 = arith.index_cast %mul3A_1002 : i32 to index
        %get3A_1011 = tpu.vector_load %arg16[%get3A_1010] {strides = array<i32>} : memref<3840xf32, #tpu.memory_space<vmem>>, vector<16xf32>,
        %mul3A_1012 = arith.mulf %get3A_1003, %gather3A : vector<16xf32>
        %mul3A_1013 = arith.mulf %mul3A_1012, %get3A_1005 : vector<16xf32>
        %add3A_1014 = arith.addf %get3A_1011, %mul3A_1013 : vector<16xf32>
        %swap3A = arith.index_cast %mul3A_1002 : i32 to index
        %swap3A_1015 = tpu.vector_load %arg16[%swap3A] {strides = array<i32>} : memref<3840xf32, #tpu.memory_space<vmem>>, vector<16xf32>,
        tpu.vector_store %arg16[%swap3A], %add3A_1014 {strides = array<i32>} : memref<3840xf32, #tpu.memory_space<vmem>>, vector<16xf32>,
      }
      %scan3A_998 = arith.constant 8 : i32
      %barrier3A_999 = arith.constant 0 : index
      tpu.barrier barrier_id(%barrier3A_999)
    }
    %scan3A_15 = arith.constant 16 : i32
    %mul3A_16 = arith.constant 61440 : i32
    %mul3A_17 = arith.muli %arg0, %mul3A_16 : i32
    %add3A = arith.addi %mul3A_17, %mul3A_0 : i32
    "tpu.region"() ({
      %run_scoped3A = tpu.sem_alloc : memref<!tpu.dma_semaphore, #tpu.memory_space<semaphore_mem>>
      %dma_start3A = tpu.memref_slice %arg8[%add3A] : memref<122880xf32, #tpu.memory_space<hbm>> -> memref<3840xf32, #tpu.memory_space<hbm>>
      %dma_start3A_18 = tpu.memref_slice %arg8[%add3A] : memref<122880xf32, #tpu.memory_space<hbm>> -> memref<3840xf32, #tpu.memory_space<hbm>>
      tpu.enqueue_dma source(%arg16 : memref<3840xf32, #tpu.memory_space<vmem>>) target(%dma_start3A_18 : memref<3840xf32, #tpu.memory_space<hbm>>) target_semaphore(%run_scoped3A : memref<!tpu.dma_semaphore, #tpu.memory_space<semaphore_mem>>)
      %dma_wait3A = tpu.memref_slice %arg8[%add3A] : memref<122880xf32, #tpu.memory_space<hbm>> -> memref<3840xf32, #tpu.memory_space<hbm>>
      %dma_wait3A_19 = tpu.memref_slice %arg8[%add3A] : memref<122880xf32, #tpu.memory_space<hbm>> -> memref<3840xf32, #tpu.memory_space<hbm>>
      tpu.wait_dma2 semaphore(%run_scoped3A : memref<!tpu.dma_semaphore, #tpu.memory_space<semaphore_mem>>) src(%arg16 : memref<3840xf32, #tpu.memory_space<vmem>>) dst(%dma_wait3A_19 : memref<3840xf32, #tpu.memory_space<hbm>>)
      tpu.yield
    }) : () -> ()
    return
  }
}

#map = affine_map<(d0, d1) -> (0)>
module attributes {stable_mosaic.version = 14 : i64} {
  func.func @_combine_kernel(%arg0: i32, %arg1: i32, %arg2: memref<122880xf32, #tpu.memory_space<hbm>>, %arg3: memref<61440xf32, #tpu.memory_space<hbm>>, %arg4: memref<1920xf32, #tpu.memory_space<vmem>>, %arg5: memref<1920xf32, #tpu.memory_space<vmem>>) attributes {dimension_semantics = [#tpu.dimension_semantics<core_parallel>, #tpu.dimension_semantics<subcore_parallel>], iteration_bounds = array<i64: 2, 16>, scalar_prefetch = 0 : i64, scratch_operands = 2 : i64, tpu.core_type = #tpu.core_type<sc_vector_subcore>, window_params = [{transform_indices = #map}, {transform_indices = #map}]} {
    %mul3A = arith.constant 2 : i32
    %mul3A_0 = arith.muli %arg1, %mul3A : i32
    %add3A = arith.addi %mul3A_0, %arg0 : i32
    %mul3A_1 = arith.constant 1920 : i32
    %mul3A_2 = arith.muli %add3A, %mul3A_1 : i32
    "tpu.region"() ({
      %run_scoped3A = tpu.sem_alloc : memref<!tpu.dma_semaphore, #tpu.memory_space<semaphore_mem>>
      %dma_start3A = tpu.memref_slice %arg2[%mul3A_2] : memref<122880xf32, #tpu.memory_space<hbm>> -> memref<1920xf32, #tpu.memory_space<hbm>>
      %dma_start3A_10 = tpu.memref_slice %arg2[%mul3A_2] : memref<122880xf32, #tpu.memory_space<hbm>> -> memref<1920xf32, #tpu.memory_space<hbm>>
      tpu.enqueue_dma source(%dma_start3A_10 : memref<1920xf32, #tpu.memory_space<hbm>>) target(%arg4 : memref<1920xf32, #tpu.memory_space<vmem>>) target_semaphore(%run_scoped3A : memref<!tpu.dma_semaphore, #tpu.memory_space<semaphore_mem>>)
      %dma_wait3A = tpu.memref_slice %arg2[%mul3A_2] : memref<122880xf32, #tpu.memory_space<hbm>> -> memref<1920xf32, #tpu.memory_space<hbm>>
      %dma_wait3A_11 = tpu.memref_slice %arg2[%mul3A_2] : memref<122880xf32, #tpu.memory_space<hbm>> -> memref<1920xf32, #tpu.memory_space<hbm>>
      tpu.wait_dma2 semaphore(%run_scoped3A : memref<!tpu.dma_semaphore, #tpu.memory_space<semaphore_mem>>) src(%dma_wait3A_11 : memref<1920xf32, #tpu.memory_space<hbm>>) dst(%arg4 : memref<1920xf32, #tpu.memory_space<vmem>>)
      tpu.yield
    }) : () -> ()
    %add3A_3 = arith.constant 61440 : i32
    %add3A_4 = arith.addi %add3A_3, %mul3A_2 : i32
    "tpu.region"() ({
      %run_scoped3A = tpu.sem_alloc : memref<!tpu.dma_semaphore, #tpu.memory_space<semaphore_mem>>
      %dma_start3A = tpu.memref_slice %arg2[%add3A_4] : memref<122880xf32, #tpu.memory_space<hbm>> -> memref<1920xf32, #tpu.memory_space<hbm>>
      %dma_start3A_10 = tpu.memref_slice %arg2[%add3A_4] : memref<122880xf32, #tpu.memory_space<hbm>> -> memref<1920xf32, #tpu.memory_space<hbm>>
      tpu.enqueue_dma source(%dma_start3A_10 : memref<1920xf32, #tpu.memory_space<hbm>>) target(%arg5 : memref<1920xf32, #tpu.memory_space<vmem>>) target_semaphore(%run_scoped3A : memref<!tpu.dma_semaphore, #tpu.memory_space<semaphore_mem>>)
      %dma_wait3A = tpu.memref_slice %arg2[%add3A_4] : memref<122880xf32, #tpu.memory_space<hbm>> -> memref<1920xf32, #tpu.memory_space<hbm>>
      %dma_wait3A_11 = tpu.memref_slice %arg2[%add3A_4] : memref<122880xf32, #tpu.memory_space<hbm>> -> memref<1920xf32, #tpu.memory_space<hbm>>
      tpu.wait_dma2 semaphore(%run_scoped3A : memref<!tpu.dma_semaphore, #tpu.memory_space<semaphore_mem>>) src(%dma_wait3A_11 : memref<1920xf32, #tpu.memory_space<hbm>>) dst(%arg5 : memref<1920xf32, #tpu.memory_space<vmem>>)
      tpu.yield
    }) : () -> ()
    %scan3A = arith.constant 0 : i32
    %scan3A_5 = arith.constant 0 : i32
    %scan3A_6 = arith.constant 120 : i32
    %scan3A_7 = arith.addi %scan3A_5, %scan3A_6 : i32
    %scan3A_8 = arith.constant 1 : i32
    scf.for %scan3A_10 = %scan3A_5 to %scan3A_7 step %scan3A_8  : i32 {
      %mul3A_11 = arith.constant 16 : i32
      %mul3A_12 = arith.muli %scan3A_10, %mul3A_11 : i32
      %get3A = arith.index_cast %mul3A_12 : i32 to index
      %get3A_13 = tpu.vector_load %arg4[%get3A] {strides = array<i32>} : memref<1920xf32, #tpu.memory_space<vmem>>, vector<16xf32>,
      %get3A_14 = arith.index_cast %mul3A_12 : i32 to index
      %get3A_15 = tpu.vector_load %arg5[%get3A_14] {strides = array<i32>} : memref<1920xf32, #tpu.memory_space<vmem>>, vector<16xf32>,
      %add3A_16 = arith.addf %get3A_13, %get3A_15 : vector<16xf32>
      %swap3A = arith.index_cast %mul3A_12 : i32 to index
      %swap3A_17 = tpu.vector_load %arg4[%swap3A] {strides = array<i32>} : memref<1920xf32, #tpu.memory_space<vmem>>, vector<16xf32>,
      tpu.vector_store %arg4[%swap3A], %add3A_16 {strides = array<i32>} : memref<1920xf32, #tpu.memory_space<vmem>>, vector<16xf32>,
    }
    %scan3A_9 = arith.constant 120 : i32
    "tpu.region"() ({
      %run_scoped3A = tpu.sem_alloc : memref<!tpu.dma_semaphore, #tpu.memory_space<semaphore_mem>>
      %dma_start3A = tpu.memref_slice %arg3[%mul3A_2] : memref<61440xf32, #tpu.memory_space<hbm>> -> memref<1920xf32, #tpu.memory_space<hbm>>
      %dma_start3A_10 = tpu.memref_slice %arg3[%mul3A_2] : memref<61440xf32, #tpu.memory_space<hbm>> -> memref<1920xf32, #tpu.memory_space<hbm>>
      tpu.enqueue_dma source(%arg4 : memref<1920xf32, #tpu.memory_space<vmem>>) target(%dma_start3A_10 : memref<1920xf32, #tpu.memory_space<hbm>>) target_semaphore(%run_scoped3A : memref<!tpu.dma_semaphore, #tpu.memory_space<semaphore_mem>>)
      %dma_wait3A = tpu.memref_slice %arg3[%mul3A_2] : memref<61440xf32, #tpu.memory_space<hbm>> -> memref<1920xf32, #tpu.memory_space<hbm>>
      %dma_wait3A_11 = tpu.memref_slice %arg3[%mul3A_2] : memref<61440xf32, #tpu.memory_space<hbm>> -> memref<1920xf32, #tpu.memory_space<hbm>>
      tpu.wait_dma2 semaphore(%run_scoped3A : memref<!tpu.dma_semaphore, #tpu.memory_space<semaphore_mem>>) src(%arg4 : memref<1920xf32, #tpu.memory_space<vmem>>) dst(%dma_wait3A_11 : memref<1920xf32, #tpu.memory_space<hbm>>)
      tpu.yield
    }) : () -> ()
    return
  }
}

</mosaic_0001>

<sc_bundles>
// kernel: kernel.4.cloned.1.call-start
scs
__scs_entry_jumppad:
0x0: {  	(pc) =	sbr.rel $0x88, $3  }
0x1: {  	(tag) =	ssettag $0x0;
	lr =	simm.s32 $0x1  }
0x2: {  	[smem:$0x3F9C] =	sst lr;
	_ =	strace $0xD0000000  }
0x3: {  	_ = 	snop  }
0x4: {  	_ = 	snop  }
0x5: {  	_ = 	snop  }
0x6: {  	_ = 	snop  }
0x7: {  	_ = 	snop  }
__scs_overlays_trampoline_lowered:
0x8: {  	[smem:$0x3FAB] =	sst s0  }
0x9: {  	[smem:$0x3FAC] =	sst s1  }
0xa: {  	[smem:$0x3FAD] =	sst s2  }
0xb: {  	[smem:$0x3FAE] =	sst s3  }
0xc: {  	[smem:$0x3FAF] =	sst s4  }
0xd: {  	[smem:$0x3FB0] =	sst s5  }
0xe: {  	[smem:$0x3FB1] =	sst s6  }
0xf: {  	[smem:$0x3FB2] =	sst s7  }
0x10: {  	[smem:$0x3FB3] =	sst s8  }
0x11: {  	[smem:$0x3FB4] =	sst s9;
	s0 =	simm.s32 @!p0 $0x0  }
0x12: {  	s1 =	sld [smem:$0x3F9A];
	s0 =	simm.s32 @p0 $0x1  }
0x13: {  	[smem:$0x3FB5] =	sst s0;
	s0 =	simm.s32 @!p1 $0x0  }
0x14: {  	s2 =	sld [smem:$0x3F99];
	s0 =	simm.s32 @p1 $0x1  }
0x15: {  	[smem:$0x3FB6] =	sst s0;
	s0 =	simm.s32 @!p2 $0x0  }
0x16: {  	s3 =	sld [smem:$0x3FDB];
	s0 =	simm.s32 @p2 $0x1  }
0x17: {  	s4 =	simm.s32 $0x1BF5;
	[smem:$0x3FB8] =	sst s0  }
0x18: {  	s0 =	sld [smem:$0x3F9B];
	_ =	swait.ge [sflag:s4], $0x0  }
0x19: {  	s7 =	sld [smem:$0x3F9C]  }
0x1a: {  	s8 =	sadd.s32 $0xFFFFE003, lr  }
0x1b: {  	s9 =	sadd.s32 $0xFFFFFEF7, lr;
	s5 =	simm.s32 $0xFFFFFFFF;
	p2 =	slt.u32 s8, $0xFFFFF086  }
0x1c: {  	p1 =	slt.u32 s9, $0xF7A;
	s5 =	simm.s32 @!p2 $0x0  }
0x1d: {  	s5 =	simm.s32 @p1 $0x1;
	p0 =	seq.s32 s7, s2  }
0x1e: {  	s7 =	smul.u32 @!p0 $0xF7A, s2;
	p2 =	seq.s32 @!p0 s5, $0x0  }
0x1f: {  	s9 =	smul.u32 $0xF7A, s1;
	s8 =	simm.s32 @!p0 $0x1BF5;
	p2 =	por !p2, p0  }
0x20: {  	[sflag:s8] =	ssyncset.s32 @!p0 $0xFFFFF086;
	s6 =	sadd.s32 @!p0 s3, s7;
	s7 =	simm.s32 @!p0 $0x108  }
0x21: {  	s3 =	sadd.s32 s3, s9;
	s6 =	sadd.s32 @!p0 $0x88, s6;
	s7 =	simm.s32 @p2 $0x1082  }
0x22: {  	[simem:s7], [sflag:s8] =	dma.local @!p0 [hbm:s6], $0xF7A  }
0x23: {  	s9 =	sor.u32 $0xD0000000, s2;
	s6 =	simm.s32 $0x108;
	_ =	swait.ge @!p0 [sflag:s8], $0x0  }
0x24: {  	s3 =	sadd.s32 $0x88, s3;
	s6 =	simm.s32 @!p1 $0x1082;
	[sflag:s4] =	ssyncset.s32 $0xFFFFF086  }
0x25: {  	[simem:s6], [sflag:s4] =	dma.local [hbm:s3], $0xF7A  }
0x26: {  	[smem:$0x3F9C] =	sst s1;
	(tag) =	ssettag s2;
	_ =	strace s9  }
0x27: {  	s1 =	sld [smem:$0x3FAC]  }
0x28: {  	s2 =	sld [smem:$0x3FAD]  }
0x29: {  	s4 =	sld [smem:$0x3FAF]  }
0x2a: {  	p0 =	seq.s32 s5, $0x0;
	s5 =	sld [smem:$0x3FB0]  }
0x2b: {  	s6 =	sld [smem:$0x3FB1]  }
0x2c: {  	s7 =	sld [smem:$0x3FB2]  }
0x2d: {  	s3 =	simm.s32 $0x108;
	s8 =	sld [smem:$0x3FB3]  }
0x2e: {  	s3 =	simm.s32 @!p0 $0x1082;
	s9 =	sld [smem:$0x3FB4]  }
0x2f: {  	lr =	sadd.s32 s0, s3;
	s0 =	sld [smem:$0x3FAB]  }
0x30: {  	s3 =	sld [smem:$0x3FAE]  }
0x31: {  	[smem:$0x3FB7] =	sst s10  }
0x32: {  	s10 =	sld [smem:$0x3FB5];
	_ =	sdelay $0x3  }
0x33: {  	p0 =	seq.s32 s10, $0x1;
	s10 =	sld [smem:$0x3FB7];
	_ =	sdelay $0x3  }
0x34: {  	[smem:$0x3FB7] =	sst s10  }
0x35: {  	s10 =	sld [smem:$0x3FB6];
	_ =	sdelay $0x3  }
0x36: {  	p1 =	seq.s32 s10, $0x1;
	s10 =	sld [smem:$0x3FB7];
	_ =	sdelay $0x3  }
0x37: {  	[smem:$0x3FB7] =	sst s10  }
0x38: {  	s10 =	sld [smem:$0x3FB8]  }
0x39: {  	_ = 	snop;
	(pc) =	sbr.ind lr, $3  }
0x3a: {  	_ = 	snop  }
0x3b: {  	_ = 	snop  }
0x3c: {  	p2 =	seq.s32 s10, $0x1;
	s10 =	sld [smem:$0x3FB7]  }
0x3d: {  	_ =	shalt  }
0x3e: {  	_ =	shalt  }
0x3f: {  	_ =	shalt  }
0x40: {  	_ =	shalt  }
0x41: {  	_ =	shalt  }
0x42: {  	_ =	shalt  }
0x43: {  	_ =	shalt  }
0x44: {  	_ =	shalt  }
0x45: {  	_ =	shalt  }
0x46: {  	_ =	shalt  }
0x47: {  	_ =	shalt  }
0x48: {  	_ =	shalt  }
0x49: {  	_ =	shalt  }
0x4a: {  	_ =	shalt  }
0x4b: {  	_ =	shalt  }
0x4c: {  	_ =	shalt  }
0x4d: {  	_ =	shalt  }
0x4e: {  	_ =	shalt  }
0x4f: {  	_ =	shalt  }
0x50: {  	_ =	shalt  }
0x51: {  	_ =	shalt  }
0x52: {  	_ =	shalt  }
0x53: {  	_ =	shalt  }
0x54: {  	_ =	shalt  }
0x55: {  	_ =	shalt  }
0x56: {  	_ =	shalt  }
0x57: {  	_ =	shalt  }
0x58: {  	_ =	shalt  }
0x59: {  	_ =	shalt  }
0x5a: {  	_ =	shalt  }
0x5b: {  	_ =	shalt  }
0x5c: {  	_ =	shalt  }
0x5d: {  	_ =	shalt  }
0x5e: {  	_ =	shalt  }
0x5f: {  	_ =	shalt  }
0x60: {  	_ =	shalt  }
0x61: {  	_ =	shalt  }
0x62: {  	_ =	shalt  }
0x63: {  	_ =	shalt  }
0x64: {  	_ =	shalt  }
0x65: {  	_ =	shalt  }
0x66: {  	_ =	shalt  }
0x67: {  	_ =	shalt  }
0x68: {  	_ =	shalt  }
0x69: {  	_ =	shalt  }
0x6a: {  	_ =	shalt  }
0x6b: {  	_ =	shalt  }
0x6c: {  	_ =	shalt  }
0x6d: {  	_ =	shalt  }
0x6e: {  	_ =	shalt  }
0x6f: {  	_ =	shalt  }
0x70: {  	_ =	shalt  }
0x71: {  	_ =	shalt  }
0x72: {  	_ =	shalt  }
0x73: {  	_ =	shalt  }
0x74: {  	_ =	shalt  }
0x75: {  	_ =	shalt  }
0x76: {  	_ =	shalt  }
0x77: {  	_ =	shalt  }
0x78: {  	_ =	shalt  }
0x79: {  	_ =	shalt  }
0x7a: {  	_ =	shalt  }
0x7b: {  	_ =	shalt  }
0x7c: {  	_ =	shalt  }
0x7d: {  	_ =	shalt  }
0x7e: {  	_ =	shalt  }
0x7f: {  	_ =	shalt  }
0x80: {  	_ =	shalt  }
0x81: {  	_ =	shalt  }
0x82: {  	_ =	shalt  }
0x83: {  	_ =	shalt  }
0x84: {  	_ =	shalt  }
0x85: {  	_ =	shalt  }
0x86: {  	_ =	shalt  }
0x87: {  	_ =	shalt  }
.Lfunc_end0:
.L_simem_size_0:
called_computation_lowered:
.L_overlay_start_0:
0x88: {  	s2 =	sld [smem:$0x3FD9]  }
0x89: {  	s3 =	sld [smem:$0x3FFE];
	_ =	sdelay $0x1  }
0x8a: {  	s1 =	srdreg.scid  }
0x8b: {  	s0 =	sand.u32 $0x1, s1  }
0x8c: {  	s17 =	sshll.u32 s0, $0xA;
	s2 =	sadd.s32 s3, s2  }
0x8d: {  	s2 =	sadd.s32 s2, s17  }
0x8e: {  	[smem:$0x3FC3] =	sst s2  }
0x8f: {  	_ = 	snop  }
0x90: {  	s2 =	sld [smem:$0x3FC6]  }
0x91: {  	s18 =	sld [smem:$0x3FD0];
	(tm) =	ssettm $0x1  }
0x92: {  	s4 =	sld [smem:$0x3FFB];
	_ =	sdelay $0x3  }
0x93: {  	_ =	strace s4  }
0x94: {  	s4 =	sld [smem:$0x3FFC];
	_ =	sdelay $0x3  }
0x95: {  	_ =	strace s4  }
0x96: {  	s4 =	sld [smem:$0x3FFD];
	_ =	sdelay $0x3  }
0x97: {  	_ =	strace s4  }
0x98: {  	_ =	strace $0x8FFFFFFF  }
0x99: {  	s19 =	sld [smem:$0x3FDB];
	_ =	sdelay $0x1  }
0x9a: {  	s5 =	simm.s32 $_scs_section_size  }
0x9b: {  	s6 =	simm.s32 $_size__tile_overlayer_lowered;
	s7 =	simm.s32 $_tile_overlayer_lowered  }
0x9c: {  	s22 =	simm.s32 $0x1BFF;
	s21 =	sshll.u32 s7, $0x1;
	s4 =	sadd.s32 s5, s19  }
0x9d: {  	s8 =	simm.s32 $0x0;
	s20 =	sshll.u32 s6, $0x1;
	s6 =	sadd.s32 s21, s4  }
0x9e: {  	[timem:s8], [sflag:s22] =	dma.local [hbm:s6], s20  }
0x9f: {  	_ =	swait.ge [sflag:s22], s20  }
0xa0: {  	s5 =	ssub.s32 $0x0, s20;
	[sflag:s22] =	ssyncset.done $0x0  }
0xa1: {  	[sflag:s22] =	ssyncadd.s32 s5;
	_ =	sdelay $0x1  }
0xa2: {  	s23 =	simm.s32 $0x1B8B  }
0xa3: {  	_ =	swait.ge [sflag:s23], $0x1  }
0xa4: {  	[sflag:s23] =	ssyncset.done $0x0  }
0xa5: {  	s25 =	simm.s32 $0x1B8E;
	s24 =	sld [smem:$0x3FFE];
	[sflag:s23] =	ssyncadd.s32 $0xFFFFFFFF  }
0xa6: {  	s26 =	simm.s32 $execute0_lowered;
	[smem:$0x3FD2] =	sst s25  }
0xa7: {  	s6 =	sshll.u32 s26, $0x1;
	_ =	strace $0x80000046;
	[dreg:$0x1] =	wrdreg $0xFFFFFFFF  }
0xa8: {  	s28 =	simm.s32 $_size_execute0_lowered;
	s4 =	sadd.s32 s4, s6;
	[dreg:$0x0] =	wrdreg $0x0  }
0xa9: {  	s6 =	sshll.u32 s28, $0x1;
	[dreg:$0x2] =	wrdreg s4  }
0xaa: {  	[dreg:$0x3] =	wrdreg s6  }
0xab: {  	[dreg:$0x4] =	wrdreg $0xC0  }
0xac: {  	_ =	task [dreg:s8], $0x5FFFF  }
0xad: {  	[dreg:$0x1] =	wrdreg $0xFFFFFFFF  }
0xae: {  	[dreg:$0x0] =	wrdreg $0x60  }
0xaf: {  	[dreg:$0x2] =	wrdreg s24  }
0xb0: {  	[dreg:$0x3] =	wrdreg s2  }
0xb1: {  	[dreg:$0x4] =	wrdreg s18  }
0xb2: {  	[dreg:$0x5] =	wrdreg $0x6A800  }
0xb3: {  	[dreg:$0x6] =	wrdreg $0x9  }
0xb4: {  	_ =	task.clear_ibuf [dreg:s8], $0x7FFFF;
	_ =	strace $0x90000046  }
0xb5: {  	s29 =	simm.s32 $0x9;
	_ =	strace $0x80000048  }
0xb6: {  	_ =	swait.ge [sflag:s29], $0x1  }
0xb7: {  	[sflag:s29] =	ssyncadd.s32 $0xFFFFFFFF  }
0xb8: {  	_ =	strace $0x90000048  }
0xb9: {  	_ =	sfence  }
0xba: {  	s30 =	sld [smem:$0x0];
	_ =	sdelay $0x2  }
0xbb: {  	s31 =	sshll.u32 s1, $0xD;
	s1 =	sshrl.u32 s1, $0x2  }
0xbc: {  	s3 =	sand.u32 $0x4000, s31;
	s1 =	sadd.s32 s1, s30  }
0xbd: {  	s0 =	sor.u32 s3, s0;
	s1 =	sshll.u32 s1, $0x11  }
0xbe: {  	s0 =	sor.u32 s1, s0  }
0xbf: {  	s0 =	sadd.s32 $0x8F2B, s0  }
0xc0: {  	[sflag:s0] =	ssyncadd.remote.s32 $0x1  }
0xc1: {  	_ =	sfence.sel $0xFFFF  }
0xc2: {  	[dreg:$0x0] =	wrdreg $0xFFFFFFFF;
	(pc) =	sbr.abs _section_cstart, $3  }
0xc3: {  	[dreg:$0x1] =	wrdreg $0xFFFFFFFF  }
0xc4: {  	_ =	task.clear_ibuf [dreg:s8], $0x2FFFF;
	_ =	strace $0x9FFFFFFF  }
0xc5: {  	(tm) =	ssettm $0x7FFFFFFF  }
tec
execute0_lowered:
.L_overlay_start_1:
0x0: {  	(tag) =	ssettag $0x1  }
0x1: {  	s17 =	stileid.u32  }
0x2: {  	p0 =	sgt.s32 s17, $0x1  }
0x3: {  	p1 =	seq.s32 @p0 s17, $0x2  }
0x4: {  	p2 =	por !p1, !p0  }
0x5: {  	s1 =	simm.s32 @!p2 $0x0  }
0x6: {  	p1 =	por p1, !p0;
	s1 =	simm.s32 @p2 $0x1  }
0x7: {  	p2 =	seq.s32 @!p0 s17, $0x0;
	[smem:$0x7F2] =	sst s1;
	s1 =	simm.s32 @!p1 $0x0  }
0x8: {  	s1 =	simm.s32 @p1 $0x1;
	p1 =	por !p2, p0  }
0x9: {  	[smem:$0x7F3] =	sst s1;
	s1 =	simm.s32 @!p1 $0x0  }
0xa: {  	p0 =	por p2, p0;
	s1 =	simm.s32 @p1 $0x1  }
0xb: {  	p1 =	sgt.s32 s17, $0x5;
	[smem:$0x7F1] =	sst s1;
	s1 =	simm.s32 @!p0 $0x0  }
0xc: {  	s1 =	simm.s32 @p0 $0x1;
	p0 =	seq.s32 @p1 s17, $0x6  }
0xd: {  	p3 =	por !p0, !p1  }
0xe: {  	[smem:$0x7F4] =	sst s1;
	s1 =	simm.s32 @!p3 $0x0  }
0xf: {  	s0 =	rddreg [dreg:$0x0];
	p0 =	por p0, !p1;
	s1 =	simm.s32 @p3 $0x1  }
0x10: {  	p2 =	seq.s32 @!p1 s17, $0x4;
	[smem:$0x7F5] =	sst s1;
	s1 =	simm.s32 @!p0 $0x0  }
0x11: {  	s3 =	rddreg [dreg:$0x3];
	s1 =	simm.s32 @p0 $0x1;
	p0 =	por !p2, p1  }
0x12: {  	s5 =	simm.s32 $0x0;
	[smem:$0x7F6] =	sst s1;
	s1 =	simm.s32 @!p0 $0x0  }
0x13: {  	s28 =	srdreg.scid;
	s1 =	simm.s32 @p0 $0x1;
	p0 =	por p2, p1  }
0x14: {  	s31 =	simm.s32 $0x4A80;
	[smem:$0x7F7] =	sst s1;
	s1 =	simm.s32 @!p0 $0x0  }
0x15: {  	[smem:$0x7FF] =	sst s5;
	s1 =	simm.s32 @p0 $0x1;
	p0 =	sgt.s32 s17, $0x9  }
0x16: {  	s2 =	smul.u32 $0xF00, s17;
	s9 =	sadd.s32 $0x82000, s3;
	p1 =	seq.s32 @p0 s17, $0xA  }
0x17: {  	s10 =	sadd.s32 $0x71C00, s3;
	s11 =	sadd.s32 $0x61800, s3;
	p3 =	por !p1, !p0  }
0x18: {  	s6 =	sshrl.u32 s2, $0x3;
	[smem:$0x7F8] =	sst s1;
	s1 =	simm.s32 @!p3 $0x0  }
0x19: {  	s6 =	sadd.s32 s6, s0;
	p1 =	por p1, !p0;
	s1 =	simm.s32 @p3 $0x1  }
0x1a: {  	s12 =	sadd.s32 $0xA00, s6;
	[smem:$0x7F9] =	sst s1;
	s1 =	simm.s32 @!p1 $0x0  }
0x1b: {  	s13 =	sadd.s32 $0x2800, s6;
	s14 =	sadd.s32 $0x4600, s6;
	s1 =	simm.s32 @p1 $0x1  }
0x1c: {  	s6 =	sadd.s32 $0xB2C00, s3;
	p2 =	seq.s32 @!p0 s17, $0x8;
	[smem:$0x7FA] =	sst s1  }
0x1d: {  	p4 =	por p2, p0;
	_ =	strace $0x80000047;
	[dreg:$0x5] =	wrdreg s12  }
0x1e: {  	p3 =	por !p2, p0;
	s1 =	sand.u32 $0x1, s28;
	[dreg:$0x6] =	wrdreg s13  }
0x1f: {  	p2 =	sgt.s32 s17, $0xD;
	[dreg:$0x7] =	wrdreg s14;
	s16 =	sshll.u32 s1, $0x4  }
0x20: {  	p0 =	seq.s32 @p2 s17, $0xE;
	p1 =	seq.s32 @!p2 s17, $0xC;
	[dreg:$0x9] =	wrdreg s16  }
0x21: {  	p5 =	por !p0, !p2;
	p6 =	por p0, !p2;
	s20 =	sld [smem:$0x7F2]  }
0x22: {  	p0 =	por !p1, p2;
	p2 =	por p1, p2;
	s21 =	sld [smem:$0x7F3]  }
0x23: {  	s4 =	smul.u32 $0xF000, s1;
	s29 =	ssub.s32 $0x2, s1;
	s22 =	sld [smem:$0x7F4]  }
0x24: {  	s7 =	sshll.u32 s1, $0x7;
	s12 =	sadd.s32 $0x51400, s3;
	s23 =	sld [smem:$0x7F5]  }
0x25: {  	s13 =	sadd.s32 $0x41000, s3;
	s14 =	sadd.s32 $0x30C00, s3;
	s24 =	sld [smem:$0x7F6]  }
0x26: {  	s19 =	smul.u32 $0x640, s1;
	s1 =	sadd.s32 $0xC3000, s3;
	s25 =	sld [smem:$0x7F7]  }
0x27: {  	s8 =	sshrl.u32 s29, $0x1;
	s7 =	sadd.s32 s7, s0;
	s26 =	sld [smem:$0x7F8]  }
0x28: {  	s16 =	sadd.s32 $0x10400, s3;
	s28 =	sld [smem:$0x7F9];
	s1 =	sshrl.u32 @!p0 s1, $0x3  }
0x29: {  	s2 =	sadd.s32 s2, s4;
	s30 =	ssub.s32 s29, s8;
	[dreg:$0xc] =	wrdreg s19  }
0x2a: {  	s15 =	sadd.s32 $0x800, s7;
	s4 =	sadd.s32 $0xE3800, s3;
	s29 =	sld [smem:$0x7FA]  }
0x2b: {  	s7 =	sadd.s32 $0xA2800, s3;
	s8 =	sadd.s32 $0x92400, s3;
	[dreg:$0x1a] =	wrdreg s1  }
0x2c: {  	s1 =	simm.s32 $0x2B00;
	s2 =	sshrl.u32 s2, $0x3;
	[dreg:$0x8] =	wrdreg s15  }
0x2d: {  	s15 =	sadd.s32 $0x20800, s3;
	s18 =	smax.u32 s30, $0x1;
	s30 =	sadd.s32 $0xF4200, s3  }
0x2e: {  	s0 =	sadd.s32 s2, s0;
	[dreg:$0xb] =	wrdreg s18;
	p1 =	seq.s32 s20, $0x1  }
0x2f: {  	[dreg:$0x1c] =	wrdreg s30;
	s20 =	simm.s32 $0x2;
	s0 =	sadd.s32 $0x6400, s0  }
0x30: {  	[dreg:$0xa] =	wrdreg s0;
	s0 =	sshrl.u32 @!p1 s15, $0x3;
	p1 =	seq.s32 s21, $0x1  }
0x31: {  	[dreg:$0xd] =	wrdreg s0;
	s0 =	sshrl.u32 @!p1 s14, $0x3;
	p1 =	seq.s32 s22, $0x1  }
0x32: {  	[dreg:$0xe] =	wrdreg s0;
	s0 =	sshrl.u32 @!p1 s16, $0x3;
	p1 =	seq.s32 s23, $0x1  }
0x33: {  	[dreg:$0xf] =	wrdreg s0;
	s0 =	sshrl.u32 @!p1 s11, $0x3;
	p1 =	seq.s32 s24, $0x1  }
0x34: {  	[dreg:$0x10] =	wrdreg s0;
	s0 =	sshrl.u32 @!p1 s10, $0x3;
	p1 =	seq.s32 s25, $0x1  }
0x35: {  	[dreg:$0x11] =	wrdreg s0;
	s0 =	sshrl.u32 @!p1 s13, $0x3;
	p1 =	seq.s32 s26, $0x1  }
0x36: {  	[dreg:$0x12] =	wrdreg s0;
	s0 =	sshrl.u32 @!p1 s12, $0x3;
	p1 =	seq.s32 s28, $0x1  }
0x37: {  	[dreg:$0x13] =	wrdreg s0;
	s0 =	sshrl.u32 @!p1 s7, $0x3;
	p1 =	seq.s32 s29, $0x1  }
0x38: {  	s2 =	simm.s32 $0x2D00;
	[dreg:$0x14] =	wrdreg s0;
	s0 =	sshrl.u32 @!p1 s6, $0x3  }
0x39: {  	s18 =	simm.s32 $0x1;
	[dreg:$0x15] =	wrdreg s0;
	s0 =	sshrl.u32 @!p3 s9, $0x3  }
0x3a: {  	s15 =	simm.s32 $0xE80;
	[dreg:$0x16] =	wrdreg s0;
	s0 =	sshrl.u32 @!p4 s8, $0x3  }
0x3b: {  	s21 =	simm.s32 $0x0;
	[dreg:$0x17] =	wrdreg s0;
	s0 =	sshrl.u32 @!p5 s4, $0x3  }
0x3c: {  	s14 =	simm.s32 $0x5A80;
	[dreg:$0x18] =	wrdreg s0;
	s0 =	sadd.s32 $0xF3C00, s3  }
0x3d: {  	s16 =	simm.s32 $0x2C80;
	s11 =	simm.s32 $0x5A00;
	s0 =	sshrl.u32 @!p6 s0, $0x3  }
0x3e: {  	s10 =	simm.s32 $0x4B80;
	[dreg:$0x19] =	wrdreg s0;
	s0 =	sadd.s32 $0xD3400, s3  }
0x3f: {  	s13 =	simm.s32 $0x2C00;
	p1 =	sgt.s32 s17, $0x7;
	s0 =	sshrl.u32 @!p2 s0, $0x3  }
0x40: {  	s12 =	simm.s32 $0xE00;
	[dreg:$0x1b] =	wrdreg s0;
	s0 =	simm.s32 @!p1 $0x0  }
0x41: {  	s7 =	simm.s32 $0xD80;
	s0 =	simm.s32 @p1 $0x1;
	p1 =	sgt.s32 s17, $0x3  }
.Ltmp0:
0x42: {  	[smem:$0x7FB] =	sst s0;
	s0 =	simm.s32 @!p1 $0x0;
	(pc) =	sbr.rel .LBB2_1-.Ltmp0, $4  }
0x43: {  	s6 =	simm.s32 $0x5980;
	s0 =	simm.s32 @p1 $0x1;
	p1 =	sgt.s32 s17, $0xB  }
0x44: {  	s9 =	simm.s32 $0x2B80;
	[smem:$0x7FC] =	sst s0;
	s0 =	simm.s32 @!p1 $0x0  }
0x45: {  	s8 =	simm.s32 $0x4B00;
	s4 =	simm.s32 $0x80;
	s0 =	simm.s32 @p1 $0x1  }
0x46: {  	v0 =	vimm.f32 $0.0e+00;
	s17 =	simm.s32 $0x5B00;
	[smem:$0x7FD] =	sst s0;
	s0 =	simm.s32 $0x4C00  }
.LBB2_12:
0x47: {  	s19 =	rddreg [dreg:$0xa];
	s20 =	simm.s32 $0x5B80  }
0x48: {  	[hbm4b:s19+s5] =	stream.linear.scatter [tilespmem:s20], [sflag:$0x2], $0xF00, $0x38;
	[tilespmem:$0x15EA8] =	vst v63  }
0x49: {  	s20 =	simm.s32 $0x2  }
0x4a: {  	_ =	swait.ge [sflag:s20], $0xF00  }
0x4b: {  	s21 =	rddreg [dreg:$0x1d]  }
0x4c: {  	s30 =	rddreg [dreg:$0xb];
	s21 =	sadd.s32 $0x1, s21  }
0x4d: {  	p1 =	sne.s32 s21, s30  }
.Ltmp1:
0x4e: {  	_ = 	snop;
	(pc) =	sbr.rel @!p1 .LBB2_13-.Ltmp1, $3  }
0x4f: {  	_ =	sdelay $0x1  }
0x50: {  	[sflag:s20] =	ssyncset.done $0x0  }
0x51: {  	[sflag:s20] =	ssyncadd.s32 $0xFFFFF100  }
.LBB2_1:
0x52: {  	[dreg:$0x1d] =	wrdreg s21  }
0x53: {  	s19 =	rddreg [dreg:$0x5]  }
0x54: {  	[tilespmem:s5], [sflag:$0x2] =	stream.linear.gather [hbm4b:s19+s5], $0xF00, $0x38;
	[tilespmem:$0x15EA8] =	vst v63  }
0x55: {  	_ =	swait.ge [sflag:s20], $0xF00  }
0x56: {  	[sflag:s20] =	ssyncset.done $0x0  }
0x57: {  	s24 =	simm.s32 $0xF00;
	s23 =	rddreg [dreg:$0x6];
	[sflag:s20] =	ssyncadd.s32 $0xFFFFF100  }
0x58: {  	[tilespmem:s24], [sflag:$0x2] =	stream.linear.gather [hbm4b:s23+s5], $0xF00, $0x38;
	[tilespmem:$0x15EA8] =	vst v63  }
0x59: {  	_ =	swait.ge [sflag:s20], $0xF00  }
0x5a: {  	[sflag:s20] =	ssyncset.done $0x0  }
0x5b: {  	s26 =	simm.s32 $0x1E00;
	s25 =	rddreg [dreg:$0x7];
	[sflag:s20] =	ssyncadd.s32 $0xFFFFF100  }
0x5c: {  	[tilespmem:s26], [sflag:$0x2] =	stream.linear.gather [hbm4b:s25+s5], $0xF00, $0x38;
	[tilespmem:$0x15EA8] =	vst v63  }
0x5d: {  	_ =	swait.ge [sflag:s20], $0xF00  }
0x5e: {  	[sflag:s20] =	ssyncset.done $0x0  }
0x5f: {  	[sflag:s20] =	ssyncadd.s32 $0xFFFFF100  }
0x60: {  	s28 =	rddreg [dreg:$0x2]  }
0x61: {  	[tilespmem:s2], [sflag:$0x2] =	stream.linear.gather [hbm4b:s28+s5], $0xC80, $0x38;
	[tilespmem:$0x15EA8] =	vst v63  }
0x62: {  	_ =	swait.ge [sflag:s20], $0xC80  }
0x63: {  	[sflag:s20] =	ssyncset.done $0x0  }
0x64: {  	s30 =	simm.s32 $0x3980;
	s29 =	rddreg [dreg:$0x8];
	[sflag:s20] =	ssyncadd.s32 $0xFFFFF380  }
0x65: {  	[tilespmem:s30], [sflag:$0x2] =	stream.linear.gather [hbm4b:s29+s5], $0x400, $0x38;
	[tilespmem:$0x15EA8] =	vst v63  }
0x66: {  	_ =	swait.ge [sflag:s20], $0x400  }
0x67: {  	[sflag:s20] =	ssyncset.done $0x0  }
0x68: {  	s19 =	simm.s32 $0x0;
	[sflag:s20] =	ssyncadd.s32 $0xFFFFFC00  }
.LBB2_2:
0x69: {  	p1 =	sne.s32 s19, $0x3BC0  }
.Ltmp2:
0x6a: {  	_ = 	snop;
	(pc) =	sbr.rel @p1 .LBB2_2-.Ltmp2, $3  }
0x6b: {  	_ =	sdelay $0x1  }
0x6c: {  	s20 =	sshra.s32 s19, $0x2  }
0x6d: {  	s19 =	sadd.s32 $0x40, s19;
	[tilespmem:s20+$0x5B80] =	vst v0  }
.Ltmp3:
0x6e: {  	(pc) =	sbr.rel .LBB2_4-.Ltmp3, $3  }
0x6f: {  	_ =	sdelay $0x1  }
0x70: {  	s21 =	rddreg [dreg:$0xc]  }
0x71: {  	s19 =	simm.s32 $0x3980;
	s20 =	simm.s32 $0x0;
	s22 =	rddreg [dreg:$0x9]  }
.LBB2_10:
0x72: {  	s24 =	sadd.s32 @!p5 $0xE3800, s23;
	s25 =	simm.s32 @!p5 $0x1;
	s26 =	simm.s32 @!p5 $0x10  }
0x73: {  	s28 =	simm.s32 @!p5 $0x80;
	s29 =	simm.s32 @!p5 $0x1F82;
	s30 =	rddreg [dreg:$0x18]  }
0x74: {  	[spmem:s30@s26], [sflag:s29] =	dma.strided @!p5 [hbm:s24@s28], $0x2080, s25, $0x10   }
0x75: {  	s24 =	simm.s32 @!p5 $0x2  }
0x76: {  	s25 =	simm.s32 @!p6 $0x1;
	s26 =	simm.s32 @!p6 $0x10;
	_ =	swait.ge @!p5 [sflag:s24], $0x2080  }
0x77: {  	s28 =	simm.s32 @!p6 $0x80;
	s29 =	simm.s32 @!p6 $0x1FC2;
	[sflag:s24] =	ssyncset.done @!p5 $0x0  }
0x78: {  	s30 =	rddreg [dreg:$0x19];
	[sflag:s24] =	ssyncadd.s32 @!p5 $0xFFFFDF80;
	s24 =	sadd.s32 @!p6 $0xF3C00, s23  }
0x79: {  	[spmem:s30@s26], [sflag:s29] =	dma.strided @!p6 [hbm:s24@s28], $0xC0, s25, $0x10   }
0x7a: {  	s24 =	simm.s32 @!p6 $0x2  }
0x7b: {  	_ =	swait.ge @!p6 [sflag:s24], $0xC0  }
0x7c: {  	[sflag:s24] =	ssyncset.done @!p6 $0x0  }
0x7d: {  	s25 =	rddreg [dreg:$0x1c];
	[sflag:s24] =	ssyncadd.s32 @!p6 $0xFFFFFF40  }
0x7e: {  	[spmem:s25] =	stream.linear.scatter @!p6 [tilespmem:s19], [sflag:$0x2], $0x40, $0x38;
	[tilespmem:$0x15EA8] =	vst v63  }
0x7f: {  	s26 =	simm.s32 @!p0 $0x10;
	s28 =	simm.s32 @!p0 $0x80;
	_ =	swait.ge @!p6 [sflag:s24], $0x40  }
0x80: {  	s29 =	simm.s32 @!p0 $0x1F02;
	s25 =	simm.s32 @!p0 $0x1;
	[sflag:s24] =	ssyncset.done @!p6 $0x0  }
0x81: {  	s30 =	rddreg [dreg:$0x1a];
	[sflag:s24] =	ssyncadd.s32 @!p6 $0xFFFFFFC0;
	s24 =	sadd.s32 @!p0 $0xC3000, s23  }
0x82: {  	[spmem:s30@s26], [sflag:s29] =	dma.strided @!p0 [hbm:s24@s28], $0x2080, s25, $0x10   }
0x83: {  	s24 =	simm.s32 @!p0 $0x2  }
0x84: {  	s23 =	sadd.s32 @!p2 $0xD3400, s23;
	s25 =	simm.s32 @!p2 $0x10;
	_ =	swait.ge @!p0 [sflag:s24], $0x2080  }
0x85: {  	s26 =	simm.s32 @!p2 $0x80;
	s28 =	simm.s32 @!p2 $0x1F42;
	[sflag:s24] =	ssyncset.done @!p0 $0x0  }
0x86: {  	s29 =	rddreg [dreg:$0x1b];
	[sflag:s24] =	ssyncadd.s32 @!p0 $0xFFFFDF80;
	s24 =	simm.s32 @!p2 $0x1  }
0x87: {  	[spmem:s29@s25], [sflag:s28] =	dma.strided @!p2 [hbm:s23@s26], $0x2080, s24, $0x10   }
0x88: {  	s23 =	simm.s32 @!p2 $0x2  }
0x89: {  	_ =	swait.ge @!p2 [sflag:s23], $0x2080  }
0x8a: {  	[sflag:s23] =	ssyncset.done @!p2 $0x0  }
0x8b: {  	[sflag:s23] =	ssyncadd.s32 @!p2 $0xFFFFDF80  }
.LBB2_11:
0x8c: {  	[bflag:$0x0] =	sbarrier.arrive $0xFFFF;
	s23 =	simm.s32 $0x3D80  }
0x8d: {  	[tilespmem:s23], [sflag:$0x1] =	stream.indirect.gather [spmem:s3], $0x1, s5, s4, $0xb8;
	[tilespmem:$0x15EA8] =	vst v63  }
0x8e: {  	s30 =	simm.s32 $0x1E00;
	s24 =	simm.s32 $0x4C80  }
0x8f: {  	[tilespmem:s24], [sflag:$0x1] =	stream.indirect.gather [spmem:s3], $0x1, s30, s4, $0xb8;
	[tilespmem:$0x15EA8] =	vst v63  }
0x90: {  	s25 =	simm.s32 $0x3E00  }
0x91: {  	[tilespmem:s25], [sflag:$0x1] =	stream.indirect.gather [spmem:s3], $0x1, s4, s4, $0xb8;
	[tilespmem:$0x15EA8] =	vst v63  }
0x92: {  	s26 =	simm.s32 $0x1E80;
	s28 =	simm.s32 $0x4D00  }
0x93: {  	[tilespmem:s28], [sflag:$0x1] =	stream.indirect.gather [spmem:s3], $0x1, s26, s4, $0xb8;
	[tilespmem:$0x15EA8] =	vst v63  }
0x94: {  	s29 =	simm.s32 $0x100;
	s30 =	simm.s32 $0x3E80  }
0x95: {  	[tilespmem:s30], [sflag:$0x1] =	stream.indirect.gather [spmem:s3], $0x1, s29, s4, $0xb8;
	[tilespmem:$0x15EA8] =	vst v63  }
0x96: {  	s24 =	simm.s32 $0x1F00;
	s25 =	simm.s32 $0x4D80  }
0x97: {  	[tilespmem:s25], [sflag:$0x1] =	stream.indirect.gather [spmem:s3], $0x1, s24, s4, $0xb8;
	[tilespmem:$0x15EA8] =	vst v63  }
0x98: {  	s26 =	simm.s32 $0x180;
	s28 =	simm.s32 $0x3F00  }
0x99: {  	[tilespmem:s28], [sflag:$0x1] =	stream.indirect.gather [spmem:s3], $0x1, s26, s4, $0xb8;
	[tilespmem:$0x15EA8] =	vst v63  }
0x9a: {  	s29 =	simm.s32 $0x1F80;
	s30 =	simm.s32 $0x4E00  }
0x9b: {  	[tilespmem:s30], [sflag:$0x1] =	stream.indirect.gather [spmem:s3], $0x1, s29, s4, $0xb8;
	[tilespmem:$0x15EA8] =	vst v63  }
0x9c: {  	s24 =	simm.s32 $0x200;
	s25 =	simm.s32 $0x3F80  }
0x9d: {  	[tilespmem:s25], [sflag:$0x1] =	stream.indirect.gather [spmem:s3], $0x1, s24, s4, $0xb8;
	[tilespmem:$0x15EA8] =	vst v63  }
0x9e: {  	s26 =	simm.s32 $0x2000;
	s28 =	simm.s32 $0x4E80  }
0x9f: {  	[tilespmem:s28], [sflag:$0x1] =	stream.indirect.gather [spmem:s3], $0x1, s26, s4, $0xb8;
	[tilespmem:$0x15EA8] =	vst v63  }
0xa0: {  	s29 =	simm.s32 $0x280;
	s30 =	simm.s32 $0x4000  }
0xa1: {  	[tilespmem:s30], [sflag:$0x1] =	stream.indirect.gather [spmem:s3], $0x1, s29, s4, $0xb8;
	[tilespmem:$0x15EA8] =	vst v63  }
0xa2: {  	s24 =	simm.s32 $0x2080;
	s25 =	simm.s32 $0x4F00  }
0xa3: {  	[tilespmem:s25], [sflag:$0x1] =	stream.indirect.gather [spmem:s3], $0x1, s24, s4, $0xb8;
	[tilespmem:$0x15EA8] =	vst v63  }
0xa4: {  	s26 =	simm.s32 $0x300;
	s28 =	simm.s32 $0x4080  }
0xa5: {  	[tilespmem:s28], [sflag:$0x1] =	stream.indirect.gather [spmem:s3], $0x1, s26, s4, $0xb8;
	[tilespmem:$0x15EA8] =	vst v63  }
0xa6: {  	s29 =	simm.s32 $0x2100;
	s30 =	simm.s32 $0x4F80  }
0xa7: {  	[tilespmem:s30], [sflag:$0x1] =	stream.indirect.gather [spmem:s3], $0x1, s29, s4, $0xb8;
	[tilespmem:$0x15EA8] =	vst v63  }
0xa8: {  	s24 =	simm.s32 $0x380;
	s25 =	simm.s32 $0x4100  }
0xa9: {  	[tilespmem:s25], [sflag:$0x1] =	stream.indirect.gather [spmem:s3], $0x1, s24, s4, $0xb8;
	[tilespmem:$0x15EA8] =	vst v63  }
0xaa: {  	s26 =	simm.s32 $0x2180;
	s28 =	simm.s32 $0x5000  }
0xab: {  	[tilespmem:s28], [sflag:$0x1] =	stream.indirect.gather [spmem:s3], $0x1, s26, s4, $0xb8;
	[tilespmem:$0x15EA8] =	vst v63  }
0xac: {  	s29 =	simm.s32 $0x400;
	s30 =	simm.s32 $0x4180  }
0xad: {  	[tilespmem:s30], [sflag:$0x1] =	stream.indirect.gather [spmem:s3], $0x1, s29, s4, $0xb8;
	[tilespmem:$0x15EA8] =	vst v63  }
0xae: {  	s24 =	simm.s32 $0x2200;
	s25 =	simm.s32 $0x5080  }
0xaf: {  	[tilespmem:s25], [sflag:$0x1] =	stream.indirect.gather [spmem:s3], $0x1, s24, s4, $0xb8;
	[tilespmem:$0x15EA8] =	vst v63  }
0xb0: {  	s26 =	simm.s32 $0x480;
	s28 =	simm.s32 $0x4200  }
0xb1: {  	[tilespmem:s28], [sflag:$0x1] =	stream.indirect.gather [spmem:s3], $0x1, s26, s4, $0xb8;
	[tilespmem:$0x15EA8] =	vst v63  }
0xb2: {  	s29 =	simm.s32 $0x2280;
	s30 =	simm.s32 $0x5100  }
0xb3: {  	[tilespmem:s30], [sflag:$0x1] =	stream.indirect.gather [spmem:s3], $0x1, s29, s4, $0xb8;
	[tilespmem:$0x15EA8] =	vst v63  }
0xb4: {  	s24 =	simm.s32 $0x500;
	s25 =	simm.s32 $0x4280  }
0xb5: {  	[tilespmem:s25], [sflag:$0x1] =	stream.indirect.gather [spmem:s3], $0x1, s24, s4, $0xb8;
	[tilespmem:$0x15EA8] =	vst v63  }
0xb6: {  	s26 =	simm.s32 $0x2300;
	s28 =	simm.s32 $0x5180  }
0xb7: {  	[tilespmem:s28], [sflag:$0x1] =	stream.indirect.gather [spmem:s3], $0x1, s26, s4, $0xb8;
	[tilespmem:$0x15EA8] =	vst v63  }
0xb8: {  	s29 =	simm.s32 $0x580;
	s30 =	simm.s32 $0x4300  }
0xb9: {  	[tilespmem:s30], [sflag:$0x1] =	stream.indirect.gather [spmem:s3], $0x1, s29, s4, $0xb8;
	[tilespmem:$0x15EA8] =	vst v63  }
0xba: {  	s24 =	simm.s32 $0x2380;
	s25 =	simm.s32 $0x5200  }
0xbb: {  	[tilespmem:s25], [sflag:$0x1] =	stream.indirect.gather [spmem:s3], $0x1, s24, s4, $0xb8;
	[tilespmem:$0x15EA8] =	vst v63  }
0xbc: {  	s26 =	simm.s32 $0x600;
	s28 =	simm.s32 $0x4380  }
0xbd: {  	[tilespmem:s28], [sflag:$0x1] =	stream.indirect.gather [spmem:s3], $0x1, s26, s4, $0xb8;
	[tilespmem:$0x15EA8] =	vst v63  }
0xbe: {  	s29 =	simm.s32 $0x2400;
	s30 =	simm.s32 $0x5280  }
0xbf: {  	[tilespmem:s30], [sflag:$0x1] =	stream.indirect.gather [spmem:s3], $0x1, s29, s4, $0xb8;
	[tilespmem:$0x15EA8] =	vst v63  }
0xc0: {  	s24 =	simm.s32 $0x680;
	s25 =	simm.s32 $0x4400  }
0xc1: {  	[tilespmem:s25], [sflag:$0x1] =	stream.indirect.gather [spmem:s3], $0x1, s24, s4, $0xb8;
	[tilespmem:$0x15EA8] =	vst v63  }
0xc2: {  	s26 =	simm.s32 $0x2480;
	s28 =	simm.s32 $0x5300  }
0xc3: {  	[tilespmem:s28], [sflag:$0x1] =	stream.indirect.gather [spmem:s3], $0x1, s26, s4, $0xb8;
	[tilespmem:$0x15EA8] =	vst v63  }
0xc4: {  	s29 =	simm.s32 $0x700;
	s30 =	simm.s32 $0x4480  }
0xc5: {  	[tilespmem:s30], [sflag:$0x1] =	stream.indirect.gather [spmem:s3], $0x1, s29, s4, $0xb8;
	[tilespmem:$0x15EA8] =	vst v63  }
0xc6: {  	s24 =	simm.s32 $0x2500;
	s25 =	simm.s32 $0x5380  }
0xc7: {  	[tilespmem:s25], [sflag:$0x1] =	stream.indirect.gather [spmem:s3], $0x1, s24, s4, $0xb8;
	[tilespmem:$0x15EA8] =	vst v63  }
0xc8: {  	s26 =	simm.s32 $0x780;
	s28 =	simm.s32 $0x4500  }
0xc9: {  	[tilespmem:s28], [sflag:$0x1] =	stream.indirect.gather [spmem:s3], $0x1, s26, s4, $0xb8;
	[tilespmem:$0x15EA8] =	vst v63  }
0xca: {  	s29 =	simm.s32 $0x2580;
	s30 =	simm.s32 $0x5400  }
0xcb: {  	[tilespmem:s30], [sflag:$0x1] =	stream.indirect.gather [spmem:s3], $0x1, s29, s4, $0xb8;
	[tilespmem:$0x15EA8] =	vst v63  }
0xcc: {  	s24 =	simm.s32 $0x800;
	s25 =	simm.s32 $0x4580  }
0xcd: {  	[tilespmem:s25], [sflag:$0x1] =	stream.indirect.gather [spmem:s3], $0x1, s24, s4, $0xb8;
	[tilespmem:$0x15EA8] =	vst v63  }
0xce: {  	s26 =	simm.s32 $0x2600;
	s28 =	simm.s32 $0x5480  }
0xcf: {  	[tilespmem:s28], [sflag:$0x1] =	stream.indirect.gather [spmem:s3], $0x1, s26, s4, $0xb8;
	[tilespmem:$0x15EA8] =	vst v63  }
0xd0: {  	s29 =	simm.s32 $0x880;
	s30 =	simm.s32 $0x4600  }
0xd1: {  	[tilespmem:s30], [sflag:$0x1] =	stream.indirect.gather [spmem:s3], $0x1, s29, s4, $0xb8;
	[tilespmem:$0x15EA8] =	vst v63  }
0xd2: {  	s24 =	simm.s32 $0x2680;
	s25 =	simm.s32 $0x5500  }
0xd3: {  	[tilespmem:s25], [sflag:$0x1] =	stream.indirect.gather [spmem:s3], $0x1, s24, s4, $0xb8;
	[tilespmem:$0x15EA8] =	vst v63  }
0xd4: {  	s26 =	simm.s32 $0x900;
	s28 =	simm.s32 $0x4680  }
0xd5: {  	[tilespmem:s28], [sflag:$0x1] =	stream.indirect.gather [spmem:s3], $0x1, s26, s4, $0xb8;
	[tilespmem:$0x15EA8] =	vst v63  }
0xd6: {  	s29 =	simm.s32 $0x2700;
	s30 =	simm.s32 $0x5580  }
0xd7: {  	[tilespmem:s30], [sflag:$0x1] =	stream.indirect.gather [spmem:s3], $0x1, s29, s4, $0xb8;
	[tilespmem:$0x15EA8] =	vst v63  }
0xd8: {  	s24 =	simm.s32 $0x980;
	s25 =	simm.s32 $0x4700  }
0xd9: {  	[tilespmem:s25], [sflag:$0x1] =	stream.indirect.gather [spmem:s3], $0x1, s24, s4, $0xb8;
	[tilespmem:$0x15EA8] =	vst v63  }
0xda: {  	s26 =	simm.s32 $0x2780;
	s28 =	simm.s32 $0x5600  }
0xdb: {  	[tilespmem:s28], [sflag:$0x1] =	stream.indirect.gather [spmem:s3], $0x1, s26, s4, $0xb8;
	[tilespmem:$0x15EA8] =	vst v63  }
0xdc: {  	s29 =	simm.s32 $0xA00;
	s30 =	simm.s32 $0x4780  }
0xdd: {  	[tilespmem:s30], [sflag:$0x1] =	stream.indirect.gather [spmem:s3], $0x1, s29, s4, $0xb8;
	[tilespmem:$0x15EA8] =	vst v63  }
0xde: {  	s24 =	simm.s32 $0x2800;
	s25 =	simm.s32 $0x5680  }
0xdf: {  	[tilespmem:s25], [sflag:$0x1] =	stream.indirect.gather [spmem:s3], $0x1, s24, s4, $0xb8;
	[tilespmem:$0x15EA8] =	vst v63  }
0xe0: {  	s26 =	simm.s32 $0xA80;
	s28 =	simm.s32 $0x4800  }
0xe1: {  	[tilespmem:s28], [sflag:$0x1] =	stream.indirect.gather [spmem:s3], $0x1, s26, s4, $0xb8;
	[tilespmem:$0x15EA8] =	vst v63  }
0xe2: {  	s29 =	simm.s32 $0x2880;
	s30 =	simm.s32 $0x5700  }
0xe3: {  	[tilespmem:s30], [sflag:$0x1] =	stream.indirect.gather [spmem:s3], $0x1, s29, s4, $0xb8;
	[tilespmem:$0x15EA8] =	vst v63  }
0xe4: {  	s24 =	simm.s32 $0xB00;
	s25 =	simm.s32 $0x4880  }
0xe5: {  	[tilespmem:s25], [sflag:$0x1] =	stream.indirect.gather [spmem:s3], $0x1, s24, s4, $0xb8;
	[tilespmem:$0x15EA8] =	vst v63  }
0xe6: {  	s26 =	simm.s32 $0x2900;
	s28 =	simm.s32 $0x5780  }
0xe7: {  	[tilespmem:s28], [sflag:$0x1] =	stream.indirect.gather [spmem:s3], $0x1, s26, s4, $0xb8;
	[tilespmem:$0x15EA8] =	vst v63  }
0xe8: {  	s29 =	simm.s32 $0xB80;
	s30 =	simm.s32 $0x4900  }
0xe9: {  	[tilespmem:s30], [sflag:$0x1] =	stream.indirect.gather [spmem:s3], $0x1, s29, s4, $0xb8;
	[tilespmem:$0x15EA8] =	vst v63  }
0xea: {  	s24 =	simm.s32 $0x2980;
	s25 =	simm.s32 $0x5800  }
0xeb: {  	[tilespmem:s25], [sflag:$0x1] =	stream.indirect.gather [spmem:s3], $0x1, s24, s4, $0xb8;
	[tilespmem:$0x15EA8] =	vst v63  }
0xec: {  	s26 =	simm.s32 $0xC00;
	s28 =	simm.s32 $0x4980  }
0xed: {  	[tilespmem:s28], [sflag:$0x1] =	stream.indirect.gather [spmem:s3], $0x1, s26, s4, $0xb8;
	[tilespmem:$0x15EA8] =	vst v63  }
0xee: {  	s29 =	simm.s32 $0x2A00;
	s30 =	simm.s32 $0x5880  }
0xef: {  	[tilespmem:s30], [sflag:$0x1] =	stream.indirect.gather [spmem:s3], $0x1, s29, s4, $0xb8;
	[tilespmem:$0x15EA8] =	vst v63  }
0xf0: {  	s25 =	simm.s32 $0xC80;
	s26 =	simm.s32 $0x4A00  }
0xf1: {  	[tilespmem:s26], [sflag:$0x1] =	stream.indirect.gather [spmem:s3], $0x1, s25, s4, $0xb8;
	[tilespmem:$0x15EA8] =	vst v63  }
0xf2: {  	s28 =	simm.s32 $0x2A80;
	s29 =	simm.s32 $0x5900  }
0xf3: {  	[tilespmem:s29], [sflag:$0x1] =	stream.indirect.gather [spmem:s3], $0x1, s28, s4, $0xb8;
	[tilespmem:$0x15EA8] =	vst v63  }
0xf4: {  	s30 =	simm.s32 $0xD00  }
0xf5: {  	[tilespmem:s31], [sflag:$0x1] =	stream.indirect.gather [spmem:s3], $0x1, s30, s4, $0xb8;
	[tilespmem:$0x15EA8] =	vst v63  }
0xf6: {  	_ = 	snop  }
0xf7: {  	[tilespmem:s6], [sflag:$0x1] =	stream.indirect.gather [spmem:s3], $0x1, s1, s4, $0xb8;
	[tilespmem:$0x15EA8] =	vst v63  }
0xf8: {  	_ = 	snop  }
0xf9: {  	[tilespmem:s8], [sflag:$0x1] =	stream.indirect.gather [spmem:s3], $0x1, s7, s4, $0xb8;
	[tilespmem:$0x15EA8] =	vst v63  }
0xfa: {  	_ = 	snop  }
0xfb: {  	[tilespmem:s11], [sflag:$0x1] =	stream.indirect.gather [spmem:s3], $0x1, s9, s4, $0xb8;
	[tilespmem:$0x15EA8] =	vst v63  }
0xfc: {  	_ = 	snop  }
0xfd: {  	[tilespmem:s10], [sflag:$0x1] =	stream.indirect.gather [spmem:s3], $0x1, s12, s4, $0xb8;
	[tilespmem:$0x15EA8] =	vst v63  }
0xfe: {  	_ = 	snop  }
0xff: {  	[tilespmem:s14], [sflag:$0x1] =	stream.indirect.gather [spmem:s3], $0x1, s13, s4, $0xb8;
	[tilespmem:$0x15EA8] =	vst v63  }
0x100: {  	_ = 	snop  }
0x101: {  	[tilespmem:s0], [sflag:$0x1] =	stream.indirect.gather [spmem:s3], $0x1, s15, s4, $0xb8;
	[tilespmem:$0x15EA8] =	vst v63  }
0x102: {  	_ = 	snop  }
0x103: {  	[tilespmem:s17], [sflag:$0x1] =	stream.indirect.gather [spmem:s3], $0x1, s16, s4, $0xb8;
	[tilespmem:$0x15EA8] =	vst v63  }
0x104: {  	_ =	swait.ge [sflag:s18], $0x80  }
0x105: {  	[sflag:s18] =	ssyncset.done $0x0  }
0x106: {  	[sflag:s18] =	ssyncadd.s32 $0xFFFFFF80  }
0x107: {  	_ =	swait.ge [sflag:s18], $0x80  }
0x108: {  	[sflag:s18] =	ssyncset.done $0x0  }
0x109: {  	[sflag:s18] =	ssyncadd.s32 $0xFFFFFF80  }
0x10a: {  	v1 =	vld [tilespmem:$0xF00];
	_ =	sdelay $0x4  }
0x10b: {  	v1 =	vadd.s32 s21, v1;
	_ =	sdelay $0x3  }
0x10c: {  	v2 =	vld [tilespmem:$0x3D80]  }
0x10d: {  	v1 =	vld.idx.msk [tilespmem:v1+s2+$0x0], $0xffff  }
0x10e: {  	v3 =	vld [tilespmem:$0x4C80]  }
0x10f: {  	v4 =	vld [tilespmem:$0xF10];
	_ =	sdelay $0x1  }
0x110: {  	v5 =	vld [tilespmem:$0x5B80]  }
0x111: {  	v1 =	vmul.f32 v1, v2;
	_ =	sdelay $0x1  }
0x112: {  	v2 =	vadd.s32 s21, v4;
	v1 =	vmul.f32 v1, v3;
	_ =	sdelay $0x1  }
0x113: {  	v1 =	vadd.f32 v1, v5;
	_ =	sdelay $0x1  }
0x114: {  	[tilespmem:$0x5B80] =	vst v1;
	v1 =	vld [tilespmem:$0x3D90]  }
0x115: {  	v2 =	vld.idx.msk [tilespmem:v2+s2+$0x0], $0xffff  }
0x116: {  	v9 =	vld [tilespmem:$0xF20]  }
0x117: {  	v3 =	vld [tilespmem:$0x4C90];
	_ =	sdelay $0x1  }
0x118: {  	v10 =	vld [tilespmem:$0x5B90]  }
0x119: {  	v1 =	vmul.f32 v2, v1;
	_ =	sdelay $0x1  }
0x11a: {  	v2 =	vadd.s32 s21, v9;
	v1 =	vmul.f32 v1, v3;
	_ =	sdelay $0x1  }
0x11b: {  	v1 =	vadd.f32 v1, v10;
	_ =	sdelay $0x1  }
0x11c: {  	[tilespmem:$0x5B90] =	vst v1;
	v1 =	vld [tilespmem:$0x3DA0]  }
0x11d: {  	v2 =	vld.idx.msk [tilespmem:v2+s2+$0x0], $0xffff  }
0x11e: {  	v11 =	vld [tilespmem:$0xF30]  }
0x11f: {  	v3 =	vld [tilespmem:$0x4CA0];
	_ =	sdelay $0x1  }
0x120: {  	v12 =	vld [tilespmem:$0x5BA0]  }
0x121: {  	v1 =	vmul.f32 v2, v1;
	_ =	sdelay $0x1  }
0x122: {  	v2 =	vadd.s32 s21, v11;
	v1 =	vmul.f32 v1, v3;
	_ =	sdelay $0x1  }
0x123: {  	v1 =	vadd.f32 v1, v12;
	_ =	sdelay $0x1  }
0x124: {  	[tilespmem:$0x5BA0] =	vst v1;
	v1 =	vld [tilespmem:$0x3DB0]  }
0x125: {  	v2 =	vld.idx.msk [tilespmem:v2+s2+$0x0], $0xffff  }
0x126: {  	v13 =	vld [tilespmem:$0xF40]  }
0x127: {  	v3 =	vld [tilespmem:$0x4CB0];
	_ =	sdelay $0x1  }
0x128: {  	v14 =	vld [tilespmem:$0x5BB0]  }
0x129: {  	v1 =	vmul.f32 v2, v1;
	_ =	sdelay $0x1  }
0x12a: {  	v2 =	vadd.s32 s21, v13;
	v1 =	vmul.f32 v1, v3;
	_ =	sdelay $0x1  }
0x12b: {  	v1 =	vadd.f32 v1, v14;
	_ =	sdelay $0x1  }
0x12c: {  	[tilespmem:$0x5BB0] =	vst v1;
	v1 =	vld [tilespmem:$0x3DC0]  }
0x12d: {  	v2 =	vld.idx.msk [tilespmem:v2+s2+$0x0], $0xffff  }
0x12e: {  	v15 =	vld [tilespmem:$0xF50]  }
0x12f: {  	v3 =	vld [tilespmem:$0x4CC0];
	_ =	sdelay $0x1  }
0x130: {  	v16 =	vld [tilespmem:$0x5BC0]  }
0x131: {  	v1 =	vmul.f32 v2, v1;
	_ =	sdelay $0x1  }
0x132: {  	v2 =	vadd.s32 s21, v15;
	v1 =	vmul.f32 v1, v3;
	_ =	sdelay $0x1  }
0x133: {  	v1 =	vadd.f32 v1, v16;
	_ =	sdelay $0x1  }
0x134: {  	[tilespmem:$0x5BC0] =	vst v1;
	v1 =	vld [tilespmem:$0x3DD0]  }
0x135: {  	v2 =	vld.idx.msk [tilespmem:v2+s2+$0x0], $0xffff  }
0x136: {  	v17 =	vld [tilespmem:$0xF60]  }
0x137: {  	v3 =	vld [tilespmem:$0x4CD0];
	_ =	sdelay $0x1  }
0x138: {  	v18 =	vld [tilespmem:$0x5BD0]  }
0x139: {  	v1 =	vmul.f32 v2, v1;
	_ =	sdelay $0x1  }
0x13a: {  	v2 =	vadd.s32 s21, v17;
	v1 =	vmul.f32 v1, v3;
	_ =	sdelay $0x1  }
0x13b: {  	v1 =	vadd.f32 v1, v18;
	_ =	sdelay $0x1  }
0x13c: {  	[tilespmem:$0x5BD0] =	vst v1;
	v1 =	vld [tilespmem:$0x3DE0]  }
0x13d: {  	v2 =	vld.idx.msk [tilespmem:v2+s2+$0x0], $0xffff  }
0x13e: {  	v19 =	vld [tilespmem:$0xF70]  }
0x13f: {  	v3 =	vld [tilespmem:$0x4CE0];
	_ =	sdelay $0x1  }
0x140: {  	v20 =	vld [tilespmem:$0x5BE0]  }
0x141: {  	v1 =	vmul.f32 v2, v1;
	_ =	sdelay $0x1  }
0x142: {  	v2 =	vadd.s32 s21, v19;
	v1 =	vmul.f32 v1, v3;
	_ =	sdelay $0x1  }
0x143: {  	v1 =	vadd.f32 v1, v20;
	_ =	sdelay $0x1  }
0x144: {  	[tilespmem:$0x5BE0] =	vst v1;
	v1 =	vld [tilespmem:$0x3DF0]  }
0x145: {  	v2 =	vld.idx.msk [tilespmem:v2+s2+$0x0], $0xffff;
	_ =	sdelay $0x1  }
0x146: {  	v3 =	vld [tilespmem:$0x4CF0];
	_ =	sdelay $0x1  }
0x147: {  	v21 =	vld [tilespmem:$0x5BF0]  }
0x148: {  	v1 =	vmul.f32 v2, v1;
	_ =	sdelay $0x1  }
0x149: {  	v1 =	vmul.f32 v1, v3;
	_ =	sdelay $0x1  }
0x14a: {  	v1 =	vadd.f32 v1, v21;
	_ =	sdelay $0x1  }
0x14b: {  	[tilespmem:$0x5BF0] =	vst v1  }
0x14c: {  	_ =	swait.ge [sflag:s18], $0x80  }
0x14d: {  	[sflag:s18] =	ssyncset.done $0x0  }
0x14e: {  	[sflag:s18] =	ssyncadd.s32 $0xFFFFFF80  }
0x14f: {  	_ =	swait.ge [sflag:s18], $0x80  }
0x150: {  	[sflag:s18] =	ssyncset.done $0x0  }
0x151: {  	[sflag:s18] =	ssyncadd.s32 $0xFFFFFF80  }
0x152: {  	v1 =	vld [tilespmem:$0xF80];
	_ =	sdelay $0x4  }
0x153: {  	v1 =	vadd.s32 s21, v1;
	_ =	sdelay $0x2  }
0x154: {  	v2 =	vld [tilespmem:$0x3E00]  }
0x155: {  	v3 =	vld [tilespmem:$0x4D00]  }
0x156: {  	v1 =	vld.idx.msk [tilespmem:v1+s2+$0x0], $0xffff  }
0x157: {  	v22 =	vld [tilespmem:$0x5C00]  }
0x158: {  	v23 =	vld [tilespmem:$0xF90];
	_ =	sdelay $0x2  }
0x159: {  	v1 =	vmul.f32 v1, v2;
	_ =	sdelay $0x1  }
0x15a: {  	v2 =	vadd.s32 s21, v23;
	v1 =	vmul.f32 v1, v3;
	_ =	sdelay $0x1  }
0x15b: {  	v1 =	vadd.f32 v1, v22;
	_ =	sdelay $0x1  }
0x15c: {  	[tilespmem:$0x5C00] =	vst v1;
	v1 =	vld [tilespmem:$0x3E10]  }
0x15d: {  	v2 =	vld.idx.msk [tilespmem:v2+s2+$0x0], $0xffff  }
0x15e: {  	v24 =	vld [tilespmem:$0xFA0]  }
0x15f: {  	v3 =	vld [tilespmem:$0x4D10];
	_ =	sdelay $0x1  }
0x160: {  	v25 =	vld [tilespmem:$0x5C10]  }
0x161: {  	v1 =	vmul.f32 v2, v1;
	_ =	sdelay $0x1  }
0x162: {  	v2 =	vadd.s32 s21, v24;
	v1 =	vmul.f32 v1, v3;
	_ =	sdelay $0x1  }
0x163: {  	v1 =	vadd.f32 v1, v25;
	_ =	sdelay $0x1  }
0x164: {  	[tilespmem:$0x5C10] =	vst v1;
	v1 =	vld [tilespmem:$0x3E20]  }
0x165: {  	v2 =	vld.idx.msk [tilespmem:v2+s2+$0x0], $0xffff  }
0x166: {  	v26 =	vld [tilespmem:$0xFB0]  }
0x167: {  	v3 =	vld [tilespmem:$0x4D20];
	_ =	sdelay $0x1  }
0x168: {  	v27 =	vld [tilespmem:$0x5C20]  }
0x169: {  	v1 =	vmul.f32 v2, v1;
	_ =	sdelay $0x1  }
0x16a: {  	v2 =	vadd.s32 s21, v26;
	v1 =	vmul.f32 v1, v3;
	_ =	sdelay $0x1  }
0x16b: {  	v1 =	vadd.f32 v1, v27;
	_ =	sdelay $0x1  }
0x16c: {  	[tilespmem:$0x5C20] =	vst v1;
	v1 =	vld [tilespmem:$0x3E30]  }
0x16d: {  	v2 =	vld.idx.msk [tilespmem:v2+s2+$0x0], $0xffff  }
0x16e: {  	v28 =	vld [tilespmem:$0xFC0]  }
0x16f: {  	v3 =	vld [tilespmem:$0x4D30];
	_ =	sdelay $0x1  }
0x170: {  	v29 =	vld [tilespmem:$0x5C30]  }
0x171: {  	v1 =	vmul.f32 v2, v1;
	_ =	sdelay $0x1  }
0x172: {  	v2 =	vadd.s32 s21, v28;
	v1 =	vmul.f32 v1, v3;
	_ =	sdelay $0x1  }
0x173: {  	v1 =	vadd.f32 v1, v29;
	_ =	sdelay $0x1  }
0x174: {  	[tilespmem:$0x5C30] =	vst v1;
	v1 =	vld [tilespmem:$0x3E40]  }
0x175: {  	v2 =	vld.idx.msk [tilespmem:v2+s2+$0x0], $0xffff  }
0x176: {  	v30 =	vld [tilespmem:$0xFD0]  }
0x177: {  	v3 =	vld [tilespmem:$0x4D40];
	_ =	sdelay $0x1  }
0x178: {  	v31 =	vld [tilespmem:$0x5C40]  }
0x179: {  	v1 =	vmul.f32 v2, v1;
	_ =	sdelay $0x1  }
0x17a: {  	v2 =	vadd.s32 s21, v30;
	v1 =	vmul.f32 v1, v3;
	_ =	sdelay $0x1  }
0x17b: {  	v1 =	vadd.f32 v1, v31;
	_ =	sdelay $0x1  }
0x17c: {  	[tilespmem:$0x5C40] =	vst v1;
	v1 =	vld [tilespmem:$0x3E50]  }
0x17d: {  	v2 =	vld.idx.msk [tilespmem:v2+s2+$0x0], $0xffff  }
0x17e: {  	v32 =	vld [tilespmem:$0xFE0]  }
0x17f: {  	v3 =	vld [tilespmem:$0x4D50];
	_ =	sdelay $0x1  }
0x180: {  	v33 =	vld [tilespmem:$0x5C50]  }
0x181: {  	v1 =	vmul.f32 v2, v1;
	_ =	sdelay $0x1  }
0x182: {  	v2 =	vadd.s32 s21, v32;
	v1 =	vmul.f32 v1, v3;
	_ =	sdelay $0x1  }
0x183: {  	v1 =	vadd.f32 v1, v33;
	_ =	sdelay $0x1  }
0x184: {  	[tilespmem:$0x5C50] =	vst v1;
	v1 =	vld [tilespmem:$0x3E60]  }
0x185: {  	v2 =	vld.idx.msk [tilespmem:v2+s2+$0x0], $0xffff  }
0x186: {  	v34 =	vld [tilespmem:$0xFF0]  }
0x187: {  	v3 =	vld [tilespmem:$0x4D60];
	_ =	sdelay $0x1  }
0x188: {  	v35 =	vld [tilespmem:$0x5C60]  }
0x189: {  	v1 =	vmul.f32 v2, v1;
	_ =	sdelay $0x1  }
0x18a: {  	v2 =	vadd.s32 s21, v34;
	v1 =	vmul.f32 v1, v3;
	_ =	sdelay $0x1  }
0x18b: {  	v1 =	vadd.f32 v1, v35;
	_ =	sdelay $0x1  }
0x18c: {  	[tilespmem:$0x5C60] =	vst v1;
	v1 =	vld [tilespmem:$0x3E70]  }
0x18d: {  	v2 =	vld.idx.msk [tilespmem:v2+s2+$0x0], $0xffff;
	_ =	sdelay $0x1  }
0x18e: {  	v3 =	vld [tilespmem:$0x4D70];
	_ =	sdelay $0x1  }
0x18f: {  	v36 =	vld [tilespmem:$0x5C70]  }
0x190: {  	v1 =	vmul.f32 v2, v1;
	_ =	sdelay $0x1  }
0x191: {  	v1 =	vmul.f32 v1, v3;
	_ =	sdelay $0x1  }
0x192: {  	v1 =	vadd.f32 v1, v36;
	_ =	sdelay $0x1  }
0x193: {  	[tilespmem:$0x5C70] =	vst v1  }
0x194: {  	_ =	swait.ge [sflag:s18], $0x80  }
0x195: {  	[sflag:s18] =	ssyncset.done $0x0  }
0x196: {  	[sflag:s18] =	ssyncadd.s32 $0xFFFFFF80  }
0x197: {  	_ =	swait.ge [sflag:s18], $0x80  }
0x198: {  	[sflag:s18] =	ssyncset.done $0x0  }
0x199: {  	[sflag:s18] =	ssyncadd.s32 $0xFFFFFF80  }
0x19a: {  	v1 =	vld [tilespmem:$0x1000];
	_ =	sdelay $0x4  }
0x19b: {  	v1 =	vadd.s32 s21, v1;
	_ =	sdelay $0x3  }
0x19c: {  	v2 =	vld [tilespmem:$0x3E80]  }
0x19d: {  	v1 =	vld.idx.msk [tilespmem:v1+s2+$0x0], $0xffff  }
0x19e: {  	v3 =	vld [tilespmem:$0x4D80]  }
0x19f: {  	v37 =	vld [tilespmem:$0x1010];
	_ =	sdelay $0x1  }
0x1a0: {  	v38 =	vld [tilespmem:$0x5C80]  }
0x1a1: {  	v1 =	vmul.f32 v1, v2;
	_ =	sdelay $0x1  }
0x1a2: {  	v2 =	vadd.s32 s21, v37;
	v1 =	vmul.f32 v1, v3;
	_ =	sdelay $0x1  }
0x1a3: {  	v1 =	vadd.f32 v1, v38;
	_ =	sdelay $0x1  }
0x1a4: {  	[tilespmem:$0x5C80] =	vst v1;
	v1 =	vld [tilespmem:$0x3E90]  }
0x1a5: {  	v2 =	vld.idx.msk [tilespmem:v2+s2+$0x0], $0xffff  }
0x1a6: {  	v39 =	vld [tilespmem:$0x1020]  }
0x1a7: {  	v3 =	vld [tilespmem:$0x4D90];
	_ =	sdelay $0x1  }
0x1a8: {  	v40 =	vld [tilespmem:$0x5C90]  }
0x1a9: {  	v1 =	vmul.f32 v2, v1;
	_ =	sdelay $0x1  }
0x1aa: {  	v2 =	vadd.s32 s21, v39;
	v1 =	vmul.f32 v1, v3;
	_ =	sdelay $0x1  }
0x1ab: {  	v1 =	vadd.f32 v1, v40;
	_ =	sdelay $0x1  }
0x1ac: {  	[tilespmem:$0x5C90] =	vst v1;
	v1 =	vld [tilespmem:$0x3EA0]  }
0x1ad: {  	v2 =	vld.idx.msk [tilespmem:v2+s2+$0x0], $0xffff  }
0x1ae: {  	v41 =	vld [tilespmem:$0x1030]  }
0x1af: {  	v3 =	vld [tilespmem:$0x4DA0];
	_ =	sdelay $0x1  }
0x1b0: {  	v42 =	vld [tilespmem:$0x5CA0]  }
0x1b1: {  	v1 =	vmul.f32 v2, v1;
	_ =	sdelay $0x1  }
0x1b2: {  	v2 =	vadd.s32 s21, v41;
	v1 =	vmul.f32 v1, v3;
	_ =	sdelay $0x1  }
0x1b3: {  	v1 =	vadd.f32 v1, v42;
	_ =	sdelay $0x1  }
0x1b4: {  	[tilespmem:$0x5CA0] =	vst v1;
	v1 =	vld [tilespmem:$0x3EB0]  }
0x1b5: {  	v2 =	vld.idx.msk [tilespmem:v2+s2+$0x0], $0xffff  }
0x1b6: {  	v43 =	vld [tilespmem:$0x1040]  }
0x1b7: {  	v3 =	vld [tilespmem:$0x4DB0];
	_ =	sdelay $0x1  }
0x1b8: {  	v44 =	vld [tilespmem:$0x5CB0]  }
0x1b9: {  	v1 =	vmul.f32 v2, v1;
	_ =	sdelay $0x1  }
0x1ba: {  	v2 =	vadd.s32 s21, v43;
	v1 =	vmul.f32 v1, v3;
	_ =	sdelay $0x1  }
0x1bb: {  	v1 =	vadd.f32 v1, v44;
	_ =	sdelay $0x1  }
0x1bc: {  	[tilespmem:$0x5CB0] =	vst v1;
	v1 =	vld [tilespmem:$0x3EC0]  }
0x1bd: {  	v2 =	vld.idx.msk [tilespmem:v2+s2+$0x0], $0xffff  }
0x1be: {  	v45 =	vld [tilespmem:$0x1050]  }
0x1bf: {  	v3 =	vld [tilespmem:$0x4DC0];
	_ =	sdelay $0x1  }
0x1c0: {  	v46 =	vld [tilespmem:$0x5CC0]  }
0x1c1: {  	v1 =	vmul.f32 v2, v1;
	_ =	sdelay $0x1  }
0x1c2: {  	v2 =	vadd.s32 s21, v45;
	v1 =	vmul.f32 v1, v3;
	_ =	sdelay $0x1  }
0x1c3: {  	v1 =	vadd.f32 v1, v46;
	_ =	sdelay $0x1  }
0x1c4: {  	[tilespmem:$0x5CC0] =	vst v1;
	v1 =	vld [tilespmem:$0x3ED0]  }
0x1c5: {  	v2 =	vld.idx.msk [tilespmem:v2+s2+$0x0], $0xffff  }
0x1c6: {  	v47 =	vld [tilespmem:$0x1060]  }
0x1c7: {  	v3 =	vld [tilespmem:$0x4DD0];
	_ =	sdelay $0x1  }
0x1c8: {  	v48 =	vld [tilespmem:$0x5CD0]  }
0x1c9: {  	v1 =	vmul.f32 v2, v1;
	_ =	sdelay $0x1  }
0x1ca: {  	v2 =	vadd.s32 s21, v47;
	v1 =	vmul.f32 v1, v3;
	_ =	sdelay $0x1  }
0x1cb: {  	v1 =	vadd.f32 v1, v48;
	_ =	sdelay $0x1  }
0x1cc: {  	[tilespmem:$0x5CD0] =	vst v1;
	v1 =	vld [tilespmem:$0x3EE0]  }
0x1cd: {  	v2 =	vld.idx.msk [tilespmem:v2+s2+$0x0], $0xffff  }
0x1ce: {  	v49 =	vld [tilespmem:$0x1070]  }
0x1cf: {  	v3 =	vld [tilespmem:$0x4DE0];
	_ =	sdelay $0x1  }
0x1d0: {  	v50 =	vld [tilespmem:$0x5CE0]  }
0x1d1: {  	v1 =	vmul.f32 v2, v1;
	_ =	sdelay $0x1  }
0x1d2: {  	v2 =	vadd.s32 s21, v49;
	v1 =	vmul.f32 v1, v3;
	_ =	sdelay $0x1  }
0x1d3: {  	v1 =	vadd.f32 v1, v50;
	_ =	sdelay $0x1  }
0x1d4: {  	[tilespmem:$0x5CE0] =	vst v1;
	v1 =	vld [tilespmem:$0x3EF0]  }
0x1d5: {  	v2 =	vld.idx.msk [tilespmem:v2+s2+$0x0], $0xffff;
	_ =	sdelay $0x1  }
0x1d6: {  	v3 =	vld [tilespmem:$0x4DF0];
	_ =	sdelay $0x1  }
0x1d7: {  	v51 =	vld [tilespmem:$0x5CF0]  }
0x1d8: {  	v1 =	vmul.f32 v2, v1;
	_ =	sdelay $0x1  }
0x1d9: {  	v1 =	vmul.f32 v1, v3;
	_ =	sdelay $0x1  }
0x1da: {  	v1 =	vadd.f32 v1, v51;
	_ =	sdelay $0x1  }
0x1db: {  	[tilespmem:$0x5CF0] =	vst v1  }
0x1dc: {  	_ =	swait.ge [sflag:s18], $0x80  }
0x1dd: {  	[sflag:s18] =	ssyncset.done $0x0  }
0x1de: {  	[sflag:s18] =	ssyncadd.s32 $0xFFFFFF80  }
0x1df: {  	_ =	swait.ge [sflag:s18], $0x80  }
0x1e0: {  	[sflag:s18] =	ssyncset.done $0x0  }
0x1e1: {  	[sflag:s18] =	ssyncadd.s32 $0xFFFFFF80  }
0x1e2: {  	v1 =	vld [tilespmem:$0x1080];
	_ =	sdelay $0x4  }
0x1e3: {  	v1 =	vadd.s32 s21, v1;
	_ =	sdelay $0x3  }
0x1e4: {  	v2 =	vld [tilespmem:$0x3F00]  }
0x1e5: {  	v1 =	vld.idx.msk [tilespmem:v1+s2+$0x0], $0xffff  }
0x1e6: {  	v3 =	vld [tilespmem:$0x4E00]  }
0x1e7: {  	v52 =	vld [tilespmem:$0x1090];
	_ =	sdelay $0x1  }
0x1e8: {  	v53 =	vld [tilespmem:$0x5D00]  }
0x1e9: {  	v1 =	vmul.f32 v1, v2;
	_ =	sdelay $0x1  }
0x1ea: {  	v2 =	vadd.s32 s21, v52;
	v1 =	vmul.f32 v1, v3;
	_ =	sdelay $0x1  }
0x1eb: {  	v1 =	vadd.f32 v1, v53;
	_ =	sdelay $0x1  }
0x1ec: {  	[tilespmem:$0x5D00] =	vst v1;
	v1 =	vld [tilespmem:$0x3F10]  }
0x1ed: {  	v2 =	vld.idx.msk [tilespmem:v2+s2+$0x0], $0xffff  }
0x1ee: {  	v54 =	vld [tilespmem:$0x10A0]  }
0x1ef: {  	v3 =	vld [tilespmem:$0x4E10];
	_ =	sdelay $0x1  }
0x1f0: {  	v55 =	vld [tilespmem:$0x5D10]  }
0x1f1: {  	v1 =	vmul.f32 v2, v1;
	_ =	sdelay $0x1  }
0x1f2: {  	v2 =	vadd.s32 s21, v54;
	v1 =	vmul.f32 v1, v3;
	_ =	sdelay $0x1  }
0x1f3: {  	v1 =	vadd.f32 v1, v55;
	_ =	sdelay $0x1  }
0x1f4: {  	[tilespmem:$0x5D10] =	vst v1;
	v1 =	vld [tilespmem:$0x3F20]  }
0x1f5: {  	v2 =	vld.idx.msk [tilespmem:v2+s2+$0x0], $0xffff  }
0x1f6: {  	v56 =	vld [tilespmem:$0x10B0]  }
0x1f7: {  	v3 =	vld [tilespmem:$0x4E20];
	_ =	sdelay $0x1  }
0x1f8: {  	v57 =	vld [tilespmem:$0x5D20]  }
0x1f9: {  	v1 =	vmul.f32 v2, v1;
	_ =	sdelay $0x1  }
0x1fa: {  	v2 =	vadd.s32 s21, v56;
	v1 =	vmul.f32 v1, v3;
	_ =	sdelay $0x1  }
0x1fb: {  	v1 =	vadd.f32 v1, v57;
	_ =	sdelay $0x1  }
0x1fc: {  	[tilespmem:$0x5D20] =	vst v1;
	v1 =	vld [tilespmem:$0x3F30]  }
0x1fd: {  	v2 =	vld.idx.msk [tilespmem:v2+s2+$0x0], $0xffff  }
0x1fe: {  	v58 =	vld [tilespmem:$0x10C0]  }
0x1ff: {  	v3 =	vld [tilespmem:$0x4E30];
	_ =	sdelay $0x1  }
0x200: {  	v59 =	vld [tilespmem:$0x5D30]  }
0x201: {  	v1 =	vmul.f32 v2, v1;
	_ =	sdelay $0x1  }
0x202: {  	v2 =	vadd.s32 s21, v58;
	v1 =	vmul.f32 v1, v3;
	_ =	sdelay $0x1  }
0x203: {  	v1 =	vadd.f32 v1, v59;
	_ =	sdelay $0x1  }
0x204: {  	[tilespmem:$0x5D30] =	vst v1;
	v1 =	vld [tilespmem:$0x3F40]  }
0x205: {  	v2 =	vld.idx.msk [tilespmem:v2+s2+$0x0], $0xffff  }
0x206: {  	v60 =	vld [tilespmem:$0x10D0]  }
0x207: {  	v3 =	vld [tilespmem:$0x4E40];
	_ =	sdelay $0x1  }
0x208: {  	v61 =	vld [tilespmem:$0x5D40]  }
0x209: {  	v1 =	vmul.f32 v2, v1;
	_ =	sdelay $0x1  }
0x20a: {  	v2 =	vadd.s32 s21, v60;
	v1 =	vmul.f32 v1, v3;
	_ =	sdelay $0x1  }
0x20b: {  	v1 =	vadd.f32 v1, v61;
	_ =	sdelay $0x1  }
0x20c: {  	[tilespmem:$0x5D40] =	vst v1;
	v1 =	vld [tilespmem:$0x3F50]  }
0x20d: {  	v2 =	vld.idx.msk [tilespmem:v2+s2+$0x0], $0xffff  }
0x20e: {  	v62 =	vld [tilespmem:$0x10E0]  }
0x20f: {  	v3 =	vld [tilespmem:$0x4E50];
	_ =	sdelay $0x1  }
0x210: {  	v63 =	vld [tilespmem:$0x5D50]  }
0x211: {  	v1 =	vmul.f32 v2, v1;
	_ =	sdelay $0x1  }
0x212: {  	v2 =	vadd.s32 s21, v62;
	v1 =	vmul.f32 v1, v3;
	_ =	sdelay $0x1  }
0x213: {  	v1 =	vadd.f32 v1, v63;
	_ =	sdelay $0x1  }
0x214: {  	[tilespmem:$0x5D50] =	vst v1;
	v1 =	vld [tilespmem:$0x3F60]  }
0x215: {  	v2 =	vld.idx.msk [tilespmem:v2+s2+$0x0], $0xffff  }
0x216: {  	v8 =	vld [tilespmem:$0x10F0]  }
0x217: {  	v3 =	vld [tilespmem:$0x4E60];
	_ =	sdelay $0x1  }
0x218: {  	v9 =	vld [tilespmem:$0x5D60]  }
0x219: {  	v1 =	vmul.f32 v2, v1;
	_ =	sdelay $0x1  }
0x21a: {  	v2 =	vadd.s32 s21, v8;
	v1 =	vmul.f32 v1, v3;
	_ =	sdelay $0x1  }
0x21b: {  	v1 =	vadd.f32 v1, v9;
	_ =	sdelay $0x1  }
0x21c: {  	[tilespmem:$0x5D60] =	vst v1;
	v1 =	vld [tilespmem:$0x3F70]  }
0x21d: {  	v2 =	vld.idx.msk [tilespmem:v2+s2+$0x0], $0xffff;
	_ =	sdelay $0x1  }
0x21e: {  	v3 =	vld [tilespmem:$0x4E70];
	_ =	sdelay $0x1  }
0x21f: {  	v10 =	vld [tilespmem:$0x5D70]  }
0x220: {  	v1 =	vmul.f32 v2, v1;
	_ =	sdelay $0x1  }
0x221: {  	v1 =	vmul.f32 v1, v3;
	_ =	sdelay $0x1  }
0x222: {  	v1 =	vadd.f32 v1, v10;
	_ =	sdelay $0x1  }
0x223: {  	[tilespmem:$0x5D70] =	vst v1  }
0x224: {  	_ =	swait.ge [sflag:s18], $0x80  }
0x225: {  	[sflag:s18] =	ssyncset.done $0x0  }
0x226: {  	[sflag:s18] =	ssyncadd.s32 $0xFFFFFF80  }
0x227: {  	_ =	swait.ge [sflag:s18], $0x80  }
0x228: {  	[sflag:s18] =	ssyncset.done $0x0  }
0x229: {  	[sflag:s18] =	ssyncadd.s32 $0xFFFFFF80  }
0x22a: {  	v1 =	vld [tilespmem:$0x1100];
	_ =	sdelay $0x4  }
0x22b: {  	v1 =	vadd.s32 s21, v1;
	_ =	sdelay $0x3  }
0x22c: {  	v2 =	vld [tilespmem:$0x3F80]  }
0x22d: {  	v1 =	vld.idx.msk [tilespmem:v1+s2+$0x0], $0xffff  }
0x22e: {  	v3 =	vld [tilespmem:$0x4E80]  }
0x22f: {  	v11 =	vld [tilespmem:$0x1110];
	_ =	sdelay $0x1  }
0x230: {  	v12 =	vld [tilespmem:$0x5D80]  }
0x231: {  	v1 =	vmul.f32 v1, v2;
	_ =	sdelay $0x1  }
0x232: {  	v2 =	vadd.s32 s21, v11;
	v1 =	vmul.f32 v1, v3;
	_ =	sdelay $0x1  }
0x233: {  	v1 =	vadd.f32 v1, v12;
	_ =	sdelay $0x1  }
0x234: {  	[tilespmem:$0x5D80] =	vst v1;
	v1 =	vld [tilespmem:$0x3F90]  }
0x235: {  	v2 =	vld.idx.msk [tilespmem:v2+s2+$0x0], $0xffff  }
0x236: {  	v13 =	vld [tilespmem:$0x1120]  }
0x237: {  	v3 =	vld [tilespmem:$0x4E90];
	_ =	sdelay $0x1  }
0x238: {  	v14 =	vld [tilespmem:$0x5D90]  }
0x239: {  	v1 =	vmul.f32 v2, v1;
	_ =	sdelay $0x1  }
0x23a: {  	v2 =	vadd.s32 s21, v13;
	v1 =	vmul.f32 v1, v3;
	_ =	sdelay $0x1  }
0x23b: {  	v1 =	vadd.f32 v1, v14;
	_ =	sdelay $0x1  }
0x23c: {  	[tilespmem:$0x5D90] =	vst v1;
	v1 =	vld [tilespmem:$0x3FA0]  }
0x23d: {  	v2 =	vld.idx.msk [tilespmem:v2+s2+$0x0], $0xffff  }
0x23e: {  	v15 =	vld [tilespmem:$0x1130]  }
0x23f: {  	v3 =	vld [tilespmem:$0x4EA0];
	_ =	sdelay $0x1  }
0x240: {  	v16 =	vld [tilespmem:$0x5DA0]  }
0x241: {  	v1 =	vmul.f32 v2, v1;
	_ =	sdelay $0x1  }
0x242: {  	v2 =	vadd.s32 s21, v15;
	v1 =	vmul.f32 v1, v3;
	_ =	sdelay $0x1  }
0x243: {  	v1 =	vadd.f32 v1, v16;
	_ =	sdelay $0x1  }
0x244: {  	[tilespmem:$0x5DA0] =	vst v1;
	v1 =	vld [tilespmem:$0x3FB0]  }
0x245: {  	v2 =	vld.idx.msk [tilespmem:v2+s2+$0x0], $0xffff  }
0x246: {  	v17 =	vld [tilespmem:$0x1140]  }
0x247: {  	v3 =	vld [tilespmem:$0x4EB0];
	_ =	sdelay $0x1  }
0x248: {  	v18 =	vld [tilespmem:$0x5DB0]  }
0x249: {  	v1 =	vmul.f32 v2, v1;
	_ =	sdelay $0x1  }
0x24a: {  	v2 =	vadd.s32 s21, v17;
	v1 =	vmul.f32 v1, v3;
	_ =	sdelay $0x1  }
0x24b: {  	v1 =	vadd.f32 v1, v18;
	_ =	sdelay $0x1  }
0x24c: {  	[tilespmem:$0x5DB0] =	vst v1;
	v1 =	vld [tilespmem:$0x3FC0]  }
0x24d: {  	v2 =	vld.idx.msk [tilespmem:v2+s2+$0x0], $0xffff  }
0x24e: {  	v19 =	vld [tilespmem:$0x1150]  }
0x24f: {  	v3 =	vld [tilespmem:$0x4EC0];
	_ =	sdelay $0x1  }
0x250: {  	v20 =	vld [tilespmem:$0x5DC0]  }
0x251: {  	v1 =	vmul.f32 v2, v1;
	_ =	sdelay $0x1  }
0x252: {  	v2 =	vadd.s32 s21, v19;
	v1 =	vmul.f32 v1, v3;
	_ =	sdelay $0x1  }
0x253: {  	v1 =	vadd.f32 v1, v20;
	_ =	sdelay $0x1  }
0x254: {  	[tilespmem:$0x5DC0] =	vst v1;
	v1 =	vld [tilespmem:$0x3FD0]  }
0x255: {  	v2 =	vld.idx.msk [tilespmem:v2+s2+$0x0], $0xffff  }
0x256: {  	v21 =	vld [tilespmem:$0x1160]  }
0x257: {  	v3 =	vld [tilespmem:$0x4ED0];
	_ =	sdelay $0x1  }
0x258: {  	v22 =	vld [tilespmem:$0x5DD0]  }
0x259: {  	v1 =	vmul.f32 v2, v1;
	_ =	sdelay $0x1  }
0x25a: {  	v2 =	vadd.s32 s21, v21;
	v1 =	vmul.f32 v1, v3;
	_ =	sdelay $0x1  }
0x25b: {  	v1 =	vadd.f32 v1, v22;
	_ =	sdelay $0x1  }
0x25c: {  	[tilespmem:$0x5DD0] =	vst v1;
	v1 =	vld [tilespmem:$0x3FE0]  }
0x25d: {  	v2 =	vld.idx.msk [tilespmem:v2+s2+$0x0], $0xffff  }
0x25e: {  	v23 =	vld [tilespmem:$0x1170]  }
0x25f: {  	v3 =	vld [tilespmem:$0x4EE0];
	_ =	sdelay $0x1  }
0x260: {  	v24 =	vld [tilespmem:$0x5DE0]  }
0x261: {  	v1 =	vmul.f32 v2, v1;
	_ =	sdelay $0x1  }
0x262: {  	v2 =	vadd.s32 s21, v23;
	v1 =	vmul.f32 v1, v3;
	_ =	sdelay $0x1  }
0x263: {  	v1 =	vadd.f32 v1, v24;
	_ =	sdelay $0x1  }
0x264: {  	[tilespmem:$0x5DE0] =	vst v1;
	v1 =	vld [tilespmem:$0x3FF0]  }
0x265: {  	v2 =	vld.idx.msk [tilespmem:v2+s2+$0x0], $0xffff;
	_ =	sdelay $0x1  }
0x266: {  	v3 =	vld [tilespmem:$0x4EF0];
	_ =	sdelay $0x1  }
0x267: {  	v25 =	vld [tilespmem:$0x5DF0]  }
0x268: {  	v1 =	vmul.f32 v2, v1;
	_ =	sdelay $0x1  }
0x269: {  	v1 =	vmul.f32 v1, v3;
	_ =	sdelay $0x1  }
0x26a: {  	v1 =	vadd.f32 v1, v25;
	_ =	sdelay $0x1  }
0x26b: {  	[tilespmem:$0x5DF0] =	vst v1  }
0x26c: {  	_ =	swait.ge [sflag:s18], $0x80  }
0x26d: {  	[sflag:s18] =	ssyncset.done $0x0  }
0x26e: {  	[sflag:s18] =	ssyncadd.s32 $0xFFFFFF80  }
0x26f: {  	_ =	swait.ge [sflag:s18], $0x80  }
0x270: {  	[sflag:s18] =	ssyncset.done $0x0  }
0x271: {  	[sflag:s18] =	ssyncadd.s32 $0xFFFFFF80  }
0x272: {  	v1 =	vld [tilespmem:$0x1180];
	_ =	sdelay $0x4  }
0x273: {  	v1 =	vadd.s32 s21, v1;
	_ =	sdelay $0x3  }
0x274: {  	v2 =	vld [tilespmem:$0x4000]  }
0x275: {  	v1 =	vld.idx.msk [tilespmem:v1+s2+$0x0], $0xffff  }
0x276: {  	v3 =	vld [tilespmem:$0x4F00]  }
0x277: {  	v26 =	vld [tilespmem:$0x1190];
	_ =	sdelay $0x1  }
0x278: {  	v27 =	vld [tilespmem:$0x5E00]  }
0x279: {  	v1 =	vmul.f32 v1, v2;
	_ =	sdelay $0x1  }
0x27a: {  	v2 =	vadd.s32 s21, v26;
	v1 =	vmul.f32 v1, v3;
	_ =	sdelay $0x1  }
0x27b: {  	v1 =	vadd.f32 v1, v27;
	_ =	sdelay $0x1  }
0x27c: {  	[tilespmem:$0x5E00] =	vst v1;
	v1 =	vld [tilespmem:$0x4010]  }
0x27d: {  	v2 =	vld.idx.msk [tilespmem:v2+s2+$0x0], $0xffff  }
0x27e: {  	v28 =	vld [tilespmem:$0x11A0]  }
0x27f: {  	v3 =	vld [tilespmem:$0x4F10];
	_ =	sdelay $0x1  }
0x280: {  	v29 =	vld [tilespmem:$0x5E10]  }
0x281: {  	v1 =	vmul.f32 v2, v1;
	_ =	sdelay $0x1  }
0x282: {  	v2 =	vadd.s32 s21, v28;
	v1 =	vmul.f32 v1, v3;
	_ =	sdelay $0x1  }
0x283: {  	v1 =	vadd.f32 v1, v29;
	_ =	sdelay $0x1  }
0x284: {  	[tilespmem:$0x5E10] =	vst v1;
	v1 =	vld [tilespmem:$0x4020]  }
0x285: {  	v2 =	vld.idx.msk [tilespmem:v2+s2+$0x0], $0xffff  }
0x286: {  	v30 =	vld [tilespmem:$0x11B0]  }
0x287: {  	v3 =	vld [tilespmem:$0x4F20];
	_ =	sdelay $0x1  }
0x288: {  	v31 =	vld [tilespmem:$0x5E20]  }
0x289: {  	v1 =	vmul.f32 v2, v1;
	_ =	sdelay $0x1  }
0x28a: {  	v2 =	vadd.s32 s21, v30;
	v1 =	vmul.f32 v1, v3;
	_ =	sdelay $0x1  }
0x28b: {  	v1 =	vadd.f32 v1, v31;
	_ =	sdelay $0x1  }
0x28c: {  	[tilespmem:$0x5E20] =	vst v1;
	v1 =	vld [tilespmem:$0x4030]  }
0x28d: {  	v2 =	vld.idx.msk [tilespmem:v2+s2+$0x0], $0xffff  }
0x28e: {  	v32 =	vld [tilespmem:$0x11C0]  }
0x28f: {  	v3 =	vld [tilespmem:$0x4F30];
	_ =	sdelay $0x1  }
0x290: {  	v33 =	vld [tilespmem:$0x5E30]  }
0x291: {  	v1 =	vmul.f32 v2, v1;
	_ =	sdelay $0x1  }
0x292: {  	v2 =	vadd.s32 s21, v32;
	v1 =	vmul.f32 v1, v3;
	_ =	sdelay $0x1  }
0x293: {  	v1 =	vadd.f32 v1, v33;
	_ =	sdelay $0x1  }
0x294: {  	[tilespmem:$0x5E30] =	vst v1;
	v1 =	vld [tilespmem:$0x4040]  }
0x295: {  	v2 =	vld.idx.msk [tilespmem:v2+s2+$0x0], $0xffff  }
0x296: {  	v34 =	vld [tilespmem:$0x11D0]  }
0x297: {  	v3 =	vld [tilespmem:$0x4F40];
	_ =	sdelay $0x1  }
0x298: {  	v35 =	vld [tilespmem:$0x5E40]  }
0x299: {  	v1 =	vmul.f32 v2, v1;
	_ =	sdelay $0x1  }
0x29a: {  	v2 =	vadd.s32 s21, v34;
	v1 =	vmul.f32 v1, v3;
	_ =	sdelay $0x1  }
0x29b: {  	v1 =	vadd.f32 v1, v35;
	_ =	sdelay $0x1  }
0x29c: {  	[tilespmem:$0x5E40] =	vst v1;
	v1 =	vld [tilespmem:$0x4050]  }
0x29d: {  	v2 =	vld.idx.msk [tilespmem:v2+s2+$0x0], $0xffff  }
0x29e: {  	v36 =	vld [tilespmem:$0x11E0]  }
0x29f: {  	v3 =	vld [tilespmem:$0x4F50];
	_ =	sdelay $0x1  }
0x2a0: {  	v37 =	vld [tilespmem:$0x5E50]  }
0x2a1: {  	v1 =	vmul.f32 v2, v1;
	_ =	sdelay $0x1  }
0x2a2: {  	v2 =	vadd.s32 s21, v36;
	v1 =	vmul.f32 v1, v3;
	_ =	sdelay $0x1  }
0x2a3: {  	v1 =	vadd.f32 v1, v37;
	_ =	sdelay $0x1  }
0x2a4: {  	[tilespmem:$0x5E50] =	vst v1;
	v1 =	vld [tilespmem:$0x4060]  }
0x2a5: {  	v2 =	vld.idx.msk [tilespmem:v2+s2+$0x0], $0xffff  }
0x2a6: {  	v38 =	vld [tilespmem:$0x11F0]  }
0x2a7: {  	v3 =	vld [tilespmem:$0x4F60];
	_ =	sdelay $0x1  }
0x2a8: {  	v39 =	vld [tilespmem:$0x5E60]  }
0x2a9: {  	v1 =	vmul.f32 v2, v1;
	_ =	sdelay $0x1  }
0x2aa: {  	v2 =	vadd.s32 s21, v38;
	v1 =	vmul.f32 v1, v3;
	_ =	sdelay $0x1  }
0x2ab: {  	v1 =	vadd.f32 v1, v39;
	_ =	sdelay $0x1  }
0x2ac: {  	[tilespmem:$0x5E60] =	vst v1;
	v1 =	vld [tilespmem:$0x4070]  }
0x2ad: {  	v2 =	vld.idx.msk [tilespmem:v2+s2+$0x0], $0xffff;
	_ =	sdelay $0x1  }
0x2ae: {  	v3 =	vld [tilespmem:$0x4F70];
	_ =	sdelay $0x1  }
0x2af: {  	v40 =	vld [tilespmem:$0x5E70]  }
0x2b0: {  	v1 =	vmul.f32 v2, v1;
	_ =	sdelay $0x1  }
0x2b1: {  	v1 =	vmul.f32 v1, v3;
	_ =	sdelay $0x1  }
0x2b2: {  	v1 =	vadd.f32 v1, v40;
	_ =	sdelay $0x1  }
0x2b3: {  	[tilespmem:$0x5E70] =	vst v1  }
0x2b4: {  	_ =	swait.ge [sflag:s18], $0x80  }
0x2b5: {  	[sflag:s18] =	ssyncset.done $0x0  }
0x2b6: {  	[sflag:s18] =	ssyncadd.s32 $0xFFFFFF80  }
0x2b7: {  	_ =	swait.ge [sflag:s18], $0x80  }
0x2b8: {  	[sflag:s18] =	ssyncset.done $0x0  }
0x2b9: {  	[sflag:s18] =	ssyncadd.s32 $0xFFFFFF80  }
0x2ba: {  	v1 =	vld [tilespmem:$0x1200];
	_ =	sdelay $0x4  }
0x2bb: {  	v1 =	vadd.s32 s21, v1;
	_ =	sdelay $0x3  }
0x2bc: {  	v2 =	vld [tilespmem:$0x4080]  }
0x2bd: {  	v1 =	vld.idx.msk [tilespmem:v1+s2+$0x0], $0xffff  }
0x2be: {  	v3 =	vld [tilespmem:$0x4F80]  }
0x2bf: {  	v41 =	vld [tilespmem:$0x1210];
	_ =	sdelay $0x1  }
0x2c0: {  	v42 =	vld [tilespmem:$0x5E80]  }
0x2c1: {  	v1 =	vmul.f32 v1, v2;
	_ =	sdelay $0x1  }
0x2c2: {  	v2 =	vadd.s32 s21, v41;
	v1 =	vmul.f32 v1, v3;
	_ =	sdelay $0x1  }
0x2c3: {  	v1 =	vadd.f32 v1, v42;
	_ =	sdelay $0x1  }
0x2c4: {  	[tilespmem:$0x5E80] =	vst v1;
	v1 =	vld [tilespmem:$0x4090]  }
0x2c5: {  	v2 =	vld.idx.msk [tilespmem:v2+s2+$0x0], $0xffff  }
0x2c6: {  	v43 =	vld [tilespmem:$0x1220]  }
0x2c7: {  	v3 =	vld [tilespmem:$0x4F90];
	_ =	sdelay $0x1  }
0x2c8: {  	v44 =	vld [tilespmem:$0x5E90]  }
0x2c9: {  	v1 =	vmul.f32 v2, v1;
	_ =	sdelay $0x1  }
0x2ca: {  	v2 =	vadd.s32 s21, v43;
	v1 =	vmul.f32 v1, v3;
	_ =	sdelay $0x1  }
0x2cb: {  	v1 =	vadd.f32 v1, v44;
	_ =	sdelay $0x1  }
0x2cc: {  	[tilespmem:$0x5E90] =	vst v1;
	v1 =	vld [tilespmem:$0x40A0]  }
0x2cd: {  	v2 =	vld.idx.msk [tilespmem:v2+s2+$0x0], $0xffff  }
0x2ce: {  	v45 =	vld [tilespmem:$0x1230]  }
0x2cf: {  	v3 =	vld [tilespmem:$0x4FA0];
	_ =	sdelay $0x1  }
0x2d0: {  	v46 =	vld [tilespmem:$0x5EA0]  }
0x2d1: {  	v1 =	vmul.f32 v2, v1;
	_ =	sdelay $0x1  }
0x2d2: {  	v2 =	vadd.s32 s21, v45;
	v1 =	vmul.f32 v1, v3;
	_ =	sdelay $0x1  }
0x2d3: {  	v1 =	vadd.f32 v1, v46;
	_ =	sdelay $0x1  }
0x2d4: {  	[tilespmem:$0x5EA0] =	vst v1;
	v1 =	vld [tilespmem:$0x40B0]  }
0x2d5: {  	v2 =	vld.idx.msk [tilespmem:v2+s2+$0x0], $0xffff  }
0x2d6: {  	v47 =	vld [tilespmem:$0x1240]  }
0x2d7: {  	v3 =	vld [tilespmem:$0x4FB0];
	_ =	sdelay $0x1  }
0x2d8: {  	v48 =	vld [tilespmem:$0x5EB0]  }
0x2d9: {  	v1 =	vmul.f32 v2, v1;
	_ =	sdelay $0x1  }
0x2da: {  	v2 =	vadd.s32 s21, v47;
	v1 =	vmul.f32 v1, v3;
	_ =	sdelay $0x1  }
0x2db: {  	v1 =	vadd.f32 v1, v48;
	_ =	sdelay $0x1  }
0x2dc: {  	[tilespmem:$0x5EB0] =	vst v1;
	v1 =	vld [tilespmem:$0x40C0]  }
0x2dd: {  	v2 =	vld.idx.msk [tilespmem:v2+s2+$0x0], $0xffff  }
0x2de: {  	v49 =	vld [tilespmem:$0x1250]  }
0x2df: {  	v3 =	vld [tilespmem:$0x4FC0];
	_ =	sdelay $0x1  }
0x2e0: {  	v50 =	vld [tilespmem:$0x5EC0]  }
0x2e1: {  	v1 =	vmul.f32 v2, v1;
	_ =	sdelay $0x1  }
0x2e2: {  	v2 =	vadd.s32 s21, v49;
	v1 =	vmul.f32 v1, v3;
	_ =	sdelay $0x1  }
0x2e3: {  	v1 =	vadd.f32 v1, v50;
	_ =	sdelay $0x1  }
0x2e4: {  	[tilespmem:$0x5EC0] =	vst v1;
	v1 =	vld [tilespmem:$0x40D0]  }
0x2e5: {  	v2 =	vld.idx.msk [tilespmem:v2+s2+$0x0], $0xffff  }
0x2e6: {  	v51 =	vld [tilespmem:$0x1260]  }
0x2e7: {  	v3 =	vld [tilespmem:$0x4FD0];
	_ =	sdelay $0x1  }
0x2e8: {  	v52 =	vld [tilespmem:$0x5ED0]  }
0x2e9: {  	v1 =	vmul.f32 v2, v1;
	_ =	sdelay $0x1  }
0x2ea: {  	v2 =	vadd.s32 s21, v51;
	v1 =	vmul.f32 v1, v3;
	_ =	sdelay $0x1  }
0x2eb: {  	v1 =	vadd.f32 v1, v52;
	_ =	sdelay $0x1  }
0x2ec: {  	[tilespmem:$0x5ED0] =	vst v1;
	v1 =	vld [tilespmem:$0x40E0]  }
0x2ed: {  	v2 =	vld.idx.msk [tilespmem:v2+s2+$0x0], $0xffff  }
0x2ee: {  	v53 =	vld [tilespmem:$0x1270]  }
0x2ef: {  	v3 =	vld [tilespmem:$0x4FE0];
	_ =	sdelay $0x1  }
0x2f0: {  	v54 =	vld [tilespmem:$0x5EE0]  }
0x2f1: {  	v1 =	vmul.f32 v2, v1;
	_ =	sdelay $0x1  }
0x2f2: {  	v2 =	vadd.s32 s21, v53;
	v1 =	vmul.f32 v1, v3;
	_ =	sdelay $0x1  }
0x2f3: {  	v1 =	vadd.f32 v1, v54;
	_ =	sdelay $0x1  }
0x2f4: {  	[tilespmem:$0x5EE0] =	vst v1;
	v1 =	vld [tilespmem:$0x40F0]  }
0x2f5: {  	v2 =	vld.idx.msk [tilespmem:v2+s2+$0x0], $0xffff;
	_ =	sdelay $0x1  }
0x2f6: {  	v3 =	vld [tilespmem:$0x4FF0];
	_ =	sdelay $0x1  }
0x2f7: {  	v55 =	vld [tilespmem:$0x5EF0]  }
0x2f8: {  	v1 =	vmul.f32 v2, v1;
	_ =	sdelay $0x1  }
0x2f9: {  	v1 =	vmul.f32 v1, v3;
	_ =	sdelay $0x1  }
0x2fa: {  	v1 =	vadd.f32 v1, v55;
	_ =	sdelay $0x1  }
0x2fb: {  	[tilespmem:$0x5EF0] =	vst v1  }
0x2fc: {  	_ =	swait.ge [sflag:s18], $0x80  }
0x2fd: {  	[sflag:s18] =	ssyncset.done $0x0  }
0x2fe: {  	[sflag:s18] =	ssyncadd.s32 $0xFFFFFF80  }
0x2ff: {  	_ =	swait.ge [sflag:s18], $0x80  }
0x300: {  	[sflag:s18] =	ssyncset.done $0x0  }
0x301: {  	[sflag:s18] =	ssyncadd.s32 $0xFFFFFF80  }
0x302: {  	v1 =	vld [tilespmem:$0x1280];
	_ =	sdelay $0x4  }
0x303: {  	v1 =	vadd.s32 s21, v1;
	_ =	sdelay $0x3  }
0x304: {  	v2 =	vld [tilespmem:$0x4100]  }
0x305: {  	v1 =	vld.idx.msk [tilespmem:v1+s2+$0x0], $0xffff  }
0x306: {  	v3 =	vld [tilespmem:$0x5000]  }
0x307: {  	v56 =	vld [tilespmem:$0x1290];
	_ =	sdelay $0x1  }
0x308: {  	v57 =	vld [tilespmem:$0x5F00]  }
0x309: {  	v1 =	vmul.f32 v1, v2;
	_ =	sdelay $0x1  }
0x30a: {  	v2 =	vadd.s32 s21, v56;
	v1 =	vmul.f32 v1, v3;
	_ =	sdelay $0x1  }
0x30b: {  	v1 =	vadd.f32 v1, v57;
	_ =	sdelay $0x1  }
0x30c: {  	[tilespmem:$0x5F00] =	vst v1;
	v1 =	vld [tilespmem:$0x4110]  }
0x30d: {  	v2 =	vld.idx.msk [tilespmem:v2+s2+$0x0], $0xffff  }
0x30e: {  	v58 =	vld [tilespmem:$0x12A0]  }
0x30f: {  	v3 =	vld [tilespmem:$0x5010];
	_ =	sdelay $0x1  }
0x310: {  	v59 =	vld [tilespmem:$0x5F10]  }
0x311: {  	v1 =	vmul.f32 v2, v1;
	_ =	sdelay $0x1  }
0x312: {  	v2 =	vadd.s32 s21, v58;
	v1 =	vmul.f32 v1, v3;
	_ =	sdelay $0x1  }
0x313: {  	v1 =	vadd.f32 v1, v59;
	_ =	sdelay $0x1  }
0x314: {  	[tilespmem:$0x5F10] =	vst v1;
	v1 =	vld [tilespmem:$0x4120]  }
0x315: {  	v2 =	vld.idx.msk [tilespmem:v2+s2+$0x0], $0xffff  }
0x316: {  	v60 =	vld [tilespmem:$0x12B0]  }
0x317: {  	v3 =	vld [tilespmem:$0x5020];
	_ =	sdelay $0x1  }
0x318: {  	v61 =	vld [tilespmem:$0x5F20]  }
0x319: {  	v1 =	vmul.f32 v2, v1;
	_ =	sdelay $0x1  }
0x31a: {  	v2 =	vadd.s32 s21, v60;
	v1 =	vmul.f32 v1, v3;
	_ =	sdelay $0x1  }
0x31b: {  	v1 =	vadd.f32 v1, v61;
	_ =	sdelay $0x1  }
0x31c: {  	[tilespmem:$0x5F20] =	vst v1;
	v1 =	vld [tilespmem:$0x4130]  }
0x31d: {  	v2 =	vld.idx.msk [tilespmem:v2+s2+$0x0], $0xffff  }
0x31e: {  	v62 =	vld [tilespmem:$0x12C0]  }
0x31f: {  	v3 =	vld [tilespmem:$0x5030];
	_ =	sdelay $0x1  }
0x320: {  	v63 =	vld [tilespmem:$0x5F30]  }
0x321: {  	v1 =	vmul.f32 v2, v1;
	_ =	sdelay $0x1  }
0x322: {  	v2 =	vadd.s32 s21, v62;
	v1 =	vmul.f32 v1, v3;
	_ =	sdelay $0x1  }
0x323: {  	v1 =	vadd.f32 v1, v63;
	_ =	sdelay $0x1  }
0x324: {  	[tilespmem:$0x5F30] =	vst v1;
	v1 =	vld [tilespmem:$0x4140]  }
0x325: {  	v2 =	vld.idx.msk [tilespmem:v2+s2+$0x0], $0xffff  }
0x326: {  	v8 =	vld [tilespmem:$0x12D0]  }
0x327: {  	v3 =	vld [tilespmem:$0x5040];
	_ =	sdelay $0x1  }
0x328: {  	v9 =	vld [tilespmem:$0x5F40]  }
0x329: {  	v1 =	vmul.f32 v2, v1;
	_ =	sdelay $0x1  }
0x32a: {  	v2 =	vadd.s32 s21, v8;
	v1 =	vmul.f32 v1, v3;
	_ =	sdelay $0x1  }
0x32b: {  	v1 =	vadd.f32 v1, v9;
	_ =	sdelay $0x1  }
0x32c: {  	[tilespmem:$0x5F40] =	vst v1;
	v1 =	vld [tilespmem:$0x4150]  }
0x32d: {  	v2 =	vld.idx.msk [tilespmem:v2+s2+$0x0], $0xffff  }
0x32e: {  	v10 =	vld [tilespmem:$0x12E0]  }
0x32f: {  	v3 =	vld [tilespmem:$0x5050];
	_ =	sdelay $0x1  }
0x330: {  	v11 =	vld [tilespmem:$0x5F50]  }
0x331: {  	v1 =	vmul.f32 v2, v1;
	_ =	sdelay $0x1  }
0x332: {  	v2 =	vadd.s32 s21, v10;
	v1 =	vmul.f32 v1, v3;
	_ =	sdelay $0x1  }
0x333: {  	v1 =	vadd.f32 v1, v11;
	_ =	sdelay $0x1  }
0x334: {  	[tilespmem:$0x5F50] =	vst v1;
	v1 =	vld [tilespmem:$0x4160]  }
0x335: {  	v2 =	vld.idx.msk [tilespmem:v2+s2+$0x0], $0xffff  }
0x336: {  	v12 =	vld [tilespmem:$0x12F0]  }
0x337: {  	v3 =	vld [tilespmem:$0x5060];
	_ =	sdelay $0x1  }
0x338: {  	v13 =	vld [tilespmem:$0x5F60]  }
0x339: {  	v1 =	vmul.f32 v2, v1;
	_ =	sdelay $0x1  }
0x33a: {  	v2 =	vadd.s32 s21, v12;
	v1 =	vmul.f32 v1, v3;
	_ =	sdelay $0x1  }
0x33b: {  	v1 =	vadd.f32 v1, v13;
	_ =	sdelay $0x1  }
0x33c: {  	[tilespmem:$0x5F60] =	vst v1;
	v1 =	vld [tilespmem:$0x4170]  }
0x33d: {  	v2 =	vld.idx.msk [tilespmem:v2+s2+$0x0], $0xffff;
	_ =	sdelay $0x1  }
0x33e: {  	v3 =	vld [tilespmem:$0x5070];
	_ =	sdelay $0x1  }
0x33f: {  	v14 =	vld [tilespmem:$0x5F70]  }
0x340: {  	v1 =	vmul.f32 v2, v1;
	_ =	sdelay $0x1  }
0x341: {  	v1 =	vmul.f32 v1, v3;
	_ =	sdelay $0x1  }
0x342: {  	v1 =	vadd.f32 v1, v14;
	_ =	sdelay $0x1  }
0x343: {  	[tilespmem:$0x5F70] =	vst v1  }
0x344: {  	_ =	swait.ge [sflag:s18], $0x80  }
0x345: {  	[sflag:s18] =	ssyncset.done $0x0  }
0x346: {  	[sflag:s18] =	ssyncadd.s32 $0xFFFFFF80  }
0x347: {  	_ =	swait.ge [sflag:s18], $0x80  }
0x348: {  	[sflag:s18] =	ssyncset.done $0x0  }
0x349: {  	[sflag:s18] =	ssyncadd.s32 $0xFFFFFF80  }
0x34a: {  	v1 =	vld [tilespmem:$0x1300];
	_ =	sdelay $0x4  }
0x34b: {  	v1 =	vadd.s32 s21, v1;
	_ =	sdelay $0x3  }
0x34c: {  	v2 =	vld [tilespmem:$0x4180]  }
0x34d: {  	v1 =	vld.idx.msk [tilespmem:v1+s2+$0x0], $0xffff  }
0x34e: {  	v3 =	vld [tilespmem:$0x5080]  }
0x34f: {  	v15 =	vld [tilespmem:$0x1310];
	_ =	sdelay $0x1  }
0x350: {  	v16 =	vld [tilespmem:$0x5F80]  }
0x351: {  	v1 =	vmul.f32 v1, v2;
	_ =	sdelay $0x1  }
0x352: {  	v2 =	vadd.s32 s21, v15;
	v1 =	vmul.f32 v1, v3;
	_ =	sdelay $0x1  }
0x353: {  	v1 =	vadd.f32 v1, v16;
	_ =	sdelay $0x1  }
0x354: {  	[tilespmem:$0x5F80] =	vst v1;
	v1 =	vld [tilespmem:$0x4190]  }
0x355: {  	v2 =	vld.idx.msk [tilespmem:v2+s2+$0x0], $0xffff  }
0x356: {  	v17 =	vld [tilespmem:$0x1320]  }
0x357: {  	v3 =	vld [tilespmem:$0x5090];
	_ =	sdelay $0x1  }
0x358: {  	v18 =	vld [tilespmem:$0x5F90]  }
0x359: {  	v1 =	vmul.f32 v2, v1;
	_ =	sdelay $0x1  }
0x35a: {  	v2 =	vadd.s32 s21, v17;
	v1 =	vmul.f32 v1, v3;
	_ =	sdelay $0x1  }
0x35b: {  	v1 =	vadd.f32 v1, v18;
	_ =	sdelay $0x1  }
0x35c: {  	[tilespmem:$0x5F90] =	vst v1;
	v1 =	vld [tilespmem:$0x41A0]  }
0x35d: {  	v2 =	vld.idx.msk [tilespmem:v2+s2+$0x0], $0xffff  }
0x35e: {  	v19 =	vld [tilespmem:$0x1330]  }
0x35f: {  	v3 =	vld [tilespmem:$0x50A0];
	_ =	sdelay $0x1  }
0x360: {  	v20 =	vld [tilespmem:$0x5FA0]  }
0x361: {  	v1 =	vmul.f32 v2, v1;
	_ =	sdelay $0x1  }
0x362: {  	v2 =	vadd.s32 s21, v19;
	v1 =	vmul.f32 v1, v3;
	_ =	sdelay $0x1  }
0x363: {  	v1 =	vadd.f32 v1, v20;
	_ =	sdelay $0x1  }
0x364: {  	[tilespmem:$0x5FA0] =	vst v1;
	v1 =	vld [tilespmem:$0x41B0]  }
0x365: {  	v2 =	vld.idx.msk [tilespmem:v2+s2+$0x0], $0xffff  }
0x366: {  	v21 =	vld [tilespmem:$0x1340]  }
0x367: {  	v3 =	vld [tilespmem:$0x50B0];
	_ =	sdelay $0x1  }
0x368: {  	v22 =	vld [tilespmem:$0x5FB0]  }
0x369: {  	v1 =	vmul.f32 v2, v1;
	_ =	sdelay $0x1  }
0x36a: {  	v2 =	vadd.s32 s21, v21;
	v1 =	vmul.f32 v1, v3;
	_ =	sdelay $0x1  }
0x36b: {  	v1 =	vadd.f32 v1, v22;
	_ =	sdelay $0x1  }
0x36c: {  	[tilespmem:$0x5FB0] =	vst v1;
	v1 =	vld [tilespmem:$0x41C0]  }
0x36d: {  	v2 =	vld.idx.msk [tilespmem:v2+s2+$0x0], $0xffff  }
0x36e: {  	v23 =	vld [tilespmem:$0x1350]  }
0x36f: {  	v3 =	vld [tilespmem:$0x50C0];
	_ =	sdelay $0x1  }
0x370: {  	v24 =	vld [tilespmem:$0x5FC0]  }
0x371: {  	v1 =	vmul.f32 v2, v1;
	_ =	sdelay $0x1  }
0x372: {  	v2 =	vadd.s32 s21, v23;
	v1 =	vmul.f32 v1, v3;
	_ =	sdelay $0x1  }
0x373: {  	v1 =	vadd.f32 v1, v24;
	_ =	sdelay $0x1  }
0x374: {  	[tilespmem:$0x5FC0] =	vst v1;
	v1 =	vld [tilespmem:$0x41D0]  }
0x375: {  	v2 =	vld.idx.msk [tilespmem:v2+s2+$0x0], $0xffff  }
0x376: {  	v25 =	vld [tilespmem:$0x1360]  }
0x377: {  	v3 =	vld [tilespmem:$0x50D0];
	_ =	sdelay $0x1  }
0x378: {  	v26 =	vld [tilespmem:$0x5FD0]  }
0x379: {  	v1 =	vmul.f32 v2, v1;
	_ =	sdelay $0x1  }
0x37a: {  	v2 =	vadd.s32 s21, v25;
	v1 =	vmul.f32 v1, v3;
	_ =	sdelay $0x1  }
0x37b: {  	v1 =	vadd.f32 v1, v26;
	_ =	sdelay $0x1  }
0x37c: {  	[tilespmem:$0x5FD0] =	vst v1;
	v1 =	vld [tilespmem:$0x41E0]  }
0x37d: {  	v2 =	vld.idx.msk [tilespmem:v2+s2+$0x0], $0xffff  }
0x37e: {  	v27 =	vld [tilespmem:$0x1370]  }
0x37f: {  	v3 =	vld [tilespmem:$0x50E0];
	_ =	sdelay $0x1  }
0x380: {  	v28 =	vld [tilespmem:$0x5FE0]  }
0x381: {  	v1 =	vmul.f32 v2, v1;
	_ =	sdelay $0x1  }
0x382: {  	v2 =	vadd.s32 s21, v27;
	v1 =	vmul.f32 v1, v3;
	_ =	sdelay $0x1  }
0x383: {  	v1 =	vadd.f32 v1, v28;
	_ =	sdelay $0x1  }
0x384: {  	[tilespmem:$0x5FE0] =	vst v1;
	v1 =	vld [tilespmem:$0x41F0]  }
0x385: {  	v2 =	vld.idx.msk [tilespmem:v2+s2+$0x0], $0xffff;
	_ =	sdelay $0x1  }
0x386: {  	v3 =	vld [tilespmem:$0x50F0];
	_ =	sdelay $0x1  }
0x387: {  	v29 =	vld [tilespmem:$0x5FF0]  }
0x388: {  	v1 =	vmul.f32 v2, v1;
	_ =	sdelay $0x1  }
0x389: {  	v1 =	vmul.f32 v1, v3;
	_ =	sdelay $0x1  }
0x38a: {  	v1 =	vadd.f32 v1, v29;
	_ =	sdelay $0x1  }
0x38b: {  	[tilespmem:$0x5FF0] =	vst v1  }
0x38c: {  	_ =	swait.ge [sflag:s18], $0x80  }
0x38d: {  	[sflag:s18] =	ssyncset.done $0x0  }
0x38e: {  	[sflag:s18] =	ssyncadd.s32 $0xFFFFFF80  }
0x38f: {  	_ =	swait.ge [sflag:s18], $0x80  }
0x390: {  	[sflag:s18] =	ssyncset.done $0x0  }
0x391: {  	[sflag:s18] =	ssyncadd.s32 $0xFFFFFF80  }
0x392: {  	v1 =	vld [tilespmem:$0x1380];
	_ =	sdelay $0x4  }
0x393: {  	v1 =	vadd.s32 s21, v1;
	_ =	sdelay $0x3  }
0x394: {  	v2 =	vld [tilespmem:$0x4200]  }
0x395: {  	v1 =	vld.idx.msk [tilespmem:v1+s2+$0x0], $0xffff  }
0x396: {  	v3 =	vld [tilespmem:$0x5100]  }
0x397: {  	v30 =	vld [tilespmem:$0x1390];
	_ =	sdelay $0x1  }
0x398: {  	v31 =	vld [tilespmem:$0x6000]  }
0x399: {  	v1 =	vmul.f32 v1, v2;
	_ =	sdelay $0x1  }
0x39a: {  	v2 =	vadd.s32 s21, v30;
	v1 =	vmul.f32 v1, v3;
	_ =	sdelay $0x1  }
0x39b: {  	v1 =	vadd.f32 v1, v31;
	_ =	sdelay $0x1  }
0x39c: {  	[tilespmem:$0x6000] =	vst v1;
	v1 =	vld [tilespmem:$0x4210]  }
0x39d: {  	v2 =	vld.idx.msk [tilespmem:v2+s2+$0x0], $0xffff  }
0x39e: {  	v32 =	vld [tilespmem:$0x13A0]  }
0x39f: {  	v3 =	vld [tilespmem:$0x5110];
	_ =	sdelay $0x1  }
0x3a0: {  	v33 =	vld [tilespmem:$0x6010]  }
0x3a1: {  	v1 =	vmul.f32 v2, v1;
	_ =	sdelay $0x1  }
0x3a2: {  	v2 =	vadd.s32 s21, v32;
	v1 =	vmul.f32 v1, v3;
	_ =	sdelay $0x1  }
0x3a3: {  	v1 =	vadd.f32 v1, v33;
	_ =	sdelay $0x1  }
0x3a4: {  	[tilespmem:$0x6010] =	vst v1;
	v1 =	vld [tilespmem:$0x4220]  }
0x3a5: {  	v2 =	vld.idx.msk [tilespmem:v2+s2+$0x0], $0xffff  }
0x3a6: {  	v34 =	vld [tilespmem:$0x13B0]  }
0x3a7: {  	v3 =	vld [tilespmem:$0x5120];
	_ =	sdelay $0x1  }
0x3a8: {  	v35 =	vld [tilespmem:$0x6020]  }
0x3a9: {  	v1 =	vmul.f32 v2, v1;
	_ =	sdelay $0x1  }
0x3aa: {  	v2 =	vadd.s32 s21, v34;
	v1 =	vmul.f32 v1, v3;
	_ =	sdelay $0x1  }
0x3ab: {  	v1 =	vadd.f32 v1, v35;
	_ =	sdelay $0x1  }
0x3ac: {  	[tilespmem:$0x6020] =	vst v1;
	v1 =	vld [tilespmem:$0x4230]  }
0x3ad: {  	v2 =	vld.idx.msk [tilespmem:v2+s2+$0x0], $0xffff  }
0x3ae: {  	v36 =	vld [tilespmem:$0x13C0]  }
0x3af: {  	v3 =	vld [tilespmem:$0x5130];
	_ =	sdelay $0x1  }
0x3b0: {  	v37 =	vld [tilespmem:$0x6030]  }
0x3b1: {  	v1 =	vmul.f32 v2, v1;
	_ =	sdelay $0x1  }
0x3b2: {  	v2 =	vadd.s32 s21, v36;
	v1 =	vmul.f32 v1, v3;
	_ =	sdelay $0x1  }
0x3b3: {  	v1 =	vadd.f32 v1, v37;
	_ =	sdelay $0x1  }
0x3b4: {  	[tilespmem:$0x6030] =	vst v1;
	v1 =	vld [tilespmem:$0x4240]  }
0x3b5: {  	v2 =	vld.idx.msk [tilespmem:v2+s2+$0x0], $0xffff  }
0x3b6: {  	v38 =	vld [tilespmem:$0x13D0]  }
0x3b7: {  	v3 =	vld [tilespmem:$0x5140];
	_ =	sdelay $0x1  }
0x3b8: {  	v39 =	vld [tilespmem:$0x6040]  }
0x3b9: {  	v1 =	vmul.f32 v2, v1;
	_ =	sdelay $0x1  }
0x3ba: {  	v2 =	vadd.s32 s21, v38;
	v1 =	vmul.f32 v1, v3;
	_ =	sdelay $0x1  }
0x3bb: {  	v1 =	vadd.f32 v1, v39;
	_ =	sdelay $0x1  }
0x3bc: {  	[tilespmem:$0x6040] =	vst v1;
	v1 =	vld [tilespmem:$0x4250]  }
0x3bd: {  	v2 =	vld.idx.msk [tilespmem:v2+s2+$0x0], $0xffff  }
0x3be: {  	v40 =	vld [tilespmem:$0x13E0]  }
0x3bf: {  	v3 =	vld [tilespmem:$0x5150];
	_ =	sdelay $0x1  }
0x3c0: {  	v41 =	vld [tilespmem:$0x6050]  }
0x3c1: {  	v1 =	vmul.f32 v2, v1;
	_ =	sdelay $0x1  }
0x3c2: {  	v2 =	vadd.s32 s21, v40;
	v1 =	vmul.f32 v1, v3;
	_ =	sdelay $0x1  }
0x3c3: {  	v1 =	vadd.f32 v1, v41;
	_ =	sdelay $0x1  }
0x3c4: {  	[tilespmem:$0x6050] =	vst v1;
	v1 =	vld [tilespmem:$0x4260]  }
0x3c5: {  	v2 =	vld.idx.msk [tilespmem:v2+s2+$0x0], $0xffff  }
0x3c6: {  	v42 =	vld [tilespmem:$0x13F0]  }
0x3c7: {  	v3 =	vld [tilespmem:$0x5160];
	_ =	sdelay $0x1  }
0x3c8: {  	v43 =	vld [tilespmem:$0x6060]  }
0x3c9: {  	v1 =	vmul.f32 v2, v1;
	_ =	sdelay $0x1  }
0x3ca: {  	v2 =	vadd.s32 s21, v42;
	v1 =	vmul.f32 v1, v3;
	_ =	sdelay $0x1  }
0x3cb: {  	v1 =	vadd.f32 v1, v43;
	_ =	sdelay $0x1  }
0x3cc: {  	[tilespmem:$0x6060] =	vst v1;
	v1 =	vld [tilespmem:$0x4270]  }
0x3cd: {  	v2 =	vld.idx.msk [tilespmem:v2+s2+$0x0], $0xffff;
	_ =	sdelay $0x1  }
0x3ce: {  	v3 =	vld [tilespmem:$0x5170];
	_ =	sdelay $0x1  }
0x3cf: {  	v44 =	vld [tilespmem:$0x6070]  }
0x3d0: {  	v1 =	vmul.f32 v2, v1;
	_ =	sdelay $0x1  }
0x3d1: {  	v1 =	vmul.f32 v1, v3;
	_ =	sdelay $0x1  }
0x3d2: {  	v1 =	vadd.f32 v1, v44;
	_ =	sdelay $0x1  }
0x3d3: {  	[tilespmem:$0x6070] =	vst v1  }
0x3d4: {  	_ =	swait.ge [sflag:s18], $0x80  }
0x3d5: {  	[sflag:s18] =	ssyncset.done $0x0  }
0x3d6: {  	[sflag:s18] =	ssyncadd.s32 $0xFFFFFF80  }
0x3d7: {  	_ =	swait.ge [sflag:s18], $0x80  }
0x3d8: {  	[sflag:s18] =	ssyncset.done $0x0  }
0x3d9: {  	[sflag:s18] =	ssyncadd.s32 $0xFFFFFF80  }
0x3da: {  	v1 =	vld [tilespmem:$0x1400];
	_ =	sdelay $0x4  }
0x3db: {  	v1 =	vadd.s32 s21, v1;
	_ =	sdelay $0x3  }
0x3dc: {  	v2 =	vld [tilespmem:$0x4280]  }
0x3dd: {  	v1 =	vld.idx.msk [tilespmem:v1+s2+$0x0], $0xffff  }
0x3de: {  	v3 =	vld [tilespmem:$0x5180]  }
0x3df: {  	v45 =	vld [tilespmem:$0x1410];
	_ =	sdelay $0x1  }
0x3e0: {  	v46 =	vld [tilespmem:$0x6080]  }
0x3e1: {  	v1 =	vmul.f32 v1, v2;
	_ =	sdelay $0x1  }
0x3e2: {  	v2 =	vadd.s32 s21, v45;
	v1 =	vmul.f32 v1, v3;
	_ =	sdelay $0x1  }
0x3e3: {  	v1 =	vadd.f32 v1, v46;
	_ =	sdelay $0x1  }
0x3e4: {  	[tilespmem:$0x6080] =	vst v1;
	v1 =	vld [tilespmem:$0x4290]  }
0x3e5: {  	v2 =	vld.idx.msk [tilespmem:v2+s2+$0x0], $0xffff  }
0x3e6: {  	v47 =	vld [tilespmem:$0x1420]  }
0x3e7: {  	v3 =	vld [tilespmem:$0x5190];
	_ =	sdelay $0x1  }
0x3e8: {  	v48 =	vld [tilespmem:$0x6090]  }
0x3e9: {  	v1 =	vmul.f32 v2, v1;
	_ =	sdelay $0x1  }
0x3ea: {  	v2 =	vadd.s32 s21, v47;
	v1 =	vmul.f32 v1, v3;
	_ =	sdelay $0x1  }
0x3eb: {  	v1 =	vadd.f32 v1, v48;
	_ =	sdelay $0x1  }
0x3ec: {  	[tilespmem:$0x6090] =	vst v1;
	v1 =	vld [tilespmem:$0x42A0]  }
0x3ed: {  	v2 =	vld.idx.msk [tilespmem:v2+s2+$0x0], $0xffff  }
0x3ee: {  	v49 =	vld [tilespmem:$0x1430]  }
0x3ef: {  	v3 =	vld [tilespmem:$0x51A0];
	_ =	sdelay $0x1  }
0x3f0: {  	v50 =	vld [tilespmem:$0x60A0]  }
0x3f1: {  	v1 =	vmul.f32 v2, v1;
	_ =	sdelay $0x1  }
0x3f2: {  	v2 =	vadd.s32 s21, v49;
	v1 =	vmul.f32 v1, v3;
	_ =	sdelay $0x1  }
0x3f3: {  	v1 =	vadd.f32 v1, v50;
	_ =	sdelay $0x1  }
0x3f4: {  	[tilespmem:$0x60A0] =	vst v1;
	v1 =	vld [tilespmem:$0x42B0]  }
0x3f5: {  	v2 =	vld.idx.msk [tilespmem:v2+s2+$0x0], $0xffff  }
0x3f6: {  	v51 =	vld [tilespmem:$0x1440]  }
0x3f7: {  	v3 =	vld [tilespmem:$0x51B0];
	_ =	sdelay $0x1  }
0x3f8: {  	v52 =	vld [tilespmem:$0x60B0]  }
0x3f9: {  	v1 =	vmul.f32 v2, v1;
	_ =	sdelay $0x1  }
0x3fa: {  	v2 =	vadd.s32 s21, v51;
	v1 =	vmul.f32 v1, v3;
	_ =	sdelay $0x1  }
0x3fb: {  	v1 =	vadd.f32 v1, v52;
	_ =	sdelay $0x1  }
0x3fc: {  	[tilespmem:$0x60B0] =	vst v1;
	v1 =	vld [tilespmem:$0x42C0]  }
0x3fd: {  	v2 =	vld.idx.msk [tilespmem:v2+s2+$0x0], $0xffff  }
0x3fe: {  	v53 =	vld [tilespmem:$0x1450]  }
0x3ff: {  	v3 =	vld [tilespmem:$0x51C0];
	_ =	sdelay $0x1  }
0x400: {  	v54 =	vld [tilespmem:$0x60C0]  }
0x401: {  	v1 =	vmul.f32 v2, v1;
	_ =	sdelay $0x1  }
0x402: {  	v2 =	vadd.s32 s21, v53;
	v1 =	vmul.f32 v1, v3;
	_ =	sdelay $0x1  }
0x403: {  	v1 =	vadd.f32 v1, v54;
	_ =	sdelay $0x1  }
0x404: {  	[tilespmem:$0x60C0] =	vst v1;
	v1 =	vld [tilespmem:$0x42D0]  }
0x405: {  	v2 =	vld.idx.msk [tilespmem:v2+s2+$0x0], $0xffff;
	_ =	sdelay $0x1  }
0x406: {  	v3 =	vld [tilespmem:$0x51D0];
	_ =	sdelay $0x1  }
0x407: {  	v55 =	vld [tilespmem:$0x60D0]  }
0x408: {  	v1 =	vmul.f32 v2, v1;
	_ =	sdelay $0x1  }
0x409: {  	v1 =	vmul.f32 v1, v3;
	_ =	sdelay $0x1  }
0x40a: {  	v1 =	vadd.f32 v1, v55;
	_ =	sdelay $0x1  }
0x40b: {  	[tilespmem:$0x60D0] =	vst v1  }
0x40c: {  	v1 =	vld [tilespmem:$0x42E0]  }
0x40d: {  	v2 =	vld [tilespmem:$0x1460];
	_ =	sdelay $0x4  }
0x40e: {  	v2 =	vadd.s32 s21, v2;
	_ =	sdelay $0x4  }
0x40f: {  	v2 =	vld.idx.msk [tilespmem:v2+s2+$0x0], $0xffff  }
0x410: {  	v3 =	vld [tilespmem:$0x51E0]  }
0x411: {  	v56 =	vld [tilespmem:$0x1470];
	_ =	sdelay $0x1  }
0x412: {  	v57 =	vld [tilespmem:$0x60E0]  }
0x413: {  	v1 =	vmul.f32 v2, v1;
	_ =	sdelay $0x1  }
0x414: {  	v2 =	vadd.s32 s21, v56;
	v1 =	vmul.f32 v1, v3;
	_ =	sdelay $0x1  }
0x415: {  	v1 =	vadd.f32 v1, v57;
	_ =	sdelay $0x1  }
0x416: {  	[tilespmem:$0x60E0] =	vst v1;
	v1 =	vld [tilespmem:$0x42F0]  }
0x417: {  	v2 =	vld.idx.msk [tilespmem:v2+s2+$0x0], $0xffff;
	_ =	sdelay $0x1  }
0x418: {  	v3 =	vld [tilespmem:$0x51F0];
	_ =	sdelay $0x1  }
0x419: {  	v58 =	vld [tilespmem:$0x60F0]  }
0x41a: {  	v1 =	vmul.f32 v2, v1;
	_ =	sdelay $0x1  }
0x41b: {  	v1 =	vmul.f32 v1, v3;
	_ =	sdelay $0x1  }
0x41c: {  	v1 =	vadd.f32 v1, v58;
	_ =	sdelay $0x1  }
0x41d: {  	[tilespmem:$0x60F0] =	vst v1  }
0x41e: {  	_ =	swait.ge [sflag:s18], $0x80  }
0x41f: {  	[sflag:s18] =	ssyncset.done $0x0  }
0x420: {  	[sflag:s18] =	ssyncadd.s32 $0xFFFFFF80  }
0x421: {  	_ =	swait.ge [sflag:s18], $0x80  }
0x422: {  	[sflag:s18] =	ssyncset.done $0x0  }
0x423: {  	[sflag:s18] =	ssyncadd.s32 $0xFFFFFF80  }
0x424: {  	v1 =	vld [tilespmem:$0x1480];
	_ =	sdelay $0x4  }
0x425: {  	v1 =	vadd.s32 s21, v1;
	_ =	sdelay $0x3  }
0x426: {  	v2 =	vld [tilespmem:$0x4300]  }
0x427: {  	v1 =	vld.idx.msk [tilespmem:v1+s2+$0x0], $0xffff  }
0x428: {  	v3 =	vld [tilespmem:$0x5200]  }
0x429: {  	v59 =	vld [tilespmem:$0x1490];
	_ =	sdelay $0x1  }
0x42a: {  	v60 =	vld [tilespmem:$0x6100]  }
0x42b: {  	v1 =	vmul.f32 v1, v2;
	_ =	sdelay $0x1  }
0x42c: {  	v2 =	vadd.s32 s21, v59;
	v1 =	vmul.f32 v1, v3;
	_ =	sdelay $0x1  }
0x42d: {  	v1 =	vadd.f32 v1, v60;
	_ =	sdelay $0x1  }
0x42e: {  	[tilespmem:$0x6100] =	vst v1;
	v1 =	vld [tilespmem:$0x4310]  }
0x42f: {  	v2 =	vld.idx.msk [tilespmem:v2+s2+$0x0], $0xffff  }
0x430: {  	v61 =	vld [tilespmem:$0x14A0]  }
0x431: {  	v3 =	vld [tilespmem:$0x5210];
	_ =	sdelay $0x1  }
0x432: {  	v62 =	vld [tilespmem:$0x6110]  }
0x433: {  	v1 =	vmul.f32 v2, v1;
	_ =	sdelay $0x1  }
0x434: {  	v2 =	vadd.s32 s21, v61;
	v1 =	vmul.f32 v1, v3;
	_ =	sdelay $0x1  }
0x435: {  	v1 =	vadd.f32 v1, v62;
	_ =	sdelay $0x1  }
0x436: {  	[tilespmem:$0x6110] =	vst v1;
	v1 =	vld [tilespmem:$0x4320]  }
0x437: {  	v2 =	vld.idx.msk [tilespmem:v2+s2+$0x0], $0xffff  }
0x438: {  	v63 =	vld [tilespmem:$0x14B0]  }
0x439: {  	v3 =	vld [tilespmem:$0x5220];
	_ =	sdelay $0x1  }
0x43a: {  	v8 =	vld [tilespmem:$0x6120]  }
0x43b: {  	v1 =	vmul.f32 v2, v1;
	_ =	sdelay $0x1  }
0x43c: {  	v2 =	vadd.s32 s21, v63;
	v1 =	vmul.f32 v1, v3;
	_ =	sdelay $0x1  }
0x43d: {  	v1 =	vadd.f32 v1, v8;
	_ =	sdelay $0x1  }
0x43e: {  	[tilespmem:$0x6120] =	vst v1;
	v1 =	vld [tilespmem:$0x4330]  }
0x43f: {  	v2 =	vld.idx.msk [tilespmem:v2+s2+$0x0], $0xffff  }
0x440: {  	v9 =	vld [tilespmem:$0x14C0]  }
0x441: {  	v3 =	vld [tilespmem:$0x5230];
	_ =	sdelay $0x1  }
0x442: {  	v10 =	vld [tilespmem:$0x6130]  }
0x443: {  	v1 =	vmul.f32 v2, v1;
	_ =	sdelay $0x1  }
0x444: {  	v2 =	vadd.s32 s21, v9;
	v1 =	vmul.f32 v1, v3;
	_ =	sdelay $0x1  }
0x445: {  	v1 =	vadd.f32 v1, v10;
	_ =	sdelay $0x1  }
0x446: {  	[tilespmem:$0x6130] =	vst v1;
	v1 =	vld [tilespmem:$0x4340]  }
0x447: {  	v2 =	vld.idx.msk [tilespmem:v2+s2+$0x0], $0xffff  }
0x448: {  	v11 =	vld [tilespmem:$0x14D0]  }
0x449: {  	v3 =	vld [tilespmem:$0x5240];
	_ =	sdelay $0x1  }
0x44a: {  	v12 =	vld [tilespmem:$0x6140]  }
0x44b: {  	v1 =	vmul.f32 v2, v1;
	_ =	sdelay $0x1  }
0x44c: {  	v2 =	vadd.s32 s21, v11;
	v1 =	vmul.f32 v1, v3;
	_ =	sdelay $0x1  }
0x44d: {  	v1 =	vadd.f32 v1, v12;
	_ =	sdelay $0x1  }
0x44e: {  	[tilespmem:$0x6140] =	vst v1;
	v1 =	vld [tilespmem:$0x4350]  }
0x44f: {  	v2 =	vld.idx.msk [tilespmem:v2+s2+$0x0], $0xffff  }
0x450: {  	v13 =	vld [tilespmem:$0x14E0]  }
0x451: {  	v3 =	vld [tilespmem:$0x5250];
	_ =	sdelay $0x1  }
0x452: {  	v14 =	vld [tilespmem:$0x6150]  }
0x453: {  	v1 =	vmul.f32 v2, v1;
	_ =	sdelay $0x1  }
0x454: {  	v2 =	vadd.s32 s21, v13;
	v1 =	vmul.f32 v1, v3;
	_ =	sdelay $0x1  }
0x455: {  	v1 =	vadd.f32 v1, v14;
	_ =	sdelay $0x1  }
0x456: {  	[tilespmem:$0x6150] =	vst v1;
	v1 =	vld [tilespmem:$0x4360]  }
0x457: {  	v2 =	vld.idx.msk [tilespmem:v2+s2+$0x0], $0xffff  }
0x458: {  	v15 =	vld [tilespmem:$0x14F0]  }
0x459: {  	v3 =	vld [tilespmem:$0x5260];
	_ =	sdelay $0x1  }
0x45a: {  	v16 =	vld [tilespmem:$0x6160]  }
0x45b: {  	v1 =	vmul.f32 v2, v1;
	_ =	sdelay $0x1  }
0x45c: {  	v2 =	vadd.s32 s21, v15;
	v1 =	vmul.f32 v1, v3;
	_ =	sdelay $0x1  }
0x45d: {  	v1 =	vadd.f32 v1, v16;
	_ =	sdelay $0x1  }
0x45e: {  	[tilespmem:$0x6160] =	vst v1;
	v1 =	vld [tilespmem:$0x4370]  }
0x45f: {  	v2 =	vld.idx.msk [tilespmem:v2+s2+$0x0], $0xffff;
	_ =	sdelay $0x1  }
0x460: {  	v3 =	vld [tilespmem:$0x5270];
	_ =	sdelay $0x1  }
0x461: {  	v17 =	vld [tilespmem:$0x6170]  }
0x462: {  	v1 =	vmul.f32 v2, v1;
	_ =	sdelay $0x1  }
0x463: {  	v1 =	vmul.f32 v1, v3;
	_ =	sdelay $0x1  }
0x464: {  	v1 =	vadd.f32 v1, v17;
	_ =	sdelay $0x1  }
0x465: {  	[tilespmem:$0x6170] =	vst v1  }
0x466: {  	_ =	swait.ge [sflag:s18], $0x80  }
0x467: {  	[sflag:s18] =	ssyncset.done $0x0  }
0x468: {  	[sflag:s18] =	ssyncadd.s32 $0xFFFFFF80  }
0x469: {  	_ =	swait.ge [sflag:s18], $0x80  }
0x46a: {  	[sflag:s18] =	ssyncset.done $0x0  }
0x46b: {  	[sflag:s18] =	ssyncadd.s32 $0xFFFFFF80  }
0x46c: {  	v1 =	vld [tilespmem:$0x1500];
	_ =	sdelay $0x4  }
0x46d: {  	v1 =	vadd.s32 s21, v1;
	_ =	sdelay $0x3  }
0x46e: {  	v2 =	vld [tilespmem:$0x4380]  }
0x46f: {  	v1 =	vld.idx.msk [tilespmem:v1+s2+$0x0], $0xffff  }
0x470: {  	v3 =	vld [tilespmem:$0x5280]  }
0x471: {  	v18 =	vld [tilespmem:$0x1510];
	_ =	sdelay $0x1  }
0x472: {  	v19 =	vld [tilespmem:$0x6180]  }
0x473: {  	v1 =	vmul.f32 v1, v2;
	_ =	sdelay $0x1  }
0x474: {  	v2 =	vadd.s32 s21, v18;
	v1 =	vmul.f32 v1, v3;
	_ =	sdelay $0x1  }
0x475: {  	v1 =	vadd.f32 v1, v19;
	_ =	sdelay $0x1  }
0x476: {  	[tilespmem:$0x6180] =	vst v1;
	v1 =	vld [tilespmem:$0x4390]  }
0x477: {  	v2 =	vld.idx.msk [tilespmem:v2+s2+$0x0], $0xffff  }
0x478: {  	v20 =	vld [tilespmem:$0x1520]  }
0x479: {  	v3 =	vld [tilespmem:$0x5290];
	_ =	sdelay $0x1  }
0x47a: {  	v21 =	vld [tilespmem:$0x6190]  }
0x47b: {  	v1 =	vmul.f32 v2, v1;
	_ =	sdelay $0x1  }
0x47c: {  	v2 =	vadd.s32 s21, v20;
	v1 =	vmul.f32 v1, v3;
	_ =	sdelay $0x1  }
0x47d: {  	v1 =	vadd.f32 v1, v21;
	_ =	sdelay $0x1  }
0x47e: {  	[tilespmem:$0x6190] =	vst v1;
	v1 =	vld [tilespmem:$0x43A0]  }
0x47f: {  	v2 =	vld.idx.msk [tilespmem:v2+s2+$0x0], $0xffff  }
0x480: {  	v22 =	vld [tilespmem:$0x1530]  }
0x481: {  	v3 =	vld [tilespmem:$0x52A0];
	_ =	sdelay $0x1  }
0x482: {  	v23 =	vld [tilespmem:$0x61A0]  }
0x483: {  	v1 =	vmul.f32 v2, v1;
	_ =	sdelay $0x1  }
0x484: {  	v2 =	vadd.s32 s21, v22;
	v1 =	vmul.f32 v1, v3;
	_ =	sdelay $0x1  }
0x485: {  	v1 =	vadd.f32 v1, v23;
	_ =	sdelay $0x1  }
0x486: {  	[tilespmem:$0x61A0] =	vst v1;
	v1 =	vld [tilespmem:$0x43B0]  }
0x487: {  	v2 =	vld.idx.msk [tilespmem:v2+s2+$0x0], $0xffff  }
0x488: {  	v24 =	vld [tilespmem:$0x1540]  }
0x489: {  	v3 =	vld [tilespmem:$0x52B0];
	_ =	sdelay $0x1  }
0x48a: {  	v25 =	vld [tilespmem:$0x61B0]  }
0x48b: {  	v1 =	vmul.f32 v2, v1;
	_ =	sdelay $0x1  }
0x48c: {  	v2 =	vadd.s32 s21, v24;
	v1 =	vmul.f32 v1, v3;
	_ =	sdelay $0x1  }
0x48d: {  	v1 =	vadd.f32 v1, v25;
	_ =	sdelay $0x1  }
0x48e: {  	[tilespmem:$0x61B0] =	vst v1;
	v1 =	vld [tilespmem:$0x43C0]  }
0x48f: {  	v2 =	vld.idx.msk [tilespmem:v2+s2+$0x0], $0xffff  }
0x490: {  	v26 =	vld [tilespmem:$0x1550]  }
0x491: {  	v3 =	vld [tilespmem:$0x52C0];
	_ =	sdelay $0x1  }
0x492: {  	v27 =	vld [tilespmem:$0x61C0]  }
0x493: {  	v1 =	vmul.f32 v2, v1;
	_ =	sdelay $0x1  }
0x494: {  	v2 =	vadd.s32 s21, v26;
	v1 =	vmul.f32 v1, v3;
	_ =	sdelay $0x1  }
0x495: {  	v1 =	vadd.f32 v1, v27;
	_ =	sdelay $0x1  }
0x496: {  	[tilespmem:$0x61C0] =	vst v1;
	v1 =	vld [tilespmem:$0x43D0]  }
0x497: {  	v2 =	vld.idx.msk [tilespmem:v2+s2+$0x0], $0xffff  }
0x498: {  	v28 =	vld [tilespmem:$0x1560]  }
0x499: {  	v3 =	vld [tilespmem:$0x52D0];
	_ =	sdelay $0x1  }
0x49a: {  	v29 =	vld [tilespmem:$0x61D0]  }
0x49b: {  	v1 =	vmul.f32 v2, v1;
	_ =	sdelay $0x1  }
0x49c: {  	v2 =	vadd.s32 s21, v28;
	v1 =	vmul.f32 v1, v3;
	_ =	sdelay $0x1  }
0x49d: {  	v1 =	vadd.f32 v1, v29;
	_ =	sdelay $0x1  }
0x49e: {  	[tilespmem:$0x61D0] =	vst v1;
	v1 =	vld [tilespmem:$0x43E0]  }
0x49f: {  	v2 =	vld.idx.msk [tilespmem:v2+s2+$0x0], $0xffff  }
0x4a0: {  	v30 =	vld [tilespmem:$0x1570]  }
0x4a1: {  	v3 =	vld [tilespmem:$0x52E0];
	_ =	sdelay $0x1  }
0x4a2: {  	v31 =	vld [tilespmem:$0x61E0]  }
0x4a3: {  	v1 =	vmul.f32 v2, v1;
	_ =	sdelay $0x1  }
0x4a4: {  	v2 =	vadd.s32 s21, v30;
	v1 =	vmul.f32 v1, v3;
	_ =	sdelay $0x1  }
0x4a5: {  	v1 =	vadd.f32 v1, v31;
	_ =	sdelay $0x1  }
0x4a6: {  	[tilespmem:$0x61E0] =	vst v1;
	v1 =	vld [tilespmem:$0x43F0]  }
0x4a7: {  	v2 =	vld.idx.msk [tilespmem:v2+s2+$0x0], $0xffff;
	_ =	sdelay $0x1  }
0x4a8: {  	v3 =	vld [tilespmem:$0x52F0];
	_ =	sdelay $0x1  }
0x4a9: {  	v32 =	vld [tilespmem:$0x61F0]  }
0x4aa: {  	v1 =	vmul.f32 v2, v1;
	_ =	sdelay $0x1  }
0x4ab: {  	v1 =	vmul.f32 v1, v3;
	_ =	sdelay $0x1  }
0x4ac: {  	v1 =	vadd.f32 v1, v32;
	_ =	sdelay $0x1  }
0x4ad: {  	[tilespmem:$0x61F0] =	vst v1  }
0x4ae: {  	_ =	swait.ge [sflag:s18], $0x80  }
0x4af: {  	[sflag:s18] =	ssyncset.done $0x0  }
0x4b0: {  	[sflag:s18] =	ssyncadd.s32 $0xFFFFFF80  }
0x4b1: {  	_ =	swait.ge [sflag:s18], $0x80  }
0x4b2: {  	[sflag:s18] =	ssyncset.done $0x0  }
0x4b3: {  	[sflag:s18] =	ssyncadd.s32 $0xFFFFFF80  }
0x4b4: {  	v1 =	vld [tilespmem:$0x1580];
	_ =	sdelay $0x4  }
0x4b5: {  	v1 =	vadd.s32 s21, v1;
	_ =	sdelay $0x3  }
0x4b6: {  	v2 =	vld [tilespmem:$0x4400]  }
0x4b7: {  	v1 =	vld.idx.msk [tilespmem:v1+s2+$0x0], $0xffff  }
0x4b8: {  	v3 =	vld [tilespmem:$0x5300]  }
0x4b9: {  	v33 =	vld [tilespmem:$0x1590];
	_ =	sdelay $0x1  }
0x4ba: {  	v34 =	vld [tilespmem:$0x6200]  }
0x4bb: {  	v1 =	vmul.f32 v1, v2;
	_ =	sdelay $0x1  }
0x4bc: {  	v2 =	vadd.s32 s21, v33;
	v1 =	vmul.f32 v1, v3;
	_ =	sdelay $0x1  }
0x4bd: {  	v1 =	vadd.f32 v1, v34;
	_ =	sdelay $0x1  }
0x4be: {  	[tilespmem:$0x6200] =	vst v1;
	v1 =	vld [tilespmem:$0x4410]  }
0x4bf: {  	v2 =	vld.idx.msk [tilespmem:v2+s2+$0x0], $0xffff  }
0x4c0: {  	v35 =	vld [tilespmem:$0x15A0]  }
0x4c1: {  	v3 =	vld [tilespmem:$0x5310];
	_ =	sdelay $0x1  }
0x4c2: {  	v36 =	vld [tilespmem:$0x6210]  }
0x4c3: {  	v1 =	vmul.f32 v2, v1;
	_ =	sdelay $0x1  }
0x4c4: {  	v2 =	vadd.s32 s21, v35;
	v1 =	vmul.f32 v1, v3;
	_ =	sdelay $0x1  }
0x4c5: {  	v1 =	vadd.f32 v1, v36;
	_ =	sdelay $0x1  }
0x4c6: {  	[tilespmem:$0x6210] =	vst v1;
	v1 =	vld [tilespmem:$0x4420]  }
0x4c7: {  	v2 =	vld.idx.msk [tilespmem:v2+s2+$0x0], $0xffff  }
0x4c8: {  	v37 =	vld [tilespmem:$0x15B0]  }
0x4c9: {  	v3 =	vld [tilespmem:$0x5320];
	_ =	sdelay $0x1  }
0x4ca: {  	v38 =	vld [tilespmem:$0x6220]  }
0x4cb: {  	v1 =	vmul.f32 v2, v1;
	_ =	sdelay $0x1  }
0x4cc: {  	v2 =	vadd.s32 s21, v37;
	v1 =	vmul.f32 v1, v3;
	_ =	sdelay $0x1  }
0x4cd: {  	v1 =	vadd.f32 v1, v38;
	_ =	sdelay $0x1  }
0x4ce: {  	[tilespmem:$0x6220] =	vst v1;
	v1 =	vld [tilespmem:$0x4430]  }
0x4cf: {  	v2 =	vld.idx.msk [tilespmem:v2+s2+$0x0], $0xffff  }
0x4d0: {  	v39 =	vld [tilespmem:$0x15C0]  }
0x4d1: {  	v3 =	vld [tilespmem:$0x5330];
	_ =	sdelay $0x1  }
0x4d2: {  	v40 =	vld [tilespmem:$0x6230]  }
0x4d3: {  	v1 =	vmul.f32 v2, v1;
	_ =	sdelay $0x1  }
0x4d4: {  	v2 =	vadd.s32 s21, v39;
	v1 =	vmul.f32 v1, v3;
	_ =	sdelay $0x1  }
0x4d5: {  	v1 =	vadd.f32 v1, v40;
	_ =	sdelay $0x1  }
0x4d6: {  	[tilespmem:$0x6230] =	vst v1;
	v1 =	vld [tilespmem:$0x4440]  }
0x4d7: {  	v2 =	vld.idx.msk [tilespmem:v2+s2+$0x0], $0xffff  }
0x4d8: {  	v41 =	vld [tilespmem:$0x15D0]  }
0x4d9: {  	v3 =	vld [tilespmem:$0x5340];
	_ =	sdelay $0x1  }
0x4da: {  	v42 =	vld [tilespmem:$0x6240]  }
0x4db: {  	v1 =	vmul.f32 v2, v1;
	_ =	sdelay $0x1  }
0x4dc: {  	v2 =	vadd.s32 s21, v41;
	v1 =	vmul.f32 v1, v3;
	_ =	sdelay $0x1  }
0x4dd: {  	v1 =	vadd.f32 v1, v42;
	_ =	sdelay $0x1  }
0x4de: {  	[tilespmem:$0x6240] =	vst v1;
	v1 =	vld [tilespmem:$0x4450]  }
0x4df: {  	v2 =	vld.idx.msk [tilespmem:v2+s2+$0x0], $0xffff  }
0x4e0: {  	v43 =	vld [tilespmem:$0x15E0]  }
0x4e1: {  	v3 =	vld [tilespmem:$0x5350];
	_ =	sdelay $0x1  }
0x4e2: {  	v44 =	vld [tilespmem:$0x6250]  }
0x4e3: {  	v1 =	vmul.f32 v2, v1;
	_ =	sdelay $0x1  }
0x4e4: {  	v2 =	vadd.s32 s21, v43;
	v1 =	vmul.f32 v1, v3;
	_ =	sdelay $0x1  }
0x4e5: {  	v1 =	vadd.f32 v1, v44;
	_ =	sdelay $0x1  }
0x4e6: {  	[tilespmem:$0x6250] =	vst v1;
	v1 =	vld [tilespmem:$0x4460]  }
0x4e7: {  	v2 =	vld.idx.msk [tilespmem:v2+s2+$0x0], $0xffff  }
0x4e8: {  	v45 =	vld [tilespmem:$0x15F0]  }
0x4e9: {  	v3 =	vld [tilespmem:$0x5360];
	_ =	sdelay $0x1  }
0x4ea: {  	v46 =	vld [tilespmem:$0x6260]  }
0x4eb: {  	v1 =	vmul.f32 v2, v1;
	_ =	sdelay $0x1  }
0x4ec: {  	v2 =	vadd.s32 s21, v45;
	v1 =	vmul.f32 v1, v3;
	_ =	sdelay $0x1  }
0x4ed: {  	v1 =	vadd.f32 v1, v46;
	_ =	sdelay $0x1  }
0x4ee: {  	[tilespmem:$0x6260] =	vst v1;
	v1 =	vld [tilespmem:$0x4470]  }
0x4ef: {  	v2 =	vld.idx.msk [tilespmem:v2+s2+$0x0], $0xffff;
	_ =	sdelay $0x1  }
0x4f0: {  	v3 =	vld [tilespmem:$0x5370];
	_ =	sdelay $0x1  }
0x4f1: {  	v47 =	vld [tilespmem:$0x6270]  }
0x4f2: {  	v1 =	vmul.f32 v2, v1;
	_ =	sdelay $0x1  }
0x4f3: {  	v1 =	vmul.f32 v1, v3;
	_ =	sdelay $0x1  }
0x4f4: {  	v1 =	vadd.f32 v1, v47;
	_ =	sdelay $0x1  }
0x4f5: {  	[tilespmem:$0x6270] =	vst v1  }
0x4f6: {  	_ =	swait.ge [sflag:s18], $0x80  }
0x4f7: {  	[sflag:s18] =	ssyncset.done $0x0  }
0x4f8: {  	[sflag:s18] =	ssyncadd.s32 $0xFFFFFF80  }
0x4f9: {  	_ =	swait.ge [sflag:s18], $0x80  }
0x4fa: {  	[sflag:s18] =	ssyncset.done $0x0  }
0x4fb: {  	[sflag:s18] =	ssyncadd.s32 $0xFFFFFF80  }
0x4fc: {  	v1 =	vld [tilespmem:$0x1600];
	_ =	sdelay $0x4  }
0x4fd: {  	v1 =	vadd.s32 s21, v1;
	_ =	sdelay $0x3  }
0x4fe: {  	v2 =	vld [tilespmem:$0x4480]  }
0x4ff: {  	v1 =	vld.idx.msk [tilespmem:v1+s2+$0x0], $0xffff  }
0x500: {  	v3 =	vld [tilespmem:$0x5380]  }
0x501: {  	v48 =	vld [tilespmem:$0x1610];
	_ =	sdelay $0x1  }
0x502: {  	v49 =	vld [tilespmem:$0x6280]  }
0x503: {  	v1 =	vmul.f32 v1, v2;
	_ =	sdelay $0x1  }
0x504: {  	v2 =	vadd.s32 s21, v48;
	v1 =	vmul.f32 v1, v3;
	_ =	sdelay $0x1  }
0x505: {  	v1 =	vadd.f32 v1, v49;
	_ =	sdelay $0x1  }
0x506: {  	[tilespmem:$0x6280] =	vst v1;
	v1 =	vld [tilespmem:$0x4490]  }
0x507: {  	v2 =	vld.idx.msk [tilespmem:v2+s2+$0x0], $0xffff  }
0x508: {  	v50 =	vld [tilespmem:$0x1620]  }
0x509: {  	v3 =	vld [tilespmem:$0x5390];
	_ =	sdelay $0x1  }
0x50a: {  	v51 =	vld [tilespmem:$0x6290]  }
0x50b: {  	v1 =	vmul.f32 v2, v1;
	_ =	sdelay $0x1  }
0x50c: {  	v2 =	vadd.s32 s21, v50;
	v1 =	vmul.f32 v1, v3;
	_ =	sdelay $0x1  }
0x50d: {  	v1 =	vadd.f32 v1, v51;
	_ =	sdelay $0x1  }
0x50e: {  	[tilespmem:$0x6290] =	vst v1;
	v1 =	vld [tilespmem:$0x44A0]  }
0x50f: {  	v2 =	vld.idx.msk [tilespmem:v2+s2+$0x0], $0xffff  }
0x510: {  	v52 =	vld [tilespmem:$0x1630]  }
0x511: {  	v3 =	vld [tilespmem:$0x53A0];
	_ =	sdelay $0x1  }
0x512: {  	v53 =	vld [tilespmem:$0x62A0]  }
0x513: {  	v1 =	vmul.f32 v2, v1;
	_ =	sdelay $0x1  }
0x514: {  	v2 =	vadd.s32 s21, v52;
	v1 =	vmul.f32 v1, v3;
	_ =	sdelay $0x1  }
0x515: {  	v1 =	vadd.f32 v1, v53;
	_ =	sdelay $0x1  }
0x516: {  	[tilespmem:$0x62A0] =	vst v1;
	v1 =	vld [tilespmem:$0x44B0]  }
0x517: {  	v2 =	vld.idx.msk [tilespmem:v2+s2+$0x0], $0xffff  }
0x518: {  	v54 =	vld [tilespmem:$0x1640]  }
0x519: {  	v3 =	vld [tilespmem:$0x53B0];
	_ =	sdelay $0x1  }
0x51a: {  	v55 =	vld [tilespmem:$0x62B0]  }
0x51b: {  	v1 =	vmul.f32 v2, v1;
	_ =	sdelay $0x1  }
0x51c: {  	v2 =	vadd.s32 s21, v54;
	v1 =	vmul.f32 v1, v3;
	_ =	sdelay $0x1  }
0x51d: {  	v1 =	vadd.f32 v1, v55;
	_ =	sdelay $0x1  }
0x51e: {  	[tilespmem:$0x62B0] =	vst v1;
	v1 =	vld [tilespmem:$0x44C0]  }
0x51f: {  	v2 =	vld.idx.msk [tilespmem:v2+s2+$0x0], $0xffff  }
0x520: {  	v56 =	vld [tilespmem:$0x1650]  }
0x521: {  	v3 =	vld [tilespmem:$0x53C0];
	_ =	sdelay $0x1  }
0x522: {  	v57 =	vld [tilespmem:$0x62C0]  }
0x523: {  	v1 =	vmul.f32 v2, v1;
	_ =	sdelay $0x1  }
0x524: {  	v2 =	vadd.s32 s21, v56;
	v1 =	vmul.f32 v1, v3;
	_ =	sdelay $0x1  }
0x525: {  	v1 =	vadd.f32 v1, v57;
	_ =	sdelay $0x1  }
0x526: {  	[tilespmem:$0x62C0] =	vst v1;
	v1 =	vld [tilespmem:$0x44D0]  }
0x527: {  	v2 =	vld.idx.msk [tilespmem:v2+s2+$0x0], $0xffff  }
0x528: {  	v58 =	vld [tilespmem:$0x1660]  }
0x529: {  	v3 =	vld [tilespmem:$0x53D0];
	_ =	sdelay $0x1  }
0x52a: {  	v59 =	vld [tilespmem:$0x62D0]  }
0x52b: {  	v1 =	vmul.f32 v2, v1;
	_ =	sdelay $0x1  }
0x52c: {  	v2 =	vadd.s32 s21, v58;
	v1 =	vmul.f32 v1, v3;
	_ =	sdelay $0x1  }
0x52d: {  	v1 =	vadd.f32 v1, v59;
	_ =	sdelay $0x1  }
0x52e: {  	[tilespmem:$0x62D0] =	vst v1;
	v1 =	vld [tilespmem:$0x44E0]  }
0x52f: {  	v2 =	vld.idx.msk [tilespmem:v2+s2+$0x0], $0xffff  }
0x530: {  	v60 =	vld [tilespmem:$0x1670]  }
0x531: {  	v3 =	vld [tilespmem:$0x53E0];
	_ =	sdelay $0x1  }
0x532: {  	v61 =	vld [tilespmem:$0x62E0]  }
0x533: {  	v1 =	vmul.f32 v2, v1;
	_ =	sdelay $0x1  }
0x534: {  	v2 =	vadd.s32 s21, v60;
	v1 =	vmul.f32 v1, v3;
	_ =	sdelay $0x1  }
0x535: {  	v1 =	vadd.f32 v1, v61;
	_ =	sdelay $0x1  }
0x536: {  	[tilespmem:$0x62E0] =	vst v1;
	v1 =	vld [tilespmem:$0x44F0]  }
0x537: {  	v2 =	vld.idx.msk [tilespmem:v2+s2+$0x0], $0xffff;
	_ =	sdelay $0x1  }
0x538: {  	v3 =	vld [tilespmem:$0x53F0];
	_ =	sdelay $0x1  }
0x539: {  	v62 =	vld [tilespmem:$0x62F0]  }
0x53a: {  	v1 =	vmul.f32 v2, v1;
	_ =	sdelay $0x1  }
0x53b: {  	v1 =	vmul.f32 v1, v3;
	_ =	sdelay $0x1  }
0x53c: {  	v1 =	vadd.f32 v1, v62;
	_ =	sdelay $0x1  }
0x53d: {  	[tilespmem:$0x62F0] =	vst v1  }
0x53e: {  	_ =	swait.ge [sflag:s18], $0x80  }
0x53f: {  	[sflag:s18] =	ssyncset.done $0x0  }
0x540: {  	[sflag:s18] =	ssyncadd.s32 $0xFFFFFF80  }
0x541: {  	_ =	swait.ge [sflag:s18], $0x80  }
0x542: {  	[sflag:s18] =	ssyncset.done $0x0  }
0x543: {  	[sflag:s18] =	ssyncadd.s32 $0xFFFFFF80  }
0x544: {  	v1 =	vld [tilespmem:$0x1680];
	_ =	sdelay $0x4  }
0x545: {  	v1 =	vadd.s32 s21, v1;
	_ =	sdelay $0x3  }
0x546: {  	v2 =	vld [tilespmem:$0x4500]  }
0x547: {  	v1 =	vld.idx.msk [tilespmem:v1+s2+$0x0], $0xffff  }
0x548: {  	v3 =	vld [tilespmem:$0x5400]  }
0x549: {  	v63 =	vld [tilespmem:$0x1690];
	_ =	sdelay $0x1  }
0x54a: {  	v8 =	vld [tilespmem:$0x6300]  }
0x54b: {  	v1 =	vmul.f32 v1, v2;
	_ =	sdelay $0x1  }
0x54c: {  	v2 =	vadd.s32 s21, v63;
	v1 =	vmul.f32 v1, v3;
	_ =	sdelay $0x1  }
0x54d: {  	v1 =	vadd.f32 v1, v8;
	_ =	sdelay $0x1  }
0x54e: {  	[tilespmem:$0x6300] =	vst v1;
	v1 =	vld [tilespmem:$0x4510]  }
0x54f: {  	v2 =	vld.idx.msk [tilespmem:v2+s2+$0x0], $0xffff  }
0x550: {  	v9 =	vld [tilespmem:$0x16A0]  }
0x551: {  	v3 =	vld [tilespmem:$0x5410];
	_ =	sdelay $0x1  }
0x552: {  	v10 =	vld [tilespmem:$0x6310]  }
0x553: {  	v1 =	vmul.f32 v2, v1;
	_ =	sdelay $0x1  }
0x554: {  	v2 =	vadd.s32 s21, v9;
	v1 =	vmul.f32 v1, v3;
	_ =	sdelay $0x1  }
0x555: {  	v1 =	vadd.f32 v1, v10;
	_ =	sdelay $0x1  }
0x556: {  	[tilespmem:$0x6310] =	vst v1;
	v1 =	vld [tilespmem:$0x4520]  }
0x557: {  	v2 =	vld.idx.msk [tilespmem:v2+s2+$0x0], $0xffff  }
0x558: {  	v11 =	vld [tilespmem:$0x16B0]  }
0x559: {  	v3 =	vld [tilespmem:$0x5420];
	_ =	sdelay $0x1  }
0x55a: {  	v12 =	vld [tilespmem:$0x6320]  }
0x55b: {  	v1 =	vmul.f32 v2, v1;
	_ =	sdelay $0x1  }
0x55c: {  	v2 =	vadd.s32 s21, v11;
	v1 =	vmul.f32 v1, v3;
	_ =	sdelay $0x1  }
0x55d: {  	v1 =	vadd.f32 v1, v12;
	_ =	sdelay $0x1  }
0x55e: {  	[tilespmem:$0x6320] =	vst v1;
	v1 =	vld [tilespmem:$0x4530]  }
0x55f: {  	v2 =	vld.idx.msk [tilespmem:v2+s2+$0x0], $0xffff  }
0x560: {  	v13 =	vld [tilespmem:$0x16C0]  }
0x561: {  	v3 =	vld [tilespmem:$0x5430];
	_ =	sdelay $0x1  }
0x562: {  	v14 =	vld [tilespmem:$0x6330]  }
0x563: {  	v1 =	vmul.f32 v2, v1;
	_ =	sdelay $0x1  }
0x564: {  	v2 =	vadd.s32 s21, v13;
	v1 =	vmul.f32 v1, v3;
	_ =	sdelay $0x1  }
0x565: {  	v1 =	vadd.f32 v1, v14;
	_ =	sdelay $0x1  }
0x566: {  	[tilespmem:$0x6330] =	vst v1;
	v1 =	vld [tilespmem:$0x4540]  }
0x567: {  	v2 =	vld.idx.msk [tilespmem:v2+s2+$0x0], $0xffff  }
0x568: {  	v15 =	vld [tilespmem:$0x16D0]  }
0x569: {  	v3 =	vld [tilespmem:$0x5440];
	_ =	sdelay $0x1  }
0x56a: {  	v16 =	vld [tilespmem:$0x6340]  }
0x56b: {  	v1 =	vmul.f32 v2, v1;
	_ =	sdelay $0x1  }
0x56c: {  	v2 =	vadd.s32 s21, v15;
	v1 =	vmul.f32 v1, v3;
	_ =	sdelay $0x1  }
0x56d: {  	v1 =	vadd.f32 v1, v16;
	_ =	sdelay $0x1  }
0x56e: {  	[tilespmem:$0x6340] =	vst v1;
	v1 =	vld [tilespmem:$0x4550]  }
0x56f: {  	v2 =	vld.idx.msk [tilespmem:v2+s2+$0x0], $0xffff  }
0x570: {  	v17 =	vld [tilespmem:$0x16E0]  }
0x571: {  	v3 =	vld [tilespmem:$0x5450];
	_ =	sdelay $0x1  }
0x572: {  	v18 =	vld [tilespmem:$0x6350]  }
0x573: {  	v1 =	vmul.f32 v2, v1;
	_ =	sdelay $0x1  }
0x574: {  	v2 =	vadd.s32 s21, v17;
	v1 =	vmul.f32 v1, v3;
	_ =	sdelay $0x1  }
0x575: {  	v1 =	vadd.f32 v1, v18;
	_ =	sdelay $0x1  }
0x576: {  	[tilespmem:$0x6350] =	vst v1;
	v1 =	vld [tilespmem:$0x4560]  }
0x577: {  	v2 =	vld.idx.msk [tilespmem:v2+s2+$0x0], $0xffff  }
0x578: {  	v19 =	vld [tilespmem:$0x16F0]  }
0x579: {  	v3 =	vld [tilespmem:$0x5460];
	_ =	sdelay $0x1  }
0x57a: {  	v20 =	vld [tilespmem:$0x6360]  }
0x57b: {  	v1 =	vmul.f32 v2, v1;
	_ =	sdelay $0x1  }
0x57c: {  	v2 =	vadd.s32 s21, v19;
	v1 =	vmul.f32 v1, v3;
	_ =	sdelay $0x1  }
0x57d: {  	v1 =	vadd.f32 v1, v20;
	_ =	sdelay $0x1  }
0x57e: {  	[tilespmem:$0x6360] =	vst v1;
	v1 =	vld [tilespmem:$0x4570]  }
0x57f: {  	v2 =	vld.idx.msk [tilespmem:v2+s2+$0x0], $0xffff;
	_ =	sdelay $0x1  }
0x580: {  	v3 =	vld [tilespmem:$0x5470];
	_ =	sdelay $0x1  }
0x581: {  	v21 =	vld [tilespmem:$0x6370]  }
0x582: {  	v1 =	vmul.f32 v2, v1;
	_ =	sdelay $0x1  }
0x583: {  	v1 =	vmul.f32 v1, v3;
	_ =	sdelay $0x1  }
0x584: {  	v1 =	vadd.f32 v1, v21;
	_ =	sdelay $0x1  }
0x585: {  	[tilespmem:$0x6370] =	vst v1  }
0x586: {  	_ =	swait.ge [sflag:s18], $0x80  }
0x587: {  	[sflag:s18] =	ssyncset.done $0x0  }
0x588: {  	[sflag:s18] =	ssyncadd.s32 $0xFFFFFF80  }
0x589: {  	_ =	swait.ge [sflag:s18], $0x80  }
0x58a: {  	[sflag:s18] =	ssyncset.done $0x0  }
0x58b: {  	[sflag:s18] =	ssyncadd.s32 $0xFFFFFF80  }
0x58c: {  	v1 =	vld [tilespmem:$0x1700];
	_ =	sdelay $0x4  }
0x58d: {  	v1 =	vadd.s32 s21, v1;
	_ =	sdelay $0x3  }
0x58e: {  	v2 =	vld [tilespmem:$0x4580]  }
0x58f: {  	v1 =	vld.idx.msk [tilespmem:v1+s2+$0x0], $0xffff  }
0x590: {  	v3 =	vld [tilespmem:$0x5480]  }
0x591: {  	v22 =	vld [tilespmem:$0x1710];
	_ =	sdelay $0x1  }
0x592: {  	v23 =	vld [tilespmem:$0x6380]  }
0x593: {  	v1 =	vmul.f32 v1, v2;
	_ =	sdelay $0x1  }
0x594: {  	v2 =	vadd.s32 s21, v22;
	v1 =	vmul.f32 v1, v3;
	_ =	sdelay $0x1  }
0x595: {  	v1 =	vadd.f32 v1, v23;
	_ =	sdelay $0x1  }
0x596: {  	[tilespmem:$0x6380] =	vst v1;
	v1 =	vld [tilespmem:$0x4590]  }
0x597: {  	v2 =	vld.idx.msk [tilespmem:v2+s2+$0x0], $0xffff  }
0x598: {  	v24 =	vld [tilespmem:$0x1720]  }
0x599: {  	v3 =	vld [tilespmem:$0x5490];
	_ =	sdelay $0x1  }
0x59a: {  	v25 =	vld [tilespmem:$0x6390]  }
0x59b: {  	v1 =	vmul.f32 v2, v1;
	_ =	sdelay $0x1  }
0x59c: {  	v2 =	vadd.s32 s21, v24;
	v1 =	vmul.f32 v1, v3;
	_ =	sdelay $0x1  }
0x59d: {  	v1 =	vadd.f32 v1, v25;
	_ =	sdelay $0x1  }
0x59e: {  	[tilespmem:$0x6390] =	vst v1;
	v1 =	vld [tilespmem:$0x45A0]  }
0x59f: {  	v2 =	vld.idx.msk [tilespmem:v2+s2+$0x0], $0xffff  }
0x5a0: {  	v26 =	vld [tilespmem:$0x1730]  }
0x5a1: {  	v3 =	vld [tilespmem:$0x54A0];
	_ =	sdelay $0x1  }
0x5a2: {  	v27 =	vld [tilespmem:$0x63A0]  }
0x5a3: {  	v1 =	vmul.f32 v2, v1;
	_ =	sdelay $0x1  }
0x5a4: {  	v2 =	vadd.s32 s21, v26;
	v1 =	vmul.f32 v1, v3;
	_ =	sdelay $0x1  }
0x5a5: {  	v1 =	vadd.f32 v1, v27;
	_ =	sdelay $0x1  }
0x5a6: {  	[tilespmem:$0x63A0] =	vst v1;
	v1 =	vld [tilespmem:$0x45B0]  }
0x5a7: {  	v2 =	vld.idx.msk [tilespmem:v2+s2+$0x0], $0xffff  }
0x5a8: {  	v28 =	vld [tilespmem:$0x1740]  }
0x5a9: {  	v3 =	vld [tilespmem:$0x54B0];
	_ =	sdelay $0x1  }
0x5aa: {  	v29 =	vld [tilespmem:$0x63B0]  }
0x5ab: {  	v1 =	vmul.f32 v2, v1;
	_ =	sdelay $0x1  }
0x5ac: {  	v2 =	vadd.s32 s21, v28;
	v1 =	vmul.f32 v1, v3;
	_ =	sdelay $0x1  }
0x5ad: {  	v1 =	vadd.f32 v1, v29;
	_ =	sdelay $0x1  }
0x5ae: {  	[tilespmem:$0x63B0] =	vst v1;
	v1 =	vld [tilespmem:$0x45C0]  }
0x5af: {  	v2 =	vld.idx.msk [tilespmem:v2+s2+$0x0], $0xffff  }
0x5b0: {  	v30 =	vld [tilespmem:$0x1750]  }
0x5b1: {  	v3 =	vld [tilespmem:$0x54C0];
	_ =	sdelay $0x1  }
0x5b2: {  	v31 =	vld [tilespmem:$0x63C0]  }
0x5b3: {  	v1 =	vmul.f32 v2, v1;
	_ =	sdelay $0x1  }
0x5b4: {  	v2 =	vadd.s32 s21, v30;
	v1 =	vmul.f32 v1, v3;
	_ =	sdelay $0x1  }
0x5b5: {  	v1 =	vadd.f32 v1, v31;
	_ =	sdelay $0x1  }
0x5b6: {  	[tilespmem:$0x63C0] =	vst v1;
	v1 =	vld [tilespmem:$0x45D0]  }
0x5b7: {  	v2 =	vld.idx.msk [tilespmem:v2+s2+$0x0], $0xffff  }
0x5b8: {  	v32 =	vld [tilespmem:$0x1760]  }
0x5b9: {  	v3 =	vld [tilespmem:$0x54D0];
	_ =	sdelay $0x1  }
0x5ba: {  	v33 =	vld [tilespmem:$0x63D0]  }
0x5bb: {  	v1 =	vmul.f32 v2, v1;
	_ =	sdelay $0x1  }
0x5bc: {  	v2 =	vadd.s32 s21, v32;
	v1 =	vmul.f32 v1, v3;
	_ =	sdelay $0x1  }
0x5bd: {  	v1 =	vadd.f32 v1, v33;
	_ =	sdelay $0x1  }
0x5be: {  	[tilespmem:$0x63D0] =	vst v1;
	v1 =	vld [tilespmem:$0x45E0]  }
0x5bf: {  	v2 =	vld.idx.msk [tilespmem:v2+s2+$0x0], $0xffff  }
0x5c0: {  	v34 =	vld [tilespmem:$0x1770]  }
0x5c1: {  	v3 =	vld [tilespmem:$0x54E0];
	_ =	sdelay $0x1  }
0x5c2: {  	v35 =	vld [tilespmem:$0x63E0]  }
0x5c3: {  	v1 =	vmul.f32 v2, v1;
	_ =	sdelay $0x1  }
0x5c4: {  	v2 =	vadd.s32 s21, v34;
	v1 =	vmul.f32 v1, v3;
	_ =	sdelay $0x1  }
0x5c5: {  	v1 =	vadd.f32 v1, v35;
	_ =	sdelay $0x1  }
0x5c6: {  	[tilespmem:$0x63E0] =	vst v1;
	v1 =	vld [tilespmem:$0x45F0]  }
0x5c7: {  	v2 =	vld.idx.msk [tilespmem:v2+s2+$0x0], $0xffff;
	_ =	sdelay $0x1  }
0x5c8: {  	v3 =	vld [tilespmem:$0x54F0];
	_ =	sdelay $0x1  }
0x5c9: {  	v36 =	vld [tilespmem:$0x63F0]  }
0x5ca: {  	v1 =	vmul.f32 v2, v1;
	_ =	sdelay $0x1  }
0x5cb: {  	v1 =	vmul.f32 v1, v3;
	_ =	sdelay $0x1  }
0x5cc: {  	v1 =	vadd.f32 v1, v36;
	_ =	sdelay $0x1  }
0x5cd: {  	[tilespmem:$0x63F0] =	vst v1  }
0x5ce: {  	_ =	swait.ge [sflag:s18], $0x80  }
0x5cf: {  	[sflag:s18] =	ssyncset.done $0x0  }
0x5d0: {  	[sflag:s18] =	ssyncadd.s32 $0xFFFFFF80  }
0x5d1: {  	_ =	swait.ge [sflag:s18], $0x80  }
0x5d2: {  	[sflag:s18] =	ssyncset.done $0x0  }
0x5d3: {  	[sflag:s18] =	ssyncadd.s32 $0xFFFFFF80  }
0x5d4: {  	v1 =	vld [tilespmem:$0x1780];
	_ =	sdelay $0x4  }
0x5d5: {  	v1 =	vadd.s32 s21, v1;
	_ =	sdelay $0x3  }
0x5d6: {  	v2 =	vld [tilespmem:$0x4600]  }
0x5d7: {  	v1 =	vld.idx.msk [tilespmem:v1+s2+$0x0], $0xffff  }
0x5d8: {  	v3 =	vld [tilespmem:$0x5500]  }
0x5d9: {  	v37 =	vld [tilespmem:$0x1790];
	_ =	sdelay $0x1  }
0x5da: {  	v38 =	vld [tilespmem:$0x6400]  }
0x5db: {  	v1 =	vmul.f32 v1, v2;
	_ =	sdelay $0x1  }
0x5dc: {  	v2 =	vadd.s32 s21, v37;
	v1 =	vmul.f32 v1, v3;
	_ =	sdelay $0x1  }
0x5dd: {  	v1 =	vadd.f32 v1, v38;
	_ =	sdelay $0x1  }
0x5de: {  	[tilespmem:$0x6400] =	vst v1;
	v1 =	vld [tilespmem:$0x4610]  }
0x5df: {  	v2 =	vld.idx.msk [tilespmem:v2+s2+$0x0], $0xffff  }
0x5e0: {  	v39 =	vld [tilespmem:$0x17A0]  }
0x5e1: {  	v3 =	vld [tilespmem:$0x5510];
	_ =	sdelay $0x1  }
0x5e2: {  	v40 =	vld [tilespmem:$0x6410]  }
0x5e3: {  	v1 =	vmul.f32 v2, v1;
	_ =	sdelay $0x1  }
0x5e4: {  	v2 =	vadd.s32 s21, v39;
	v1 =	vmul.f32 v1, v3;
	_ =	sdelay $0x1  }
0x5e5: {  	v1 =	vadd.f32 v1, v40;
	_ =	sdelay $0x1  }
0x5e6: {  	[tilespmem:$0x6410] =	vst v1;
	v1 =	vld [tilespmem:$0x4620]  }
0x5e7: {  	v2 =	vld.idx.msk [tilespmem:v2+s2+$0x0], $0xffff  }
0x5e8: {  	v41 =	vld [tilespmem:$0x17B0]  }
0x5e9: {  	v3 =	vld [tilespmem:$0x5520];
	_ =	sdelay $0x1  }
0x5ea: {  	v42 =	vld [tilespmem:$0x6420]  }
0x5eb: {  	v1 =	vmul.f32 v2, v1;
	_ =	sdelay $0x1  }
0x5ec: {  	v2 =	vadd.s32 s21, v41;
	v1 =	vmul.f32 v1, v3;
	_ =	sdelay $0x1  }
0x5ed: {  	v1 =	vadd.f32 v1, v42;
	_ =	sdelay $0x1  }
0x5ee: {  	[tilespmem:$0x6420] =	vst v1;
	v1 =	vld [tilespmem:$0x4630]  }
0x5ef: {  	v2 =	vld.idx.msk [tilespmem:v2+s2+$0x0], $0xffff  }
0x5f0: {  	v43 =	vld [tilespmem:$0x17C0]  }
0x5f1: {  	v3 =	vld [tilespmem:$0x5530];
	_ =	sdelay $0x1  }
0x5f2: {  	v44 =	vld [tilespmem:$0x6430]  }
0x5f3: {  	v1 =	vmul.f32 v2, v1;
	_ =	sdelay $0x1  }
0x5f4: {  	v2 =	vadd.s32 s21, v43;
	v1 =	vmul.f32 v1, v3;
	_ =	sdelay $0x1  }
0x5f5: {  	v1 =	vadd.f32 v1, v44;
	_ =	sdelay $0x1  }
0x5f6: {  	[tilespmem:$0x6430] =	vst v1;
	v1 =	vld [tilespmem:$0x4640]  }
0x5f7: {  	v2 =	vld.idx.msk [tilespmem:v2+s2+$0x0], $0xffff  }
0x5f8: {  	v45 =	vld [tilespmem:$0x17D0]  }
0x5f9: {  	v3 =	vld [tilespmem:$0x5540];
	_ =	sdelay $0x1  }
0x5fa: {  	v46 =	vld [tilespmem:$0x6440]  }
0x5fb: {  	v1 =	vmul.f32 v2, v1;
	_ =	sdelay $0x1  }
0x5fc: {  	v2 =	vadd.s32 s21, v45;
	v1 =	vmul.f32 v1, v3;
	_ =	sdelay $0x1  }
0x5fd: {  	v1 =	vadd.f32 v1, v46;
	_ =	sdelay $0x1  }
0x5fe: {  	[tilespmem:$0x6440] =	vst v1;
	v1 =	vld [tilespmem:$0x4650]  }
0x5ff: {  	v2 =	vld.idx.msk [tilespmem:v2+s2+$0x0], $0xffff  }
0x600: {  	v47 =	vld [tilespmem:$0x17E0]  }
0x601: {  	v3 =	vld [tilespmem:$0x5550];
	_ =	sdelay $0x1  }
0x602: {  	v48 =	vld [tilespmem:$0x6450]  }
0x603: {  	v1 =	vmul.f32 v2, v1;
	_ =	sdelay $0x1  }
0x604: {  	v2 =	vadd.s32 s21, v47;
	v1 =	vmul.f32 v1, v3;
	_ =	sdelay $0x1  }
0x605: {  	v1 =	vadd.f32 v1, v48;
	_ =	sdelay $0x1  }
0x606: {  	[tilespmem:$0x6450] =	vst v1;
	v1 =	vld [tilespmem:$0x4660]  }
0x607: {  	v2 =	vld.idx.msk [tilespmem:v2+s2+$0x0], $0xffff  }
0x608: {  	v49 =	vld [tilespmem:$0x17F0]  }
0x609: {  	v3 =	vld [tilespmem:$0x5560];
	_ =	sdelay $0x1  }
0x60a: {  	v50 =	vld [tilespmem:$0x6460]  }
0x60b: {  	v1 =	vmul.f32 v2, v1;
	_ =	sdelay $0x1  }
0x60c: {  	v2 =	vadd.s32 s21, v49;
	v1 =	vmul.f32 v1, v3;
	_ =	sdelay $0x1  }
0x60d: {  	v1 =	vadd.f32 v1, v50;
	_ =	sdelay $0x1  }
0x60e: {  	[tilespmem:$0x6460] =	vst v1;
	v1 =	vld [tilespmem:$0x4670]  }
0x60f: {  	v2 =	vld.idx.msk [tilespmem:v2+s2+$0x0], $0xffff;
	_ =	sdelay $0x1  }
0x610: {  	v3 =	vld [tilespmem:$0x5570];
	_ =	sdelay $0x1  }
0x611: {  	v51 =	vld [tilespmem:$0x6470]  }
0x612: {  	v1 =	vmul.f32 v2, v1;
	_ =	sdelay $0x1  }
0x613: {  	v1 =	vmul.f32 v1, v3;
	_ =	sdelay $0x1  }
0x614: {  	v1 =	vadd.f32 v1, v51;
	_ =	sdelay $0x1  }
0x615: {  	[tilespmem:$0x6470] =	vst v1  }
0x616: {  	_ =	swait.ge [sflag:s18], $0x80  }
0x617: {  	[sflag:s18] =	ssyncset.done $0x0  }
0x618: {  	[sflag:s18] =	ssyncadd.s32 $0xFFFFFF80  }
0x619: {  	_ =	swait.ge [sflag:s18], $0x80  }
0x61a: {  	[sflag:s18] =	ssyncset.done $0x0  }
0x61b: {  	[sflag:s18] =	ssyncadd.s32 $0xFFFFFF80  }
0x61c: {  	v1 =	vld [tilespmem:$0x1800];
	_ =	sdelay $0x4  }
0x61d: {  	v1 =	vadd.s32 s21, v1;
	_ =	sdelay $0x3  }
0x61e: {  	v2 =	vld [tilespmem:$0x4680]  }
0x61f: {  	v1 =	vld.idx.msk [tilespmem:v1+s2+$0x0], $0xffff  }
0x620: {  	v3 =	vld [tilespmem:$0x5580]  }
0x621: {  	v52 =	vld [tilespmem:$0x1810];
	_ =	sdelay $0x1  }
0x622: {  	v53 =	vld [tilespmem:$0x6480]  }
0x623: {  	v1 =	vmul.f32 v1, v2;
	_ =	sdelay $0x1  }
0x624: {  	v2 =	vadd.s32 s21, v52;
	v1 =	vmul.f32 v1, v3;
	_ =	sdelay $0x1  }
0x625: {  	v1 =	vadd.f32 v1, v53;
	_ =	sdelay $0x1  }
0x626: {  	[tilespmem:$0x6480] =	vst v1;
	v1 =	vld [tilespmem:$0x4690]  }
0x627: {  	v2 =	vld.idx.msk [tilespmem:v2+s2+$0x0], $0xffff  }
0x628: {  	v54 =	vld [tilespmem:$0x1820]  }
0x629: {  	v3 =	vld [tilespmem:$0x5590];
	_ =	sdelay $0x1  }
0x62a: {  	v55 =	vld [tilespmem:$0x6490]  }
0x62b: {  	v1 =	vmul.f32 v2, v1;
	_ =	sdelay $0x1  }
0x62c: {  	v2 =	vadd.s32 s21, v54;
	v1 =	vmul.f32 v1, v3;
	_ =	sdelay $0x1  }
0x62d: {  	v1 =	vadd.f32 v1, v55;
	_ =	sdelay $0x1  }
0x62e: {  	[tilespmem:$0x6490] =	vst v1;
	v1 =	vld [tilespmem:$0x46A0]  }
0x62f: {  	v2 =	vld.idx.msk [tilespmem:v2+s2+$0x0], $0xffff  }
0x630: {  	v56 =	vld [tilespmem:$0x1830]  }
0x631: {  	v3 =	vld [tilespmem:$0x55A0];
	_ =	sdelay $0x1  }
0x632: {  	v57 =	vld [tilespmem:$0x64A0]  }
0x633: {  	v1 =	vmul.f32 v2, v1;
	_ =	sdelay $0x1  }
0x634: {  	v2 =	vadd.s32 s21, v56;
	v1 =	vmul.f32 v1, v3;
	_ =	sdelay $0x1  }
0x635: {  	v1 =	vadd.f32 v1, v57;
	_ =	sdelay $0x1  }
0x636: {  	[tilespmem:$0x64A0] =	vst v1;
	v1 =	vld [tilespmem:$0x46B0]  }
0x637: {  	v2 =	vld.idx.msk [tilespmem:v2+s2+$0x0], $0xffff  }
0x638: {  	v58 =	vld [tilespmem:$0x1840]  }
0x639: {  	v3 =	vld [tilespmem:$0x55B0];
	_ =	sdelay $0x1  }
0x63a: {  	v59 =	vld [tilespmem:$0x64B0]  }
0x63b: {  	v1 =	vmul.f32 v2, v1;
	_ =	sdelay $0x1  }
0x63c: {  	v2 =	vadd.s32 s21, v58;
	v1 =	vmul.f32 v1, v3;
	_ =	sdelay $0x1  }
0x63d: {  	v1 =	vadd.f32 v1, v59;
	_ =	sdelay $0x1  }
0x63e: {  	[tilespmem:$0x64B0] =	vst v1;
	v1 =	vld [tilespmem:$0x46C0]  }
0x63f: {  	v2 =	vld.idx.msk [tilespmem:v2+s2+$0x0], $0xffff  }
0x640: {  	v60 =	vld [tilespmem:$0x1850]  }
0x641: {  	v3 =	vld [tilespmem:$0x55C0];
	_ =	sdelay $0x1  }
0x642: {  	v61 =	vld [tilespmem:$0x64C0]  }
0x643: {  	v1 =	vmul.f32 v2, v1;
	_ =	sdelay $0x1  }
0x644: {  	v2 =	vadd.s32 s21, v60;
	v1 =	vmul.f32 v1, v3;
	_ =	sdelay $0x1  }
0x645: {  	v1 =	vadd.f32 v1, v61;
	_ =	sdelay $0x1  }
0x646: {  	[tilespmem:$0x64C0] =	vst v1;
	v1 =	vld [tilespmem:$0x46D0]  }
0x647: {  	v2 =	vld.idx.msk [tilespmem:v2+s2+$0x0], $0xffff  }
0x648: {  	v62 =	vld [tilespmem:$0x1860]  }
0x649: {  	v3 =	vld [tilespmem:$0x55D0];
	_ =	sdelay $0x1  }
0x64a: {  	v63 =	vld [tilespmem:$0x64D0]  }
0x64b: {  	v1 =	vmul.f32 v2, v1;
	_ =	sdelay $0x1  }
0x64c: {  	v2 =	vadd.s32 s21, v62;
	v1 =	vmul.f32 v1, v3;
	_ =	sdelay $0x1  }
0x64d: {  	v1 =	vadd.f32 v1, v63;
	_ =	sdelay $0x1  }
0x64e: {  	[tilespmem:$0x64D0] =	vst v1;
	v1 =	vld [tilespmem:$0x46E0]  }
0x64f: {  	v2 =	vld.idx.msk [tilespmem:v2+s2+$0x0], $0xffff  }
0x650: {  	v8 =	vld [tilespmem:$0x1870]  }
0x651: {  	v3 =	vld [tilespmem:$0x55E0];
	_ =	sdelay $0x1  }
0x652: {  	v9 =	vld [tilespmem:$0x64E0]  }
0x653: {  	v1 =	vmul.f32 v2, v1;
	_ =	sdelay $0x1  }
0x654: {  	v2 =	vadd.s32 s21, v8;
	v1 =	vmul.f32 v1, v3;
	_ =	sdelay $0x1  }
0x655: {  	v1 =	vadd.f32 v1, v9;
	_ =	sdelay $0x1  }
0x656: {  	[tilespmem:$0x64E0] =	vst v1;
	v1 =	vld [tilespmem:$0x46F0]  }
0x657: {  	v2 =	vld.idx.msk [tilespmem:v2+s2+$0x0], $0xffff;
	_ =	sdelay $0x1  }
0x658: {  	v3 =	vld [tilespmem:$0x55F0];
	_ =	sdelay $0x1  }
0x659: {  	v10 =	vld [tilespmem:$0x64F0]  }
0x65a: {  	v1 =	vmul.f32 v2, v1;
	_ =	sdelay $0x1  }
0x65b: {  	v1 =	vmul.f32 v1, v3;
	_ =	sdelay $0x1  }
0x65c: {  	v1 =	vadd.f32 v1, v10;
	_ =	sdelay $0x1  }
0x65d: {  	[tilespmem:$0x64F0] =	vst v1  }
0x65e: {  	_ =	swait.ge [sflag:s18], $0x80  }
0x65f: {  	[sflag:s18] =	ssyncset.done $0x0  }
0x660: {  	[sflag:s18] =	ssyncadd.s32 $0xFFFFFF80  }
0x661: {  	_ =	swait.ge [sflag:s18], $0x80  }
0x662: {  	[sflag:s18] =	ssyncset.done $0x0  }
0x663: {  	[sflag:s18] =	ssyncadd.s32 $0xFFFFFF80  }
0x664: {  	v1 =	vld [tilespmem:$0x1880];
	_ =	sdelay $0x4  }
0x665: {  	v1 =	vadd.s32 s21, v1;
	_ =	sdelay $0x3  }
0x666: {  	v2 =	vld [tilespmem:$0x4700]  }
0x667: {  	v1 =	vld.idx.msk [tilespmem:v1+s2+$0x0], $0xffff  }
0x668: {  	v3 =	vld [tilespmem:$0x5600]  }
0x669: {  	v11 =	vld [tilespmem:$0x1890];
	_ =	sdelay $0x1  }
0x66a: {  	v12 =	vld [tilespmem:$0x6500]  }
0x66b: {  	v1 =	vmul.f32 v1, v2;
	_ =	sdelay $0x1  }
0x66c: {  	v2 =	vadd.s32 s21, v11;
	v1 =	vmul.f32 v1, v3;
	_ =	sdelay $0x1  }
0x66d: {  	v1 =	vadd.f32 v1, v12;
	_ =	sdelay $0x1  }
0x66e: {  	[tilespmem:$0x6500] =	vst v1;
	v1 =	vld [tilespmem:$0x4710]  }
0x66f: {  	v2 =	vld.idx.msk [tilespmem:v2+s2+$0x0], $0xffff  }
0x670: {  	v13 =	vld [tilespmem:$0x18A0]  }
0x671: {  	v3 =	vld [tilespmem:$0x5610];
	_ =	sdelay $0x1  }
0x672: {  	v14 =	vld [tilespmem:$0x6510]  }
0x673: {  	v1 =	vmul.f32 v2, v1;
	_ =	sdelay $0x1  }
0x674: {  	v2 =	vadd.s32 s21, v13;
	v1 =	vmul.f32 v1, v3;
	_ =	sdelay $0x1  }
0x675: {  	v1 =	vadd.f32 v1, v14;
	_ =	sdelay $0x1  }
0x676: {  	[tilespmem:$0x6510] =	vst v1;
	v1 =	vld [tilespmem:$0x4720]  }
0x677: {  	v2 =	vld.idx.msk [tilespmem:v2+s2+$0x0], $0xffff  }
0x678: {  	v15 =	vld [tilespmem:$0x18B0]  }
0x679: {  	v3 =	vld [tilespmem:$0x5620];
	_ =	sdelay $0x1  }
0x67a: {  	v16 =	vld [tilespmem:$0x6520]  }
0x67b: {  	v1 =	vmul.f32 v2, v1;
	_ =	sdelay $0x1  }
0x67c: {  	v2 =	vadd.s32 s21, v15;
	v1 =	vmul.f32 v1, v3;
	_ =	sdelay $0x1  }
0x67d: {  	v1 =	vadd.f32 v1, v16;
	_ =	sdelay $0x1  }
0x67e: {  	[tilespmem:$0x6520] =	vst v1;
	v1 =	vld [tilespmem:$0x4730]  }
0x67f: {  	v2 =	vld.idx.msk [tilespmem:v2+s2+$0x0], $0xffff  }
0x680: {  	v17 =	vld [tilespmem:$0x18C0]  }
0x681: {  	v3 =	vld [tilespmem:$0x5630];
	_ =	sdelay $0x1  }
0x682: {  	v18 =	vld [tilespmem:$0x6530]  }
0x683: {  	v1 =	vmul.f32 v2, v1;
	_ =	sdelay $0x1  }
0x684: {  	v2 =	vadd.s32 s21, v17;
	v1 =	vmul.f32 v1, v3;
	_ =	sdelay $0x1  }
0x685: {  	v1 =	vadd.f32 v1, v18;
	_ =	sdelay $0x1  }
0x686: {  	[tilespmem:$0x6530] =	vst v1;
	v1 =	vld [tilespmem:$0x4740]  }
0x687: {  	v2 =	vld.idx.msk [tilespmem:v2+s2+$0x0], $0xffff  }
0x688: {  	v19 =	vld [tilespmem:$0x18D0]  }
0x689: {  	v3 =	vld [tilespmem:$0x5640];
	_ =	sdelay $0x1  }
0x68a: {  	v20 =	vld [tilespmem:$0x6540]  }
0x68b: {  	v1 =	vmul.f32 v2, v1;
	_ =	sdelay $0x1  }
0x68c: {  	v2 =	vadd.s32 s21, v19;
	v1 =	vmul.f32 v1, v3;
	_ =	sdelay $0x1  }
0x68d: {  	v1 =	vadd.f32 v1, v20;
	_ =	sdelay $0x1  }
0x68e: {  	[tilespmem:$0x6540] =	vst v1;
	v1 =	vld [tilespmem:$0x4750]  }
0x68f: {  	v2 =	vld.idx.msk [tilespmem:v2+s2+$0x0], $0xffff  }
0x690: {  	v21 =	vld [tilespmem:$0x18E0]  }
0x691: {  	v3 =	vld [tilespmem:$0x5650];
	_ =	sdelay $0x1  }
0x692: {  	v22 =	vld [tilespmem:$0x6550]  }
0x693: {  	v1 =	vmul.f32 v2, v1;
	_ =	sdelay $0x1  }
0x694: {  	v2 =	vadd.s32 s21, v21;
	v1 =	vmul.f32 v1, v3;
	_ =	sdelay $0x1  }
0x695: {  	v1 =	vadd.f32 v1, v22;
	_ =	sdelay $0x1  }
0x696: {  	[tilespmem:$0x6550] =	vst v1;
	v1 =	vld [tilespmem:$0x4760]  }
0x697: {  	v2 =	vld.idx.msk [tilespmem:v2+s2+$0x0], $0xffff  }
0x698: {  	v23 =	vld [tilespmem:$0x18F0]  }
0x699: {  	v3 =	vld [tilespmem:$0x5660];
	_ =	sdelay $0x1  }
0x69a: {  	v24 =	vld [tilespmem:$0x6560]  }
0x69b: {  	v1 =	vmul.f32 v2, v1;
	_ =	sdelay $0x1  }
0x69c: {  	v2 =	vadd.s32 s21, v23;
	v1 =	vmul.f32 v1, v3;
	_ =	sdelay $0x1  }
0x69d: {  	v1 =	vadd.f32 v1, v24;
	_ =	sdelay $0x1  }
0x69e: {  	[tilespmem:$0x6560] =	vst v1;
	v1 =	vld [tilespmem:$0x4770]  }
0x69f: {  	v2 =	vld.idx.msk [tilespmem:v2+s2+$0x0], $0xffff;
	_ =	sdelay $0x1  }
0x6a0: {  	v3 =	vld [tilespmem:$0x5670];
	_ =	sdelay $0x1  }
0x6a1: {  	v25 =	vld [tilespmem:$0x6570]  }
0x6a2: {  	v1 =	vmul.f32 v2, v1;
	_ =	sdelay $0x1  }
0x6a3: {  	v1 =	vmul.f32 v1, v3;
	_ =	sdelay $0x1  }
0x6a4: {  	v1 =	vadd.f32 v1, v25;
	_ =	sdelay $0x1  }
0x6a5: {  	[tilespmem:$0x6570] =	vst v1  }
0x6a6: {  	_ =	swait.ge [sflag:s18], $0x80  }
0x6a7: {  	[sflag:s18] =	ssyncset.done $0x0  }
0x6a8: {  	[sflag:s18] =	ssyncadd.s32 $0xFFFFFF80  }
0x6a9: {  	_ =	swait.ge [sflag:s18], $0x80  }
0x6aa: {  	[sflag:s18] =	ssyncset.done $0x0  }
0x6ab: {  	[sflag:s18] =	ssyncadd.s32 $0xFFFFFF80  }
0x6ac: {  	v1 =	vld [tilespmem:$0x1900];
	_ =	sdelay $0x4  }
0x6ad: {  	v1 =	vadd.s32 s21, v1;
	_ =	sdelay $0x3  }
0x6ae: {  	v2 =	vld [tilespmem:$0x4780]  }
0x6af: {  	v1 =	vld.idx.msk [tilespmem:v1+s2+$0x0], $0xffff  }
0x6b0: {  	v3 =	vld [tilespmem:$0x5680]  }
0x6b1: {  	v26 =	vld [tilespmem:$0x1910];
	_ =	sdelay $0x1  }
0x6b2: {  	v27 =	vld [tilespmem:$0x6580]  }
0x6b3: {  	v1 =	vmul.f32 v1, v2;
	_ =	sdelay $0x1  }
0x6b4: {  	v2 =	vadd.s32 s21, v26;
	v1 =	vmul.f32 v1, v3;
	_ =	sdelay $0x1  }
0x6b5: {  	v1 =	vadd.f32 v1, v27;
	_ =	sdelay $0x1  }
0x6b6: {  	[tilespmem:$0x6580] =	vst v1;
	v1 =	vld [tilespmem:$0x4790]  }
0x6b7: {  	v2 =	vld.idx.msk [tilespmem:v2+s2+$0x0], $0xffff  }
0x6b8: {  	v28 =	vld [tilespmem:$0x1920]  }
0x6b9: {  	v3 =	vld [tilespmem:$0x5690];
	_ =	sdelay $0x1  }
0x6ba: {  	v29 =	vld [tilespmem:$0x6590]  }
0x6bb: {  	v1 =	vmul.f32 v2, v1;
	_ =	sdelay $0x1  }
0x6bc: {  	v2 =	vadd.s32 s21, v28;
	v1 =	vmul.f32 v1, v3;
	_ =	sdelay $0x1  }
0x6bd: {  	v1 =	vadd.f32 v1, v29  }
0x6be: {  	v3 =	vld [tilespmem:$0x47A0]  }
0x6bf: {  	[tilespmem:$0x6590] =	vst v1;
	v1 =	vld [tilespmem:$0x56A0]  }
0x6c0: {  	v2 =	vld.idx.msk [tilespmem:v2+s2+$0x0], $0xffff  }
0x6c1: {  	v30 =	vld [tilespmem:$0x65A0]  }
0x6c2: {  	v31 =	vld [tilespmem:$0x1930];
	_ =	sdelay $0x2  }
0x6c3: {  	v2 =	vmul.f32 v2, v3;
	_ =	sdelay $0x1  }
0x6c4: {  	v1 =	vmul.f32 v2, v1;
	v2 =	vadd.s32 s21, v31;
	_ =	sdelay $0x1  }
0x6c5: {  	v1 =	vadd.f32 v1, v30;
	_ =	sdelay $0x1  }
0x6c6: {  	[tilespmem:$0x65A0] =	vst v1;
	v1 =	vld [tilespmem:$0x47B0]  }
0x6c7: {  	v2 =	vld.idx.msk [tilespmem:v2+s2+$0x0], $0xffff  }
0x6c8: {  	v32 =	vld [tilespmem:$0x1940]  }
0x6c9: {  	v3 =	vld [tilespmem:$0x56B0];
	_ =	sdelay $0x1  }
0x6ca: {  	v33 =	vld [tilespmem:$0x65B0]  }
0x6cb: {  	v1 =	vmul.f32 v2, v1;
	_ =	sdelay $0x1  }
0x6cc: {  	v2 =	vadd.s32 s21, v32;
	v1 =	vmul.f32 v1, v3;
	_ =	sdelay $0x1  }
0x6cd: {  	v1 =	vadd.f32 v1, v33;
	_ =	sdelay $0x1  }
0x6ce: {  	[tilespmem:$0x65B0] =	vst v1;
	v1 =	vld [tilespmem:$0x47C0]  }
0x6cf: {  	v2 =	vld.idx.msk [tilespmem:v2+s2+$0x0], $0xffff  }
0x6d0: {  	v34 =	vld [tilespmem:$0x1950]  }
0x6d1: {  	v3 =	vld [tilespmem:$0x56C0];
	_ =	sdelay $0x1  }
0x6d2: {  	v35 =	vld [tilespmem:$0x65C0]  }
0x6d3: {  	v1 =	vmul.f32 v2, v1;
	_ =	sdelay $0x1  }
0x6d4: {  	v2 =	vadd.s32 s21, v34;
	v1 =	vmul.f32 v1, v3;
	_ =	sdelay $0x1  }
0x6d5: {  	v1 =	vadd.f32 v1, v35;
	_ =	sdelay $0x1  }
0x6d6: {  	[tilespmem:$0x65C0] =	vst v1;
	v1 =	vld [tilespmem:$0x47D0]  }
0x6d7: {  	v2 =	vld.idx.msk [tilespmem:v2+s2+$0x0], $0xffff  }
0x6d8: {  	v36 =	vld [tilespmem:$0x1960]  }
0x6d9: {  	v3 =	vld [tilespmem:$0x56D0];
	_ =	sdelay $0x1  }
0x6da: {  	v37 =	vld [tilespmem:$0x65D0]  }
0x6db: {  	v1 =	vmul.f32 v2, v1;
	_ =	sdelay $0x1  }
0x6dc: {  	v2 =	vadd.s32 s21, v36;
	v1 =	vmul.f32 v1, v3;
	_ =	sdelay $0x1  }
0x6dd: {  	v1 =	vadd.f32 v1, v37;
	_ =	sdelay $0x1  }
0x6de: {  	[tilespmem:$0x65D0] =	vst v1;
	v1 =	vld [tilespmem:$0x47E0]  }
0x6df: {  	v2 =	vld.idx.msk [tilespmem:v2+s2+$0x0], $0xffff  }
0x6e0: {  	v38 =	vld [tilespmem:$0x1970]  }
0x6e1: {  	v3 =	vld [tilespmem:$0x56E0];
	_ =	sdelay $0x1  }
0x6e2: {  	v39 =	vld [tilespmem:$0x65E0]  }
0x6e3: {  	v1 =	vmul.f32 v2, v1;
	_ =	sdelay $0x1  }
0x6e4: {  	v2 =	vadd.s32 s21, v38;
	v1 =	vmul.f32 v1, v3;
	_ =	sdelay $0x1  }
0x6e5: {  	v1 =	vadd.f32 v1, v39;
	_ =	sdelay $0x1  }
0x6e6: {  	[tilespmem:$0x65E0] =	vst v1;
	v1 =	vld [tilespmem:$0x47F0]  }
0x6e7: {  	v2 =	vld.idx.msk [tilespmem:v2+s2+$0x0], $0xffff;
	_ =	sdelay $0x1  }
0x6e8: {  	v3 =	vld [tilespmem:$0x56F0];
	_ =	sdelay $0x1  }
0x6e9: {  	v40 =	vld [tilespmem:$0x65F0]  }
0x6ea: {  	v1 =	vmul.f32 v2, v1;
	_ =	sdelay $0x1  }
0x6eb: {  	v1 =	vmul.f32 v1, v3;
	_ =	sdelay $0x1  }
0x6ec: {  	v1 =	vadd.f32 v1, v40;
	_ =	sdelay $0x1  }
0x6ed: {  	[tilespmem:$0x65F0] =	vst v1  }
0x6ee: {  	_ =	swait.ge [sflag:s18], $0x80  }
0x6ef: {  	[sflag:s18] =	ssyncset.done $0x0  }
0x6f0: {  	[sflag:s18] =	ssyncadd.s32 $0xFFFFFF80  }
0x6f1: {  	_ =	swait.ge [sflag:s18], $0x80  }
0x6f2: {  	[sflag:s18] =	ssyncset.done $0x0  }
0x6f3: {  	[sflag:s18] =	ssyncadd.s32 $0xFFFFFF80  }
0x6f4: {  	v1 =	vld [tilespmem:$0x1980];
	_ =	sdelay $0x4  }
0x6f5: {  	v1 =	vadd.s32 s21, v1;
	_ =	sdelay $0x3  }
0x6f6: {  	v2 =	vld [tilespmem:$0x4800]  }
0x6f7: {  	v1 =	vld.idx.msk [tilespmem:v1+s2+$0x0], $0xffff  }
0x6f8: {  	v3 =	vld [tilespmem:$0x5700]  }
0x6f9: {  	v41 =	vld [tilespmem:$0x1990];
	_ =	sdelay $0x1  }
0x6fa: {  	v42 =	vld [tilespmem:$0x6600]  }
0x6fb: {  	v1 =	vmul.f32 v1, v2;
	_ =	sdelay $0x1  }
0x6fc: {  	v2 =	vadd.s32 s21, v41;
	v1 =	vmul.f32 v1, v3;
	_ =	sdelay $0x1  }
0x6fd: {  	v1 =	vadd.f32 v1, v42;
	_ =	sdelay $0x1  }
0x6fe: {  	[tilespmem:$0x6600] =	vst v1;
	v1 =	vld [tilespmem:$0x4810]  }
0x6ff: {  	v2 =	vld.idx.msk [tilespmem:v2+s2+$0x0], $0xffff  }
0x700: {  	v43 =	vld [tilespmem:$0x19A0]  }
0x701: {  	v3 =	vld [tilespmem:$0x5710];
	_ =	sdelay $0x1  }
0x702: {  	v44 =	vld [tilespmem:$0x6610]  }
0x703: {  	v1 =	vmul.f32 v2, v1;
	_ =	sdelay $0x1  }
0x704: {  	v2 =	vadd.s32 s21, v43;
	v1 =	vmul.f32 v1, v3;
	_ =	sdelay $0x1  }
0x705: {  	v1 =	vadd.f32 v1, v44;
	_ =	sdelay $0x1  }
0x706: {  	[tilespmem:$0x6610] =	vst v1;
	v1 =	vld [tilespmem:$0x4820]  }
0x707: {  	v2 =	vld.idx.msk [tilespmem:v2+s2+$0x0], $0xffff  }
0x708: {  	v45 =	vld [tilespmem:$0x19B0]  }
0x709: {  	v3 =	vld [tilespmem:$0x5720];
	_ =	sdelay $0x1  }
0x70a: {  	v46 =	vld [tilespmem:$0x6620]  }
0x70b: {  	v1 =	vmul.f32 v2, v1;
	_ =	sdelay $0x1  }
0x70c: {  	v2 =	vadd.s32 s21, v45;
	v1 =	vmul.f32 v1, v3;
	_ =	sdelay $0x1  }
0x70d: {  	v1 =	vadd.f32 v1, v46;
	_ =	sdelay $0x1  }
0x70e: {  	[tilespmem:$0x6620] =	vst v1;
	v1 =	vld [tilespmem:$0x4830]  }
0x70f: {  	v2 =	vld.idx.msk [tilespmem:v2+s2+$0x0], $0xffff  }
0x710: {  	v47 =	vld [tilespmem:$0x19C0]  }
0x711: {  	v3 =	vld [tilespmem:$0x5730];
	_ =	sdelay $0x1  }
0x712: {  	v48 =	vld [tilespmem:$0x6630]  }
0x713: {  	v1 =	vmul.f32 v2, v1;
	_ =	sdelay $0x1  }
0x714: {  	v2 =	vadd.s32 s21, v47;
	v1 =	vmul.f32 v1, v3;
	_ =	sdelay $0x1  }
0x715: {  	v1 =	vadd.f32 v1, v48;
	_ =	sdelay $0x1  }
0x716: {  	[tilespmem:$0x6630] =	vst v1;
	v1 =	vld [tilespmem:$0x4840]  }
0x717: {  	v2 =	vld.idx.msk [tilespmem:v2+s2+$0x0], $0xffff  }
0x718: {  	v49 =	vld [tilespmem:$0x19D0]  }
0x719: {  	v3 =	vld [tilespmem:$0x5740];
	_ =	sdelay $0x1  }
0x71a: {  	v50 =	vld [tilespmem:$0x6640]  }
0x71b: {  	v1 =	vmul.f32 v2, v1;
	_ =	sdelay $0x1  }
0x71c: {  	v2 =	vadd.s32 s21, v49;
	v1 =	vmul.f32 v1, v3;
	_ =	sdelay $0x1  }
0x71d: {  	v1 =	vadd.f32 v1, v50;
	_ =	sdelay $0x1  }
0x71e: {  	[tilespmem:$0x6640] =	vst v1;
	v1 =	vld [tilespmem:$0x4850]  }
0x71f: {  	v2 =	vld.idx.msk [tilespmem:v2+s2+$0x0], $0xffff  }
0x720: {  	v51 =	vld [tilespmem:$0x19E0]  }
0x721: {  	v3 =	vld [tilespmem:$0x5750];
	_ =	sdelay $0x1  }
0x722: {  	v52 =	vld [tilespmem:$0x6650]  }
0x723: {  	v1 =	vmul.f32 v2, v1;
	_ =	sdelay $0x1  }
0x724: {  	v2 =	vadd.s32 s21, v51;
	v1 =	vmul.f32 v1, v3;
	_ =	sdelay $0x1  }
0x725: {  	v1 =	vadd.f32 v1, v52;
	_ =	sdelay $0x1  }
0x726: {  	[tilespmem:$0x6650] =	vst v1;
	v1 =	vld [tilespmem:$0x4860]  }
0x727: {  	v2 =	vld.idx.msk [tilespmem:v2+s2+$0x0], $0xffff  }
0x728: {  	v53 =	vld [tilespmem:$0x19F0]  }
0x729: {  	v3 =	vld [tilespmem:$0x5760];
	_ =	sdelay $0x1  }
0x72a: {  	v54 =	vld [tilespmem:$0x6660]  }
0x72b: {  	v1 =	vmul.f32 v2, v1;
	_ =	sdelay $0x1  }
0x72c: {  	v2 =	vadd.s32 s21, v53;
	v1 =	vmul.f32 v1, v3;
	_ =	sdelay $0x1  }
0x72d: {  	v1 =	vadd.f32 v1, v54;
	_ =	sdelay $0x1  }
0x72e: {  	[tilespmem:$0x6660] =	vst v1;
	v1 =	vld [tilespmem:$0x4870]  }
0x72f: {  	v2 =	vld.idx.msk [tilespmem:v2+s2+$0x0], $0xffff;
	_ =	sdelay $0x1  }
0x730: {  	v3 =	vld [tilespmem:$0x5770];
	_ =	sdelay $0x1  }
0x731: {  	v55 =	vld [tilespmem:$0x6670]  }
0x732: {  	v1 =	vmul.f32 v2, v1;
	_ =	sdelay $0x1  }
0x733: {  	v1 =	vmul.f32 v1, v3;
	_ =	sdelay $0x1  }
0x734: {  	v1 =	vadd.f32 v1, v55;
	_ =	sdelay $0x1  }
0x735: {  	[tilespmem:$0x6670] =	vst v1  }
0x736: {  	_ =	swait.ge [sflag:s18], $0x80  }
0x737: {  	[sflag:s18] =	ssyncset.done $0x0  }
0x738: {  	[sflag:s18] =	ssyncadd.s32 $0xFFFFFF80  }
0x739: {  	_ =	swait.ge [sflag:s18], $0x80  }
0x73a: {  	[sflag:s18] =	ssyncset.done $0x0  }
0x73b: {  	[sflag:s18] =	ssyncadd.s32 $0xFFFFFF80  }
0x73c: {  	v1 =	vld [tilespmem:$0x1A00];
	_ =	sdelay $0x4  }
0x73d: {  	v1 =	vadd.s32 s21, v1;
	_ =	sdelay $0x3  }
0x73e: {  	v2 =	vld [tilespmem:$0x4880]  }
0x73f: {  	v1 =	vld.idx.msk [tilespmem:v1+s2+$0x0], $0xffff  }
0x740: {  	v3 =	vld [tilespmem:$0x5780]  }
0x741: {  	v56 =	vld [tilespmem:$0x1A10];
	_ =	sdelay $0x1  }
0x742: {  	v57 =	vld [tilespmem:$0x6680]  }
0x743: {  	v1 =	vmul.f32 v1, v2;
	_ =	sdelay $0x1  }
0x744: {  	v2 =	vadd.s32 s21, v56;
	v1 =	vmul.f32 v1, v3;
	_ =	sdelay $0x1  }
0x745: {  	v1 =	vadd.f32 v1, v57;
	_ =	sdelay $0x1  }
0x746: {  	[tilespmem:$0x6680] =	vst v1;
	v1 =	vld [tilespmem:$0x4890]  }
0x747: {  	v2 =	vld.idx.msk [tilespmem:v2+s2+$0x0], $0xffff  }
0x748: {  	v58 =	vld [tilespmem:$0x1A20]  }
0x749: {  	v3 =	vld [tilespmem:$0x5790];
	_ =	sdelay $0x1  }
0x74a: {  	v59 =	vld [tilespmem:$0x6690]  }
0x74b: {  	v1 =	vmul.f32 v2, v1;
	_ =	sdelay $0x1  }
0x74c: {  	v2 =	vadd.s32 s21, v58;
	v1 =	vmul.f32 v1, v3;
	_ =	sdelay $0x1  }
0x74d: {  	v1 =	vadd.f32 v1, v59;
	_ =	sdelay $0x1  }
0x74e: {  	[tilespmem:$0x6690] =	vst v1;
	v1 =	vld [tilespmem:$0x48A0]  }
0x74f: {  	v2 =	vld.idx.msk [tilespmem:v2+s2+$0x0], $0xffff  }
0x750: {  	v60 =	vld [tilespmem:$0x1A30]  }
0x751: {  	v3 =	vld [tilespmem:$0x57A0];
	_ =	sdelay $0x1  }
0x752: {  	v61 =	vld [tilespmem:$0x66A0]  }
0x753: {  	v1 =	vmul.f32 v2, v1;
	_ =	sdelay $0x1  }
0x754: {  	v2 =	vadd.s32 s21, v60;
	v1 =	vmul.f32 v1, v3;
	_ =	sdelay $0x1  }
0x755: {  	v1 =	vadd.f32 v1, v61;
	_ =	sdelay $0x1  }
0x756: {  	[tilespmem:$0x66A0] =	vst v1;
	v1 =	vld [tilespmem:$0x48B0]  }
0x757: {  	v2 =	vld.idx.msk [tilespmem:v2+s2+$0x0], $0xffff  }
0x758: {  	v62 =	vld [tilespmem:$0x1A40]  }
0x759: {  	v3 =	vld [tilespmem:$0x57B0];
	_ =	sdelay $0x1  }
0x75a: {  	v63 =	vld [tilespmem:$0x66B0]  }
0x75b: {  	v1 =	vmul.f32 v2, v1;
	_ =	sdelay $0x1  }
0x75c: {  	v2 =	vadd.s32 s21, v62;
	v1 =	vmul.f32 v1, v3;
	_ =	sdelay $0x1  }
0x75d: {  	v1 =	vadd.f32 v1, v63;
	_ =	sdelay $0x1  }
0x75e: {  	[tilespmem:$0x66B0] =	vst v1;
	v1 =	vld [tilespmem:$0x48C0]  }
0x75f: {  	v2 =	vld.idx.msk [tilespmem:v2+s2+$0x0], $0xffff  }
0x760: {  	v8 =	vld [tilespmem:$0x1A50]  }
0x761: {  	v3 =	vld [tilespmem:$0x57C0];
	_ =	sdelay $0x1  }
0x762: {  	v9 =	vld [tilespmem:$0x66C0]  }
0x763: {  	v1 =	vmul.f32 v2, v1;
	_ =	sdelay $0x1  }
0x764: {  	v2 =	vadd.s32 s21, v8;
	v1 =	vmul.f32 v1, v3;
	_ =	sdelay $0x1  }
0x765: {  	v1 =	vadd.f32 v1, v9;
	_ =	sdelay $0x1  }
0x766: {  	[tilespmem:$0x66C0] =	vst v1;
	v1 =	vld [tilespmem:$0x48D0]  }
0x767: {  	v2 =	vld.idx.msk [tilespmem:v2+s2+$0x0], $0xffff  }
0x768: {  	v10 =	vld [tilespmem:$0x1A60]  }
0x769: {  	v3 =	vld [tilespmem:$0x57D0];
	_ =	sdelay $0x1  }
0x76a: {  	v11 =	vld [tilespmem:$0x66D0]  }
0x76b: {  	v1 =	vmul.f32 v2, v1;
	_ =	sdelay $0x1  }
0x76c: {  	v2 =	vadd.s32 s21, v10;
	v1 =	vmul.f32 v1, v3;
	_ =	sdelay $0x1  }
0x76d: {  	v1 =	vadd.f32 v1, v11;
	_ =	sdelay $0x1  }
0x76e: {  	[tilespmem:$0x66D0] =	vst v1;
	v1 =	vld [tilespmem:$0x48E0]  }
0x76f: {  	v2 =	vld.idx.msk [tilespmem:v2+s2+$0x0], $0xffff  }
0x770: {  	v12 =	vld [tilespmem:$0x1A70]  }
0x771: {  	v3 =	vld [tilespmem:$0x57E0];
	_ =	sdelay $0x1  }
0x772: {  	v13 =	vld [tilespmem:$0x66E0]  }
0x773: {  	v1 =	vmul.f32 v2, v1;
	_ =	sdelay $0x1  }
0x774: {  	v2 =	vadd.s32 s21, v12;
	v1 =	vmul.f32 v1, v3;
	_ =	sdelay $0x1  }
0x775: {  	v1 =	vadd.f32 v1, v13;
	_ =	sdelay $0x1  }
0x776: {  	[tilespmem:$0x66E0] =	vst v1;
	v1 =	vld [tilespmem:$0x48F0]  }
0x777: {  	v2 =	vld.idx.msk [tilespmem:v2+s2+$0x0], $0xffff;
	_ =	sdelay $0x1  }
0x778: {  	v3 =	vld [tilespmem:$0x57F0];
	_ =	sdelay $0x1  }
0x779: {  	v14 =	vld [tilespmem:$0x66F0]  }
0x77a: {  	v1 =	vmul.f32 v2, v1;
	_ =	sdelay $0x1  }
0x77b: {  	v1 =	vmul.f32 v1, v3;
	_ =	sdelay $0x1  }
0x77c: {  	v1 =	vadd.f32 v1, v14;
	_ =	sdelay $0x1  }
0x77d: {  	[tilespmem:$0x66F0] =	vst v1  }
0x77e: {  	_ =	swait.ge [sflag:s18], $0x80  }
0x77f: {  	[sflag:s18] =	ssyncset.done $0x0  }
0x780: {  	[sflag:s18] =	ssyncadd.s32 $0xFFFFFF80  }
0x781: {  	_ =	swait.ge [sflag:s18], $0x80  }
0x782: {  	[sflag:s18] =	ssyncset.done $0x0  }
0x783: {  	[sflag:s18] =	ssyncadd.s32 $0xFFFFFF80  }
0x784: {  	v1 =	vld [tilespmem:$0x1A80];
	_ =	sdelay $0x4  }
0x785: {  	v1 =	vadd.s32 s21, v1;
	_ =	sdelay $0x3  }
0x786: {  	v2 =	vld [tilespmem:$0x4900]  }
0x787: {  	v1 =	vld.idx.msk [tilespmem:v1+s2+$0x0], $0xffff  }
0x788: {  	v3 =	vld [tilespmem:$0x5800]  }
0x789: {  	v15 =	vld [tilespmem:$0x1A90];
	_ =	sdelay $0x1  }
0x78a: {  	v16 =	vld [tilespmem:$0x6700]  }
0x78b: {  	v1 =	vmul.f32 v1, v2;
	_ =	sdelay $0x1  }
0x78c: {  	v2 =	vadd.s32 s21, v15;
	v1 =	vmul.f32 v1, v3;
	_ =	sdelay $0x1  }
0x78d: {  	v1 =	vadd.f32 v1, v16;
	_ =	sdelay $0x1  }
0x78e: {  	[tilespmem:$0x6700] =	vst v1;
	v1 =	vld [tilespmem:$0x4910]  }
0x78f: {  	v2 =	vld.idx.msk [tilespmem:v2+s2+$0x0], $0xffff  }
0x790: {  	v17 =	vld [tilespmem:$0x1AA0]  }
0x791: {  	v3 =	vld [tilespmem:$0x5810];
	_ =	sdelay $0x1  }
0x792: {  	v18 =	vld [tilespmem:$0x6710]  }
0x793: {  	v1 =	vmul.f32 v2, v1;
	_ =	sdelay $0x1  }
0x794: {  	v2 =	vadd.s32 s21, v17;
	v1 =	vmul.f32 v1, v3;
	_ =	sdelay $0x1  }
0x795: {  	v1 =	vadd.f32 v1, v18;
	_ =	sdelay $0x1  }
0x796: {  	[tilespmem:$0x6710] =	vst v1;
	v1 =	vld [tilespmem:$0x4920]  }
0x797: {  	v2 =	vld.idx.msk [tilespmem:v2+s2+$0x0], $0xffff  }
0x798: {  	v19 =	vld [tilespmem:$0x1AB0]  }
0x799: {  	v3 =	vld [tilespmem:$0x5820];
	_ =	sdelay $0x1  }
0x79a: {  	v20 =	vld [tilespmem:$0x6720]  }
0x79b: {  	v1 =	vmul.f32 v2, v1;
	_ =	sdelay $0x1  }
0x79c: {  	v2 =	vadd.s32 s21, v19;
	v1 =	vmul.f32 v1, v3;
	_ =	sdelay $0x1  }
0x79d: {  	v1 =	vadd.f32 v1, v20;
	_ =	sdelay $0x1  }
0x79e: {  	[tilespmem:$0x6720] =	vst v1;
	v1 =	vld [tilespmem:$0x4930]  }
0x79f: {  	v2 =	vld.idx.msk [tilespmem:v2+s2+$0x0], $0xffff  }
0x7a0: {  	v21 =	vld [tilespmem:$0x1AC0]  }
0x7a1: {  	v3 =	vld [tilespmem:$0x5830];
	_ =	sdelay $0x1  }
0x7a2: {  	v22 =	vld [tilespmem:$0x6730]  }
0x7a3: {  	v1 =	vmul.f32 v2, v1;
	_ =	sdelay $0x1  }
0x7a4: {  	v2 =	vadd.s32 s21, v21;
	v1 =	vmul.f32 v1, v3;
	_ =	sdelay $0x1  }
0x7a5: {  	v1 =	vadd.f32 v1, v22;
	_ =	sdelay $0x1  }
0x7a6: {  	[tilespmem:$0x6730] =	vst v1;
	v1 =	vld [tilespmem:$0x4940]  }
0x7a7: {  	v2 =	vld.idx.msk [tilespmem:v2+s2+$0x0], $0xffff  }
0x7a8: {  	v23 =	vld [tilespmem:$0x1AD0]  }
0x7a9: {  	v3 =	vld [tilespmem:$0x5840];
	_ =	sdelay $0x1  }
0x7aa: {  	v24 =	vld [tilespmem:$0x6740]  }
0x7ab: {  	v1 =	vmul.f32 v2, v1;
	_ =	sdelay $0x1  }
0x7ac: {  	v2 =	vadd.s32 s21, v23;
	v1 =	vmul.f32 v1, v3;
	_ =	sdelay $0x1  }
0x7ad: {  	v1 =	vadd.f32 v1, v24;
	_ =	sdelay $0x1  }
0x7ae: {  	[tilespmem:$0x6740] =	vst v1;
	v1 =	vld [tilespmem:$0x4950]  }
0x7af: {  	v2 =	vld.idx.msk [tilespmem:v2+s2+$0x0], $0xffff  }
0x7b0: {  	v25 =	vld [tilespmem:$0x1AE0]  }
0x7b1: {  	v3 =	vld [tilespmem:$0x5850];
	_ =	sdelay $0x1  }
0x7b2: {  	v26 =	vld [tilespmem:$0x6750]  }
0x7b3: {  	v1 =	vmul.f32 v2, v1;
	_ =	sdelay $0x1  }
0x7b4: {  	v2 =	vadd.s32 s21, v25;
	v1 =	vmul.f32 v1, v3;
	_ =	sdelay $0x1  }
0x7b5: {  	v1 =	vadd.f32 v1, v26;
	_ =	sdelay $0x1  }
0x7b6: {  	[tilespmem:$0x6750] =	vst v1;
	v1 =	vld [tilespmem:$0x4960]  }
0x7b7: {  	v2 =	vld.idx.msk [tilespmem:v2+s2+$0x0], $0xffff  }
0x7b8: {  	v27 =	vld [tilespmem:$0x1AF0]  }
0x7b9: {  	v3 =	vld [tilespmem:$0x5860];
	_ =	sdelay $0x1  }
0x7ba: {  	v28 =	vld [tilespmem:$0x6760]  }
0x7bb: {  	v1 =	vmul.f32 v2, v1;
	_ =	sdelay $0x1  }
0x7bc: {  	v2 =	vadd.s32 s21, v27;
	v1 =	vmul.f32 v1, v3;
	_ =	sdelay $0x1  }
0x7bd: {  	v1 =	vadd.f32 v1, v28;
	_ =	sdelay $0x1  }
0x7be: {  	[tilespmem:$0x6760] =	vst v1;
	v1 =	vld [tilespmem:$0x4970]  }
0x7bf: {  	v2 =	vld.idx.msk [tilespmem:v2+s2+$0x0], $0xffff;
	_ =	sdelay $0x1  }
0x7c0: {  	v3 =	vld [tilespmem:$0x5870];
	_ =	sdelay $0x1  }
0x7c1: {  	v29 =	vld [tilespmem:$0x6770]  }
0x7c2: {  	v1 =	vmul.f32 v2, v1;
	_ =	sdelay $0x1  }
0x7c3: {  	v1 =	vmul.f32 v1, v3;
	_ =	sdelay $0x1  }
0x7c4: {  	v1 =	vadd.f32 v1, v29;
	_ =	sdelay $0x1  }
0x7c5: {  	[tilespmem:$0x6770] =	vst v1  }
0x7c6: {  	_ =	swait.ge [sflag:s18], $0x80  }
0x7c7: {  	[sflag:s18] =	ssyncset.done $0x0  }
0x7c8: {  	[sflag:s18] =	ssyncadd.s32 $0xFFFFFF80  }
0x7c9: {  	_ =	swait.ge [sflag:s18], $0x80  }
0x7ca: {  	[sflag:s18] =	ssyncset.done $0x0  }
0x7cb: {  	[sflag:s18] =	ssyncadd.s32 $0xFFFFFF80  }
0x7cc: {  	v1 =	vld [tilespmem:$0x1B00];
	_ =	sdelay $0x4  }
0x7cd: {  	v1 =	vadd.s32 s21, v1;
	_ =	sdelay $0x3  }
0x7ce: {  	v2 =	vld [tilespmem:$0x4980]  }
0x7cf: {  	v1 =	vld.idx.msk [tilespmem:v1+s2+$0x0], $0xffff  }
0x7d0: {  	v3 =	vld [tilespmem:$0x5880]  }
0x7d1: {  	v30 =	vld [tilespmem:$0x1B10];
	_ =	sdelay $0x1  }
0x7d2: {  	v31 =	vld [tilespmem:$0x6780]  }
0x7d3: {  	v1 =	vmul.f32 v1, v2;
	_ =	sdelay $0x1  }
0x7d4: {  	v2 =	vadd.s32 s21, v30;
	v1 =	vmul.f32 v1, v3;
	_ =	sdelay $0x1  }
0x7d5: {  	v1 =	vadd.f32 v1, v31;
	_ =	sdelay $0x1  }
0x7d6: {  	[tilespmem:$0x6780] =	vst v1;
	v1 =	vld [tilespmem:$0x4990]  }
0x7d7: {  	v2 =	vld.idx.msk [tilespmem:v2+s2+$0x0], $0xffff  }
0x7d8: {  	v32 =	vld [tilespmem:$0x1B20]  }
0x7d9: {  	v3 =	vld [tilespmem:$0x5890];
	_ =	sdelay $0x1  }
0x7da: {  	v33 =	vld [tilespmem:$0x6790]  }
0x7db: {  	v1 =	vmul.f32 v2, v1;
	_ =	sdelay $0x1  }
0x7dc: {  	v2 =	vadd.s32 s21, v32;
	v1 =	vmul.f32 v1, v3;
	_ =	sdelay $0x1  }
0x7dd: {  	v1 =	vadd.f32 v1, v33;
	_ =	sdelay $0x1  }
0x7de: {  	[tilespmem:$0x6790] =	vst v1;
	v1 =	vld [tilespmem:$0x49A0]  }
0x7df: {  	v2 =	vld.idx.msk [tilespmem:v2+s2+$0x0], $0xffff  }
0x7e0: {  	v34 =	vld [tilespmem:$0x1B30]  }
0x7e1: {  	v3 =	vld [tilespmem:$0x58A0];
	_ =	sdelay $0x1  }
0x7e2: {  	v35 =	vld [tilespmem:$0x67A0]  }
0x7e3: {  	v1 =	vmul.f32 v2, v1;
	_ =	sdelay $0x1  }
0x7e4: {  	v2 =	vadd.s32 s21, v34;
	v1 =	vmul.f32 v1, v3;
	_ =	sdelay $0x1  }
0x7e5: {  	v1 =	vadd.f32 v1, v35;
	_ =	sdelay $0x1  }
0x7e6: {  	[tilespmem:$0x67A0] =	vst v1;
	v1 =	vld [tilespmem:$0x49B0]  }
0x7e7: {  	v2 =	vld.idx.msk [tilespmem:v2+s2+$0x0], $0xffff  }
0x7e8: {  	v36 =	vld [tilespmem:$0x1B40]  }
0x7e9: {  	v3 =	vld [tilespmem:$0x58B0];
	_ =	sdelay $0x1  }
0x7ea: {  	v37 =	vld [tilespmem:$0x67B0]  }
0x7eb: {  	v1 =	vmul.f32 v2, v1;
	_ =	sdelay $0x1  }
0x7ec: {  	v2 =	vadd.s32 s21, v36;
	v1 =	vmul.f32 v1, v3;
	_ =	sdelay $0x1  }
0x7ed: {  	v1 =	vadd.f32 v1, v37;
	_ =	sdelay $0x1  }
0x7ee: {  	[tilespmem:$0x67B0] =	vst v1;
	v1 =	vld [tilespmem:$0x49C0]  }
0x7ef: {  	v2 =	vld.idx.msk [tilespmem:v2+s2+$0x0], $0xffff  }
0x7f0: {  	v38 =	vld [tilespmem:$0x1B50]  }
0x7f1: {  	v3 =	vld [tilespmem:$0x58C0];
	_ =	sdelay $0x1  }
0x7f2: {  	v39 =	vld [tilespmem:$0x67C0]  }
0x7f3: {  	v1 =	vmul.f32 v2, v1;
	_ =	sdelay $0x1  }
0x7f4: {  	v2 =	vadd.s32 s21, v38;
	v1 =	vmul.f32 v1, v3;
	_ =	sdelay $0x1  }
0x7f5: {  	v1 =	vadd.f32 v1, v39;
	_ =	sdelay $0x1  }
0x7f6: {  	[tilespmem:$0x67C0] =	vst v1;
	v1 =	vld [tilespmem:$0x49D0]  }
0x7f7: {  	v2 =	vld.idx.msk [tilespmem:v2+s2+$0x0], $0xffff  }
0x7f8: {  	v40 =	vld [tilespmem:$0x1B60]  }
0x7f9: {  	v3 =	vld [tilespmem:$0x58D0];
	_ =	sdelay $0x1  }
0x7fa: {  	v41 =	vld [tilespmem:$0x67D0]  }
0x7fb: {  	v1 =	vmul.f32 v2, v1;
	_ =	sdelay $0x1  }
0x7fc: {  	v2 =	vadd.s32 s21, v40;
	v1 =	vmul.f32 v1, v3;
	_ =	sdelay $0x1  }
0x7fd: {  	v1 =	vadd.f32 v1, v41;
	_ =	sdelay $0x1  }
0x7fe: {  	[tilespmem:$0x67D0] =	vst v1;
	v1 =	vld [tilespmem:$0x49E0]  }
0x7ff: {  	v2 =	vld.idx.msk [tilespmem:v2+s2+$0x0], $0xffff  }
0x800: {  	v42 =	vld [tilespmem:$0x1B70]  }
0x801: {  	v3 =	vld [tilespmem:$0x58E0];
	_ =	sdelay $0x1  }
0x802: {  	v43 =	vld [tilespmem:$0x67E0]  }
0x803: {  	v1 =	vmul.f32 v2, v1;
	_ =	sdelay $0x1  }
0x804: {  	v2 =	vadd.s32 s21, v42;
	v1 =	vmul.f32 v1, v3;
	_ =	sdelay $0x1  }
0x805: {  	v1 =	vadd.f32 v1, v43;
	_ =	sdelay $0x1  }
0x806: {  	[tilespmem:$0x67E0] =	vst v1;
	v1 =	vld [tilespmem:$0x49F0]  }
0x807: {  	v2 =	vld.idx.msk [tilespmem:v2+s2+$0x0], $0xffff;
	_ =	sdelay $0x1  }
0x808: {  	v3 =	vld [tilespmem:$0x58F0];
	_ =	sdelay $0x1  }
0x809: {  	v44 =	vld [tilespmem:$0x67F0]  }
0x80a: {  	v1 =	vmul.f32 v2, v1;
	_ =	sdelay $0x1  }
0x80b: {  	v1 =	vmul.f32 v1, v3;
	_ =	sdelay $0x1  }
0x80c: {  	v1 =	vadd.f32 v1, v44;
	_ =	sdelay $0x1  }
0x80d: {  	[tilespmem:$0x67F0] =	vst v1  }
0x80e: {  	_ =	swait.ge [sflag:s18], $0x80  }
0x80f: {  	[sflag:s18] =	ssyncset.done $0x0  }
0x810: {  	[sflag:s18] =	ssyncadd.s32 $0xFFFFFF80  }
0x811: {  	_ =	swait.ge [sflag:s18], $0x80  }
0x812: {  	[sflag:s18] =	ssyncset.done $0x0  }
0x813: {  	[sflag:s18] =	ssyncadd.s32 $0xFFFFFF80  }
0x814: {  	v1 =	vld [tilespmem:$0x1B80];
	_ =	sdelay $0x4  }
0x815: {  	v1 =	vadd.s32 s21, v1;
	_ =	sdelay $0x3  }
0x816: {  	v2 =	vld [tilespmem:$0x4A00]  }
0x817: {  	v1 =	vld.idx.msk [tilespmem:v1+s2+$0x0], $0xffff  }
0x818: {  	v3 =	vld [tilespmem:$0x5900]  }
0x819: {  	v45 =	vld [tilespmem:$0x1B90];
	_ =	sdelay $0x1  }
0x81a: {  	v46 =	vld [tilespmem:$0x6800]  }
0x81b: {  	v1 =	vmul.f32 v1, v2;
	_ =	sdelay $0x1  }
0x81c: {  	v2 =	vadd.s32 s21, v45;
	v1 =	vmul.f32 v1, v3;
	_ =	sdelay $0x1  }
0x81d: {  	v1 =	vadd.f32 v1, v46;
	_ =	sdelay $0x1  }
0x81e: {  	[tilespmem:$0x6800] =	vst v1;
	v1 =	vld [tilespmem:$0x4A10]  }
0x81f: {  	v2 =	vld.idx.msk [tilespmem:v2+s2+$0x0], $0xffff  }
0x820: {  	v47 =	vld [tilespmem:$0x1BA0]  }
0x821: {  	v3 =	vld [tilespmem:$0x5910];
	_ =	sdelay $0x1  }
0x822: {  	v48 =	vld [tilespmem:$0x6810]  }
0x823: {  	v1 =	vmul.f32 v2, v1;
	_ =	sdelay $0x1  }
0x824: {  	v2 =	vadd.s32 s21, v47;
	v1 =	vmul.f32 v1, v3;
	_ =	sdelay $0x1  }
0x825: {  	v1 =	vadd.f32 v1, v48;
	_ =	sdelay $0x1  }
0x826: {  	[tilespmem:$0x6810] =	vst v1;
	v1 =	vld [tilespmem:$0x4A20]  }
0x827: {  	v2 =	vld.idx.msk [tilespmem:v2+s2+$0x0], $0xffff  }
0x828: {  	v49 =	vld [tilespmem:$0x1BB0]  }
0x829: {  	v3 =	vld [tilespmem:$0x5920];
	_ =	sdelay $0x1  }
0x82a: {  	v50 =	vld [tilespmem:$0x6820]  }
0x82b: {  	v1 =	vmul.f32 v2, v1;
	_ =	sdelay $0x1  }
0x82c: {  	v2 =	vadd.s32 s21, v49;
	v1 =	vmul.f32 v1, v3;
	_ =	sdelay $0x1  }
0x82d: {  	v1 =	vadd.f32 v1, v50;
	_ =	sdelay $0x1  }
0x82e: {  	[tilespmem:$0x6820] =	vst v1;
	v1 =	vld [tilespmem:$0x4A30]  }
0x82f: {  	v2 =	vld.idx.msk [tilespmem:v2+s2+$0x0], $0xffff  }
0x830: {  	v51 =	vld [tilespmem:$0x1BC0]  }
0x831: {  	v3 =	vld [tilespmem:$0x5930];
	_ =	sdelay $0x1  }
0x832: {  	v52 =	vld [tilespmem:$0x6830]  }
0x833: {  	v1 =	vmul.f32 v2, v1;
	_ =	sdelay $0x1  }
0x834: {  	v2 =	vadd.s32 s21, v51;
	v1 =	vmul.f32 v1, v3;
	_ =	sdelay $0x1  }
0x835: {  	v1 =	vadd.f32 v1, v52;
	_ =	sdelay $0x1  }
0x836: {  	[tilespmem:$0x6830] =	vst v1;
	v1 =	vld [tilespmem:$0x4A40]  }
0x837: {  	v2 =	vld.idx.msk [tilespmem:v2+s2+$0x0], $0xffff  }
0x838: {  	v53 =	vld [tilespmem:$0x1BD0]  }
0x839: {  	v3 =	vld [tilespmem:$0x5940];
	_ =	sdelay $0x1  }
0x83a: {  	v54 =	vld [tilespmem:$0x6840]  }
0x83b: {  	v1 =	vmul.f32 v2, v1;
	_ =	sdelay $0x1  }
0x83c: {  	v2 =	vadd.s32 s21, v53;
	v1 =	vmul.f32 v1, v3;
	_ =	sdelay $0x1  }
0x83d: {  	v1 =	vadd.f32 v1, v54;
	_ =	sdelay $0x1  }
0x83e: {  	[tilespmem:$0x6840] =	vst v1;
	v1 =	vld [tilespmem:$0x4A50]  }
0x83f: {  	v2 =	vld.idx.msk [tilespmem:v2+s2+$0x0], $0xffff  }
0x840: {  	v55 =	vld [tilespmem:$0x1BE0]  }
0x841: {  	v3 =	vld [tilespmem:$0x5950];
	_ =	sdelay $0x1  }
0x842: {  	v56 =	vld [tilespmem:$0x6850]  }
0x843: {  	v1 =	vmul.f32 v2, v1;
	_ =	sdelay $0x1  }
0x844: {  	v2 =	vadd.s32 s21, v55;
	v1 =	vmul.f32 v1, v3;
	_ =	sdelay $0x1  }
0x845: {  	v1 =	vadd.f32 v1, v56;
	_ =	sdelay $0x1  }
0x846: {  	[tilespmem:$0x6850] =	vst v1;
	v1 =	vld [tilespmem:$0x4A60]  }
0x847: {  	v2 =	vld.idx.msk [tilespmem:v2+s2+$0x0], $0xffff  }
0x848: {  	v57 =	vld [tilespmem:$0x1BF0]  }
0x849: {  	v3 =	vld [tilespmem:$0x5960];
	_ =	sdelay $0x1  }
0x84a: {  	v58 =	vld [tilespmem:$0x6860]  }
0x84b: {  	v1 =	vmul.f32 v2, v1;
	_ =	sdelay $0x1  }
0x84c: {  	v2 =	vadd.s32 s21, v57;
	v1 =	vmul.f32 v1, v3;
	_ =	sdelay $0x1  }
0x84d: {  	v1 =	vadd.f32 v1, v58;
	_ =	sdelay $0x1  }
0x84e: {  	[tilespmem:$0x6860] =	vst v1;
	v1 =	vld [tilespmem:$0x4A70]  }
0x84f: {  	v2 =	vld.idx.msk [tilespmem:v2+s2+$0x0], $0xffff;
	_ =	sdelay $0x1  }
0x850: {  	v3 =	vld [tilespmem:$0x5970];
	_ =	sdelay $0x1  }
0x851: {  	v59 =	vld [tilespmem:$0x6870]  }
0x852: {  	v1 =	vmul.f32 v2, v1;
	_ =	sdelay $0x1  }
0x853: {  	v1 =	vmul.f32 v1, v3;
	_ =	sdelay $0x1  }
0x854: {  	v1 =	vadd.f32 v1, v59;
	_ =	sdelay $0x1  }
0x855: {  	[tilespmem:$0x6870] =	vst v1  }
0x856: {  	_ =	swait.ge [sflag:s18], $0x80  }
0x857: {  	[sflag:s18] =	ssyncset.done $0x0  }
0x858: {  	[sflag:s18] =	ssyncadd.s32 $0xFFFFFF80  }
0x859: {  	_ =	swait.ge [sflag:s18], $0x80  }
0x85a: {  	[sflag:s18] =	ssyncset.done $0x0  }
0x85b: {  	[sflag:s18] =	ssyncadd.s32 $0xFFFFFF80  }
0x85c: {  	v1 =	vld [tilespmem:$0x1C00];
	_ =	sdelay $0x4  }
0x85d: {  	v1 =	vadd.s32 s21, v1;
	_ =	sdelay $0x3  }
0x85e: {  	v2 =	vld [tilespmem:$0x4A80]  }
0x85f: {  	v1 =	vld.idx.msk [tilespmem:v1+s2+$0x0], $0xffff  }
0x860: {  	v3 =	vld [tilespmem:$0x5980]  }
0x861: {  	v60 =	vld [tilespmem:$0x1C10];
	_ =	sdelay $0x1  }
0x862: {  	v61 =	vld [tilespmem:$0x6880]  }
0x863: {  	v1 =	vmul.f32 v1, v2;
	_ =	sdelay $0x1  }
0x864: {  	v2 =	vadd.s32 s21, v60;
	v1 =	vmul.f32 v1, v3;
	_ =	sdelay $0x1  }
0x865: {  	v1 =	vadd.f32 v1, v61;
	_ =	sdelay $0x1  }
0x866: {  	[tilespmem:$0x6880] =	vst v1;
	v1 =	vld [tilespmem:$0x4A90]  }
0x867: {  	v2 =	vld.idx.msk [tilespmem:v2+s2+$0x0], $0xffff  }
0x868: {  	v62 =	vld [tilespmem:$0x1C20]  }
0x869: {  	v3 =	vld [tilespmem:$0x5990];
	_ =	sdelay $0x1  }
0x86a: {  	v63 =	vld [tilespmem:$0x6890]  }
0x86b: {  	v1 =	vmul.f32 v2, v1;
	_ =	sdelay $0x1  }
0x86c: {  	v2 =	vadd.s32 s21, v62;
	v1 =	vmul.f32 v1, v3;
	_ =	sdelay $0x1  }
0x86d: {  	v1 =	vadd.f32 v1, v63;
	_ =	sdelay $0x1  }
0x86e: {  	[tilespmem:$0x6890] =	vst v1;
	v1 =	vld [tilespmem:$0x4AA0]  }
0x86f: {  	v2 =	vld.idx.msk [tilespmem:v2+s2+$0x0], $0xffff  }
0x870: {  	v8 =	vld [tilespmem:$0x1C30]  }
0x871: {  	v3 =	vld [tilespmem:$0x59A0];
	_ =	sdelay $0x1  }
0x872: {  	v9 =	vld [tilespmem:$0x68A0]  }
0x873: {  	v1 =	vmul.f32 v2, v1;
	_ =	sdelay $0x1  }
0x874: {  	v2 =	vadd.s32 s21, v8;
	v1 =	vmul.f32 v1, v3;
	_ =	sdelay $0x1  }
0x875: {  	v1 =	vadd.f32 v1, v9;
	_ =	sdelay $0x1  }
0x876: {  	[tilespmem:$0x68A0] =	vst v1;
	v1 =	vld [tilespmem:$0x4AB0]  }
0x877: {  	v2 =	vld.idx.msk [tilespmem:v2+s2+$0x0], $0xffff  }
0x878: {  	v10 =	vld [tilespmem:$0x1C40]  }
0x879: {  	v3 =	vld [tilespmem:$0x59B0];
	_ =	sdelay $0x1  }
0x87a: {  	v11 =	vld [tilespmem:$0x68B0]  }
0x87b: {  	v1 =	vmul.f32 v2, v1;
	_ =	sdelay $0x1  }
0x87c: {  	v2 =	vadd.s32 s21, v10;
	v1 =	vmul.f32 v1, v3;
	_ =	sdelay $0x1  }
0x87d: {  	v1 =	vadd.f32 v1, v11;
	_ =	sdelay $0x1  }
0x87e: {  	[tilespmem:$0x68B0] =	vst v1;
	v1 =	vld [tilespmem:$0x4AC0]  }
0x87f: {  	v2 =	vld.idx.msk [tilespmem:v2+s2+$0x0], $0xffff  }
0x880: {  	v12 =	vld [tilespmem:$0x1C50]  }
0x881: {  	v3 =	vld [tilespmem:$0x59C0];
	_ =	sdelay $0x1  }
0x882: {  	v13 =	vld [tilespmem:$0x68C0]  }
0x883: {  	v1 =	vmul.f32 v2, v1;
	_ =	sdelay $0x1  }
0x884: {  	v2 =	vadd.s32 s21, v12;
	v1 =	vmul.f32 v1, v3;
	_ =	sdelay $0x1  }
0x885: {  	v1 =	vadd.f32 v1, v13;
	_ =	sdelay $0x1  }
0x886: {  	[tilespmem:$0x68C0] =	vst v1;
	v1 =	vld [tilespmem:$0x4AD0]  }
0x887: {  	v2 =	vld.idx.msk [tilespmem:v2+s2+$0x0], $0xffff  }
0x888: {  	v14 =	vld [tilespmem:$0x1C60]  }
0x889: {  	v3 =	vld [tilespmem:$0x59D0];
	_ =	sdelay $0x1  }
0x88a: {  	v15 =	vld [tilespmem:$0x68D0]  }
0x88b: {  	v1 =	vmul.f32 v2, v1;
	_ =	sdelay $0x1  }
0x88c: {  	v2 =	vadd.s32 s21, v14;
	v1 =	vmul.f32 v1, v3;
	_ =	sdelay $0x1  }
0x88d: {  	v1 =	vadd.f32 v1, v15;
	_ =	sdelay $0x1  }
0x88e: {  	[tilespmem:$0x68D0] =	vst v1;
	v1 =	vld [tilespmem:$0x4AE0]  }
0x88f: {  	v2 =	vld.idx.msk [tilespmem:v2+s2+$0x0], $0xffff  }
0x890: {  	v16 =	vld [tilespmem:$0x1C70]  }
0x891: {  	v3 =	vld [tilespmem:$0x59E0];
	_ =	sdelay $0x1  }
0x892: {  	v17 =	vld [tilespmem:$0x68E0]  }
0x893: {  	v1 =	vmul.f32 v2, v1;
	_ =	sdelay $0x1  }
0x894: {  	v2 =	vadd.s32 s21, v16;
	v1 =	vmul.f32 v1, v3;
	_ =	sdelay $0x1  }
0x895: {  	v1 =	vadd.f32 v1, v17;
	_ =	sdelay $0x1  }
0x896: {  	[tilespmem:$0x68E0] =	vst v1;
	v1 =	vld [tilespmem:$0x4AF0]  }
0x897: {  	v2 =	vld.idx.msk [tilespmem:v2+s2+$0x0], $0xffff;
	_ =	sdelay $0x1  }
0x898: {  	v3 =	vld [tilespmem:$0x59F0];
	_ =	sdelay $0x1  }
0x899: {  	v18 =	vld [tilespmem:$0x68F0]  }
0x89a: {  	v1 =	vmul.f32 v2, v1;
	_ =	sdelay $0x1  }
0x89b: {  	v1 =	vmul.f32 v1, v3;
	_ =	sdelay $0x1  }
0x89c: {  	v1 =	vadd.f32 v1, v18;
	_ =	sdelay $0x1  }
0x89d: {  	[tilespmem:$0x68F0] =	vst v1  }
0x89e: {  	_ =	swait.ge [sflag:s18], $0x80  }
0x89f: {  	[sflag:s18] =	ssyncset.done $0x0  }
0x8a0: {  	[sflag:s18] =	ssyncadd.s32 $0xFFFFFF80  }
0x8a1: {  	_ =	swait.ge [sflag:s18], $0x80  }
0x8a2: {  	[sflag:s18] =	ssyncset.done $0x0  }
0x8a3: {  	[sflag:s18] =	ssyncadd.s32 $0xFFFFFF80  }
0x8a4: {  	v1 =	vld [tilespmem:$0x1C80];
	_ =	sdelay $0x4  }
0x8a5: {  	v1 =	vadd.s32 s21, v1;
	_ =	sdelay $0x3  }
0x8a6: {  	v2 =	vld [tilespmem:$0x4B00]  }
0x8a7: {  	v1 =	vld.idx.msk [tilespmem:v1+s2+$0x0], $0xffff  }
0x8a8: {  	v3 =	vld [tilespmem:$0x5A00]  }
0x8a9: {  	v19 =	vld [tilespmem:$0x1C90];
	_ =	sdelay $0x1  }
0x8aa: {  	v20 =	vld [tilespmem:$0x6900]  }
0x8ab: {  	v1 =	vmul.f32 v1, v2;
	_ =	sdelay $0x1  }
0x8ac: {  	v2 =	vadd.s32 s21, v19;
	v1 =	vmul.f32 v1, v3;
	_ =	sdelay $0x1  }
0x8ad: {  	v1 =	vadd.f32 v1, v20;
	_ =	sdelay $0x1  }
0x8ae: {  	[tilespmem:$0x6900] =	vst v1;
	v1 =	vld [tilespmem:$0x4B10]  }
0x8af: {  	v2 =	vld.idx.msk [tilespmem:v2+s2+$0x0], $0xffff  }
0x8b0: {  	v21 =	vld [tilespmem:$0x1CA0]  }
0x8b1: {  	v3 =	vld [tilespmem:$0x5A10];
	_ =	sdelay $0x1  }
0x8b2: {  	v22 =	vld [tilespmem:$0x6910]  }
0x8b3: {  	v1 =	vmul.f32 v2, v1;
	_ =	sdelay $0x1  }
0x8b4: {  	v2 =	vadd.s32 s21, v21;
	v1 =	vmul.f32 v1, v3;
	_ =	sdelay $0x1  }
0x8b5: {  	v1 =	vadd.f32 v1, v22;
	_ =	sdelay $0x1  }
0x8b6: {  	[tilespmem:$0x6910] =	vst v1;
	v1 =	vld [tilespmem:$0x4B20]  }
0x8b7: {  	v2 =	vld.idx.msk [tilespmem:v2+s2+$0x0], $0xffff  }
0x8b8: {  	v23 =	vld [tilespmem:$0x1CB0]  }
0x8b9: {  	v3 =	vld [tilespmem:$0x5A20];
	_ =	sdelay $0x1  }
0x8ba: {  	v24 =	vld [tilespmem:$0x6920]  }
0x8bb: {  	v1 =	vmul.f32 v2, v1;
	_ =	sdelay $0x1  }
0x8bc: {  	v2 =	vadd.s32 s21, v23;
	v1 =	vmul.f32 v1, v3;
	_ =	sdelay $0x1  }
0x8bd: {  	v1 =	vadd.f32 v1, v24;
	_ =	sdelay $0x1  }
0x8be: {  	[tilespmem:$0x6920] =	vst v1;
	v1 =	vld [tilespmem:$0x4B30]  }
0x8bf: {  	v2 =	vld.idx.msk [tilespmem:v2+s2+$0x0], $0xffff  }
0x8c0: {  	v25 =	vld [tilespmem:$0x1CC0]  }
0x8c1: {  	v3 =	vld [tilespmem:$0x5A30];
	_ =	sdelay $0x1  }
0x8c2: {  	v26 =	vld [tilespmem:$0x6930]  }
0x8c3: {  	v1 =	vmul.f32 v2, v1;
	_ =	sdelay $0x1  }
0x8c4: {  	v2 =	vadd.s32 s21, v25;
	v1 =	vmul.f32 v1, v3;
	_ =	sdelay $0x1  }
0x8c5: {  	v1 =	vadd.f32 v1, v26;
	_ =	sdelay $0x1  }
0x8c6: {  	[tilespmem:$0x6930] =	vst v1;
	v1 =	vld [tilespmem:$0x4B40]  }
0x8c7: {  	v2 =	vld.idx.msk [tilespmem:v2+s2+$0x0], $0xffff  }
0x8c8: {  	v27 =	vld [tilespmem:$0x1CD0]  }
0x8c9: {  	v3 =	vld [tilespmem:$0x5A40];
	_ =	sdelay $0x1  }
0x8ca: {  	v28 =	vld [tilespmem:$0x6940]  }
0x8cb: {  	v1 =	vmul.f32 v2, v1;
	_ =	sdelay $0x1  }
0x8cc: {  	v2 =	vadd.s32 s21, v27;
	v1 =	vmul.f32 v1, v3;
	_ =	sdelay $0x1  }
0x8cd: {  	v1 =	vadd.f32 v1, v28;
	_ =	sdelay $0x1  }
0x8ce: {  	[tilespmem:$0x6940] =	vst v1;
	v1 =	vld [tilespmem:$0x4B50]  }
0x8cf: {  	v2 =	vld.idx.msk [tilespmem:v2+s2+$0x0], $0xffff  }
0x8d0: {  	v29 =	vld [tilespmem:$0x1CE0]  }
0x8d1: {  	v3 =	vld [tilespmem:$0x5A50];
	_ =	sdelay $0x1  }
0x8d2: {  	v30 =	vld [tilespmem:$0x6950]  }
0x8d3: {  	v1 =	vmul.f32 v2, v1;
	_ =	sdelay $0x1  }
0x8d4: {  	v2 =	vadd.s32 s21, v29;
	v1 =	vmul.f32 v1, v3;
	_ =	sdelay $0x1  }
0x8d5: {  	v1 =	vadd.f32 v1, v30;
	_ =	sdelay $0x1  }
0x8d6: {  	[tilespmem:$0x6950] =	vst v1;
	v1 =	vld [tilespmem:$0x4B60]  }
0x8d7: {  	v2 =	vld.idx.msk [tilespmem:v2+s2+$0x0], $0xffff  }
0x8d8: {  	v31 =	vld [tilespmem:$0x1CF0]  }
0x8d9: {  	v3 =	vld [tilespmem:$0x5A60];
	_ =	sdelay $0x1  }
0x8da: {  	v32 =	vld [tilespmem:$0x6960]  }
0x8db: {  	v1 =	vmul.f32 v2, v1;
	_ =	sdelay $0x1  }
0x8dc: {  	v2 =	vadd.s32 s21, v31;
	v1 =	vmul.f32 v1, v3;
	_ =	sdelay $0x1  }
0x8dd: {  	v1 =	vadd.f32 v1, v32;
	_ =	sdelay $0x1  }
0x8de: {  	[tilespmem:$0x6960] =	vst v1;
	v1 =	vld [tilespmem:$0x4B70]  }
0x8df: {  	v2 =	vld.idx.msk [tilespmem:v2+s2+$0x0], $0xffff;
	_ =	sdelay $0x1  }
0x8e0: {  	v3 =	vld [tilespmem:$0x5A70];
	_ =	sdelay $0x1  }
0x8e1: {  	v33 =	vld [tilespmem:$0x6970]  }
0x8e2: {  	v1 =	vmul.f32 v2, v1;
	_ =	sdelay $0x1  }
0x8e3: {  	v1 =	vmul.f32 v1, v3;
	_ =	sdelay $0x1  }
0x8e4: {  	v1 =	vadd.f32 v1, v33;
	_ =	sdelay $0x1  }
0x8e5: {  	[tilespmem:$0x6970] =	vst v1  }
0x8e6: {  	_ =	swait.ge [sflag:s18], $0x80  }
0x8e7: {  	[sflag:s18] =	ssyncset.done $0x0  }
0x8e8: {  	[sflag:s18] =	ssyncadd.s32 $0xFFFFFF80  }
0x8e9: {  	_ =	swait.ge [sflag:s18], $0x80  }
0x8ea: {  	[sflag:s18] =	ssyncset.done $0x0  }
0x8eb: {  	[sflag:s18] =	ssyncadd.s32 $0xFFFFFF80  }
0x8ec: {  	v1 =	vld [tilespmem:$0x1D00];
	_ =	sdelay $0x4  }
0x8ed: {  	v1 =	vadd.s32 s21, v1;
	_ =	sdelay $0x3  }
0x8ee: {  	v2 =	vld [tilespmem:$0x4B80]  }
0x8ef: {  	v1 =	vld.idx.msk [tilespmem:v1+s2+$0x0], $0xffff  }
0x8f0: {  	v3 =	vld [tilespmem:$0x5A80]  }
0x8f1: {  	v34 =	vld [tilespmem:$0x1D10];
	_ =	sdelay $0x1  }
0x8f2: {  	v35 =	vld [tilespmem:$0x6980]  }
0x8f3: {  	v1 =	vmul.f32 v1, v2;
	_ =	sdelay $0x1  }
0x8f4: {  	v2 =	vadd.s32 s21, v34;
	v1 =	vmul.f32 v1, v3;
	_ =	sdelay $0x1  }
0x8f5: {  	v1 =	vadd.f32 v1, v35;
	_ =	sdelay $0x1  }
0x8f6: {  	[tilespmem:$0x6980] =	vst v1;
	v1 =	vld [tilespmem:$0x4B90]  }
0x8f7: {  	v2 =	vld.idx.msk [tilespmem:v2+s2+$0x0], $0xffff  }
0x8f8: {  	v36 =	vld [tilespmem:$0x1D20]  }
0x8f9: {  	v3 =	vld [tilespmem:$0x5A90];
	_ =	sdelay $0x1  }
0x8fa: {  	v37 =	vld [tilespmem:$0x6990]  }
0x8fb: {  	v1 =	vmul.f32 v2, v1;
	_ =	sdelay $0x1  }
0x8fc: {  	v2 =	vadd.s32 s21, v36;
	v1 =	vmul.f32 v1, v3;
	_ =	sdelay $0x1  }
0x8fd: {  	v1 =	vadd.f32 v1, v37;
	_ =	sdelay $0x1  }
0x8fe: {  	[tilespmem:$0x6990] =	vst v1;
	v1 =	vld [tilespmem:$0x4BA0]  }
0x8ff: {  	v2 =	vld.idx.msk [tilespmem:v2+s2+$0x0], $0xffff  }
0x900: {  	v38 =	vld [tilespmem:$0x1D30]  }
0x901: {  	v3 =	vld [tilespmem:$0x5AA0];
	_ =	sdelay $0x1  }
0x902: {  	v39 =	vld [tilespmem:$0x69A0]  }
0x903: {  	v1 =	vmul.f32 v2, v1;
	_ =	sdelay $0x1  }
0x904: {  	v2 =	vadd.s32 s21, v38;
	v1 =	vmul.f32 v1, v3;
	_ =	sdelay $0x1  }
0x905: {  	v1 =	vadd.f32 v1, v39;
	_ =	sdelay $0x1  }
0x906: {  	[tilespmem:$0x69A0] =	vst v1;
	v1 =	vld [tilespmem:$0x4BB0]  }
0x907: {  	v2 =	vld.idx.msk [tilespmem:v2+s2+$0x0], $0xffff  }
0x908: {  	v40 =	vld [tilespmem:$0x1D40]  }
0x909: {  	v3 =	vld [tilespmem:$0x5AB0];
	_ =	sdelay $0x1  }
0x90a: {  	v41 =	vld [tilespmem:$0x69B0]  }
0x90b: {  	v1 =	vmul.f32 v2, v1;
	_ =	sdelay $0x1  }
0x90c: {  	v2 =	vadd.s32 s21, v40;
	v1 =	vmul.f32 v1, v3;
	_ =	sdelay $0x1  }
0x90d: {  	v1 =	vadd.f32 v1, v41;
	_ =	sdelay $0x1  }
0x90e: {  	[tilespmem:$0x69B0] =	vst v1;
	v1 =	vld [tilespmem:$0x4BC0]  }
0x90f: {  	v2 =	vld.idx.msk [tilespmem:v2+s2+$0x0], $0xffff  }
0x910: {  	v42 =	vld [tilespmem:$0x1D50]  }
0x911: {  	v3 =	vld [tilespmem:$0x5AC0];
	_ =	sdelay $0x1  }
0x912: {  	v43 =	vld [tilespmem:$0x69C0]  }
0x913: {  	v1 =	vmul.f32 v2, v1;
	_ =	sdelay $0x1  }
0x914: {  	v2 =	vadd.s32 s21, v42;
	v1 =	vmul.f32 v1, v3;
	_ =	sdelay $0x1  }
0x915: {  	v1 =	vadd.f32 v1, v43;
	_ =	sdelay $0x1  }
0x916: {  	[tilespmem:$0x69C0] =	vst v1;
	v1 =	vld [tilespmem:$0x4BD0]  }
0x917: {  	v2 =	vld.idx.msk [tilespmem:v2+s2+$0x0], $0xffff  }
0x918: {  	v44 =	vld [tilespmem:$0x1D60]  }
0x919: {  	v3 =	vld [tilespmem:$0x5AD0];
	_ =	sdelay $0x1  }
0x91a: {  	v45 =	vld [tilespmem:$0x69D0]  }
0x91b: {  	v1 =	vmul.f32 v2, v1;
	_ =	sdelay $0x1  }
0x91c: {  	v2 =	vadd.s32 s21, v44;
	v1 =	vmul.f32 v1, v3;
	_ =	sdelay $0x1  }
0x91d: {  	v1 =	vadd.f32 v1, v45;
	_ =	sdelay $0x1  }
0x91e: {  	[tilespmem:$0x69D0] =	vst v1;
	v1 =	vld [tilespmem:$0x4BE0]  }
0x91f: {  	v2 =	vld.idx.msk [tilespmem:v2+s2+$0x0], $0xffff  }
0x920: {  	v46 =	vld [tilespmem:$0x1D70]  }
0x921: {  	v3 =	vld [tilespmem:$0x5AE0];
	_ =	sdelay $0x1  }
0x922: {  	v47 =	vld [tilespmem:$0x69E0]  }
0x923: {  	v1 =	vmul.f32 v2, v1;
	_ =	sdelay $0x1  }
0x924: {  	v2 =	vadd.s32 s21, v46;
	v1 =	vmul.f32 v1, v3;
	_ =	sdelay $0x1  }
0x925: {  	v1 =	vadd.f32 v1, v47;
	_ =	sdelay $0x1  }
0x926: {  	[tilespmem:$0x69E0] =	vst v1;
	v1 =	vld [tilespmem:$0x4BF0]  }
0x927: {  	v2 =	vld.idx.msk [tilespmem:v2+s2+$0x0], $0xffff;
	_ =	sdelay $0x1  }
0x928: {  	v3 =	vld [tilespmem:$0x5AF0];
	_ =	sdelay $0x1  }
0x929: {  	v48 =	vld [tilespmem:$0x69F0]  }
0x92a: {  	v1 =	vmul.f32 v2, v1;
	_ =	sdelay $0x1  }
0x92b: {  	v1 =	vmul.f32 v1, v3;
	_ =	sdelay $0x1  }
0x92c: {  	v1 =	vadd.f32 v1, v48;
	_ =	sdelay $0x1  }
0x92d: {  	[tilespmem:$0x69F0] =	vst v1  }
0x92e: {  	_ =	swait.ge [sflag:s18], $0x80  }
0x92f: {  	[sflag:s18] =	ssyncset.done $0x0  }
0x930: {  	[sflag:s18] =	ssyncadd.s32 $0xFFFFFF80  }
0x931: {  	_ =	swait.ge [sflag:s18], $0x80  }
0x932: {  	[sflag:s18] =	ssyncset.done $0x0  }
0x933: {  	[sflag:s18] =	ssyncadd.s32 $0xFFFFFF80  }
0x934: {  	v1 =	vld [tilespmem:$0x1D80];
	_ =	sdelay $0x4  }
0x935: {  	v1 =	vadd.s32 s21, v1;
	_ =	sdelay $0x3  }
0x936: {  	v2 =	vld [tilespmem:$0x4C00]  }
0x937: {  	v1 =	vld.idx.msk [tilespmem:v1+s2+$0x0], $0xffff  }
0x938: {  	v3 =	vld [tilespmem:$0x5B00]  }
0x939: {  	v49 =	vld [tilespmem:$0x1D90];
	_ =	sdelay $0x1  }
0x93a: {  	v50 =	vld [tilespmem:$0x6A00]  }
0x93b: {  	v1 =	vmul.f32 v1, v2;
	_ =	sdelay $0x1  }
0x93c: {  	v2 =	vadd.s32 s21, v49;
	v1 =	vmul.f32 v1, v3;
	_ =	sdelay $0x1  }
0x93d: {  	v1 =	vadd.f32 v1, v50;
	_ =	sdelay $0x1  }
0x93e: {  	[tilespmem:$0x6A00] =	vst v1;
	v1 =	vld [tilespmem:$0x4C10]  }
0x93f: {  	v2 =	vld.idx.msk [tilespmem:v2+s2+$0x0], $0xffff  }
0x940: {  	v51 =	vld [tilespmem:$0x1DA0]  }
0x941: {  	v3 =	vld [tilespmem:$0x5B10];
	_ =	sdelay $0x1  }
0x942: {  	v52 =	vld [tilespmem:$0x6A10]  }
0x943: {  	v1 =	vmul.f32 v2, v1;
	_ =	sdelay $0x1  }
0x944: {  	v2 =	vadd.s32 s21, v51;
	v1 =	vmul.f32 v1, v3;
	_ =	sdelay $0x1  }
0x945: {  	v1 =	vadd.f32 v1, v52;
	_ =	sdelay $0x1  }
0x946: {  	[tilespmem:$0x6A10] =	vst v1;
	v1 =	vld [tilespmem:$0x4C20]  }
0x947: {  	v2 =	vld.idx.msk [tilespmem:v2+s2+$0x0], $0xffff  }
0x948: {  	v53 =	vld [tilespmem:$0x1DB0]  }
0x949: {  	v3 =	vld [tilespmem:$0x5B20];
	_ =	sdelay $0x1  }
0x94a: {  	v54 =	vld [tilespmem:$0x6A20]  }
0x94b: {  	v1 =	vmul.f32 v2, v1;
	_ =	sdelay $0x1  }
0x94c: {  	v2 =	vadd.s32 s21, v53;
	v1 =	vmul.f32 v1, v3;
	_ =	sdelay $0x1  }
0x94d: {  	v1 =	vadd.f32 v1, v54;
	_ =	sdelay $0x1  }
0x94e: {  	[tilespmem:$0x6A20] =	vst v1;
	v1 =	vld [tilespmem:$0x4C30]  }
0x94f: {  	v2 =	vld.idx.msk [tilespmem:v2+s2+$0x0], $0xffff  }
0x950: {  	v55 =	vld [tilespmem:$0x1DC0]  }
0x951: {  	v3 =	vld [tilespmem:$0x5B30];
	_ =	sdelay $0x1  }
0x952: {  	v56 =	vld [tilespmem:$0x6A30]  }
0x953: {  	v1 =	vmul.f32 v2, v1;
	_ =	sdelay $0x1  }
0x954: {  	v2 =	vadd.s32 s21, v55;
	v1 =	vmul.f32 v1, v3;
	_ =	sdelay $0x1  }
0x955: {  	v1 =	vadd.f32 v1, v56;
	_ =	sdelay $0x1  }
0x956: {  	[tilespmem:$0x6A30] =	vst v1;
	v1 =	vld [tilespmem:$0x4C40]  }
0x957: {  	v2 =	vld.idx.msk [tilespmem:v2+s2+$0x0], $0xffff  }
0x958: {  	v57 =	vld [tilespmem:$0x1DD0]  }
0x959: {  	v3 =	vld [tilespmem:$0x5B40];
	_ =	sdelay $0x1  }
0x95a: {  	v58 =	vld [tilespmem:$0x6A40]  }
0x95b: {  	v1 =	vmul.f32 v2, v1;
	_ =	sdelay $0x1  }
0x95c: {  	v2 =	vadd.s32 s21, v57;
	v1 =	vmul.f32 v1, v3;
	_ =	sdelay $0x1  }
0x95d: {  	v1 =	vadd.f32 v1, v58;
	_ =	sdelay $0x1  }
0x95e: {  	[tilespmem:$0x6A40] =	vst v1;
	v1 =	vld [tilespmem:$0x4C50]  }
0x95f: {  	v2 =	vld.idx.msk [tilespmem:v2+s2+$0x0], $0xffff  }
0x960: {  	v59 =	vld [tilespmem:$0x1DE0]  }
0x961: {  	v3 =	vld [tilespmem:$0x5B50];
	_ =	sdelay $0x1  }
0x962: {  	v60 =	vld [tilespmem:$0x6A50]  }
0x963: {  	v1 =	vmul.f32 v2, v1;
	_ =	sdelay $0x1  }
0x964: {  	v2 =	vadd.s32 s21, v59;
	v1 =	vmul.f32 v1, v3;
	_ =	sdelay $0x1  }
0x965: {  	v1 =	vadd.f32 v1, v60;
	_ =	sdelay $0x1  }
0x966: {  	[tilespmem:$0x6A50] =	vst v1;
	v1 =	vld [tilespmem:$0x4C60]  }
0x967: {  	v2 =	vld.idx.msk [tilespmem:v2+s2+$0x0], $0xffff  }
0x968: {  	v61 =	vld [tilespmem:$0x1DF0]  }
0x969: {  	v3 =	vld [tilespmem:$0x5B60];
	_ =	sdelay $0x1  }
0x96a: {  	v62 =	vld [tilespmem:$0x6A60]  }
0x96b: {  	v1 =	vmul.f32 v2, v1;
	_ =	sdelay $0x1  }
0x96c: {  	v2 =	vadd.s32 s21, v61;
	v1 =	vmul.f32 v1, v3;
	_ =	sdelay $0x1  }
0x96d: {  	v1 =	vadd.f32 v1, v62;
	_ =	sdelay $0x1  }
0x96e: {  	[tilespmem:$0x6A60] =	vst v1;
	v1 =	vld [tilespmem:$0x4C70]  }
0x96f: {  	v2 =	vld.idx.msk [tilespmem:v2+s2+$0x0], $0xffff;
	_ =	sdelay $0x1  }
0x970: {  	v3 =	vld [tilespmem:$0x5B70];
	_ =	sdelay $0x1  }
0x971: {  	v63 =	vld [tilespmem:$0x6A70]  }
0x972: {  	v1 =	vmul.f32 v2, v1;
	_ =	sdelay $0x1  }
0x973: {  	s20 =	sadd.s32 $0x80, s20;
	v1 =	vmul.f32 v1, v3  }
0x974: {  	p1 =	sne.s32 s20, $0x800  }
.Ltmp4:
0x975: {  	v1 =	vadd.f32 v1, v63;
	(pc) =	sbr.rel @!p1 .LBB2_12-.Ltmp4, $4  }
0x976: {  	_ = 	snop  }
0x977: {  	[tilespmem:$0x6A70] =	vst v1  }
0x978: {  	[bflag:$0x0] =	sbarrier.arrive $0xFFFF  }
0x979: {  	s19 =	sadd.s32 $0x40, s19;
	s22 =	sadd.s32 $0x1, s22;
	s21 =	sadd.s32 $0x64, s21  }
.LBB2_4:
0x97a: {  	s30 =	sld [smem:$0x7FB];
	_ =	sdelay $0x1  }
0x97b: {  	s23 =	sshrl.u32 s22, $0x3  }
0x97c: {  	s23 =	smul.u32 $0x7A1400, s23;
	p1 =	seq.s32 s30, $0x1  }
.Ltmp5:
0x97d: {  	_ = 	snop;
	(pc) =	sbr.rel @p1 .LBB2_8-.Ltmp5, $4  }
0x97e: {  	s24 =	sand.u32 $0x380, s20  }
0x97f: {  	s23 =	sor.u32 s24, s23  }
0x980: {  	s29 =	rddreg [dreg:$0x1];
	s23 =	sshrl.u32 s23, $0x3  }
0x981: {  	s23 =	sadd.s32 s29, s23  }
0x982: {  	s24 =	sld [smem:$0x7FC];
	_ =	sdelay $0x2  }
0x983: {  	p1 =	seq.s32 s24, $0x1  }
.Ltmp6:
0x984: {  	_ = 	snop;
	(pc) =	sbr.rel @p1 .LBB2_7-.Ltmp6, $1  }
0x985: {  	_ =	sdelay $0x3  }
0x986: {  	s24 =	sld [smem:$0x7F2];
	_ =	sdelay $0x2  }
0x987: {  	p1 =	seq.s32 s24, $0x1  }
0x988: {  	s30 =	rddreg [dreg:$0xd];
	s24 =	sadd.s32 @!p1 $0x20800, s23;
	s25 =	simm.s32 @!p1 $0x1  }
0x989: {  	s26 =	simm.s32 @!p1 $0x10;
	s28 =	simm.s32 @!p1 $0x80;
	s29 =	simm.s32 @!p1 $0x1C82  }
0x98a: {  	[spmem:s30@s26], [sflag:s29] =	dma.strided @!p1 [hbm:s24@s28], $0x2080, s25, $0x10   }
0x98b: {  	s24 =	simm.s32 @!p1 $0x2  }
0x98c: {  	_ =	swait.ge @!p1 [sflag:s24], $0x2080  }
0x98d: {  	s28 =	sld [smem:$0x7F3];
	_ =	sdelay $0x1  }
0x98e: {  	[sflag:s24] =	ssyncset.done @!p1 $0x0  }
0x98f: {  	[sflag:s24] =	ssyncadd.s32 @!p1 $0xFFFFDF80;
	p1 =	seq.s32 s28, $0x1  }
0x990: {  	s30 =	rddreg [dreg:$0xe];
	s24 =	sadd.s32 @!p1 $0x30C00, s23;
	s25 =	simm.s32 @!p1 $0x1  }
0x991: {  	s26 =	simm.s32 @!p1 $0x10;
	s28 =	simm.s32 @!p1 $0x80;
	s29 =	simm.s32 @!p1 $0x1CC2  }
0x992: {  	[spmem:s30@s26], [sflag:s29] =	dma.strided @!p1 [hbm:s24@s28], $0x2080, s25, $0x10   }
0x993: {  	s24 =	simm.s32 @!p1 $0x2  }
0x994: {  	_ =	swait.ge @!p1 [sflag:s24], $0x2080  }
0x995: {  	s29 =	sld [smem:$0x7F1];
	_ =	sdelay $0x1  }
0x996: {  	[sflag:s24] =	ssyncset.done @!p1 $0x0  }
0x997: {  	[sflag:s24] =	ssyncadd.s32 @!p1 $0xFFFFDF80;
	p1 =	seq.s32 s29, $0x1  }
0x998: {  	s24 =	sshrl.u32 @!p1 s3, $0x3;
	s25 =	simm.s32 @!p1 $0x1  }
0x999: {  	s26 =	simm.s32 @!p1 $0x10;
	s28 =	simm.s32 @!p1 $0x80;
	s29 =	simm.s32 @!p1 $0x1C02  }
0x99a: {  	[spmem:s24@s26], [sflag:s29] =	dma.strided @!p1 [hbm:s23@s28], $0x2080, s25, $0x10   }
0x99b: {  	s24 =	simm.s32 @!p1 $0x2  }
0x99c: {  	_ =	swait.ge @!p1 [sflag:s24], $0x2080  }
0x99d: {  	s30 =	sld [smem:$0x7F4];
	_ =	sdelay $0x1  }
0x99e: {  	[sflag:s24] =	ssyncset.done @!p1 $0x0  }
0x99f: {  	[sflag:s24] =	ssyncadd.s32 @!p1 $0xFFFFDF80;
	p1 =	seq.s32 s30, $0x1  }
0x9a0: {  	s29 =	rddreg [dreg:$0xf];
	s23 =	sadd.s32 @!p1 $0x10400, s23;
	s24 =	simm.s32 @!p1 $0x1  }
0x9a1: {  	s25 =	simm.s32 @!p1 $0x10;
	s26 =	simm.s32 @!p1 $0x80;
	s28 =	simm.s32 @!p1 $0x1C42  }
0x9a2: {  	[spmem:s29@s25], [sflag:s28] =	dma.strided @!p1 [hbm:s23@s26], $0x2080, s24, $0x10   }
.Ltmp7:
0x9a3: {  	_ = 	snop;
	(pc) =	sbr.rel .LBB2_11-.Ltmp7, $4  }
0x9a4: {  	s23 =	simm.s32 @!p1 $0x2  }
0x9a5: {  	_ =	swait.ge @!p1 [sflag:s23], $0x2080  }
0x9a6: {  	[sflag:s23] =	ssyncset.done @!p1 $0x0  }
0x9a7: {  	[sflag:s23] =	ssyncadd.s32 @!p1 $0xFFFFDF80  }
.LBB2_8:
0x9a8: {  	s24 =	sld [smem:$0x7FD];
	_ =	sdelay $0x2  }
0x9a9: {  	p1 =	seq.s32 s24, $0x1  }
.Ltmp8:
0x9aa: {  	_ = 	snop;
	(pc) =	sbr.rel @p1 .LBB2_10-.Ltmp8, $1  }
0x9ab: {  	_ =	sdelay $0x3  }
0x9ac: {  	s24 =	sld [smem:$0x7F9];
	_ =	sdelay $0x2  }
0x9ad: {  	p1 =	seq.s32 s24, $0x1  }
0x9ae: {  	s30 =	rddreg [dreg:$0x14];
	s24 =	sadd.s32 @!p1 $0xA2800, s23;
	s25 =	simm.s32 @!p1 $0x1  }
0x9af: {  	s26 =	simm.s32 @!p1 $0x10;
	s28 =	simm.s32 @!p1 $0x80;
	s29 =	simm.s32 @!p1 $0x1E82  }
0x9b0: {  	[spmem:s30@s26], [sflag:s29] =	dma.strided @!p1 [hbm:s24@s28], $0x2080, s25, $0x10   }
0x9b1: {  	s24 =	simm.s32 @!p1 $0x2  }
0x9b2: {  	_ =	swait.ge @!p1 [sflag:s24], $0x2080  }
0x9b3: {  	s30 =	sld [smem:$0x7FA];
	_ =	sdelay $0x1  }
0x9b4: {  	[sflag:s24] =	ssyncset.done @!p1 $0x0  }
0x9b5: {  	[sflag:s24] =	ssyncadd.s32 @!p1 $0xFFFFDF80;
	p1 =	seq.s32 s30, $0x1  }
0x9b6: {  	s30 =	rddreg [dreg:$0x15];
	s24 =	sadd.s32 @!p1 $0xB2C00, s23;
	s25 =	simm.s32 @!p1 $0x1  }
0x9b7: {  	s26 =	simm.s32 @!p1 $0x10;
	s28 =	simm.s32 @!p1 $0x80;
	s29 =	simm.s32 @!p1 $0x1EC2  }
0x9b8: {  	[spmem:s30@s26], [sflag:s29] =	dma.strided @!p1 [hbm:s24@s28], $0x2080, s25, $0x10   }
0x9b9: {  	s24 =	simm.s32 @!p1 $0x2  }
0x9ba: {  	s25 =	simm.s32 @!p3 $0x1;
	s26 =	simm.s32 @!p3 $0x10;
	_ =	swait.ge @!p1 [sflag:s24], $0x2080  }
0x9bb: {  	s28 =	simm.s32 @!p3 $0x80;
	s29 =	simm.s32 @!p3 $0x1E02;
	[sflag:s24] =	ssyncset.done @!p1 $0x0  }
0x9bc: {  	s30 =	rddreg [dreg:$0x16];
	[sflag:s24] =	ssyncadd.s32 @!p1 $0xFFFFDF80;
	s24 =	sadd.s32 @!p3 $0x82000, s23  }
0x9bd: {  	[spmem:s30@s26], [sflag:s29] =	dma.strided @!p3 [hbm:s24@s28], $0x2080, s25, $0x10   }
0x9be: {  	s24 =	simm.s32 @!p3 $0x2  }
0x9bf: {  	s23 =	sadd.s32 @!p4 $0x92400, s23;
	s25 =	simm.s32 @!p4 $0x10;
	_ =	swait.ge @!p3 [sflag:s24], $0x2080  }
0x9c0: {  	s26 =	simm.s32 @!p4 $0x80;
	s28 =	simm.s32 @!p4 $0x1E42;
	[sflag:s24] =	ssyncset.done @!p3 $0x0  }
0x9c1: {  	s29 =	rddreg [dreg:$0x17];
	[sflag:s24] =	ssyncadd.s32 @!p3 $0xFFFFDF80;
	s24 =	simm.s32 @!p4 $0x1  }
0x9c2: {  	[spmem:s29@s25], [sflag:s28] =	dma.strided @!p4 [hbm:s23@s26], $0x2080, s24, $0x10   }
.Ltmp9:
0x9c3: {  	_ = 	snop;
	(pc) =	sbr.rel .LBB2_11-.Ltmp9, $4  }
0x9c4: {  	s23 =	simm.s32 @!p4 $0x2  }
0x9c5: {  	_ =	swait.ge @!p4 [sflag:s23], $0x2080  }
0x9c6: {  	[sflag:s23] =	ssyncset.done @!p4 $0x0  }
0x9c7: {  	[sflag:s23] =	ssyncadd.s32 @!p4 $0xFFFFDF80  }
.LBB2_7:
0x9c8: {  	s24 =	sld [smem:$0x7F5];
	_ =	sdelay $0x2  }
0x9c9: {  	p1 =	seq.s32 s24, $0x1  }
0x9ca: {  	s30 =	rddreg [dreg:$0x10];
	s24 =	sadd.s32 @!p1 $0x61800, s23;
	s25 =	simm.s32 @!p1 $0x1  }
0x9cb: {  	s26 =	simm.s32 @!p1 $0x10;
	s28 =	simm.s32 @!p1 $0x80;
	s29 =	simm.s32 @!p1 $0x1D82  }
0x9cc: {  	[spmem:s30@s26], [sflag:s29] =	dma.strided @!p1 [hbm:s24@s28], $0x2080, s25, $0x10   }
0x9cd: {  	s24 =	simm.s32 @!p1 $0x2  }
0x9ce: {  	_ =	swait.ge @!p1 [sflag:s24], $0x2080  }
0x9cf: {  	s28 =	sld [smem:$0x7F6];
	_ =	sdelay $0x1  }
0x9d0: {  	[sflag:s24] =	ssyncset.done @!p1 $0x0  }
0x9d1: {  	[sflag:s24] =	ssyncadd.s32 @!p1 $0xFFFFDF80;
	p1 =	seq.s32 s28, $0x1  }
0x9d2: {  	s30 =	rddreg [dreg:$0x11];
	s24 =	sadd.s32 @!p1 $0x71C00, s23;
	s25 =	simm.s32 @!p1 $0x1  }
0x9d3: {  	s26 =	simm.s32 @!p1 $0x10;
	s28 =	simm.s32 @!p1 $0x80;
	s29 =	simm.s32 @!p1 $0x1DC2  }
0x9d4: {  	[spmem:s30@s26], [sflag:s29] =	dma.strided @!p1 [hbm:s24@s28], $0x2080, s25, $0x10   }
0x9d5: {  	s24 =	simm.s32 @!p1 $0x2  }
0x9d6: {  	_ =	swait.ge @!p1 [sflag:s24], $0x2080  }
0x9d7: {  	s29 =	sld [smem:$0x7F7];
	_ =	sdelay $0x1  }
0x9d8: {  	[sflag:s24] =	ssyncset.done @!p1 $0x0  }
0x9d9: {  	[sflag:s24] =	ssyncadd.s32 @!p1 $0xFFFFDF80;
	p1 =	seq.s32 s29, $0x1  }
0x9da: {  	s30 =	rddreg [dreg:$0x12];
	s24 =	sadd.s32 @!p1 $0x41000, s23;
	s25 =	simm.s32 @!p1 $0x1  }
0x9db: {  	s26 =	simm.s32 @!p1 $0x10;
	s28 =	simm.s32 @!p1 $0x80;
	s29 =	simm.s32 @!p1 $0x1D02  }
0x9dc: {  	[spmem:s30@s26], [sflag:s29] =	dma.strided @!p1 [hbm:s24@s28], $0x2080, s25, $0x10   }
0x9dd: {  	s24 =	simm.s32 @!p1 $0x2  }
0x9de: {  	_ =	swait.ge @!p1 [sflag:s24], $0x2080  }
0x9df: {  	s30 =	sld [smem:$0x7F8];
	_ =	sdelay $0x1  }
0x9e0: {  	[sflag:s24] =	ssyncset.done @!p1 $0x0  }
0x9e1: {  	[sflag:s24] =	ssyncadd.s32 @!p1 $0xFFFFDF80;
	p1 =	seq.s32 s30, $0x1  }
0x9e2: {  	s29 =	rddreg [dreg:$0x13];
	s23 =	sadd.s32 @!p1 $0x51400, s23;
	s24 =	simm.s32 @!p1 $0x1  }
0x9e3: {  	s25 =	simm.s32 @!p1 $0x10;
	s26 =	simm.s32 @!p1 $0x80;
	s28 =	simm.s32 @!p1 $0x1D42  }
0x9e4: {  	[spmem:s29@s25], [sflag:s28] =	dma.strided @!p1 [hbm:s23@s26], $0x2080, s24, $0x10   }
.Ltmp10:
0x9e5: {  	_ = 	snop;
	(pc) =	sbr.rel .LBB2_11-.Ltmp10, $4  }
0x9e6: {  	s23 =	simm.s32 @!p1 $0x2  }
0x9e7: {  	_ =	swait.ge @!p1 [sflag:s23], $0x2080  }
0x9e8: {  	[sflag:s23] =	ssyncset.done @!p1 $0x0  }
0x9e9: {  	[sflag:s23] =	ssyncadd.s32 @!p1 $0xFFFFDF80  }
.LBB2_13:
0x9ea: {  	_ =	sfence.sel $0x180000  }
0x9eb: {  	[bflag:$0x0] =	sbarrier.arrive $0xFFFF  }
0x9ec: {  	_ =	strace $0x90000047  }
0x9ed: {  	s0 =	stileid.u32;
	[bflag:$0x2] =	sbarrier.arrive $0xFFFF  }
0x9ee: {  	p0 =	sne.s32 s0, $0x0;
	s0 =	rddreg [dreg:$0x4]  }
0x9ef: {  	s0 =	sadd.s32 @!p0 $0x100000, s0  }
0x9f0: {  	[sflag:s0] =	ssyncadd.tile.s32 @!p0 $0x1;
	_ =	shalt  }
.Lfunc_end2:
_tile_overlayer_lowered:
.L_overlay_start_2:
0x9f1: {  	(tag) =	ssettag $0x2  }
0x9f2: {  	s0 =	rddreg [dreg:$0x0];
	s2 =	stileid.u32  }
0x9f3: {  	s1 =	rddreg [dreg:$0x1];
	p0 =	sne.s32 s2, $0x0  }
0x9f4: {  	s3 =	rddreg [dreg:$0x2];
	[bflag:$0x3] =	sbarrier.arrive $0xFFFF;
	s2 =	simm.s32 @!p0 $0x1C02  }
0x9f5: {  	[timem:s3], [sflag:s2] =	dma.local @!p0 [hbm:s0], s1  }
0x9f6: {  	s0 =	simm.s32 @!p0 $0x2  }
0x9f7: {  	_ =	swait.ge @!p0 [sflag:s0], s1  }
0x9f8: {  	s1 =	ssub.s32 @!p0 $0x0, s1;
	[sflag:s0] =	ssyncset.done @!p0 $0x0  }
0x9f9: {  	[sflag:s0] =	ssyncadd.s32 @!p0 s1  }
0x9fa: {  	[bflag:$0x3] =	sbarrier.arrive $0xFFFF  }
0x9fb: {  	_ =	shalt  }

// kernel: kernel.7.cloned.1.call-start
scs
__scs_entry_jumppad:
0x0: {  	(pc) =	sbr.rel $0x88, $3  }
0x1: {  	(tag) =	ssettag $0x0;
	lr =	simm.s32 $0x1  }
0x2: {  	[smem:$0x3F9C] =	sst lr;
	_ =	strace $0xD0000000  }
0x3: {  	_ = 	snop  }
0x4: {  	_ = 	snop  }
0x5: {  	_ = 	snop  }
0x6: {  	_ = 	snop  }
0x7: {  	_ = 	snop  }
__scs_overlays_trampoline_lowered:
0x8: {  	[smem:$0x3FAB] =	sst s0  }
0x9: {  	[smem:$0x3FAC] =	sst s1  }
0xa: {  	[smem:$0x3FAD] =	sst s2  }
0xb: {  	[smem:$0x3FAE] =	sst s3  }
0xc: {  	[smem:$0x3FAF] =	sst s4  }
0xd: {  	[smem:$0x3FB0] =	sst s5  }
0xe: {  	[smem:$0x3FB1] =	sst s6  }
0xf: {  	[smem:$0x3FB2] =	sst s7  }
0x10: {  	[smem:$0x3FB3] =	sst s8  }
0x11: {  	[smem:$0x3FB4] =	sst s9;
	s0 =	simm.s32 @!p0 $0x0  }
0x12: {  	s1 =	sld [smem:$0x3F9A];
	s0 =	simm.s32 @p0 $0x1  }
0x13: {  	[smem:$0x3FB5] =	sst s0;
	s0 =	simm.s32 @!p1 $0x0  }
0x14: {  	s2 =	sld [smem:$0x3F99];
	s0 =	simm.s32 @p1 $0x1  }
0x15: {  	[smem:$0x3FB6] =	sst s0;
	s0 =	simm.s32 @!p2 $0x0  }
0x16: {  	s3 =	sld [smem:$0x3FDB];
	s0 =	simm.s32 @p2 $0x1  }
0x17: {  	s4 =	simm.s32 $0x1BF5;
	[smem:$0x3FB8] =	sst s0  }
0x18: {  	s0 =	sld [smem:$0x3F9B];
	_ =	swait.ge [sflag:s4], $0x0  }
0x19: {  	s7 =	sld [smem:$0x3F9C]  }
0x1a: {  	s8 =	sadd.s32 $0xFFFFE003, lr  }
0x1b: {  	s9 =	sadd.s32 $0xFFFFFEF7, lr;
	s5 =	simm.s32 $0xFFFFFFFF;
	p2 =	slt.u32 s8, $0xFFFFF086  }
0x1c: {  	p1 =	slt.u32 s9, $0xF7A;
	s5 =	simm.s32 @!p2 $0x0  }
0x1d: {  	s5 =	simm.s32 @p1 $0x1;
	p0 =	seq.s32 s7, s2  }
0x1e: {  	s7 =	smul.u32 @!p0 $0xF7A, s2;
	p2 =	seq.s32 @!p0 s5, $0x0  }
0x1f: {  	s9 =	smul.u32 $0xF7A, s1;
	s8 =	simm.s32 @!p0 $0x1BF5;
	p2 =	por !p2, p0  }
0x20: {  	[sflag:s8] =	ssyncset.s32 @!p0 $0xFFFFF086;
	s6 =	sadd.s32 @!p0 s3, s7;
	s7 =	simm.s32 @!p0 $0x108  }
0x21: {  	s3 =	sadd.s32 s3, s9;
	s6 =	sadd.s32 @!p0 $0x88, s6;
	s7 =	simm.s32 @p2 $0x1082  }
0x22: {  	[simem:s7], [sflag:s8] =	dma.local @!p0 [hbm:s6], $0xF7A  }
0x23: {  	s9 =	sor.u32 $0xD0000000, s2;
	s6 =	simm.s32 $0x108;
	_ =	swait.ge @!p0 [sflag:s8], $0x0  }
0x24: {  	s3 =	sadd.s32 $0x88, s3;
	s6 =	simm.s32 @!p1 $0x1082;
	[sflag:s4] =	ssyncset.s32 $0xFFFFF086  }
0x25: {  	[simem:s6], [sflag:s4] =	dma.local [hbm:s3], $0xF7A  }
0x26: {  	[smem:$0x3F9C] =	sst s1;
	(tag) =	ssettag s2;
	_ =	strace s9  }
0x27: {  	s1 =	sld [smem:$0x3FAC]  }
0x28: {  	s2 =	sld [smem:$0x3FAD]  }
0x29: {  	s4 =	sld [smem:$0x3FAF]  }
0x2a: {  	p0 =	seq.s32 s5, $0x0;
	s5 =	sld [smem:$0x3FB0]  }
0x2b: {  	s6 =	sld [smem:$0x3FB1]  }
0x2c: {  	s7 =	sld [smem:$0x3FB2]  }
0x2d: {  	s3 =	simm.s32 $0x108;
	s8 =	sld [smem:$0x3FB3]  }
0x2e: {  	s3 =	simm.s32 @!p0 $0x1082;
	s9 =	sld [smem:$0x3FB4]  }
0x2f: {  	lr =	sadd.s32 s0, s3;
	s0 =	sld [smem:$0x3FAB]  }
0x30: {  	s3 =	sld [smem:$0x3FAE]  }
0x31: {  	[smem:$0x3FB7] =	sst s10  }
0x32: {  	s10 =	sld [smem:$0x3FB5];
	_ =	sdelay $0x3  }
0x33: {  	p0 =	seq.s32 s10, $0x1;
	s10 =	sld [smem:$0x3FB7];
	_ =	sdelay $0x3  }
0x34: {  	[smem:$0x3FB7] =	sst s10  }
0x35: {  	s10 =	sld [smem:$0x3FB6];
	_ =	sdelay $0x3  }
0x36: {  	p1 =	seq.s32 s10, $0x1;
	s10 =	sld [smem:$0x3FB7];
	_ =	sdelay $0x3  }
0x37: {  	[smem:$0x3FB7] =	sst s10  }
0x38: {  	s10 =	sld [smem:$0x3FB8]  }
0x39: {  	_ = 	snop;
	(pc) =	sbr.ind lr, $3  }
0x3a: {  	_ = 	snop  }
0x3b: {  	_ = 	snop  }
0x3c: {  	p2 =	seq.s32 s10, $0x1;
	s10 =	sld [smem:$0x3FB7]  }
0x3d: {  	_ =	shalt  }
0x3e: {  	_ =	shalt  }
0x3f: {  	_ =	shalt  }
0x40: {  	_ =	shalt  }
0x41: {  	_ =	shalt  }
0x42: {  	_ =	shalt  }
0x43: {  	_ =	shalt  }
0x44: {  	_ =	shalt  }
0x45: {  	_ =	shalt  }
0x46: {  	_ =	shalt  }
0x47: {  	_ =	shalt  }
0x48: {  	_ =	shalt  }
0x49: {  	_ =	shalt  }
0x4a: {  	_ =	shalt  }
0x4b: {  	_ =	shalt  }
0x4c: {  	_ =	shalt  }
0x4d: {  	_ =	shalt  }
0x4e: {  	_ =	shalt  }
0x4f: {  	_ =	shalt  }
0x50: {  	_ =	shalt  }
0x51: {  	_ =	shalt  }
0x52: {  	_ =	shalt  }
0x53: {  	_ =	shalt  }
0x54: {  	_ =	shalt  }
0x55: {  	_ =	shalt  }
0x56: {  	_ =	shalt  }
0x57: {  	_ =	shalt  }
0x58: {  	_ =	shalt  }
0x59: {  	_ =	shalt  }
0x5a: {  	_ =	shalt  }
0x5b: {  	_ =	shalt  }
0x5c: {  	_ =	shalt  }
0x5d: {  	_ =	shalt  }
0x5e: {  	_ =	shalt  }
0x5f: {  	_ =	shalt  }
0x60: {  	_ =	shalt  }
0x61: {  	_ =	shalt  }
0x62: {  	_ =	shalt  }
0x63: {  	_ =	shalt  }
0x64: {  	_ =	shalt  }
0x65: {  	_ =	shalt  }
0x66: {  	_ =	shalt  }
0x67: {  	_ =	shalt  }
0x68: {  	_ =	shalt  }
0x69: {  	_ =	shalt  }
0x6a: {  	_ =	shalt  }
0x6b: {  	_ =	shalt  }
0x6c: {  	_ =	shalt  }
0x6d: {  	_ =	shalt  }
0x6e: {  	_ =	shalt  }
0x6f: {  	_ =	shalt  }
0x70: {  	_ =	shalt  }
0x71: {  	_ =	shalt  }
0x72: {  	_ =	shalt  }
0x73: {  	_ =	shalt  }
0x74: {  	_ =	shalt  }
0x75: {  	_ =	shalt  }
0x76: {  	_ =	shalt  }
0x77: {  	_ =	shalt  }
0x78: {  	_ =	shalt  }
0x79: {  	_ =	shalt  }
0x7a: {  	_ =	shalt  }
0x7b: {  	_ =	shalt  }
0x7c: {  	_ =	shalt  }
0x7d: {  	_ =	shalt  }
0x7e: {  	_ =	shalt  }
0x7f: {  	_ =	shalt  }
0x80: {  	_ =	shalt  }
0x81: {  	_ =	shalt  }
0x82: {  	_ =	shalt  }
0x83: {  	_ =	shalt  }
0x84: {  	_ =	shalt  }
0x85: {  	_ =	shalt  }
0x86: {  	_ =	shalt  }
0x87: {  	_ =	shalt  }
.Lfunc_end0:
.L_simem_size_0:
called_computation.1_lowered:
.L_overlay_start_0:
0x88: {  	s2 =	sld [smem:$0x3FD9]  }
0x89: {  	s3 =	sld [smem:$0x3FFE];
	_ =	sdelay $0x1  }
0x8a: {  	s1 =	srdreg.scid  }
0x8b: {  	s0 =	sand.u32 $0x1, s1  }
0x8c: {  	s16 =	sshll.u32 s0, $0xA;
	s2 =	sadd.s32 s3, s2  }
0x8d: {  	s2 =	sadd.s32 s2, s16  }
0x8e: {  	[smem:$0x3FC3] =	sst s2  }
0x8f: {  	_ = 	snop  }
0x90: {  	(tm) =	ssettm $0x1  }
0x91: {  	s17 =	sld [smem:$0x3FFB];
	_ =	sdelay $0x3  }
0x92: {  	_ =	strace s17  }
0x93: {  	s2 =	sld [smem:$0x3FFC];
	_ =	sdelay $0x3  }
0x94: {  	_ =	strace s2  }
0x95: {  	s2 =	sld [smem:$0x3FFD];
	_ =	sdelay $0x3  }
0x96: {  	_ =	strace s2  }
0x97: {  	_ =	strace $0x8FFFFFFF  }
0x98: {  	s18 =	sld [smem:$0x3FDB];
	_ =	sdelay $0x1  }
0x99: {  	s19 =	simm.s32 $_scs_section_size  }
0x9a: {  	s4 =	simm.s32 $_size__tile_overlayer_lowered;
	s5 =	simm.s32 $_tile_overlayer_lowered  }
0x9b: {  	s22 =	simm.s32 $0x1BFF;
	s21 =	sshll.u32 s5, $0x1;
	s2 =	sadd.s32 s19, s18  }
0x9c: {  	s6 =	simm.s32 $0x0;
	s20 =	sshll.u32 s4, $0x1;
	s4 =	sadd.s32 s21, s2  }
0x9d: {  	[timem:s6], [sflag:s22] =	dma.local [hbm:s4], s20  }
0x9e: {  	_ =	swait.ge [sflag:s22], s20  }
0x9f: {  	s3 =	ssub.s32 $0x0, s20;
	[sflag:s22] =	ssyncset.done $0x0  }
0xa0: {  	[sflag:s22] =	ssyncadd.s32 s3;
	_ =	sdelay $0x1  }
0xa1: {  	s23 =	simm.s32 $0x1B8B  }
0xa2: {  	_ =	swait.ge [sflag:s23], $0x1  }
0xa3: {  	[sflag:s23] =	ssyncset.done $0x0  }
0xa4: {  	s25 =	simm.s32 $0x1B8E;
	s24 =	sld [smem:$0x3FFE];
	[sflag:s23] =	ssyncadd.s32 $0xFFFFFFFF  }
0xa5: {  	s26 =	simm.s32 $execute0_lowered;
	[smem:$0x3FD2] =	sst s25  }
0xa6: {  	s4 =	sshll.u32 s26, $0x1;
	_ =	strace $0x80000049;
	[dreg:$0x1] =	wrdreg $0xFFFFFFFF  }
0xa7: {  	s28 =	simm.s32 $_size_execute0_lowered;
	s2 =	sadd.s32 s2, s4;
	[dreg:$0x0] =	wrdreg $0x0  }
0xa8: {  	s4 =	sshll.u32 s28, $0x1;
	[dreg:$0x2] =	wrdreg s2  }
0xa9: {  	[dreg:$0x3] =	wrdreg s4  }
0xaa: {  	[dreg:$0x4] =	wrdreg $0xC0  }
0xab: {  	_ =	task [dreg:s6], $0x5FFFF  }
0xac: {  	[dreg:$0x1] =	wrdreg $0xFFFFFFFF  }
0xad: {  	[dreg:$0x0] =	wrdreg $0x60  }
0xae: {  	[dreg:$0x2] =	wrdreg s24  }
0xaf: {  	[dreg:$0x3] =	wrdreg $0x9  }
0xb0: {  	_ =	task.clear_ibuf [dreg:s6], $0x4FFFF;
	_ =	strace $0x90000049  }
0xb1: {  	s29 =	simm.s32 $0x9;
	_ =	strace $0x8000004B  }
0xb2: {  	_ =	swait.ge [sflag:s29], $0x1  }
0xb3: {  	[sflag:s29] =	ssyncadd.s32 $0xFFFFFFFF  }
0xb4: {  	_ =	strace $0x9000004B  }
0xb5: {  	_ =	sfence  }
0xb6: {  	s30 =	sld [smem:$0x0];
	_ =	sdelay $0x2  }
0xb7: {  	s31 =	sshll.u32 s1, $0xD;
	s1 =	sshrl.u32 s1, $0x2  }
0xb8: {  	s3 =	sand.u32 $0x4000, s31;
	s1 =	sadd.s32 s1, s30  }
0xb9: {  	s0 =	sor.u32 s3, s0;
	s1 =	sshll.u32 s1, $0x11  }
0xba: {  	s0 =	sor.u32 s1, s0  }
0xbb: {  	s0 =	sadd.s32 $0x8F2B, s0  }
0xbc: {  	[sflag:s0] =	ssyncadd.remote.s32 $0x1  }
0xbd: {  	_ =	sfence.sel $0xFFFF  }
0xbe: {  	[dreg:$0x0] =	wrdreg $0xFFFFFFFF;
	(pc) =	sbr.abs _section_cstart, $3  }
0xbf: {  	[dreg:$0x1] =	wrdreg $0xFFFFFFFF  }
0xc0: {  	_ =	task.clear_ibuf [dreg:s6], $0x2FFFF;
	_ =	strace $0x9FFFFFFF  }
0xc1: {  	(tm) =	ssettm $0x7FFFFFFF  }
tec
execute0_lowered:
.L_overlay_start_1:
0x0: {  	(tag) =	ssettag $0x1  }
0x1: {  	s1 =	srdreg.scid;
	s0 =	stileid.u32  }
0x2: {  	s4 =	rddreg [dreg:$0x0];
	s3 =	sand.u32 $0x1, s1;
	s30 =	sshll.u32 s0, $0x1  }
0x3: {  	s2 =	simm.s32 $0x0;
	s7 =	simm.s32 $0x1;
	s1 =	sor.u32 s3, s30  }
0x4: {  	s8 =	simm.s32 $0x780;
	s3 =	ssub.s32 $0x2, s3;
	s5 =	smul.u32 $0x780, s1  }
0x5: {  	s9 =	simm.s32 $0x0;
	[smem:$0x7FF] =	sst s2;
	s31 =	sshrl.u32 s3, $0x1  }
0x6: {  	s1 =	rddreg [dreg:$0x1];
	s6 =	ssub.s32 s3, s31;
	s5 =	sshrl.u32 s5, $0x3  }
0x7: {  	_ =	strace $0x8000004A;
	s6 =	smax.u32 s6, $0x1;
	s5 =	sadd.s32 s5, s4  }
0x8: {  	s3 =	sadd.s32 $0x6400, s5;
	s4 =	sadd.s32 $0x8200, s5;
	s5 =	sadd.s32 $0x800, s5  }
.LBB2_1:
0x9: {  	[tilespmem:s2], [sflag:$0x1] =	stream.linear.gather [hbm4b:s3+s2], $0x780, $0x38;
	[tilespmem:$0xF00] =	vst v63  }
0xa: {  	_ =	swait.ge [sflag:s7], $0x780  }
0xb: {  	[sflag:s7] =	ssyncset.done $0x0  }
0xc: {  	[sflag:s7] =	ssyncadd.s32 $0xFFFFF880  }
0xd: {  	[tilespmem:s8], [sflag:$0x1] =	stream.linear.gather [hbm4b:s4+s2], $0x780, $0x38;
	[tilespmem:$0xF00] =	vst v63  }
0xe: {  	_ =	swait.ge [sflag:s7], $0x780  }
0xf: {  	[sflag:s7] =	ssyncset.done $0x0  }
0x10: {  	s10 =	simm.s32 $0x0;
	[sflag:s7] =	ssyncadd.s32 $0xFFFFF880  }
0x11: {  	s11 =	simm.s32 $0x40;
	v0 =	vld [tilespmem:s10+$0x780]  }
.LBB2_2:
0x12: {  	p0 =	sne.s32 s11, $0x1DC0;
	v1 =	vld [tilespmem:s10+$0x0];
	_ =	sdelay $0x2  }
.Ltmp0:
0x13: {  	(pc) =	sbr.rel @p0 .LBB2_2-.Ltmp0, $4  }
0x14: {  	_ = 	snop  }
0x15: {  	v1 =	vadd.f32 v0, v1  }
0x16: {  	s12 =	sshra.s32 s11, $0x2  }
0x17: {  	s11 =	sadd.s32 $0x40, s11;
	v0 =	vld [tilespmem:s12+$0x780];
	[tilespmem:s10+$0x0] =	vst v1;
	s10 =	smov.u32 s12  }
0x18: {  	v1 =	vld [tilespmem:s10+$0x0];
	_ =	sdelay $0x4  }
0x19: {  	s9 =	sadd.s32 $0x1, s9;
	v0 =	vadd.f32 v0, v1  }
0x1a: {  	p0 =	sne.s32 s9, s6  }
.Ltmp1:
0x1b: {  	[tilespmem:s10+$0x0] =	vst v0;
	(pc) =	sbr.rel @p0 .LBB2_1-.Ltmp1, $4  }
0x1c: {  	[hbm4b:s5+s2] =	stream.linear.scatter [tilespmem:s2], [sflag:$0x1], $0x780, $0x38;
	[tilespmem:$0xF00] =	vst v63  }
0x1d: {  	_ =	swait.ge [sflag:s7], $0x780  }
0x1e: {  	[sflag:s7] =	ssyncset.done $0x0  }
0x1f: {  	[sflag:s7] =	ssyncadd.s32 $0xFFFFF880  }
0x20: {  	_ =	sfence.sel $0x180000  }
0x21: {  	[bflag:$0x0] =	sbarrier.arrive $0xFFFF  }
0x22: {  	p0 =	sne.s32 s0, $0x0;
	_ =	strace $0x9000004A  }
0x23: {  	s0 =	sadd.s32 @!p0 $0x100000, s1;
	[bflag:$0x2] =	sbarrier.arrive $0xFFFF  }
0x24: {  	[sflag:s0] =	ssyncadd.tile.s32 @!p0 $0x1;
	_ =	shalt  }
.Lfunc_end2:
_tile_overlayer_lowered:
.L_overlay_start_2:
0x25: {  	(tag) =	ssettag $0x2  }
0x26: {  	s0 =	rddreg [dreg:$0x0];
	s2 =	stileid.u32  }
0x27: {  	s1 =	rddreg [dreg:$0x1];
	p0 =	sne.s32 s2, $0x0  }
0x28: {  	s3 =	rddreg [dreg:$0x2];
	[bflag:$0x3] =	sbarrier.arrive $0xFFFF;
	s2 =	simm.s32 @!p0 $0x1C01  }
0x29: {  	[timem:s3], [sflag:s2] =	dma.local @!p0 [hbm:s0], s1  }
0x2a: {  	s0 =	simm.s32 @!p0 $0x1  }
0x2b: {  	_ =	swait.ge @!p0 [sflag:s0], s1  }
0x2c: {  	s1 =	ssub.s32 @!p0 $0x0, s1;
	[sflag:s0] =	ssyncset.done @!p0 $0x0  }
0x2d: {  	[sflag:s0] =	ssyncadd.s32 @!p0 s1  }
0x2e: {  	[bflag:$0x3] =	sbarrier.arrive $0xFFFF  }
0x2f: {  	_ =	shalt  }

</sc_bundles>
